<compile_context>
chip_gen: v7x
topology: tpu7x:2x2x1
jax: 0.10.2.dev20260603
libtpu: 0.0.44.dev20260713+nightly
codegen_flags: <defaults>
</compile_context>

<pallas_src>
import functools

import jax
import jax.numpy as jnp
from jax import lax
from jax.experimental import pallas as pl
from jax.experimental.pallas import tpu as pltpu
from jax.experimental.pallas import tpu_sc as plsc

NC = 2
NS = 16
NW = NC * NS

C = 128
D = 64


def _make_gather(B: int, S: int):
    nrows = (B * S) // C
    npw = nrows // NW
    assert nrows % NW == 0 and npw % 2 == 0
    nrounds = npw // 2
    bt = B // C

    mesh = plsc.VectorSubcoreMesh(core_axis_name="c", subcore_axis_name="s")

    @functools.partial(
        pl.kernel,
        mesh=mesh,
        out_type=jax.ShapeDtypeStruct((S, 8, bt, 8, C), jnp.float32),
        compiler_params=pltpu.CompilerParams(use_tc_tiling_on_sc=False,
                                             skip_device_barrier=True,
                                             needs_layout_passes=False),
        scratch_types=[
            pltpu.VMEM((npw, C), jnp.int32),
            pltpu.VMEM((C, D), jnp.float32),
            pltpu.VMEM((C, D), jnp.float32),
            pltpu.VMEM((D, C + 1), jnp.float32),
            pltpu.VMEM((D, C + 1), jnp.float32),
            pltpu.SemaphoreType.DMA,
            pltpu.SemaphoreType.DMA,
            pltpu.SemaphoreType.DMA,
            pltpu.SemaphoreType.DMA,
        ],
    )
    def gather_kernel(idx_hbm, table_hbm, out_hbm, idx_v, g0b, g1b, o0b, o1b,
                      gs0, gs1, ws0, ws1):
        wid = lax.axis_index("c") * NS + lax.axis_index("s")
        row0 = wid * npw

        pltpu.sync_copy(idx_hbm.at[pl.ds(row0, npw)], idx_v)

        lanes = lax.iota(jnp.int32, 16)

        def fire_gather(g, buf, sem):
            pltpu.async_copy(table_hbm.at[idx_v.at[g]], buf, sem)

        def wait_gather(buf, sem):
            pltpu.make_async_copy(table_hbm.at[pl.ds(0, C)], buf, sem).wait()

        def transpose(gbuf, obuf):
            def cbody(c, _):
                cvec = jnp.full((16,), 0, jnp.int32) + c
                for k in range(4):
                    v = gbuf[c, pl.ds(16 * k, 16)]
                    plsc.store_scatter(obuf, [lanes + 16 * k, cvec], v)
                return 0
            lax.fori_loop(0, C, cbody, 0, unroll=2)

        def fire_writes(g, obuf, sem):
            row = row0 + g
            s = row // bt
            b = row % bt
            for ctr in range(8):
                pltpu.async_copy(obuf.at[pl.ds(8 * ctr, 8), pl.ds(0, C)],
                                 out_hbm.at[s, ctr, b], sem)

        def wait_writes(obuf, sem):
            for ctr in range(8):
                pltpu.make_async_copy(obuf.at[pl.ds(8 * ctr, 8), pl.ds(0, C)],
                                      out_hbm.at[0, 0, 0], sem).wait()

        fire_gather(0, g0b, gs0)
        fire_gather(1, g1b, gs1)
        wait_gather(g0b, gs0)
        transpose(g0b, o0b)
        fire_writes(0, o0b, ws0)
        fire_gather(2, g0b, gs0)
        wait_gather(g1b, gs1)
        transpose(g1b, o1b)
        fire_writes(1, o1b, ws1)
        fire_gather(3, g1b, gs1)

        def round_body(r, _):
            g0 = r * 2
            g1 = g0 + 1
            wait_gather(g0b, gs0)
            wait_writes(o0b, ws0)
            transpose(g0b, o0b)
            fire_writes(g0, o0b, ws0)
            fire_gather(g0 + 2, g0b, gs0)
            wait_gather(g1b, gs1)
            wait_writes(o1b, ws1)
            transpose(g1b, o1b)
            fire_writes(g1, o1b, ws1)
            fire_gather(g1 + 2, g1b, gs1)
            return 0

        lax.fori_loop(1, nrounds - 1, round_body, 0)

        g0 = (nrounds - 1) * 2
        wait_gather(g0b, gs0)
        wait_writes(o0b, ws0)
        transpose(g0b, o0b)
        fire_writes(g0, o0b, ws0)
        wait_gather(g1b, gs1)
        wait_writes(o1b, ws1)
        transpose(g1b, o1b)
        fire_writes(g0 + 1, o1b, ws1)
        wait_writes(o0b, ws0)
        wait_writes(o1b, ws1)

    return gather_kernel


def kernel(inputs, weight):
    n, s = inputs.shape
    idx = inputs.T.reshape((n * s) // C, C).astype(jnp.int32)
    out5 = _make_gather(n, s)(idx, weight)
    return jnp.transpose(out5, (2, 4, 0, 1, 3)).reshape(n, s, D)

# --- scband reference (transcript-rebuilt; emitter-appended) ---
"""Pipeline reference for scband-embedding-5360119185770 (READ-ONLY COPY).

The authoritative reference and input builder live on the scoring server;
editing this copy changes nothing except your own understanding.
"""

import jax, jax.numpy as jnp
import numpy as np

VOCAB = 1000000
EMB = 64
PAD_IDX = 0

def setup_inputs(seed: int = 0) -> dict:
    key = jax.random.key(seed)
    k1, k2 = jax.random.split(key)
    inputs = jax.random.randint(k1, (4096, 200), 0, VOCAB, dtype=jnp.int64 if jax.config.jax_enable_x64 else jnp.int32)
    weight = jax.random.normal(k2, (VOCAB, EMB), dtype=jnp.float32) * (EMB ** -0.5)
    weight = weight.at[PAD_IDX].set(0.0)
    return {"inputs": inputs, "weight": weight}

def reference(inputs, weight):
    # embedding lookup; dropout is identity in eval mode
    embedding_state = jnp.take(weight, inputs, axis=0)
    return embedding_state

if __name__ == "__main__":
    import jax
    _d = setup_inputs()
    print(jax.jit(kernel)(*tuple(_d.values())))

</pallas_src>

<mosaic_0001>
#map = affine_map<(d0, d1) -> (0, 0)>
#map1 = affine_map<(d0, d1) -> (0, 0, 0, 0, 0)>
module attributes {stable_mosaic.version = 14 : i64} {
  func.func @gather_kernel(%arg0: i32, %arg1: i32, %arg2: memref<6400x128xi32, #tpu.memory_space<hbm>>, %arg3: memref<1000000x64xf32, #tpu.memory_space<hbm>>, %arg4: memref<200x8x32x8x128xf32, #tpu.memory_space<hbm>>, %arg5: memref<200x128xi32, #tpu.memory_space<vmem>>, %arg6: memref<128x64xf32, #tpu.memory_space<vmem>>, %arg7: memref<128x64xf32, #tpu.memory_space<vmem>>, %arg8: memref<64x129xf32, #tpu.memory_space<vmem>>, %arg9: memref<64x129xf32, #tpu.memory_space<vmem>>, %arg10: memref<!tpu.dma_semaphore, #tpu.memory_space<semaphore_mem>>, %arg11: memref<!tpu.dma_semaphore, #tpu.memory_space<semaphore_mem>>, %arg12: memref<!tpu.dma_semaphore, #tpu.memory_space<semaphore_mem>>, %arg13: memref<!tpu.dma_semaphore, #tpu.memory_space<semaphore_mem>>) attributes {dimension_semantics = [#tpu.dimension_semantics<core_parallel>, #tpu.dimension_semantics<subcore_parallel>], iteration_bounds = array<i64: 2, 16>, scalar_prefetch = 0 : i64, scratch_operands = 9 : i64, tpu.core_type = #tpu.core_type<sc_vector_subcore>, window_params = [{transform_indices = #map}, {transform_indices = #map}, {transform_indices = #map1}]} {
    %mul3A = arith.constant 16 : i32
    %mul3A_0 = arith.muli %arg0, %mul3A : i32
    %add3A = arith.addi %mul3A_0, %arg1 : i32
    %mul3A_1 = arith.constant 200 : i32
    %mul3A_2 = arith.muli %add3A, %mul3A_1 : i32
    "tpu.region"() ({
      %run_scoped3A = tpu.sem_alloc : memref<!tpu.dma_semaphore, #tpu.memory_space<semaphore_mem>>
      %dma_start3A_1269 = arith.constant 0 : i32
      %dma_start3A_1270 = tpu.memref_slice %arg2[%mul3A_2, %dma_start3A_1269] : memref<6400x128xi32, #tpu.memory_space<hbm>> -> memref<200x128xi32, #tpu.memory_space<hbm>>
      %dma_start3A_1271 = arith.constant 0 : i32
      %dma_start3A_1272 = tpu.memref_slice %arg2[%mul3A_2, %dma_start3A_1271] : memref<6400x128xi32, #tpu.memory_space<hbm>> -> memref<200x128xi32, #tpu.memory_space<hbm>>
      tpu.enqueue_dma source(%dma_start3A_1272 : memref<200x128xi32, #tpu.memory_space<hbm>>) target(%arg5 : memref<200x128xi32, #tpu.memory_space<vmem>>) target_semaphore(%run_scoped3A : memref<!tpu.dma_semaphore, #tpu.memory_space<semaphore_mem>>)
      %dma_wait3A_1273 = arith.constant 0 : i32
      %dma_wait3A_1274 = tpu.memref_slice %arg2[%mul3A_2, %dma_wait3A_1273] : memref<6400x128xi32, #tpu.memory_space<hbm>> -> memref<200x128xi32, #tpu.memory_space<hbm>>
      %dma_wait3A_1275 = arith.constant 0 : i32
      %dma_wait3A_1276 = tpu.memref_slice %arg2[%mul3A_2, %dma_wait3A_1275] : memref<6400x128xi32, #tpu.memory_space<hbm>> -> memref<200x128xi32, #tpu.memory_space<hbm>>
      tpu.wait_dma2 semaphore(%run_scoped3A : memref<!tpu.dma_semaphore, #tpu.memory_space<semaphore_mem>>) src(%dma_wait3A_1276 : memref<200x128xi32, #tpu.memory_space<hbm>>) dst(%arg5 : memref<200x128xi32, #tpu.memory_space<vmem>>)
      tpu.yield
    }) : () -> ()
    %iota3A = tpu.iota {dimensions = array<i32: 0>} : vector<16xi32>
    %dma_start3A = arith.constant 0 : i32
    %dma_start3A_3 = arith.constant 0 : i32
    %dma_start3A_4 = tpu.memref_slice %arg5[%dma_start3A, %dma_start3A_3] : memref<200x128xi32, #tpu.memory_space<vmem>> -> memref<1x128xi32, #tpu.memory_space<vmem>>
    %dma_start3A_5 = tpu.memref_squeeze %dma_start3A_4 : memref<1x128xi32, #tpu.memory_space<vmem>> -> memref<128xi32, #tpu.memory_space<vmem>>
    %dma_start3A_6 = arith.constant 0 : i32
    %dma_start3A_7 = arith.constant 0 : i32
    %dma_start3A_8 = tpu.memref_slice %arg3[%dma_start3A_6, %dma_start3A_7] : memref<1000000x64xf32, #tpu.memory_space<hbm>> -> memref<1000000x64xf32, #tpu.memory_space<hbm>>
    tpu.enqueue_indirect_dma source(%dma_start3A_8 : memref<1000000x64xf32, #tpu.memory_space<hbm>>) target(%arg6 : memref<128x64xf32, #tpu.memory_space<vmem>>) offsets(%dma_start3A_5 : memref<128xi32, #tpu.memory_space<vmem>>) semaphore(%arg10 : memref<!tpu.dma_semaphore, #tpu.memory_space<semaphore_mem>>)
    %dma_start3A_9 = arith.constant 1 : i32
    %dma_start3A_10 = arith.constant 0 : i32
    %dma_start3A_11 = tpu.memref_slice %arg5[%dma_start3A_9, %dma_start3A_10] : memref<200x128xi32, #tpu.memory_space<vmem>> -> memref<1x128xi32, #tpu.memory_space<vmem>>
    %dma_start3A_12 = tpu.memref_squeeze %dma_start3A_11 : memref<1x128xi32, #tpu.memory_space<vmem>> -> memref<128xi32, #tpu.memory_space<vmem>>
    %dma_start3A_13 = arith.constant 0 : i32
    %dma_start3A_14 = arith.constant 0 : i32
    %dma_start3A_15 = tpu.memref_slice %arg3[%dma_start3A_13, %dma_start3A_14] : memref<1000000x64xf32, #tpu.memory_space<hbm>> -> memref<1000000x64xf32, #tpu.memory_space<hbm>>
    tpu.enqueue_indirect_dma source(%dma_start3A_15 : memref<1000000x64xf32, #tpu.memory_space<hbm>>) target(%arg7 : memref<128x64xf32, #tpu.memory_space<vmem>>) offsets(%dma_start3A_12 : memref<128xi32, #tpu.memory_space<vmem>>) semaphore(%arg11 : memref<!tpu.dma_semaphore, #tpu.memory_space<semaphore_mem>>)
    %dma_wait3A = arith.constant 0 : i32
    %dma_wait3A_16 = arith.constant 0 : i32
    %dma_wait3A_17 = tpu.memref_slice %arg3[%dma_wait3A, %dma_wait3A_16] : memref<1000000x64xf32, #tpu.memory_space<hbm>> -> memref<128x64xf32, #tpu.memory_space<hbm>>
    %dma_wait3A_18 = arith.constant 0 : i32
    %dma_wait3A_19 = arith.constant 0 : i32
    %dma_wait3A_20 = tpu.memref_slice %arg3[%dma_wait3A_18, %dma_wait3A_19] : memref<1000000x64xf32, #tpu.memory_space<hbm>> -> memref<128x64xf32, #tpu.memory_space<hbm>>
    tpu.wait_dma2 semaphore(%arg10 : memref<!tpu.dma_semaphore, #tpu.memory_space<semaphore_mem>>) src(%dma_wait3A_20 : memref<128x64xf32, #tpu.memory_space<hbm>>) dst(%arg6 : memref<128x64xf32, #tpu.memory_space<vmem>>)
    %scan3A = arith.constant 0 : i32
    %scan3A_21 = arith.constant 0 : i32
    %scan3A_22 = arith.constant 128 : i32
    %scan3A_23 = arith.addi %scan3A_21, %scan3A_22 : i32
    %scan3A_24 = arith.constant 2 : i32
    %scan3A_25 = scf.for %scan3A_1269 = %scan3A_21 to %scan3A_23 step %scan3A_24 iter_args(%scan3A_1270 = %scan3A) -> (i32)  : i32 {
      %broadcast_in_dim3A = arith.constant 0 : i32
      %broadcast_in_dim3A_1271 = vector.broadcast %broadcast_in_dim3A : i32 to vector<16xi32>
      %add3A_1272 = vector.broadcast %scan3A_1269 : i32 to vector<16xi32>
      %add3A_1273 = arith.addi %broadcast_in_dim3A_1271, %add3A_1272 : vector<16xi32>
      %get3A = arith.index_cast %scan3A_1269 : i32 to index
      %get3A_1274 = arith.constant 0 : index
      %get3A_1275 = tpu.vector_load %arg6[%get3A, %get3A_1274] {strides = array<i32>} : memref<128x64xf32, #tpu.memory_space<vmem>>, vector<16xf32>,
      %add3A_1276 = arith.constant 0 : i32
      %add3A_1277 = vector.broadcast %add3A_1276 : i32 to vector<16xi32>
      %add3A_1278 = arith.addi %iota3A, %add3A_1277 : vector<16xi32>
      tpu.vector_store_idx %arg8[%add3A_1278, %add3A_1273], %get3A_1275 : memref<64x129xf32, #tpu.memory_space<vmem>>[vector<16xi32>, vector<16xi32>], vector<16xf32>,
      %get3A_1279 = arith.index_cast %scan3A_1269 : i32 to index
      %get3A_1280 = arith.constant 16 : index
      %get3A_1281 = tpu.vector_load %arg6[%get3A_1279, %get3A_1280] {strides = array<i32>} : memref<128x64xf32, #tpu.memory_space<vmem>>, vector<16xf32>,
      %add3A_1282 = arith.constant 16 : i32
      %add3A_1283 = vector.broadcast %add3A_1282 : i32 to vector<16xi32>
      %add3A_1284 = arith.addi %iota3A, %add3A_1283 : vector<16xi32>
      tpu.vector_store_idx %arg8[%add3A_1284, %add3A_1273], %get3A_1281 : memref<64x129xf32, #tpu.memory_space<vmem>>[vector<16xi32>, vector<16xi32>], vector<16xf32>,
      %get3A_1285 = arith.index_cast %scan3A_1269 : i32 to index
      %get3A_1286 = arith.constant 32 : index
      %get3A_1287 = tpu.vector_load %arg6[%get3A_1285, %get3A_1286] {strides = array<i32>} : memref<128x64xf32, #tpu.memory_space<vmem>>, vector<16xf32>,
      %add3A_1288 = arith.constant 32 : i32
      %add3A_1289 = vector.broadcast %add3A_1288 : i32 to vector<16xi32>
      %add3A_1290 = arith.addi %iota3A, %add3A_1289 : vector<16xi32>
      tpu.vector_store_idx %arg8[%add3A_1290, %add3A_1273], %get3A_1287 : memref<64x129xf32, #tpu.memory_space<vmem>>[vector<16xi32>, vector<16xi32>], vector<16xf32>,
      %get3A_1291 = arith.index_cast %scan3A_1269 : i32 to index
      %get3A_1292 = arith.constant 48 : index
      %get3A_1293 = tpu.vector_load %arg6[%get3A_1291, %get3A_1292] {strides = array<i32>} : memref<128x64xf32, #tpu.memory_space<vmem>>, vector<16xf32>,
      %add3A_1294 = arith.constant 48 : i32
      %add3A_1295 = vector.broadcast %add3A_1294 : i32 to vector<16xi32>
      %add3A_1296 = arith.addi %iota3A, %add3A_1295 : vector<16xi32>
      tpu.vector_store_idx %arg8[%add3A_1296, %add3A_1273], %get3A_1293 : memref<64x129xf32, #tpu.memory_space<vmem>>[vector<16xi32>, vector<16xi32>], vector<16xf32>,
      %scan3A_1297 = arith.constant 0 : i32
      %scan3A_1298 = arith.constant 1 : i32
      %scan3A_1299 = arith.addi %scan3A_1269, %scan3A_1298 : i32
      %broadcast_in_dim3A_1300 = arith.constant 0 : i32
      %broadcast_in_dim3A_1301 = vector.broadcast %broadcast_in_dim3A_1300 : i32 to vector<16xi32>
      %add3A_1302 = vector.broadcast %scan3A_1299 : i32 to vector<16xi32>
      %add3A_1303 = arith.addi %broadcast_in_dim3A_1301, %add3A_1302 : vector<16xi32>
      %get3A_1304 = arith.index_cast %scan3A_1299 : i32 to index
      %get3A_1305 = arith.constant 0 : index
      %get3A_1306 = tpu.vector_load %arg6[%get3A_1304, %get3A_1305] {strides = array<i32>} : memref<128x64xf32, #tpu.memory_space<vmem>>, vector<16xf32>,
      %add3A_1307 = arith.constant 0 : i32
      %add3A_1308 = vector.broadcast %add3A_1307 : i32 to vector<16xi32>
      %add3A_1309 = arith.addi %iota3A, %add3A_1308 : vector<16xi32>
      tpu.vector_store_idx %arg8[%add3A_1309, %add3A_1303], %get3A_1306 : memref<64x129xf32, #tpu.memory_space<vmem>>[vector<16xi32>, vector<16xi32>], vector<16xf32>,
      %get3A_1310 = arith.index_cast %scan3A_1299 : i32 to index
      %get3A_1311 = arith.constant 16 : index
      %get3A_1312 = tpu.vector_load %arg6[%get3A_1310, %get3A_1311] {strides = array<i32>} : memref<128x64xf32, #tpu.memory_space<vmem>>, vector<16xf32>,
      %add3A_1313 = arith.constant 16 : i32
      %add3A_1314 = vector.broadcast %add3A_1313 : i32 to vector<16xi32>
      %add3A_1315 = arith.addi %iota3A, %add3A_1314 : vector<16xi32>
      tpu.vector_store_idx %arg8[%add3A_1315, %add3A_1303], %get3A_1312 : memref<64x129xf32, #tpu.memory_space<vmem>>[vector<16xi32>, vector<16xi32>], vector<16xf32>,
      %get3A_1316 = arith.index_cast %scan3A_1299 : i32 to index
      %get3A_1317 = arith.constant 32 : index
      %get3A_1318 = tpu.vector_load %arg6[%get3A_1316, %get3A_1317] {strides = array<i32>} : memref<128x64xf32, #tpu.memory_space<vmem>>, vector<16xf32>,
      %add3A_1319 = arith.constant 32 : i32
      %add3A_1320 = vector.broadcast %add3A_1319 : i32 to vector<16xi32>
      %add3A_1321 = arith.addi %iota3A, %add3A_1320 : vector<16xi32>
      tpu.vector_store_idx %arg8[%add3A_1321, %add3A_1303], %get3A_1318 : memref<64x129xf32, #tpu.memory_space<vmem>>[vector<16xi32>, vector<16xi32>], vector<16xf32>,
      %get3A_1322 = arith.index_cast %scan3A_1299 : i32 to index
      %get3A_1323 = arith.constant 48 : index
      %get3A_1324 = tpu.vector_load %arg6[%get3A_1322, %get3A_1323] {strides = array<i32>} : memref<128x64xf32, #tpu.memory_space<vmem>>, vector<16xf32>,
      %add3A_1325 = arith.constant 48 : i32
      %add3A_1326 = vector.broadcast %add3A_1325 : i32 to vector<16xi32>
      %add3A_1327 = arith.addi %iota3A, %add3A_1326 : vector<16xi32>
      tpu.vector_store_idx %arg8[%add3A_1327, %add3A_1303], %get3A_1324 : memref<64x129xf32, #tpu.memory_space<vmem>>[vector<16xi32>, vector<16xi32>], vector<16xf32>,
      %scan3A_1328 = arith.constant 0 : i32
      scf.yield %scan3A_1328 : i32
    }
    %scan3A_26 = arith.constant 128 : i32
    %add3A_27 = arith.constant 0 : i32
    %add3A_28 = arith.addi %mul3A_2, %add3A_27 : i32
    %jit3A = arith.constant 32 : i32
    %div3A = arith.divsi %add3A_28, %jit3A : i32
    %sign3A = arith.constant 0 : i32
    %sign3A_29 = arith.cmpi sgt, %add3A_28, %sign3A : i32
    %sign3A_30 = arith.extui %sign3A_29 : i1 to i32
    %sign3A_31 = arith.constant 0 : i32
    %sign3A_32 = arith.cmpi slt, %add3A_28, %sign3A_31 : i32
    %sign3A_33 = arith.extui %sign3A_32 : i1 to i32
    %sign3A_34 = arith.subi %sign3A_30, %sign3A_33 : i32
    %sign3A_35 = arith.constant 0 : i32
    %sign3A_36 = arith.cmpi sgt, %jit3A, %sign3A_35 : i32
    %sign3A_37 = arith.extui %sign3A_36 : i1 to i32
    %sign3A_38 = arith.constant 0 : i32
    %sign3A_39 = arith.cmpi slt, %jit3A, %sign3A_38 : i32
    %sign3A_40 = arith.extui %sign3A_39 : i1 to i32
    %sign3A_41 = arith.subi %sign3A_37, %sign3A_40 : i32
    %ne3A = arith.cmpi ne, %sign3A_34, %sign3A_41 : i32
    %rem3A = arith.remsi %add3A_28, %jit3A : i32
    %ne3A_42 = arith.constant 0 : i32
    %ne3A_43 = arith.cmpi ne, %rem3A, %ne3A_42 : i32
    %and3A = arith.andi %ne3A, %ne3A_43 : i1
    %sub3A = arith.constant 1 : i32
    %sub3A_44 = arith.subi %div3A, %sub3A : i32
    %select_n3A = arith.select %and3A, %sub3A_44, %div3A : i32
    %jit3A_45 = arith.constant 32 : i32
    %eq3A = arith.constant 0 : i32
    %eq3A_46 = arith.cmpi eq, %jit3A_45, %eq3A : i32
    %jit3A_47 = arith.constant 1 : i32
    %select_n3A_48 = arith.select %eq3A_46, %jit3A_47, %jit3A_45 : i32
    %rem3A_49 = arith.remsi %add3A_28, %select_n3A_48 : i32
    %ne3A_50 = arith.constant 0 : i32
    %ne3A_51 = arith.cmpi ne, %rem3A_49, %ne3A_50 : i32
    %lt3A = arith.constant 0 : i32
    %lt3A_52 = arith.cmpi slt, %rem3A_49, %lt3A : i32
    %lt3A_53 = arith.constant 0 : i32
    %lt3A_54 = arith.cmpi slt, %select_n3A_48, %lt3A_53 : i32
    %ne3A_55 = arith.xori %lt3A_52, %lt3A_54 : i1
    %and3A_56 = arith.andi %ne3A_55, %ne3A_51 : i1
    %add3A_57 = arith.addi %rem3A_49, %select_n3A_48 : i32
    %select_n3A_58 = arith.select %and3A_56, %add3A_57, %rem3A_49 : i32
    %dma_start3A_59 = arith.constant 0 : i32
    %dma_start3A_60 = arith.constant 0 : i32
    %dma_start3A_61 = arith.constant 0 : i32
    %dma_start3A_62 = tpu.memref_slice %arg8[%dma_start3A_60, %dma_start3A_61] : memref<64x129xf32, #tpu.memory_space<vmem>> -> memref<8x128xf32, #tpu.memory_space<vmem>>
    %dma_start3A_63 = arith.constant 0 : i32
    %dma_start3A_64 = arith.constant 0 : i32
    %dma_start3A_65 = tpu.memref_slice %arg4[%select_n3A, %dma_start3A_59, %select_n3A_58, %dma_start3A_63, %dma_start3A_64] : memref<200x8x32x8x128xf32, #tpu.memory_space<hbm>> -> memref<1x1x1x8x128xf32, #tpu.memory_space<hbm>>
    %dma_start3A_66 = tpu.memref_squeeze %dma_start3A_65 : memref<1x1x1x8x128xf32, #tpu.memory_space<hbm>> -> memref<8x128xf32, #tpu.memory_space<hbm>>
    %dma_start3A_67 = arith.constant 0 : i32
    %dma_start3A_68 = arith.constant 0 : i32
    %dma_start3A_69 = tpu.memref_slice %arg4[%select_n3A, %dma_start3A_59, %select_n3A_58, %dma_start3A_67, %dma_start3A_68] : memref<200x8x32x8x128xf32, #tpu.memory_space<hbm>> -> memref<1x1x1x8x128xf32, #tpu.memory_space<hbm>>
    %dma_start3A_70 = tpu.memref_squeeze %dma_start3A_69 : memref<1x1x1x8x128xf32, #tpu.memory_space<hbm>> -> memref<8x128xf32, #tpu.memory_space<hbm>>
    %dma_start3A_71 = arith.constant 0 : i32
    %dma_start3A_72 = arith.constant 0 : i32
    %dma_start3A_73 = tpu.memref_slice %arg8[%dma_start3A_71, %dma_start3A_72] : memref<64x129xf32, #tpu.memory_space<vmem>> -> memref<8x128xf32, #tpu.memory_space<vmem>>
    tpu.enqueue_dma source(%dma_start3A_73 : memref<8x128xf32, #tpu.memory_space<vmem>>) target(%dma_start3A_70 : memref<8x128xf32, #tpu.memory_space<hbm>>) target_semaphore(%arg12 : memref<!tpu.dma_semaphore, #tpu.memory_space<semaphore_mem>>)
    %dma_start3A_74 = arith.constant 1 : i32
    %dma_start3A_75 = arith.constant 8 : i32
    %dma_start3A_76 = arith.constant 0 : i32
    %dma_start3A_77 = tpu.memref_slice %arg8[%dma_start3A_75, %dma_start3A_76] : memref<64x129xf32, #tpu.memory_space<vmem>> -> memref<8x128xf32, #tpu.memory_space<vmem>>
    %dma_start3A_78 = arith.constant 0 : i32
    %dma_start3A_79 = arith.constant 0 : i32
    %dma_start3A_80 = tpu.memref_slice %arg4[%select_n3A, %dma_start3A_74, %select_n3A_58, %dma_start3A_78, %dma_start3A_79] : memref<200x8x32x8x128xf32, #tpu.memory_space<hbm>> -> memref<1x1x1x8x128xf32, #tpu.memory_space<hbm>>
    %dma_start3A_81 = tpu.memref_squeeze %dma_start3A_80 : memref<1x1x1x8x128xf32, #tpu.memory_space<hbm>> -> memref<8x128xf32, #tpu.memory_space<hbm>>
    %dma_start3A_82 = arith.constant 0 : i32
    %dma_start3A_83 = arith.constant 0 : i32
    %dma_start3A_84 = tpu.memref_slice %arg4[%select_n3A, %dma_start3A_74, %select_n3A_58, %dma_start3A_82, %dma_start3A_83] : memref<200x8x32x8x128xf32, #tpu.memory_space<hbm>> -> memref<1x1x1x8x128xf32, #tpu.memory_space<hbm>>
    %dma_start3A_85 = tpu.memref_squeeze %dma_start3A_84 : memref<1x1x1x8x128xf32, #tpu.memory_space<hbm>> -> memref<8x128xf32, #tpu.memory_space<hbm>>
    %dma_start3A_86 = arith.constant 8 : i32
    %dma_start3A_87 = arith.constant 0 : i32
    %dma_start3A_88 = tpu.memref_slice %arg8[%dma_start3A_86, %dma_start3A_87] : memref<64x129xf32, #tpu.memory_space<vmem>> -> memref<8x128xf32, #tpu.memory_space<vmem>>
    tpu.enqueue_dma source(%dma_start3A_88 : memref<8x128xf32, #tpu.memory_space<vmem>>) target(%dma_start3A_85 : memref<8x128xf32, #tpu.memory_space<hbm>>) target_semaphore(%arg12 : memref<!tpu.dma_semaphore, #tpu.memory_space<semaphore_mem>>)
    %dma_start3A_89 = arith.constant 2 : i32
    %dma_start3A_90 = arith.constant 16 : i32
    %dma_start3A_91 = arith.constant 0 : i32
    %dma_start3A_92 = tpu.memref_slice %arg8[%dma_start3A_90, %dma_start3A_91] : memref<64x129xf32, #tpu.memory_space<vmem>> -> memref<8x128xf32, #tpu.memory_space<vmem>>
    %dma_start3A_93 = arith.constant 0 : i32
    %dma_start3A_94 = arith.constant 0 : i32
    %dma_start3A_95 = tpu.memref_slice %arg4[%select_n3A, %dma_start3A_89, %select_n3A_58, %dma_start3A_93, %dma_start3A_94] : memref<200x8x32x8x128xf32, #tpu.memory_space<hbm>> -> memref<1x1x1x8x128xf32, #tpu.memory_space<hbm>>
    %dma_start3A_96 = tpu.memref_squeeze %dma_start3A_95 : memref<1x1x1x8x128xf32, #tpu.memory_space<hbm>> -> memref<8x128xf32, #tpu.memory_space<hbm>>
    %dma_start3A_97 = arith.constant 0 : i32
    %dma_start3A_98 = arith.constant 0 : i32
    %dma_start3A_99 = tpu.memref_slice %arg4[%select_n3A, %dma_start3A_89, %select_n3A_58, %dma_start3A_97, %dma_start3A_98] : memref<200x8x32x8x128xf32, #tpu.memory_space<hbm>> -> memref<1x1x1x8x128xf32, #tpu.memory_space<hbm>>
    %dma_start3A_100 = tpu.memref_squeeze %dma_start3A_99 : memref<1x1x1x8x128xf32, #tpu.memory_space<hbm>> -> memref<8x128xf32, #tpu.memory_space<hbm>>
    %dma_start3A_101 = arith.constant 16 : i32
    %dma_start3A_102 = arith.constant 0 : i32
    %dma_start3A_103 = tpu.memref_slice %arg8[%dma_start3A_101, %dma_start3A_102] : memref<64x129xf32, #tpu.memory_space<vmem>> -> memref<8x128xf32, #tpu.memory_space<vmem>>
    tpu.enqueue_dma source(%dma_start3A_103 : memref<8x128xf32, #tpu.memory_space<vmem>>) target(%dma_start3A_100 : memref<8x128xf32, #tpu.memory_space<hbm>>) target_semaphore(%arg12 : memref<!tpu.dma_semaphore, #tpu.memory_space<semaphore_mem>>)
    %dma_start3A_104 = arith.constant 3 : i32
    %dma_start3A_105 = arith.constant 24 : i32
    %dma_start3A_106 = arith.constant 0 : i32
    %dma_start3A_107 = tpu.memref_slice %arg8[%dma_start3A_105, %dma_start3A_106] : memref<64x129xf32, #tpu.memory_space<vmem>> -> memref<8x128xf32, #tpu.memory_space<vmem>>
    %dma_start3A_108 = arith.constant 0 : i32
    %dma_start3A_109 = arith.constant 0 : i32
    %dma_start3A_110 = tpu.memref_slice %arg4[%select_n3A, %dma_start3A_104, %select_n3A_58, %dma_start3A_108, %dma_start3A_109] : memref<200x8x32x8x128xf32, #tpu.memory_space<hbm>> -> memref<1x1x1x8x128xf32, #tpu.memory_space<hbm>>
    %dma_start3A_111 = tpu.memref_squeeze %dma_start3A_110 : memref<1x1x1x8x128xf32, #tpu.memory_space<hbm>> -> memref<8x128xf32, #tpu.memory_space<hbm>>
    %dma_start3A_112 = arith.constant 0 : i32
    %dma_start3A_113 = arith.constant 0 : i32
    %dma_start3A_114 = tpu.memref_slice %arg4[%select_n3A, %dma_start3A_104, %select_n3A_58, %dma_start3A_112, %dma_start3A_113] : memref<200x8x32x8x128xf32, #tpu.memory_space<hbm>> -> memref<1x1x1x8x128xf32, #tpu.memory_space<hbm>>
    %dma_start3A_115 = tpu.memref_squeeze %dma_start3A_114 : memref<1x1x1x8x128xf32, #tpu.memory_space<hbm>> -> memref<8x128xf32, #tpu.memory_space<hbm>>
    %dma_start3A_116 = arith.constant 24 : i32
    %dma_start3A_117 = arith.constant 0 : i32
    %dma_start3A_118 = tpu.memref_slice %arg8[%dma_start3A_116, %dma_start3A_117] : memref<64x129xf32, #tpu.memory_space<vmem>> -> memref<8x128xf32, #tpu.memory_space<vmem>>
    tpu.enqueue_dma source(%dma_start3A_118 : memref<8x128xf32, #tpu.memory_space<vmem>>) target(%dma_start3A_115 : memref<8x128xf32, #tpu.memory_space<hbm>>) target_semaphore(%arg12 : memref<!tpu.dma_semaphore, #tpu.memory_space<semaphore_mem>>)
    %dma_start3A_119 = arith.constant 4 : i32
    %dma_start3A_120 = arith.constant 32 : i32
    %dma_start3A_121 = arith.constant 0 : i32
    %dma_start3A_122 = tpu.memref_slice %arg8[%dma_start3A_120, %dma_start3A_121] : memref<64x129xf32, #tpu.memory_space<vmem>> -> memref<8x128xf32, #tpu.memory_space<vmem>>
    %dma_start3A_123 = arith.constant 0 : i32
    %dma_start3A_124 = arith.constant 0 : i32
    %dma_start3A_125 = tpu.memref_slice %arg4[%select_n3A, %dma_start3A_119, %select_n3A_58, %dma_start3A_123, %dma_start3A_124] : memref<200x8x32x8x128xf32, #tpu.memory_space<hbm>> -> memref<1x1x1x8x128xf32, #tpu.memory_space<hbm>>
    %dma_start3A_126 = tpu.memref_squeeze %dma_start3A_125 : memref<1x1x1x8x128xf32, #tpu.memory_space<hbm>> -> memref<8x128xf32, #tpu.memory_space<hbm>>
    %dma_start3A_127 = arith.constant 0 : i32
    %dma_start3A_128 = arith.constant 0 : i32
    %dma_start3A_129 = tpu.memref_slice %arg4[%select_n3A, %dma_start3A_119, %select_n3A_58, %dma_start3A_127, %dma_start3A_128] : memref<200x8x32x8x128xf32, #tpu.memory_space<hbm>> -> memref<1x1x1x8x128xf32, #tpu.memory_space<hbm>>
    %dma_start3A_130 = tpu.memref_squeeze %dma_start3A_129 : memref<1x1x1x8x128xf32, #tpu.memory_space<hbm>> -> memref<8x128xf32, #tpu.memory_space<hbm>>
    %dma_start3A_131 = arith.constant 32 : i32
    %dma_start3A_132 = arith.constant 0 : i32
    %dma_start3A_133 = tpu.memref_slice %arg8[%dma_start3A_131, %dma_start3A_132] : memref<64x129xf32, #tpu.memory_space<vmem>> -> memref<8x128xf32, #tpu.memory_space<vmem>>
    tpu.enqueue_dma source(%dma_start3A_133 : memref<8x128xf32, #tpu.memory_space<vmem>>) target(%dma_start3A_130 : memref<8x128xf32, #tpu.memory_space<hbm>>) target_semaphore(%arg12 : memref<!tpu.dma_semaphore, #tpu.memory_space<semaphore_mem>>)
    %dma_start3A_134 = arith.constant 5 : i32
    %dma_start3A_135 = arith.constant 40 : i32
    %dma_start3A_136 = arith.constant 0 : i32
    %dma_start3A_137 = tpu.memref_slice %arg8[%dma_start3A_135, %dma_start3A_136] : memref<64x129xf32, #tpu.memory_space<vmem>> -> memref<8x128xf32, #tpu.memory_space<vmem>>
    %dma_start3A_138 = arith.constant 0 : i32
    %dma_start3A_139 = arith.constant 0 : i32
    %dma_start3A_140 = tpu.memref_slice %arg4[%select_n3A, %dma_start3A_134, %select_n3A_58, %dma_start3A_138, %dma_start3A_139] : memref<200x8x32x8x128xf32, #tpu.memory_space<hbm>> -> memref<1x1x1x8x128xf32, #tpu.memory_space<hbm>>
    %dma_start3A_141 = tpu.memref_squeeze %dma_start3A_140 : memref<1x1x1x8x128xf32, #tpu.memory_space<hbm>> -> memref<8x128xf32, #tpu.memory_space<hbm>>
    %dma_start3A_142 = arith.constant 0 : i32
    %dma_start3A_143 = arith.constant 0 : i32
    %dma_start3A_144 = tpu.memref_slice %arg4[%select_n3A, %dma_start3A_134, %select_n3A_58, %dma_start3A_142, %dma_start3A_143] : memref<200x8x32x8x128xf32, #tpu.memory_space<hbm>> -> memref<1x1x1x8x128xf32, #tpu.memory_space<hbm>>
    %dma_start3A_145 = tpu.memref_squeeze %dma_start3A_144 : memref<1x1x1x8x128xf32, #tpu.memory_space<hbm>> -> memref<8x128xf32, #tpu.memory_space<hbm>>
    %dma_start3A_146 = arith.constant 40 : i32
    %dma_start3A_147 = arith.constant 0 : i32
    %dma_start3A_148 = tpu.memref_slice %arg8[%dma_start3A_146, %dma_start3A_147] : memref<64x129xf32, #tpu.memory_space<vmem>> -> memref<8x128xf32, #tpu.memory_space<vmem>>
    tpu.enqueue_dma source(%dma_start3A_148 : memref<8x128xf32, #tpu.memory_space<vmem>>) target(%dma_start3A_145 : memref<8x128xf32, #tpu.memory_space<hbm>>) target_semaphore(%arg12 : memref<!tpu.dma_semaphore, #tpu.memory_space<semaphore_mem>>)
    %dma_start3A_149 = arith.constant 6 : i32
    %dma_start3A_150 = arith.constant 48 : i32
    %dma_start3A_151 = arith.constant 0 : i32
    %dma_start3A_152 = tpu.memref_slice %arg8[%dma_start3A_150, %dma_start3A_151] : memref<64x129xf32, #tpu.memory_space<vmem>> -> memref<8x128xf32, #tpu.memory_space<vmem>>
    %dma_start3A_153 = arith.constant 0 : i32
    %dma_start3A_154 = arith.constant 0 : i32
    %dma_start3A_155 = tpu.memref_slice %arg4[%select_n3A, %dma_start3A_149, %select_n3A_58, %dma_start3A_153, %dma_start3A_154] : memref<200x8x32x8x128xf32, #tpu.memory_space<hbm>> -> memref<1x1x1x8x128xf32, #tpu.memory_space<hbm>>
    %dma_start3A_156 = tpu.memref_squeeze %dma_start3A_155 : memref<1x1x1x8x128xf32, #tpu.memory_space<hbm>> -> memref<8x128xf32, #tpu.memory_space<hbm>>
    %dma_start3A_157 = arith.constant 0 : i32
    %dma_start3A_158 = arith.constant 0 : i32
    %dma_start3A_159 = tpu.memref_slice %arg4[%select_n3A, %dma_start3A_149, %select_n3A_58, %dma_start3A_157, %dma_start3A_158] : memref<200x8x32x8x128xf32, #tpu.memory_space<hbm>> -> memref<1x1x1x8x128xf32, #tpu.memory_space<hbm>>
    %dma_start3A_160 = tpu.memref_squeeze %dma_start3A_159 : memref<1x1x1x8x128xf32, #tpu.memory_space<hbm>> -> memref<8x128xf32, #tpu.memory_space<hbm>>
    %dma_start3A_161 = arith.constant 48 : i32
    %dma_start3A_162 = arith.constant 0 : i32
    %dma_start3A_163 = tpu.memref_slice %arg8[%dma_start3A_161, %dma_start3A_162] : memref<64x129xf32, #tpu.memory_space<vmem>> -> memref<8x128xf32, #tpu.memory_space<vmem>>
    tpu.enqueue_dma source(%dma_start3A_163 : memref<8x128xf32, #tpu.memory_space<vmem>>) target(%dma_start3A_160 : memref<8x128xf32, #tpu.memory_space<hbm>>) target_semaphore(%arg12 : memref<!tpu.dma_semaphore, #tpu.memory_space<semaphore_mem>>)
    %dma_start3A_164 = arith.constant 7 : i32
    %dma_start3A_165 = arith.constant 56 : i32
    %dma_start3A_166 = arith.constant 0 : i32
    %dma_start3A_167 = tpu.memref_slice %arg8[%dma_start3A_165, %dma_start3A_166] : memref<64x129xf32, #tpu.memory_space<vmem>> -> memref<8x128xf32, #tpu.memory_space<vmem>>
    %dma_start3A_168 = arith.constant 0 : i32
    %dma_start3A_169 = arith.constant 0 : i32
    %dma_start3A_170 = tpu.memref_slice %arg4[%select_n3A, %dma_start3A_164, %select_n3A_58, %dma_start3A_168, %dma_start3A_169] : memref<200x8x32x8x128xf32, #tpu.memory_space<hbm>> -> memref<1x1x1x8x128xf32, #tpu.memory_space<hbm>>
    %dma_start3A_171 = tpu.memref_squeeze %dma_start3A_170 : memref<1x1x1x8x128xf32, #tpu.memory_space<hbm>> -> memref<8x128xf32, #tpu.memory_space<hbm>>
    %dma_start3A_172 = arith.constant 0 : i32
    %dma_start3A_173 = arith.constant 0 : i32
    %dma_start3A_174 = tpu.memref_slice %arg4[%select_n3A, %dma_start3A_164, %select_n3A_58, %dma_start3A_172, %dma_start3A_173] : memref<200x8x32x8x128xf32, #tpu.memory_space<hbm>> -> memref<1x1x1x8x128xf32, #tpu.memory_space<hbm>>
    %dma_start3A_175 = tpu.memref_squeeze %dma_start3A_174 : memref<1x1x1x8x128xf32, #tpu.memory_space<hbm>> -> memref<8x128xf32, #tpu.memory_space<hbm>>
    %dma_start3A_176 = arith.constant 56 : i32
    %dma_start3A_177 = arith.constant 0 : i32
    %dma_start3A_178 = tpu.memref_slice %arg8[%dma_start3A_176, %dma_start3A_177] : memref<64x129xf32, #tpu.memory_space<vmem>> -> memref<8x128xf32, #tpu.memory_space<vmem>>
    tpu.enqueue_dma source(%dma_start3A_178 : memref<8x128xf32, #tpu.memory_space<vmem>>) target(%dma_start3A_175 : memref<8x128xf32, #tpu.memory_space<hbm>>) target_semaphore(%arg12 : memref<!tpu.dma_semaphore, #tpu.memory_space<semaphore_mem>>)
    %dma_start3A_179 = arith.constant 2 : i32
    %dma_start3A_180 = arith.constant 0 : i32
    %dma_start3A_181 = tpu.memref_slice %arg5[%dma_start3A_179, %dma_start3A_180] : memref<200x128xi32, #tpu.memory_space<vmem>> -> memref<1x128xi32, #tpu.memory_space<vmem>>
    %dma_start3A_182 = tpu.memref_squeeze %dma_start3A_181 : memref<1x128xi32, #tpu.memory_space<vmem>> -> memref<128xi32, #tpu.memory_space<vmem>>
    %dma_start3A_183 = arith.constant 0 : i32
    %dma_start3A_184 = arith.constant 0 : i32
    %dma_start3A_185 = tpu.memref_slice %arg3[%dma_start3A_183, %dma_start3A_184] : memref<1000000x64xf32, #tpu.memory_space<hbm>> -> memref<1000000x64xf32, #tpu.memory_space<hbm>>
    tpu.enqueue_indirect_dma source(%dma_start3A_185 : memref<1000000x64xf32, #tpu.memory_space<hbm>>) target(%arg6 : memref<128x64xf32, #tpu.memory_space<vmem>>) offsets(%dma_start3A_182 : memref<128xi32, #tpu.memory_space<vmem>>) semaphore(%arg10 : memref<!tpu.dma_semaphore, #tpu.memory_space<semaphore_mem>>)
    %dma_wait3A_186 = arith.constant 0 : i32
    %dma_wait3A_187 = arith.constant 0 : i32
    %dma_wait3A_188 = tpu.memref_slice %arg3[%dma_wait3A_186, %dma_wait3A_187] : memref<1000000x64xf32, #tpu.memory_space<hbm>> -> memref<128x64xf32, #tpu.memory_space<hbm>>
    %dma_wait3A_189 = arith.constant 0 : i32
    %dma_wait3A_190 = arith.constant 0 : i32
    %dma_wait3A_191 = tpu.memref_slice %arg3[%dma_wait3A_189, %dma_wait3A_190] : memref<1000000x64xf32, #tpu.memory_space<hbm>> -> memref<128x64xf32, #tpu.memory_space<hbm>>
    tpu.wait_dma2 semaphore(%arg11 : memref<!tpu.dma_semaphore, #tpu.memory_space<semaphore_mem>>) src(%dma_wait3A_191 : memref<128x64xf32, #tpu.memory_space<hbm>>) dst(%arg7 : memref<128x64xf32, #tpu.memory_space<vmem>>)
    %scan3A_192 = arith.constant 0 : i32
    %scan3A_193 = arith.constant 0 : i32
    %scan3A_194 = arith.constant 128 : i32
    %scan3A_195 = arith.addi %scan3A_193, %scan3A_194 : i32
    %scan3A_196 = arith.constant 2 : i32
    %scan3A_197 = scf.for %scan3A_1269 = %scan3A_193 to %scan3A_195 step %scan3A_196 iter_args(%scan3A_1270 = %scan3A_192) -> (i32)  : i32 {
      %broadcast_in_dim3A = arith.constant 0 : i32
      %broadcast_in_dim3A_1271 = vector.broadcast %broadcast_in_dim3A : i32 to vector<16xi32>
      %add3A_1272 = vector.broadcast %scan3A_1269 : i32 to vector<16xi32>
      %add3A_1273 = arith.addi %broadcast_in_dim3A_1271, %add3A_1272 : vector<16xi32>
      %get3A = arith.index_cast %scan3A_1269 : i32 to index
      %get3A_1274 = arith.constant 0 : index
      %get3A_1275 = tpu.vector_load %arg7[%get3A, %get3A_1274] {strides = array<i32>} : memref<128x64xf32, #tpu.memory_space<vmem>>, vector<16xf32>,
      %add3A_1276 = arith.constant 0 : i32
      %add3A_1277 = vector.broadcast %add3A_1276 : i32 to vector<16xi32>
      %add3A_1278 = arith.addi %iota3A, %add3A_1277 : vector<16xi32>
      tpu.vector_store_idx %arg9[%add3A_1278, %add3A_1273], %get3A_1275 : memref<64x129xf32, #tpu.memory_space<vmem>>[vector<16xi32>, vector<16xi32>], vector<16xf32>,
      %get3A_1279 = arith.index_cast %scan3A_1269 : i32 to index
      %get3A_1280 = arith.constant 16 : index
      %get3A_1281 = tpu.vector_load %arg7[%get3A_1279, %get3A_1280] {strides = array<i32>} : memref<128x64xf32, #tpu.memory_space<vmem>>, vector<16xf32>,
      %add3A_1282 = arith.constant 16 : i32
      %add3A_1283 = vector.broadcast %add3A_1282 : i32 to vector<16xi32>
      %add3A_1284 = arith.addi %iota3A, %add3A_1283 : vector<16xi32>
      tpu.vector_store_idx %arg9[%add3A_1284, %add3A_1273], %get3A_1281 : memref<64x129xf32, #tpu.memory_space<vmem>>[vector<16xi32>, vector<16xi32>], vector<16xf32>,
      %get3A_1285 = arith.index_cast %scan3A_1269 : i32 to index
      %get3A_1286 = arith.constant 32 : index
      %get3A_1287 = tpu.vector_load %arg7[%get3A_1285, %get3A_1286] {strides = array<i32>} : memref<128x64xf32, #tpu.memory_space<vmem>>, vector<16xf32>,
      %add3A_1288 = arith.constant 32 : i32
      %add3A_1289 = vector.broadcast %add3A_1288 : i32 to vector<16xi32>
      %add3A_1290 = arith.addi %iota3A, %add3A_1289 : vector<16xi32>
      tpu.vector_store_idx %arg9[%add3A_1290, %add3A_1273], %get3A_1287 : memref<64x129xf32, #tpu.memory_space<vmem>>[vector<16xi32>, vector<16xi32>], vector<16xf32>,
      %get3A_1291 = arith.index_cast %scan3A_1269 : i32 to index
      %get3A_1292 = arith.constant 48 : index
      %get3A_1293 = tpu.vector_load %arg7[%get3A_1291, %get3A_1292] {strides = array<i32>} : memref<128x64xf32, #tpu.memory_space<vmem>>, vector<16xf32>,
      %add3A_1294 = arith.constant 48 : i32
      %add3A_1295 = vector.broadcast %add3A_1294 : i32 to vector<16xi32>
      %add3A_1296 = arith.addi %iota3A, %add3A_1295 : vector<16xi32>
      tpu.vector_store_idx %arg9[%add3A_1296, %add3A_1273], %get3A_1293 : memref<64x129xf32, #tpu.memory_space<vmem>>[vector<16xi32>, vector<16xi32>], vector<16xf32>,
      %scan3A_1297 = arith.constant 0 : i32
      %scan3A_1298 = arith.constant 1 : i32
      %scan3A_1299 = arith.addi %scan3A_1269, %scan3A_1298 : i32
      %broadcast_in_dim3A_1300 = arith.constant 0 : i32
      %broadcast_in_dim3A_1301 = vector.broadcast %broadcast_in_dim3A_1300 : i32 to vector<16xi32>
      %add3A_1302 = vector.broadcast %scan3A_1299 : i32 to vector<16xi32>
      %add3A_1303 = arith.addi %broadcast_in_dim3A_1301, %add3A_1302 : vector<16xi32>
      %get3A_1304 = arith.index_cast %scan3A_1299 : i32 to index
      %get3A_1305 = arith.constant 0 : index
      %get3A_1306 = tpu.vector_load %arg7[%get3A_1304, %get3A_1305] {strides = array<i32>} : memref<128x64xf32, #tpu.memory_space<vmem>>, vector<16xf32>,
      %add3A_1307 = arith.constant 0 : i32
      %add3A_1308 = vector.broadcast %add3A_1307 : i32 to vector<16xi32>
      %add3A_1309 = arith.addi %iota3A, %add3A_1308 : vector<16xi32>
      tpu.vector_store_idx %arg9[%add3A_1309, %add3A_1303], %get3A_1306 : memref<64x129xf32, #tpu.memory_space<vmem>>[vector<16xi32>, vector<16xi32>], vector<16xf32>,
      %get3A_1310 = arith.index_cast %scan3A_1299 : i32 to index
      %get3A_1311 = arith.constant 16 : index
      %get3A_1312 = tpu.vector_load %arg7[%get3A_1310, %get3A_1311] {strides = array<i32>} : memref<128x64xf32, #tpu.memory_space<vmem>>, vector<16xf32>,
      %add3A_1313 = arith.constant 16 : i32
      %add3A_1314 = vector.broadcast %add3A_1313 : i32 to vector<16xi32>
      %add3A_1315 = arith.addi %iota3A, %add3A_1314 : vector<16xi32>
      tpu.vector_store_idx %arg9[%add3A_1315, %add3A_1303], %get3A_1312 : memref<64x129xf32, #tpu.memory_space<vmem>>[vector<16xi32>, vector<16xi32>], vector<16xf32>,
      %get3A_1316 = arith.index_cast %scan3A_1299 : i32 to index
      %get3A_1317 = arith.constant 32 : index
      %get3A_1318 = tpu.vector_load %arg7[%get3A_1316, %get3A_1317] {strides = array<i32>} : memref<128x64xf32, #tpu.memory_space<vmem>>, vector<16xf32>,
      %add3A_1319 = arith.constant 32 : i32
      %add3A_1320 = vector.broadcast %add3A_1319 : i32 to vector<16xi32>
      %add3A_1321 = arith.addi %iota3A, %add3A_1320 : vector<16xi32>
      tpu.vector_store_idx %arg9[%add3A_1321, %add3A_1303], %get3A_1318 : memref<64x129xf32, #tpu.memory_space<vmem>>[vector<16xi32>, vector<16xi32>], vector<16xf32>,
      %get3A_1322 = arith.index_cast %scan3A_1299 : i32 to index
      %get3A_1323 = arith.constant 48 : index
      %get3A_1324 = tpu.vector_load %arg7[%get3A_1322, %get3A_1323] {strides = array<i32>} : memref<128x64xf32, #tpu.memory_space<vmem>>, vector<16xf32>,
      %add3A_1325 = arith.constant 48 : i32
      %add3A_1326 = vector.broadcast %add3A_1325 : i32 to vector<16xi32>
      %add3A_1327 = arith.addi %iota3A, %add3A_1326 : vector<16xi32>
      tpu.vector_store_idx %arg9[%add3A_1327, %add3A_1303], %get3A_1324 : memref<64x129xf32, #tpu.memory_space<vmem>>[vector<16xi32>, vector<16xi32>], vector<16xf32>,
      %scan3A_1328 = arith.constant 0 : i32
      scf.yield %scan3A_1328 : i32
    }
    %scan3A_198 = arith.constant 128 : i32
    %add3A_199 = arith.constant 1 : i32
    %add3A_200 = arith.addi %mul3A_2, %add3A_199 : i32
    %jit3A_201 = arith.constant 32 : i32
    %div3A_202 = arith.divsi %add3A_200, %jit3A_201 : i32
    %sign3A_203 = arith.constant 0 : i32
    %sign3A_204 = arith.cmpi sgt, %add3A_200, %sign3A_203 : i32
    %sign3A_205 = arith.extui %sign3A_204 : i1 to i32
    %sign3A_206 = arith.constant 0 : i32
    %sign3A_207 = arith.cmpi slt, %add3A_200, %sign3A_206 : i32
    %sign3A_208 = arith.extui %sign3A_207 : i1 to i32
    %sign3A_209 = arith.subi %sign3A_205, %sign3A_208 : i32
    %sign3A_210 = arith.constant 0 : i32
    %sign3A_211 = arith.cmpi sgt, %jit3A_201, %sign3A_210 : i32
    %sign3A_212 = arith.extui %sign3A_211 : i1 to i32
    %sign3A_213 = arith.constant 0 : i32
    %sign3A_214 = arith.cmpi slt, %jit3A_201, %sign3A_213 : i32
    %sign3A_215 = arith.extui %sign3A_214 : i1 to i32
    %sign3A_216 = arith.subi %sign3A_212, %sign3A_215 : i32
    %ne3A_217 = arith.cmpi ne, %sign3A_209, %sign3A_216 : i32
    %rem3A_218 = arith.remsi %add3A_200, %jit3A_201 : i32
    %ne3A_219 = arith.constant 0 : i32
    %ne3A_220 = arith.cmpi ne, %rem3A_218, %ne3A_219 : i32
    %and3A_221 = arith.andi %ne3A_217, %ne3A_220 : i1
    %sub3A_222 = arith.constant 1 : i32
    %sub3A_223 = arith.subi %div3A_202, %sub3A_222 : i32
    %select_n3A_224 = arith.select %and3A_221, %sub3A_223, %div3A_202 : i32
    %jit3A_225 = arith.constant 32 : i32
    %eq3A_226 = arith.constant 0 : i32
    %eq3A_227 = arith.cmpi eq, %jit3A_225, %eq3A_226 : i32
    %jit3A_228 = arith.constant 1 : i32
    %select_n3A_229 = arith.select %eq3A_227, %jit3A_228, %jit3A_225 : i32
    %rem3A_230 = arith.remsi %add3A_200, %select_n3A_229 : i32
    %ne3A_231 = arith.constant 0 : i32
    %ne3A_232 = arith.cmpi ne, %rem3A_230, %ne3A_231 : i32
    %lt3A_233 = arith.constant 0 : i32
    %lt3A_234 = arith.cmpi slt, %rem3A_230, %lt3A_233 : i32
    %lt3A_235 = arith.constant 0 : i32
    %lt3A_236 = arith.cmpi slt, %select_n3A_229, %lt3A_235 : i32
    %ne3A_237 = arith.xori %lt3A_234, %lt3A_236 : i1
    %and3A_238 = arith.andi %ne3A_237, %ne3A_232 : i1
    %add3A_239 = arith.addi %rem3A_230, %select_n3A_229 : i32
    %select_n3A_240 = arith.select %and3A_238, %add3A_239, %rem3A_230 : i32
    %dma_start3A_241 = arith.constant 0 : i32
    %dma_start3A_242 = arith.constant 0 : i32
    %dma_start3A_243 = arith.constant 0 : i32
    %dma_start3A_244 = tpu.memref_slice %arg9[%dma_start3A_242, %dma_start3A_243] : memref<64x129xf32, #tpu.memory_space<vmem>> -> memref<8x128xf32, #tpu.memory_space<vmem>>
    %dma_start3A_245 = arith.constant 0 : i32
    %dma_start3A_246 = arith.constant 0 : i32
    %dma_start3A_247 = tpu.memref_slice %arg4[%select_n3A_224, %dma_start3A_241, %select_n3A_240, %dma_start3A_245, %dma_start3A_246] : memref<200x8x32x8x128xf32, #tpu.memory_space<hbm>> -> memref<1x1x1x8x128xf32, #tpu.memory_space<hbm>>
    %dma_start3A_248 = tpu.memref_squeeze %dma_start3A_247 : memref<1x1x1x8x128xf32, #tpu.memory_space<hbm>> -> memref<8x128xf32, #tpu.memory_space<hbm>>
    %dma_start3A_249 = arith.constant 0 : i32
    %dma_start3A_250 = arith.constant 0 : i32
    %dma_start3A_251 = tpu.memref_slice %arg4[%select_n3A_224, %dma_start3A_241, %select_n3A_240, %dma_start3A_249, %dma_start3A_250] : memref<200x8x32x8x128xf32, #tpu.memory_space<hbm>> -> memref<1x1x1x8x128xf32, #tpu.memory_space<hbm>>
    %dma_start3A_252 = tpu.memref_squeeze %dma_start3A_251 : memref<1x1x1x8x128xf32, #tpu.memory_space<hbm>> -> memref<8x128xf32, #tpu.memory_space<hbm>>
    %dma_start3A_253 = arith.constant 0 : i32
    %dma_start3A_254 = arith.constant 0 : i32
    %dma_start3A_255 = tpu.memref_slice %arg9[%dma_start3A_253, %dma_start3A_254] : memref<64x129xf32, #tpu.memory_space<vmem>> -> memref<8x128xf32, #tpu.memory_space<vmem>>
    tpu.enqueue_dma source(%dma_start3A_255 : memref<8x128xf32, #tpu.memory_space<vmem>>) target(%dma_start3A_252 : memref<8x128xf32, #tpu.memory_space<hbm>>) target_semaphore(%arg13 : memref<!tpu.dma_semaphore, #tpu.memory_space<semaphore_mem>>)
    %dma_start3A_256 = arith.constant 1 : i32
    %dma_start3A_257 = arith.constant 8 : i32
    %dma_start3A_258 = arith.constant 0 : i32
    %dma_start3A_259 = tpu.memref_slice %arg9[%dma_start3A_257, %dma_start3A_258] : memref<64x129xf32, #tpu.memory_space<vmem>> -> memref<8x128xf32, #tpu.memory_space<vmem>>
    %dma_start3A_260 = arith.constant 0 : i32
    %dma_start3A_261 = arith.constant 0 : i32
    %dma_start3A_262 = tpu.memref_slice %arg4[%select_n3A_224, %dma_start3A_256, %select_n3A_240, %dma_start3A_260, %dma_start3A_261] : memref<200x8x32x8x128xf32, #tpu.memory_space<hbm>> -> memref<1x1x1x8x128xf32, #tpu.memory_space<hbm>>
    %dma_start3A_263 = tpu.memref_squeeze %dma_start3A_262 : memref<1x1x1x8x128xf32, #tpu.memory_space<hbm>> -> memref<8x128xf32, #tpu.memory_space<hbm>>
    %dma_start3A_264 = arith.constant 0 : i32
    %dma_start3A_265 = arith.constant 0 : i32
    %dma_start3A_266 = tpu.memref_slice %arg4[%select_n3A_224, %dma_start3A_256, %select_n3A_240, %dma_start3A_264, %dma_start3A_265] : memref<200x8x32x8x128xf32, #tpu.memory_space<hbm>> -> memref<1x1x1x8x128xf32, #tpu.memory_space<hbm>>
    %dma_start3A_267 = tpu.memref_squeeze %dma_start3A_266 : memref<1x1x1x8x128xf32, #tpu.memory_space<hbm>> -> memref<8x128xf32, #tpu.memory_space<hbm>>
    %dma_start3A_268 = arith.constant 8 : i32
    %dma_start3A_269 = arith.constant 0 : i32
    %dma_start3A_270 = tpu.memref_slice %arg9[%dma_start3A_268, %dma_start3A_269] : memref<64x129xf32, #tpu.memory_space<vmem>> -> memref<8x128xf32, #tpu.memory_space<vmem>>
    tpu.enqueue_dma source(%dma_start3A_270 : memref<8x128xf32, #tpu.memory_space<vmem>>) target(%dma_start3A_267 : memref<8x128xf32, #tpu.memory_space<hbm>>) target_semaphore(%arg13 : memref<!tpu.dma_semaphore, #tpu.memory_space<semaphore_mem>>)
    %dma_start3A_271 = arith.constant 2 : i32
    %dma_start3A_272 = arith.constant 16 : i32
    %dma_start3A_273 = arith.constant 0 : i32
    %dma_start3A_274 = tpu.memref_slice %arg9[%dma_start3A_272, %dma_start3A_273] : memref<64x129xf32, #tpu.memory_space<vmem>> -> memref<8x128xf32, #tpu.memory_space<vmem>>
    %dma_start3A_275 = arith.constant 0 : i32
    %dma_start3A_276 = arith.constant 0 : i32
    %dma_start3A_277 = tpu.memref_slice %arg4[%select_n3A_224, %dma_start3A_271, %select_n3A_240, %dma_start3A_275, %dma_start3A_276] : memref<200x8x32x8x128xf32, #tpu.memory_space<hbm>> -> memref<1x1x1x8x128xf32, #tpu.memory_space<hbm>>
    %dma_start3A_278 = tpu.memref_squeeze %dma_start3A_277 : memref<1x1x1x8x128xf32, #tpu.memory_space<hbm>> -> memref<8x128xf32, #tpu.memory_space<hbm>>
    %dma_start3A_279 = arith.constant 0 : i32
    %dma_start3A_280 = arith.constant 0 : i32
    %dma_start3A_281 = tpu.memref_slice %arg4[%select_n3A_224, %dma_start3A_271, %select_n3A_240, %dma_start3A_279, %dma_start3A_280] : memref<200x8x32x8x128xf32, #tpu.memory_space<hbm>> -> memref<1x1x1x8x128xf32, #tpu.memory_space<hbm>>
    %dma_start3A_282 = tpu.memref_squeeze %dma_start3A_281 : memref<1x1x1x8x128xf32, #tpu.memory_space<hbm>> -> memref<8x128xf32, #tpu.memory_space<hbm>>
    %dma_start3A_283 = arith.constant 16 : i32
    %dma_start3A_284 = arith.constant 0 : i32
    %dma_start3A_285 = tpu.memref_slice %arg9[%dma_start3A_283, %dma_start3A_284] : memref<64x129xf32, #tpu.memory_space<vmem>> -> memref<8x128xf32, #tpu.memory_space<vmem>>
    tpu.enqueue_dma source(%dma_start3A_285 : memref<8x128xf32, #tpu.memory_space<vmem>>) target(%dma_start3A_282 : memref<8x128xf32, #tpu.memory_space<hbm>>) target_semaphore(%arg13 : memref<!tpu.dma_semaphore, #tpu.memory_space<semaphore_mem>>)
    %dma_start3A_286 = arith.constant 3 : i32
    %dma_start3A_287 = arith.constant 24 : i32
    %dma_start3A_288 = arith.constant 0 : i32
    %dma_start3A_289 = tpu.memref_slice %arg9[%dma_start3A_287, %dma_start3A_288] : memref<64x129xf32, #tpu.memory_space<vmem>> -> memref<8x128xf32, #tpu.memory_space<vmem>>
    %dma_start3A_290 = arith.constant 0 : i32
    %dma_start3A_291 = arith.constant 0 : i32
    %dma_start3A_292 = tpu.memref_slice %arg4[%select_n3A_224, %dma_start3A_286, %select_n3A_240, %dma_start3A_290, %dma_start3A_291] : memref<200x8x32x8x128xf32, #tpu.memory_space<hbm>> -> memref<1x1x1x8x128xf32, #tpu.memory_space<hbm>>
    %dma_start3A_293 = tpu.memref_squeeze %dma_start3A_292 : memref<1x1x1x8x128xf32, #tpu.memory_space<hbm>> -> memref<8x128xf32, #tpu.memory_space<hbm>>
    %dma_start3A_294 = arith.constant 0 : i32
    %dma_start3A_295 = arith.constant 0 : i32
    %dma_start3A_296 = tpu.memref_slice %arg4[%select_n3A_224, %dma_start3A_286, %select_n3A_240, %dma_start3A_294, %dma_start3A_295] : memref<200x8x32x8x128xf32, #tpu.memory_space<hbm>> -> memref<1x1x1x8x128xf32, #tpu.memory_space<hbm>>
    %dma_start3A_297 = tpu.memref_squeeze %dma_start3A_296 : memref<1x1x1x8x128xf32, #tpu.memory_space<hbm>> -> memref<8x128xf32, #tpu.memory_space<hbm>>
    %dma_start3A_298 = arith.constant 24 : i32
    %dma_start3A_299 = arith.constant 0 : i32
    %dma_start3A_300 = tpu.memref_slice %arg9[%dma_start3A_298, %dma_start3A_299] : memref<64x129xf32, #tpu.memory_space<vmem>> -> memref<8x128xf32, #tpu.memory_space<vmem>>
    tpu.enqueue_dma source(%dma_start3A_300 : memref<8x128xf32, #tpu.memory_space<vmem>>) target(%dma_start3A_297 : memref<8x128xf32, #tpu.memory_space<hbm>>) target_semaphore(%arg13 : memref<!tpu.dma_semaphore, #tpu.memory_space<semaphore_mem>>)
    %dma_start3A_301 = arith.constant 4 : i32
    %dma_start3A_302 = arith.constant 32 : i32
    %dma_start3A_303 = arith.constant 0 : i32
    %dma_start3A_304 = tpu.memref_slice %arg9[%dma_start3A_302, %dma_start3A_303] : memref<64x129xf32, #tpu.memory_space<vmem>> -> memref<8x128xf32, #tpu.memory_space<vmem>>
    %dma_start3A_305 = arith.constant 0 : i32
    %dma_start3A_306 = arith.constant 0 : i32
    %dma_start3A_307 = tpu.memref_slice %arg4[%select_n3A_224, %dma_start3A_301, %select_n3A_240, %dma_start3A_305, %dma_start3A_306] : memref<200x8x32x8x128xf32, #tpu.memory_space<hbm>> -> memref<1x1x1x8x128xf32, #tpu.memory_space<hbm>>
    %dma_start3A_308 = tpu.memref_squeeze %dma_start3A_307 : memref<1x1x1x8x128xf32, #tpu.memory_space<hbm>> -> memref<8x128xf32, #tpu.memory_space<hbm>>
    %dma_start3A_309 = arith.constant 0 : i32
    %dma_start3A_310 = arith.constant 0 : i32
    %dma_start3A_311 = tpu.memref_slice %arg4[%select_n3A_224, %dma_start3A_301, %select_n3A_240, %dma_start3A_309, %dma_start3A_310] : memref<200x8x32x8x128xf32, #tpu.memory_space<hbm>> -> memref<1x1x1x8x128xf32, #tpu.memory_space<hbm>>
    %dma_start3A_312 = tpu.memref_squeeze %dma_start3A_311 : memref<1x1x1x8x128xf32, #tpu.memory_space<hbm>> -> memref<8x128xf32, #tpu.memory_space<hbm>>
    %dma_start3A_313 = arith.constant 32 : i32
    %dma_start3A_314 = arith.constant 0 : i32
    %dma_start3A_315 = tpu.memref_slice %arg9[%dma_start3A_313, %dma_start3A_314] : memref<64x129xf32, #tpu.memory_space<vmem>> -> memref<8x128xf32, #tpu.memory_space<vmem>>
    tpu.enqueue_dma source(%dma_start3A_315 : memref<8x128xf32, #tpu.memory_space<vmem>>) target(%dma_start3A_312 : memref<8x128xf32, #tpu.memory_space<hbm>>) target_semaphore(%arg13 : memref<!tpu.dma_semaphore, #tpu.memory_space<semaphore_mem>>)
    %dma_start3A_316 = arith.constant 5 : i32
    %dma_start3A_317 = arith.constant 40 : i32
    %dma_start3A_318 = arith.constant 0 : i32
    %dma_start3A_319 = tpu.memref_slice %arg9[%dma_start3A_317, %dma_start3A_318] : memref<64x129xf32, #tpu.memory_space<vmem>> -> memref<8x128xf32, #tpu.memory_space<vmem>>
    %dma_start3A_320 = arith.constant 0 : i32
    %dma_start3A_321 = arith.constant 0 : i32
    %dma_start3A_322 = tpu.memref_slice %arg4[%select_n3A_224, %dma_start3A_316, %select_n3A_240, %dma_start3A_320, %dma_start3A_321] : memref<200x8x32x8x128xf32, #tpu.memory_space<hbm>> -> memref<1x1x1x8x128xf32, #tpu.memory_space<hbm>>
    %dma_start3A_323 = tpu.memref_squeeze %dma_start3A_322 : memref<1x1x1x8x128xf32, #tpu.memory_space<hbm>> -> memref<8x128xf32, #tpu.memory_space<hbm>>
    %dma_start3A_324 = arith.constant 0 : i32
    %dma_start3A_325 = arith.constant 0 : i32
    %dma_start3A_326 = tpu.memref_slice %arg4[%select_n3A_224, %dma_start3A_316, %select_n3A_240, %dma_start3A_324, %dma_start3A_325] : memref<200x8x32x8x128xf32, #tpu.memory_space<hbm>> -> memref<1x1x1x8x128xf32, #tpu.memory_space<hbm>>
    %dma_start3A_327 = tpu.memref_squeeze %dma_start3A_326 : memref<1x1x1x8x128xf32, #tpu.memory_space<hbm>> -> memref<8x128xf32, #tpu.memory_space<hbm>>
    %dma_start3A_328 = arith.constant 40 : i32
    %dma_start3A_329 = arith.constant 0 : i32
    %dma_start3A_330 = tpu.memref_slice %arg9[%dma_start3A_328, %dma_start3A_329] : memref<64x129xf32, #tpu.memory_space<vmem>> -> memref<8x128xf32, #tpu.memory_space<vmem>>
    tpu.enqueue_dma source(%dma_start3A_330 : memref<8x128xf32, #tpu.memory_space<vmem>>) target(%dma_start3A_327 : memref<8x128xf32, #tpu.memory_space<hbm>>) target_semaphore(%arg13 : memref<!tpu.dma_semaphore, #tpu.memory_space<semaphore_mem>>)
    %dma_start3A_331 = arith.constant 6 : i32
    %dma_start3A_332 = arith.constant 48 : i32
    %dma_start3A_333 = arith.constant 0 : i32
    %dma_start3A_334 = tpu.memref_slice %arg9[%dma_start3A_332, %dma_start3A_333] : memref<64x129xf32, #tpu.memory_space<vmem>> -> memref<8x128xf32, #tpu.memory_space<vmem>>
    %dma_start3A_335 = arith.constant 0 : i32
    %dma_start3A_336 = arith.constant 0 : i32
    %dma_start3A_337 = tpu.memref_slice %arg4[%select_n3A_224, %dma_start3A_331, %select_n3A_240, %dma_start3A_335, %dma_start3A_336] : memref<200x8x32x8x128xf32, #tpu.memory_space<hbm>> -> memref<1x1x1x8x128xf32, #tpu.memory_space<hbm>>
    %dma_start3A_338 = tpu.memref_squeeze %dma_start3A_337 : memref<1x1x1x8x128xf32, #tpu.memory_space<hbm>> -> memref<8x128xf32, #tpu.memory_space<hbm>>
    %dma_start3A_339 = arith.constant 0 : i32
    %dma_start3A_340 = arith.constant 0 : i32
    %dma_start3A_341 = tpu.memref_slice %arg4[%select_n3A_224, %dma_start3A_331, %select_n3A_240, %dma_start3A_339, %dma_start3A_340] : memref<200x8x32x8x128xf32, #tpu.memory_space<hbm>> -> memref<1x1x1x8x128xf32, #tpu.memory_space<hbm>>
    %dma_start3A_342 = tpu.memref_squeeze %dma_start3A_341 : memref<1x1x1x8x128xf32, #tpu.memory_space<hbm>> -> memref<8x128xf32, #tpu.memory_space<hbm>>
    %dma_start3A_343 = arith.constant 48 : i32
    %dma_start3A_344 = arith.constant 0 : i32
    %dma_start3A_345 = tpu.memref_slice %arg9[%dma_start3A_343, %dma_start3A_344] : memref<64x129xf32, #tpu.memory_space<vmem>> -> memref<8x128xf32, #tpu.memory_space<vmem>>
    tpu.enqueue_dma source(%dma_start3A_345 : memref<8x128xf32, #tpu.memory_space<vmem>>) target(%dma_start3A_342 : memref<8x128xf32, #tpu.memory_space<hbm>>) target_semaphore(%arg13 : memref<!tpu.dma_semaphore, #tpu.memory_space<semaphore_mem>>)
    %dma_start3A_346 = arith.constant 7 : i32
    %dma_start3A_347 = arith.constant 56 : i32
    %dma_start3A_348 = arith.constant 0 : i32
    %dma_start3A_349 = tpu.memref_slice %arg9[%dma_start3A_347, %dma_start3A_348] : memref<64x129xf32, #tpu.memory_space<vmem>> -> memref<8x128xf32, #tpu.memory_space<vmem>>
    %dma_start3A_350 = arith.constant 0 : i32
    %dma_start3A_351 = arith.constant 0 : i32
    %dma_start3A_352 = tpu.memref_slice %arg4[%select_n3A_224, %dma_start3A_346, %select_n3A_240, %dma_start3A_350, %dma_start3A_351] : memref<200x8x32x8x128xf32, #tpu.memory_space<hbm>> -> memref<1x1x1x8x128xf32, #tpu.memory_space<hbm>>
    %dma_start3A_353 = tpu.memref_squeeze %dma_start3A_352 : memref<1x1x1x8x128xf32, #tpu.memory_space<hbm>> -> memref<8x128xf32, #tpu.memory_space<hbm>>
    %dma_start3A_354 = arith.constant 0 : i32
    %dma_start3A_355 = arith.constant 0 : i32
    %dma_start3A_356 = tpu.memref_slice %arg4[%select_n3A_224, %dma_start3A_346, %select_n3A_240, %dma_start3A_354, %dma_start3A_355] : memref<200x8x32x8x128xf32, #tpu.memory_space<hbm>> -> memref<1x1x1x8x128xf32, #tpu.memory_space<hbm>>
    %dma_start3A_357 = tpu.memref_squeeze %dma_start3A_356 : memref<1x1x1x8x128xf32, #tpu.memory_space<hbm>> -> memref<8x128xf32, #tpu.memory_space<hbm>>
    %dma_start3A_358 = arith.constant 56 : i32
    %dma_start3A_359 = arith.constant 0 : i32
    %dma_start3A_360 = tpu.memref_slice %arg9[%dma_start3A_358, %dma_start3A_359] : memref<64x129xf32, #tpu.memory_space<vmem>> -> memref<8x128xf32, #tpu.memory_space<vmem>>
    tpu.enqueue_dma source(%dma_start3A_360 : memref<8x128xf32, #tpu.memory_space<vmem>>) target(%dma_start3A_357 : memref<8x128xf32, #tpu.memory_space<hbm>>) target_semaphore(%arg13 : memref<!tpu.dma_semaphore, #tpu.memory_space<semaphore_mem>>)
    %dma_start3A_361 = arith.constant 3 : i32
    %dma_start3A_362 = arith.constant 0 : i32
    %dma_start3A_363 = tpu.memref_slice %arg5[%dma_start3A_361, %dma_start3A_362] : memref<200x128xi32, #tpu.memory_space<vmem>> -> memref<1x128xi32, #tpu.memory_space<vmem>>
    %dma_start3A_364 = tpu.memref_squeeze %dma_start3A_363 : memref<1x128xi32, #tpu.memory_space<vmem>> -> memref<128xi32, #tpu.memory_space<vmem>>
    %dma_start3A_365 = arith.constant 0 : i32
    %dma_start3A_366 = arith.constant 0 : i32
    %dma_start3A_367 = tpu.memref_slice %arg3[%dma_start3A_365, %dma_start3A_366] : memref<1000000x64xf32, #tpu.memory_space<hbm>> -> memref<1000000x64xf32, #tpu.memory_space<hbm>>
    tpu.enqueue_indirect_dma source(%dma_start3A_367 : memref<1000000x64xf32, #tpu.memory_space<hbm>>) target(%arg7 : memref<128x64xf32, #tpu.memory_space<vmem>>) offsets(%dma_start3A_364 : memref<128xi32, #tpu.memory_space<vmem>>) semaphore(%arg11 : memref<!tpu.dma_semaphore, #tpu.memory_space<semaphore_mem>>)
    %scan3A_368 = arith.constant 0 : i32
    %scan3A_369 = arith.constant 1 : i32
    %scan3A_370 = arith.constant 98 : i32
    %scan3A_371 = arith.addi %scan3A_369, %scan3A_370 : i32
    %scan3A_372 = arith.constant 1 : i32
    %scan3A_373 = scf.for %scan3A_1269 = %scan3A_369 to %scan3A_371 step %scan3A_372 iter_args(%scan3A_1270 = %scan3A_368) -> (i32)  : i32 {
      %mul3A_1271 = arith.constant 2 : i32
      %mul3A_1272 = arith.muli %scan3A_1269, %mul3A_1271 : i32
      %add3A_1273 = arith.constant 1 : i32
      %add3A_1274 = arith.addi %mul3A_1272, %add3A_1273 : i32
      %dma_wait3A_1275 = arith.constant 0 : i32
      %dma_wait3A_1276 = arith.constant 0 : i32
      %dma_wait3A_1277 = tpu.memref_slice %arg3[%dma_wait3A_1275, %dma_wait3A_1276] : memref<1000000x64xf32, #tpu.memory_space<hbm>> -> memref<128x64xf32, #tpu.memory_space<hbm>>
      %dma_wait3A_1278 = arith.constant 0 : i32
      %dma_wait3A_1279 = arith.constant 0 : i32
      %dma_wait3A_1280 = tpu.memref_slice %arg3[%dma_wait3A_1278, %dma_wait3A_1279] : memref<1000000x64xf32, #tpu.memory_space<hbm>> -> memref<128x64xf32, #tpu.memory_space<hbm>>
      tpu.wait_dma2 semaphore(%arg10 : memref<!tpu.dma_semaphore, #tpu.memory_space<semaphore_mem>>) src(%dma_wait3A_1280 : memref<128x64xf32, #tpu.memory_space<hbm>>) dst(%arg6 : memref<128x64xf32, #tpu.memory_space<vmem>>)
      %dma_wait3A_1281 = arith.constant 0 : i32
      %dma_wait3A_1282 = arith.constant 0 : i32
      %dma_wait3A_1283 = arith.constant 0 : i32
      %dma_wait3A_1284 = arith.constant 0 : i32
      %dma_wait3A_1285 = arith.constant 0 : i32
      %dma_wait3A_1286 = tpu.memref_slice %arg8[%dma_wait3A_1284, %dma_wait3A_1285] : memref<64x129xf32, #tpu.memory_space<vmem>> -> memref<8x128xf32, #tpu.memory_space<vmem>>
      %dma_wait3A_1287 = arith.constant 0 : i32
      %dma_wait3A_1288 = arith.constant 0 : i32
      %dma_wait3A_1289 = tpu.memref_slice %arg4[%dma_wait3A_1281, %dma_wait3A_1282, %dma_wait3A_1283, %dma_wait3A_1287, %dma_wait3A_1288] : memref<200x8x32x8x128xf32, #tpu.memory_space<hbm>> -> memref<1x1x1x8x128xf32, #tpu.memory_space<hbm>>
      %dma_wait3A_1290 = tpu.memref_squeeze %dma_wait3A_1289 : memref<1x1x1x8x128xf32, #tpu.memory_space<hbm>> -> memref<8x128xf32, #tpu.memory_space<hbm>>
      %dma_wait3A_1291 = arith.constant 0 : i32
      %dma_wait3A_1292 = arith.constant 0 : i32
      %dma_wait3A_1293 = tpu.memref_slice %arg4[%dma_wait3A_1281, %dma_wait3A_1282, %dma_wait3A_1283, %dma_wait3A_1291, %dma_wait3A_1292] : memref<200x8x32x8x128xf32, #tpu.memory_space<hbm>> -> memref<1x1x1x8x128xf32, #tpu.memory_space<hbm>>
      %dma_wait3A_1294 = tpu.memref_squeeze %dma_wait3A_1293 : memref<1x1x1x8x128xf32, #tpu.memory_space<hbm>> -> memref<8x128xf32, #tpu.memory_space<hbm>>
      %dma_wait3A_1295 = arith.constant 0 : i32
      %dma_wait3A_1296 = arith.constant 0 : i32
      %dma_wait3A_1297 = tpu.memref_slice %arg8[%dma_wait3A_1295, %dma_wait3A_1296] : memref<64x129xf32, #tpu.memory_space<vmem>> -> memref<8x128xf32, #tpu.memory_space<vmem>>
      tpu.wait_dma2 semaphore(%arg12 : memref<!tpu.dma_semaphore, #tpu.memory_space<semaphore_mem>>) src(%dma_wait3A_1297 : memref<8x128xf32, #tpu.memory_space<vmem>>) dst(%dma_wait3A_1294 : memref<8x128xf32, #tpu.memory_space<hbm>>)
      %dma_wait3A_1298 = arith.constant 0 : i32
      %dma_wait3A_1299 = arith.constant 0 : i32
      %dma_wait3A_1300 = arith.constant 0 : i32
      %dma_wait3A_1301 = arith.constant 8 : i32
      %dma_wait3A_1302 = arith.constant 0 : i32
      %dma_wait3A_1303 = tpu.memref_slice %arg8[%dma_wait3A_1301, %dma_wait3A_1302] : memref<64x129xf32, #tpu.memory_space<vmem>> -> memref<8x128xf32, #tpu.memory_space<vmem>>
      %dma_wait3A_1304 = arith.constant 0 : i32
      %dma_wait3A_1305 = arith.constant 0 : i32
      %dma_wait3A_1306 = tpu.memref_slice %arg4[%dma_wait3A_1298, %dma_wait3A_1299, %dma_wait3A_1300, %dma_wait3A_1304, %dma_wait3A_1305] : memref<200x8x32x8x128xf32, #tpu.memory_space<hbm>> -> memref<1x1x1x8x128xf32, #tpu.memory_space<hbm>>
      %dma_wait3A_1307 = tpu.memref_squeeze %dma_wait3A_1306 : memref<1x1x1x8x128xf32, #tpu.memory_space<hbm>> -> memref<8x128xf32, #tpu.memory_space<hbm>>
      %dma_wait3A_1308 = arith.constant 0 : i32
      %dma_wait3A_1309 = arith.constant 0 : i32
      %dma_wait3A_1310 = tpu.memref_slice %arg4[%dma_wait3A_1298, %dma_wait3A_1299, %dma_wait3A_1300, %dma_wait3A_1308, %dma_wait3A_1309] : memref<200x8x32x8x128xf32, #tpu.memory_space<hbm>> -> memref<1x1x1x8x128xf32, #tpu.memory_space<hbm>>
      %dma_wait3A_1311 = tpu.memref_squeeze %dma_wait3A_1310 : memref<1x1x1x8x128xf32, #tpu.memory_space<hbm>> -> memref<8x128xf32, #tpu.memory_space<hbm>>
      %dma_wait3A_1312 = arith.constant 8 : i32
      %dma_wait3A_1313 = arith.constant 0 : i32
      %dma_wait3A_1314 = tpu.memref_slice %arg8[%dma_wait3A_1312, %dma_wait3A_1313] : memref<64x129xf32, #tpu.memory_space<vmem>> -> memref<8x128xf32, #tpu.memory_space<vmem>>
      tpu.wait_dma2 semaphore(%arg12 : memref<!tpu.dma_semaphore, #tpu.memory_space<semaphore_mem>>) src(%dma_wait3A_1314 : memref<8x128xf32, #tpu.memory_space<vmem>>) dst(%dma_wait3A_1311 : memref<8x128xf32, #tpu.memory_space<hbm>>)
      %dma_wait3A_1315 = arith.constant 0 : i32
      %dma_wait3A_1316 = arith.constant 0 : i32
      %dma_wait3A_1317 = arith.constant 0 : i32
      %dma_wait3A_1318 = arith.constant 16 : i32
      %dma_wait3A_1319 = arith.constant 0 : i32
      %dma_wait3A_1320 = tpu.memref_slice %arg8[%dma_wait3A_1318, %dma_wait3A_1319] : memref<64x129xf32, #tpu.memory_space<vmem>> -> memref<8x128xf32, #tpu.memory_space<vmem>>
      %dma_wait3A_1321 = arith.constant 0 : i32
      %dma_wait3A_1322 = arith.constant 0 : i32
      %dma_wait3A_1323 = tpu.memref_slice %arg4[%dma_wait3A_1315, %dma_wait3A_1316, %dma_wait3A_1317, %dma_wait3A_1321, %dma_wait3A_1322] : memref<200x8x32x8x128xf32, #tpu.memory_space<hbm>> -> memref<1x1x1x8x128xf32, #tpu.memory_space<hbm>>
      %dma_wait3A_1324 = tpu.memref_squeeze %dma_wait3A_1323 : memref<1x1x1x8x128xf32, #tpu.memory_space<hbm>> -> memref<8x128xf32, #tpu.memory_space<hbm>>
      %dma_wait3A_1325 = arith.constant 0 : i32
      %dma_wait3A_1326 = arith.constant 0 : i32
      %dma_wait3A_1327 = tpu.memref_slice %arg4[%dma_wait3A_1315, %dma_wait3A_1316, %dma_wait3A_1317, %dma_wait3A_1325, %dma_wait3A_1326] : memref<200x8x32x8x128xf32, #tpu.memory_space<hbm>> -> memref<1x1x1x8x128xf32, #tpu.memory_space<hbm>>
      %dma_wait3A_1328 = tpu.memref_squeeze %dma_wait3A_1327 : memref<1x1x1x8x128xf32, #tpu.memory_space<hbm>> -> memref<8x128xf32, #tpu.memory_space<hbm>>
      %dma_wait3A_1329 = arith.constant 16 : i32
      %dma_wait3A_1330 = arith.constant 0 : i32
      %dma_wait3A_1331 = tpu.memref_slice %arg8[%dma_wait3A_1329, %dma_wait3A_1330] : memref<64x129xf32, #tpu.memory_space<vmem>> -> memref<8x128xf32, #tpu.memory_space<vmem>>
      tpu.wait_dma2 semaphore(%arg12 : memref<!tpu.dma_semaphore, #tpu.memory_space<semaphore_mem>>) src(%dma_wait3A_1331 : memref<8x128xf32, #tpu.memory_space<vmem>>) dst(%dma_wait3A_1328 : memref<8x128xf32, #tpu.memory_space<hbm>>)
      %dma_wait3A_1332 = arith.constant 0 : i32
      %dma_wait3A_1333 = arith.constant 0 : i32
      %dma_wait3A_1334 = arith.constant 0 : i32
      %dma_wait3A_1335 = arith.constant 24 : i32
      %dma_wait3A_1336 = arith.constant 0 : i32
      %dma_wait3A_1337 = tpu.memref_slice %arg8[%dma_wait3A_1335, %dma_wait3A_1336] : memref<64x129xf32, #tpu.memory_space<vmem>> -> memref<8x128xf32, #tpu.memory_space<vmem>>
      %dma_wait3A_1338 = arith.constant 0 : i32
      %dma_wait3A_1339 = arith.constant 0 : i32
      %dma_wait3A_1340 = tpu.memref_slice %arg4[%dma_wait3A_1332, %dma_wait3A_1333, %dma_wait3A_1334, %dma_wait3A_1338, %dma_wait3A_1339] : memref<200x8x32x8x128xf32, #tpu.memory_space<hbm>> -> memref<1x1x1x8x128xf32, #tpu.memory_space<hbm>>
      %dma_wait3A_1341 = tpu.memref_squeeze %dma_wait3A_1340 : memref<1x1x1x8x128xf32, #tpu.memory_space<hbm>> -> memref<8x128xf32, #tpu.memory_space<hbm>>
      %dma_wait3A_1342 = arith.constant 0 : i32
      %dma_wait3A_1343 = arith.constant 0 : i32
      %dma_wait3A_1344 = tpu.memref_slice %arg4[%dma_wait3A_1332, %dma_wait3A_1333, %dma_wait3A_1334, %dma_wait3A_1342, %dma_wait3A_1343] : memref<200x8x32x8x128xf32, #tpu.memory_space<hbm>> -> memref<1x1x1x8x128xf32, #tpu.memory_space<hbm>>
      %dma_wait3A_1345 = tpu.memref_squeeze %dma_wait3A_1344 : memref<1x1x1x8x128xf32, #tpu.memory_space<hbm>> -> memref<8x128xf32, #tpu.memory_space<hbm>>
      %dma_wait3A_1346 = arith.constant 24 : i32
      %dma_wait3A_1347 = arith.constant 0 : i32
      %dma_wait3A_1348 = tpu.memref_slice %arg8[%dma_wait3A_1346, %dma_wait3A_1347] : memref<64x129xf32, #tpu.memory_space<vmem>> -> memref<8x128xf32, #tpu.memory_space<vmem>>
      tpu.wait_dma2 semaphore(%arg12 : memref<!tpu.dma_semaphore, #tpu.memory_space<semaphore_mem>>) src(%dma_wait3A_1348 : memref<8x128xf32, #tpu.memory_space<vmem>>) dst(%dma_wait3A_1345 : memref<8x128xf32, #tpu.memory_space<hbm>>)
      %dma_wait3A_1349 = arith.constant 0 : i32
      %dma_wait3A_1350 = arith.constant 0 : i32
      %dma_wait3A_1351 = arith.constant 0 : i32
      %dma_wait3A_1352 = arith.constant 32 : i32
      %dma_wait3A_1353 = arith.constant 0 : i32
      %dma_wait3A_1354 = tpu.memref_slice %arg8[%dma_wait3A_1352, %dma_wait3A_1353] : memref<64x129xf32, #tpu.memory_space<vmem>> -> memref<8x128xf32, #tpu.memory_space<vmem>>
      %dma_wait3A_1355 = arith.constant 0 : i32
      %dma_wait3A_1356 = arith.constant 0 : i32
      %dma_wait3A_1357 = tpu.memref_slice %arg4[%dma_wait3A_1349, %dma_wait3A_1350, %dma_wait3A_1351, %dma_wait3A_1355, %dma_wait3A_1356] : memref<200x8x32x8x128xf32, #tpu.memory_space<hbm>> -> memref<1x1x1x8x128xf32, #tpu.memory_space<hbm>>
      %dma_wait3A_1358 = tpu.memref_squeeze %dma_wait3A_1357 : memref<1x1x1x8x128xf32, #tpu.memory_space<hbm>> -> memref<8x128xf32, #tpu.memory_space<hbm>>
      %dma_wait3A_1359 = arith.constant 0 : i32
      %dma_wait3A_1360 = arith.constant 0 : i32
      %dma_wait3A_1361 = tpu.memref_slice %arg4[%dma_wait3A_1349, %dma_wait3A_1350, %dma_wait3A_1351, %dma_wait3A_1359, %dma_wait3A_1360] : memref<200x8x32x8x128xf32, #tpu.memory_space<hbm>> -> memref<1x1x1x8x128xf32, #tpu.memory_space<hbm>>
      %dma_wait3A_1362 = tpu.memref_squeeze %dma_wait3A_1361 : memref<1x1x1x8x128xf32, #tpu.memory_space<hbm>> -> memref<8x128xf32, #tpu.memory_space<hbm>>
      %dma_wait3A_1363 = arith.constant 32 : i32
      %dma_wait3A_1364 = arith.constant 0 : i32
      %dma_wait3A_1365 = tpu.memref_slice %arg8[%dma_wait3A_1363, %dma_wait3A_1364] : memref<64x129xf32, #tpu.memory_space<vmem>> -> memref<8x128xf32, #tpu.memory_space<vmem>>
      tpu.wait_dma2 semaphore(%arg12 : memref<!tpu.dma_semaphore, #tpu.memory_space<semaphore_mem>>) src(%dma_wait3A_1365 : memref<8x128xf32, #tpu.memory_space<vmem>>) dst(%dma_wait3A_1362 : memref<8x128xf32, #tpu.memory_space<hbm>>)
      %dma_wait3A_1366 = arith.constant 0 : i32
      %dma_wait3A_1367 = arith.constant 0 : i32
      %dma_wait3A_1368 = arith.constant 0 : i32
      %dma_wait3A_1369 = arith.constant 40 : i32
      %dma_wait3A_1370 = arith.constant 0 : i32
      %dma_wait3A_1371 = tpu.memref_slice %arg8[%dma_wait3A_1369, %dma_wait3A_1370] : memref<64x129xf32, #tpu.memory_space<vmem>> -> memref<8x128xf32, #tpu.memory_space<vmem>>
      %dma_wait3A_1372 = arith.constant 0 : i32
      %dma_wait3A_1373 = arith.constant 0 : i32
      %dma_wait3A_1374 = tpu.memref_slice %arg4[%dma_wait3A_1366, %dma_wait3A_1367, %dma_wait3A_1368, %dma_wait3A_1372, %dma_wait3A_1373] : memref<200x8x32x8x128xf32, #tpu.memory_space<hbm>> -> memref<1x1x1x8x128xf32, #tpu.memory_space<hbm>>
      %dma_wait3A_1375 = tpu.memref_squeeze %dma_wait3A_1374 : memref<1x1x1x8x128xf32, #tpu.memory_space<hbm>> -> memref<8x128xf32, #tpu.memory_space<hbm>>
      %dma_wait3A_1376 = arith.constant 0 : i32
      %dma_wait3A_1377 = arith.constant 0 : i32
      %dma_wait3A_1378 = tpu.memref_slice %arg4[%dma_wait3A_1366, %dma_wait3A_1367, %dma_wait3A_1368, %dma_wait3A_1376, %dma_wait3A_1377] : memref<200x8x32x8x128xf32, #tpu.memory_space<hbm>> -> memref<1x1x1x8x128xf32, #tpu.memory_space<hbm>>
      %dma_wait3A_1379 = tpu.memref_squeeze %dma_wait3A_1378 : memref<1x1x1x8x128xf32, #tpu.memory_space<hbm>> -> memref<8x128xf32, #tpu.memory_space<hbm>>
      %dma_wait3A_1380 = arith.constant 40 : i32
      %dma_wait3A_1381 = arith.constant 0 : i32
      %dma_wait3A_1382 = tpu.memref_slice %arg8[%dma_wait3A_1380, %dma_wait3A_1381] : memref<64x129xf32, #tpu.memory_space<vmem>> -> memref<8x128xf32, #tpu.memory_space<vmem>>
      tpu.wait_dma2 semaphore(%arg12 : memref<!tpu.dma_semaphore, #tpu.memory_space<semaphore_mem>>) src(%dma_wait3A_1382 : memref<8x128xf32, #tpu.memory_space<vmem>>) dst(%dma_wait3A_1379 : memref<8x128xf32, #tpu.memory_space<hbm>>)
      %dma_wait3A_1383 = arith.constant 0 : i32
      %dma_wait3A_1384 = arith.constant 0 : i32
      %dma_wait3A_1385 = arith.constant 0 : i32
      %dma_wait3A_1386 = arith.constant 48 : i32
      %dma_wait3A_1387 = arith.constant 0 : i32
      %dma_wait3A_1388 = tpu.memref_slice %arg8[%dma_wait3A_1386, %dma_wait3A_1387] : memref<64x129xf32, #tpu.memory_space<vmem>> -> memref<8x128xf32, #tpu.memory_space<vmem>>
      %dma_wait3A_1389 = arith.constant 0 : i32
      %dma_wait3A_1390 = arith.constant 0 : i32
      %dma_wait3A_1391 = tpu.memref_slice %arg4[%dma_wait3A_1383, %dma_wait3A_1384, %dma_wait3A_1385, %dma_wait3A_1389, %dma_wait3A_1390] : memref<200x8x32x8x128xf32, #tpu.memory_space<hbm>> -> memref<1x1x1x8x128xf32, #tpu.memory_space<hbm>>
      %dma_wait3A_1392 = tpu.memref_squeeze %dma_wait3A_1391 : memref<1x1x1x8x128xf32, #tpu.memory_space<hbm>> -> memref<8x128xf32, #tpu.memory_space<hbm>>
      %dma_wait3A_1393 = arith.constant 0 : i32
      %dma_wait3A_1394 = arith.constant 0 : i32
      %dma_wait3A_1395 = tpu.memref_slice %arg4[%dma_wait3A_1383, %dma_wait3A_1384, %dma_wait3A_1385, %dma_wait3A_1393, %dma_wait3A_1394] : memref<200x8x32x8x128xf32, #tpu.memory_space<hbm>> -> memref<1x1x1x8x128xf32, #tpu.memory_space<hbm>>
      %dma_wait3A_1396 = tpu.memref_squeeze %dma_wait3A_1395 : memref<1x1x1x8x128xf32, #tpu.memory_space<hbm>> -> memref<8x128xf32, #tpu.memory_space<hbm>>
      %dma_wait3A_1397 = arith.constant 48 : i32
      %dma_wait3A_1398 = arith.constant 0 : i32
      %dma_wait3A_1399 = tpu.memref_slice %arg8[%dma_wait3A_1397, %dma_wait3A_1398] : memref<64x129xf32, #tpu.memory_space<vmem>> -> memref<8x128xf32, #tpu.memory_space<vmem>>
      tpu.wait_dma2 semaphore(%arg12 : memref<!tpu.dma_semaphore, #tpu.memory_space<semaphore_mem>>) src(%dma_wait3A_1399 : memref<8x128xf32, #tpu.memory_space<vmem>>) dst(%dma_wait3A_1396 : memref<8x128xf32, #tpu.memory_space<hbm>>)
      %dma_wait3A_1400 = arith.constant 0 : i32
      %dma_wait3A_1401 = arith.constant 0 : i32
      %dma_wait3A_1402 = arith.constant 0 : i32
      %dma_wait3A_1403 = arith.constant 56 : i32
      %dma_wait3A_1404 = arith.constant 0 : i32
      %dma_wait3A_1405 = tpu.memref_slice %arg8[%dma_wait3A_1403, %dma_wait3A_1404] : memref<64x129xf32, #tpu.memory_space<vmem>> -> memref<8x128xf32, #tpu.memory_space<vmem>>
      %dma_wait3A_1406 = arith.constant 0 : i32
      %dma_wait3A_1407 = arith.constant 0 : i32
      %dma_wait3A_1408 = tpu.memref_slice %arg4[%dma_wait3A_1400, %dma_wait3A_1401, %dma_wait3A_1402, %dma_wait3A_1406, %dma_wait3A_1407] : memref<200x8x32x8x128xf32, #tpu.memory_space<hbm>> -> memref<1x1x1x8x128xf32, #tpu.memory_space<hbm>>
      %dma_wait3A_1409 = tpu.memref_squeeze %dma_wait3A_1408 : memref<1x1x1x8x128xf32, #tpu.memory_space<hbm>> -> memref<8x128xf32, #tpu.memory_space<hbm>>
      %dma_wait3A_1410 = arith.constant 0 : i32
      %dma_wait3A_1411 = arith.constant 0 : i32
      %dma_wait3A_1412 = tpu.memref_slice %arg4[%dma_wait3A_1400, %dma_wait3A_1401, %dma_wait3A_1402, %dma_wait3A_1410, %dma_wait3A_1411] : memref<200x8x32x8x128xf32, #tpu.memory_space<hbm>> -> memref<1x1x1x8x128xf32, #tpu.memory_space<hbm>>
      %dma_wait3A_1413 = tpu.memref_squeeze %dma_wait3A_1412 : memref<1x1x1x8x128xf32, #tpu.memory_space<hbm>> -> memref<8x128xf32, #tpu.memory_space<hbm>>
      %dma_wait3A_1414 = arith.constant 56 : i32
      %dma_wait3A_1415 = arith.constant 0 : i32
      %dma_wait3A_1416 = tpu.memref_slice %arg8[%dma_wait3A_1414, %dma_wait3A_1415] : memref<64x129xf32, #tpu.memory_space<vmem>> -> memref<8x128xf32, #tpu.memory_space<vmem>>
      tpu.wait_dma2 semaphore(%arg12 : memref<!tpu.dma_semaphore, #tpu.memory_space<semaphore_mem>>) src(%dma_wait3A_1416 : memref<8x128xf32, #tpu.memory_space<vmem>>) dst(%dma_wait3A_1413 : memref<8x128xf32, #tpu.memory_space<hbm>>)
      %scan3A_1417 = arith.constant 0 : i32
      %scan3A_1418 = arith.constant 0 : i32
      %scan3A_1419 = arith.constant 128 : i32
      %scan3A_1420 = arith.addi %scan3A_1418, %scan3A_1419 : i32
      %scan3A_1421 = arith.constant 2 : i32
      %scan3A_1422 = scf.for %scan3A_1912 = %scan3A_1418 to %scan3A_1420 step %scan3A_1421 iter_args(%scan3A_1913 = %scan3A_1417) -> (i32)  : i32 {
        %broadcast_in_dim3A = arith.constant 0 : i32
        %broadcast_in_dim3A_1914 = vector.broadcast %broadcast_in_dim3A : i32 to vector<16xi32>
        %add3A_1915 = vector.broadcast %scan3A_1912 : i32 to vector<16xi32>
        %add3A_1916 = arith.addi %broadcast_in_dim3A_1914, %add3A_1915 : vector<16xi32>
        %get3A = arith.index_cast %scan3A_1912 : i32 to index
        %get3A_1917 = arith.constant 0 : index
        %get3A_1918 = tpu.vector_load %arg6[%get3A, %get3A_1917] {strides = array<i32>} : memref<128x64xf32, #tpu.memory_space<vmem>>, vector<16xf32>,
        %add3A_1919 = arith.constant 0 : i32
        %add3A_1920 = vector.broadcast %add3A_1919 : i32 to vector<16xi32>
        %add3A_1921 = arith.addi %iota3A, %add3A_1920 : vector<16xi32>
        tpu.vector_store_idx %arg8[%add3A_1921, %add3A_1916], %get3A_1918 : memref<64x129xf32, #tpu.memory_space<vmem>>[vector<16xi32>, vector<16xi32>], vector<16xf32>,
        %get3A_1922 = arith.index_cast %scan3A_1912 : i32 to index
        %get3A_1923 = arith.constant 16 : index
        %get3A_1924 = tpu.vector_load %arg6[%get3A_1922, %get3A_1923] {strides = array<i32>} : memref<128x64xf32, #tpu.memory_space<vmem>>, vector<16xf32>,
        %add3A_1925 = arith.constant 16 : i32
        %add3A_1926 = vector.broadcast %add3A_1925 : i32 to vector<16xi32>
        %add3A_1927 = arith.addi %iota3A, %add3A_1926 : vector<16xi32>
        tpu.vector_store_idx %arg8[%add3A_1927, %add3A_1916], %get3A_1924 : memref<64x129xf32, #tpu.memory_space<vmem>>[vector<16xi32>, vector<16xi32>], vector<16xf32>,
        %get3A_1928 = arith.index_cast %scan3A_1912 : i32 to index
        %get3A_1929 = arith.constant 32 : index
        %get3A_1930 = tpu.vector_load %arg6[%get3A_1928, %get3A_1929] {strides = array<i32>} : memref<128x64xf32, #tpu.memory_space<vmem>>, vector<16xf32>,
        %add3A_1931 = arith.constant 32 : i32
        %add3A_1932 = vector.broadcast %add3A_1931 : i32 to vector<16xi32>
        %add3A_1933 = arith.addi %iota3A, %add3A_1932 : vector<16xi32>
        tpu.vector_store_idx %arg8[%add3A_1933, %add3A_1916], %get3A_1930 : memref<64x129xf32, #tpu.memory_space<vmem>>[vector<16xi32>, vector<16xi32>], vector<16xf32>,
        %get3A_1934 = arith.index_cast %scan3A_1912 : i32 to index
        %get3A_1935 = arith.constant 48 : index
        %get3A_1936 = tpu.vector_load %arg6[%get3A_1934, %get3A_1935] {strides = array<i32>} : memref<128x64xf32, #tpu.memory_space<vmem>>, vector<16xf32>,
        %add3A_1937 = arith.constant 48 : i32
        %add3A_1938 = vector.broadcast %add3A_1937 : i32 to vector<16xi32>
        %add3A_1939 = arith.addi %iota3A, %add3A_1938 : vector<16xi32>
        tpu.vector_store_idx %arg8[%add3A_1939, %add3A_1916], %get3A_1936 : memref<64x129xf32, #tpu.memory_space<vmem>>[vector<16xi32>, vector<16xi32>], vector<16xf32>,
        %scan3A_1940 = arith.constant 0 : i32
        %scan3A_1941 = arith.constant 1 : i32
        %scan3A_1942 = arith.addi %scan3A_1912, %scan3A_1941 : i32
        %broadcast_in_dim3A_1943 = arith.constant 0 : i32
        %broadcast_in_dim3A_1944 = vector.broadcast %broadcast_in_dim3A_1943 : i32 to vector<16xi32>
        %add3A_1945 = vector.broadcast %scan3A_1942 : i32 to vector<16xi32>
        %add3A_1946 = arith.addi %broadcast_in_dim3A_1944, %add3A_1945 : vector<16xi32>
        %get3A_1947 = arith.index_cast %scan3A_1942 : i32 to index
        %get3A_1948 = arith.constant 0 : index
        %get3A_1949 = tpu.vector_load %arg6[%get3A_1947, %get3A_1948] {strides = array<i32>} : memref<128x64xf32, #tpu.memory_space<vmem>>, vector<16xf32>,
        %add3A_1950 = arith.constant 0 : i32
        %add3A_1951 = vector.broadcast %add3A_1950 : i32 to vector<16xi32>
        %add3A_1952 = arith.addi %iota3A, %add3A_1951 : vector<16xi32>
        tpu.vector_store_idx %arg8[%add3A_1952, %add3A_1946], %get3A_1949 : memref<64x129xf32, #tpu.memory_space<vmem>>[vector<16xi32>, vector<16xi32>], vector<16xf32>,
        %get3A_1953 = arith.index_cast %scan3A_1942 : i32 to index
        %get3A_1954 = arith.constant 16 : index
        %get3A_1955 = tpu.vector_load %arg6[%get3A_1953, %get3A_1954] {strides = array<i32>} : memref<128x64xf32, #tpu.memory_space<vmem>>, vector<16xf32>,
        %add3A_1956 = arith.constant 16 : i32
        %add3A_1957 = vector.broadcast %add3A_1956 : i32 to vector<16xi32>
        %add3A_1958 = arith.addi %iota3A, %add3A_1957 : vector<16xi32>
        tpu.vector_store_idx %arg8[%add3A_1958, %add3A_1946], %get3A_1955 : memref<64x129xf32, #tpu.memory_space<vmem>>[vector<16xi32>, vector<16xi32>], vector<16xf32>,
        %get3A_1959 = arith.index_cast %scan3A_1942 : i32 to index
        %get3A_1960 = arith.constant 32 : index
        %get3A_1961 = tpu.vector_load %arg6[%get3A_1959, %get3A_1960] {strides = array<i32>} : memref<128x64xf32, #tpu.memory_space<vmem>>, vector<16xf32>,
        %add3A_1962 = arith.constant 32 : i32
        %add3A_1963 = vector.broadcast %add3A_1962 : i32 to vector<16xi32>
        %add3A_1964 = arith.addi %iota3A, %add3A_1963 : vector<16xi32>
        tpu.vector_store_idx %arg8[%add3A_1964, %add3A_1946], %get3A_1961 : memref<64x129xf32, #tpu.memory_space<vmem>>[vector<16xi32>, vector<16xi32>], vector<16xf32>,
        %get3A_1965 = arith.index_cast %scan3A_1942 : i32 to index
        %get3A_1966 = arith.constant 48 : index
        %get3A_1967 = tpu.vector_load %arg6[%get3A_1965, %get3A_1966] {strides = array<i32>} : memref<128x64xf32, #tpu.memory_space<vmem>>, vector<16xf32>,
        %add3A_1968 = arith.constant 48 : i32
        %add3A_1969 = vector.broadcast %add3A_1968 : i32 to vector<16xi32>
        %add3A_1970 = arith.addi %iota3A, %add3A_1969 : vector<16xi32>
        tpu.vector_store_idx %arg8[%add3A_1970, %add3A_1946], %get3A_1967 : memref<64x129xf32, #tpu.memory_space<vmem>>[vector<16xi32>, vector<16xi32>], vector<16xf32>,
        %scan3A_1971 = arith.constant 0 : i32
        scf.yield %scan3A_1971 : i32
      }
      %scan3A_1423 = arith.constant 128 : i32
      %add3A_1424 = arith.addi %mul3A_2, %mul3A_1272 : i32
      %jit3A_1425 = arith.constant 32 : i32
      %div3A_1426 = arith.divsi %add3A_1424, %jit3A_1425 : i32
      %sign3A_1427 = arith.constant 0 : i32
      %sign3A_1428 = arith.cmpi sgt, %add3A_1424, %sign3A_1427 : i32
      %sign3A_1429 = arith.extui %sign3A_1428 : i1 to i32
      %sign3A_1430 = arith.constant 0 : i32
      %sign3A_1431 = arith.cmpi slt, %add3A_1424, %sign3A_1430 : i32
      %sign3A_1432 = arith.extui %sign3A_1431 : i1 to i32
      %sign3A_1433 = arith.subi %sign3A_1429, %sign3A_1432 : i32
      %sign3A_1434 = arith.constant 0 : i32
      %sign3A_1435 = arith.cmpi sgt, %jit3A_1425, %sign3A_1434 : i32
      %sign3A_1436 = arith.extui %sign3A_1435 : i1 to i32
      %sign3A_1437 = arith.constant 0 : i32
      %sign3A_1438 = arith.cmpi slt, %jit3A_1425, %sign3A_1437 : i32
      %sign3A_1439 = arith.extui %sign3A_1438 : i1 to i32
      %sign3A_1440 = arith.subi %sign3A_1436, %sign3A_1439 : i32
      %ne3A_1441 = arith.cmpi ne, %sign3A_1433, %sign3A_1440 : i32
      %rem3A_1442 = arith.remsi %add3A_1424, %jit3A_1425 : i32
      %ne3A_1443 = arith.constant 0 : i32
      %ne3A_1444 = arith.cmpi ne, %rem3A_1442, %ne3A_1443 : i32
      %and3A_1445 = arith.andi %ne3A_1441, %ne3A_1444 : i1
      %sub3A_1446 = arith.constant 1 : i32
      %sub3A_1447 = arith.subi %div3A_1426, %sub3A_1446 : i32
      %select_n3A_1448 = arith.select %and3A_1445, %sub3A_1447, %div3A_1426 : i32
      %jit3A_1449 = arith.constant 32 : i32
      %eq3A_1450 = arith.constant 0 : i32
      %eq3A_1451 = arith.cmpi eq, %jit3A_1449, %eq3A_1450 : i32
      %jit3A_1452 = arith.constant 1 : i32
      %select_n3A_1453 = arith.select %eq3A_1451, %jit3A_1452, %jit3A_1449 : i32
      %rem3A_1454 = arith.remsi %add3A_1424, %select_n3A_1453 : i32
      %ne3A_1455 = arith.constant 0 : i32
      %ne3A_1456 = arith.cmpi ne, %rem3A_1454, %ne3A_1455 : i32
      %lt3A_1457 = arith.constant 0 : i32
      %lt3A_1458 = arith.cmpi slt, %rem3A_1454, %lt3A_1457 : i32
      %lt3A_1459 = arith.constant 0 : i32
      %lt3A_1460 = arith.cmpi slt, %select_n3A_1453, %lt3A_1459 : i32
      %ne3A_1461 = arith.xori %lt3A_1458, %lt3A_1460 : i1
      %and3A_1462 = arith.andi %ne3A_1461, %ne3A_1456 : i1
      %add3A_1463 = arith.addi %rem3A_1454, %select_n3A_1453 : i32
      %select_n3A_1464 = arith.select %and3A_1462, %add3A_1463, %rem3A_1454 : i32
      %dma_start3A_1465 = arith.constant 0 : i32
      %dma_start3A_1466 = arith.constant 0 : i32
      %dma_start3A_1467 = arith.constant 0 : i32
      %dma_start3A_1468 = tpu.memref_slice %arg8[%dma_start3A_1466, %dma_start3A_1467] : memref<64x129xf32, #tpu.memory_space<vmem>> -> memref<8x128xf32, #tpu.memory_space<vmem>>
      %dma_start3A_1469 = arith.constant 0 : i32
      %dma_start3A_1470 = arith.constant 0 : i32
      %dma_start3A_1471 = tpu.memref_slice %arg4[%select_n3A_1448, %dma_start3A_1465, %select_n3A_1464, %dma_start3A_1469, %dma_start3A_1470] : memref<200x8x32x8x128xf32, #tpu.memory_space<hbm>> -> memref<1x1x1x8x128xf32, #tpu.memory_space<hbm>>
      %dma_start3A_1472 = tpu.memref_squeeze %dma_start3A_1471 : memref<1x1x1x8x128xf32, #tpu.memory_space<hbm>> -> memref<8x128xf32, #tpu.memory_space<hbm>>
      %dma_start3A_1473 = arith.constant 0 : i32
      %dma_start3A_1474 = arith.constant 0 : i32
      %dma_start3A_1475 = tpu.memref_slice %arg4[%select_n3A_1448, %dma_start3A_1465, %select_n3A_1464, %dma_start3A_1473, %dma_start3A_1474] : memref<200x8x32x8x128xf32, #tpu.memory_space<hbm>> -> memref<1x1x1x8x128xf32, #tpu.memory_space<hbm>>
      %dma_start3A_1476 = tpu.memref_squeeze %dma_start3A_1475 : memref<1x1x1x8x128xf32, #tpu.memory_space<hbm>> -> memref<8x128xf32, #tpu.memory_space<hbm>>
      %dma_start3A_1477 = arith.constant 0 : i32
      %dma_start3A_1478 = arith.constant 0 : i32
      %dma_start3A_1479 = tpu.memref_slice %arg8[%dma_start3A_1477, %dma_start3A_1478] : memref<64x129xf32, #tpu.memory_space<vmem>> -> memref<8x128xf32, #tpu.memory_space<vmem>>
      tpu.enqueue_dma source(%dma_start3A_1479 : memref<8x128xf32, #tpu.memory_space<vmem>>) target(%dma_start3A_1476 : memref<8x128xf32, #tpu.memory_space<hbm>>) target_semaphore(%arg12 : memref<!tpu.dma_semaphore, #tpu.memory_space<semaphore_mem>>)
      %dma_start3A_1480 = arith.constant 1 : i32
      %dma_start3A_1481 = arith.constant 8 : i32
      %dma_start3A_1482 = arith.constant 0 : i32
      %dma_start3A_1483 = tpu.memref_slice %arg8[%dma_start3A_1481, %dma_start3A_1482] : memref<64x129xf32, #tpu.memory_space<vmem>> -> memref<8x128xf32, #tpu.memory_space<vmem>>
      %dma_start3A_1484 = arith.constant 0 : i32
      %dma_start3A_1485 = arith.constant 0 : i32
      %dma_start3A_1486 = tpu.memref_slice %arg4[%select_n3A_1448, %dma_start3A_1480, %select_n3A_1464, %dma_start3A_1484, %dma_start3A_1485] : memref<200x8x32x8x128xf32, #tpu.memory_space<hbm>> -> memref<1x1x1x8x128xf32, #tpu.memory_space<hbm>>
      %dma_start3A_1487 = tpu.memref_squeeze %dma_start3A_1486 : memref<1x1x1x8x128xf32, #tpu.memory_space<hbm>> -> memref<8x128xf32, #tpu.memory_space<hbm>>
      %dma_start3A_1488 = arith.constant 0 : i32
      %dma_start3A_1489 = arith.constant 0 : i32
      %dma_start3A_1490 = tpu.memref_slice %arg4[%select_n3A_1448, %dma_start3A_1480, %select_n3A_1464, %dma_start3A_1488, %dma_start3A_1489] : memref<200x8x32x8x128xf32, #tpu.memory_space<hbm>> -> memref<1x1x1x8x128xf32, #tpu.memory_space<hbm>>
      %dma_start3A_1491 = tpu.memref_squeeze %dma_start3A_1490 : memref<1x1x1x8x128xf32, #tpu.memory_space<hbm>> -> memref<8x128xf32, #tpu.memory_space<hbm>>
      %dma_start3A_1492 = arith.constant 8 : i32
      %dma_start3A_1493 = arith.constant 0 : i32
      %dma_start3A_1494 = tpu.memref_slice %arg8[%dma_start3A_1492, %dma_start3A_1493] : memref<64x129xf32, #tpu.memory_space<vmem>> -> memref<8x128xf32, #tpu.memory_space<vmem>>
      tpu.enqueue_dma source(%dma_start3A_1494 : memref<8x128xf32, #tpu.memory_space<vmem>>) target(%dma_start3A_1491 : memref<8x128xf32, #tpu.memory_space<hbm>>) target_semaphore(%arg12 : memref<!tpu.dma_semaphore, #tpu.memory_space<semaphore_mem>>)
      %dma_start3A_1495 = arith.constant 2 : i32
      %dma_start3A_1496 = arith.constant 16 : i32
      %dma_start3A_1497 = arith.constant 0 : i32
      %dma_start3A_1498 = tpu.memref_slice %arg8[%dma_start3A_1496, %dma_start3A_1497] : memref<64x129xf32, #tpu.memory_space<vmem>> -> memref<8x128xf32, #tpu.memory_space<vmem>>
      %dma_start3A_1499 = arith.constant 0 : i32
      %dma_start3A_1500 = arith.constant 0 : i32
      %dma_start3A_1501 = tpu.memref_slice %arg4[%select_n3A_1448, %dma_start3A_1495, %select_n3A_1464, %dma_start3A_1499, %dma_start3A_1500] : memref<200x8x32x8x128xf32, #tpu.memory_space<hbm>> -> memref<1x1x1x8x128xf32, #tpu.memory_space<hbm>>
      %dma_start3A_1502 = tpu.memref_squeeze %dma_start3A_1501 : memref<1x1x1x8x128xf32, #tpu.memory_space<hbm>> -> memref<8x128xf32, #tpu.memory_space<hbm>>
      %dma_start3A_1503 = arith.constant 0 : i32
      %dma_start3A_1504 = arith.constant 0 : i32
      %dma_start3A_1505 = tpu.memref_slice %arg4[%select_n3A_1448, %dma_start3A_1495, %select_n3A_1464, %dma_start3A_1503, %dma_start3A_1504] : memref<200x8x32x8x128xf32, #tpu.memory_space<hbm>> -> memref<1x1x1x8x128xf32, #tpu.memory_space<hbm>>
      %dma_start3A_1506 = tpu.memref_squeeze %dma_start3A_1505 : memref<1x1x1x8x128xf32, #tpu.memory_space<hbm>> -> memref<8x128xf32, #tpu.memory_space<hbm>>
      %dma_start3A_1507 = arith.constant 16 : i32
      %dma_start3A_1508 = arith.constant 0 : i32
      %dma_start3A_1509 = tpu.memref_slice %arg8[%dma_start3A_1507, %dma_start3A_1508] : memref<64x129xf32, #tpu.memory_space<vmem>> -> memref<8x128xf32, #tpu.memory_space<vmem>>
      tpu.enqueue_dma source(%dma_start3A_1509 : memref<8x128xf32, #tpu.memory_space<vmem>>) target(%dma_start3A_1506 : memref<8x128xf32, #tpu.memory_space<hbm>>) target_semaphore(%arg12 : memref<!tpu.dma_semaphore, #tpu.memory_space<semaphore_mem>>)
      %dma_start3A_1510 = arith.constant 3 : i32
      %dma_start3A_1511 = arith.constant 24 : i32
      %dma_start3A_1512 = arith.constant 0 : i32
      %dma_start3A_1513 = tpu.memref_slice %arg8[%dma_start3A_1511, %dma_start3A_1512] : memref<64x129xf32, #tpu.memory_space<vmem>> -> memref<8x128xf32, #tpu.memory_space<vmem>>
      %dma_start3A_1514 = arith.constant 0 : i32
      %dma_start3A_1515 = arith.constant 0 : i32
      %dma_start3A_1516 = tpu.memref_slice %arg4[%select_n3A_1448, %dma_start3A_1510, %select_n3A_1464, %dma_start3A_1514, %dma_start3A_1515] : memref<200x8x32x8x128xf32, #tpu.memory_space<hbm>> -> memref<1x1x1x8x128xf32, #tpu.memory_space<hbm>>
      %dma_start3A_1517 = tpu.memref_squeeze %dma_start3A_1516 : memref<1x1x1x8x128xf32, #tpu.memory_space<hbm>> -> memref<8x128xf32, #tpu.memory_space<hbm>>
      %dma_start3A_1518 = arith.constant 0 : i32
      %dma_start3A_1519 = arith.constant 0 : i32
      %dma_start3A_1520 = tpu.memref_slice %arg4[%select_n3A_1448, %dma_start3A_1510, %select_n3A_1464, %dma_start3A_1518, %dma_start3A_1519] : memref<200x8x32x8x128xf32, #tpu.memory_space<hbm>> -> memref<1x1x1x8x128xf32, #tpu.memory_space<hbm>>
      %dma_start3A_1521 = tpu.memref_squeeze %dma_start3A_1520 : memref<1x1x1x8x128xf32, #tpu.memory_space<hbm>> -> memref<8x128xf32, #tpu.memory_space<hbm>>
      %dma_start3A_1522 = arith.constant 24 : i32
      %dma_start3A_1523 = arith.constant 0 : i32
      %dma_start3A_1524 = tpu.memref_slice %arg8[%dma_start3A_1522, %dma_start3A_1523] : memref<64x129xf32, #tpu.memory_space<vmem>> -> memref<8x128xf32, #tpu.memory_space<vmem>>
      tpu.enqueue_dma source(%dma_start3A_1524 : memref<8x128xf32, #tpu.memory_space<vmem>>) target(%dma_start3A_1521 : memref<8x128xf32, #tpu.memory_space<hbm>>) target_semaphore(%arg12 : memref<!tpu.dma_semaphore, #tpu.memory_space<semaphore_mem>>)
      %dma_start3A_1525 = arith.constant 4 : i32
      %dma_start3A_1526 = arith.constant 32 : i32
      %dma_start3A_1527 = arith.constant 0 : i32
      %dma_start3A_1528 = tpu.memref_slice %arg8[%dma_start3A_1526, %dma_start3A_1527] : memref<64x129xf32, #tpu.memory_space<vmem>> -> memref<8x128xf32, #tpu.memory_space<vmem>>
      %dma_start3A_1529 = arith.constant 0 : i32
      %dma_start3A_1530 = arith.constant 0 : i32
      %dma_start3A_1531 = tpu.memref_slice %arg4[%select_n3A_1448, %dma_start3A_1525, %select_n3A_1464, %dma_start3A_1529, %dma_start3A_1530] : memref<200x8x32x8x128xf32, #tpu.memory_space<hbm>> -> memref<1x1x1x8x128xf32, #tpu.memory_space<hbm>>
      %dma_start3A_1532 = tpu.memref_squeeze %dma_start3A_1531 : memref<1x1x1x8x128xf32, #tpu.memory_space<hbm>> -> memref<8x128xf32, #tpu.memory_space<hbm>>
      %dma_start3A_1533 = arith.constant 0 : i32
      %dma_start3A_1534 = arith.constant 0 : i32
      %dma_start3A_1535 = tpu.memref_slice %arg4[%select_n3A_1448, %dma_start3A_1525, %select_n3A_1464, %dma_start3A_1533, %dma_start3A_1534] : memref<200x8x32x8x128xf32, #tpu.memory_space<hbm>> -> memref<1x1x1x8x128xf32, #tpu.memory_space<hbm>>
      %dma_start3A_1536 = tpu.memref_squeeze %dma_start3A_1535 : memref<1x1x1x8x128xf32, #tpu.memory_space<hbm>> -> memref<8x128xf32, #tpu.memory_space<hbm>>
      %dma_start3A_1537 = arith.constant 32 : i32
      %dma_start3A_1538 = arith.constant 0 : i32
      %dma_start3A_1539 = tpu.memref_slice %arg8[%dma_start3A_1537, %dma_start3A_1538] : memref<64x129xf32, #tpu.memory_space<vmem>> -> memref<8x128xf32, #tpu.memory_space<vmem>>
      tpu.enqueue_dma source(%dma_start3A_1539 : memref<8x128xf32, #tpu.memory_space<vmem>>) target(%dma_start3A_1536 : memref<8x128xf32, #tpu.memory_space<hbm>>) target_semaphore(%arg12 : memref<!tpu.dma_semaphore, #tpu.memory_space<semaphore_mem>>)
      %dma_start3A_1540 = arith.constant 5 : i32
      %dma_start3A_1541 = arith.constant 40 : i32
      %dma_start3A_1542 = arith.constant 0 : i32
      %dma_start3A_1543 = tpu.memref_slice %arg8[%dma_start3A_1541, %dma_start3A_1542] : memref<64x129xf32, #tpu.memory_space<vmem>> -> memref<8x128xf32, #tpu.memory_space<vmem>>
      %dma_start3A_1544 = arith.constant 0 : i32
      %dma_start3A_1545 = arith.constant 0 : i32
      %dma_start3A_1546 = tpu.memref_slice %arg4[%select_n3A_1448, %dma_start3A_1540, %select_n3A_1464, %dma_start3A_1544, %dma_start3A_1545] : memref<200x8x32x8x128xf32, #tpu.memory_space<hbm>> -> memref<1x1x1x8x128xf32, #tpu.memory_space<hbm>>
      %dma_start3A_1547 = tpu.memref_squeeze %dma_start3A_1546 : memref<1x1x1x8x128xf32, #tpu.memory_space<hbm>> -> memref<8x128xf32, #tpu.memory_space<hbm>>
      %dma_start3A_1548 = arith.constant 0 : i32
      %dma_start3A_1549 = arith.constant 0 : i32
      %dma_start3A_1550 = tpu.memref_slice %arg4[%select_n3A_1448, %dma_start3A_1540, %select_n3A_1464, %dma_start3A_1548, %dma_start3A_1549] : memref<200x8x32x8x128xf32, #tpu.memory_space<hbm>> -> memref<1x1x1x8x128xf32, #tpu.memory_space<hbm>>
      %dma_start3A_1551 = tpu.memref_squeeze %dma_start3A_1550 : memref<1x1x1x8x128xf32, #tpu.memory_space<hbm>> -> memref<8x128xf32, #tpu.memory_space<hbm>>
      %dma_start3A_1552 = arith.constant 40 : i32
      %dma_start3A_1553 = arith.constant 0 : i32
      %dma_start3A_1554 = tpu.memref_slice %arg8[%dma_start3A_1552, %dma_start3A_1553] : memref<64x129xf32, #tpu.memory_space<vmem>> -> memref<8x128xf32, #tpu.memory_space<vmem>>
      tpu.enqueue_dma source(%dma_start3A_1554 : memref<8x128xf32, #tpu.memory_space<vmem>>) target(%dma_start3A_1551 : memref<8x128xf32, #tpu.memory_space<hbm>>) target_semaphore(%arg12 : memref<!tpu.dma_semaphore, #tpu.memory_space<semaphore_mem>>)
      %dma_start3A_1555 = arith.constant 6 : i32
      %dma_start3A_1556 = arith.constant 48 : i32
      %dma_start3A_1557 = arith.constant 0 : i32
      %dma_start3A_1558 = tpu.memref_slice %arg8[%dma_start3A_1556, %dma_start3A_1557] : memref<64x129xf32, #tpu.memory_space<vmem>> -> memref<8x128xf32, #tpu.memory_space<vmem>>
      %dma_start3A_1559 = arith.constant 0 : i32
      %dma_start3A_1560 = arith.constant 0 : i32
      %dma_start3A_1561 = tpu.memref_slice %arg4[%select_n3A_1448, %dma_start3A_1555, %select_n3A_1464, %dma_start3A_1559, %dma_start3A_1560] : memref<200x8x32x8x128xf32, #tpu.memory_space<hbm>> -> memref<1x1x1x8x128xf32, #tpu.memory_space<hbm>>
      %dma_start3A_1562 = tpu.memref_squeeze %dma_start3A_1561 : memref<1x1x1x8x128xf32, #tpu.memory_space<hbm>> -> memref<8x128xf32, #tpu.memory_space<hbm>>
      %dma_start3A_1563 = arith.constant 0 : i32
      %dma_start3A_1564 = arith.constant 0 : i32
      %dma_start3A_1565 = tpu.memref_slice %arg4[%select_n3A_1448, %dma_start3A_1555, %select_n3A_1464, %dma_start3A_1563, %dma_start3A_1564] : memref<200x8x32x8x128xf32, #tpu.memory_space<hbm>> -> memref<1x1x1x8x128xf32, #tpu.memory_space<hbm>>
      %dma_start3A_1566 = tpu.memref_squeeze %dma_start3A_1565 : memref<1x1x1x8x128xf32, #tpu.memory_space<hbm>> -> memref<8x128xf32, #tpu.memory_space<hbm>>
      %dma_start3A_1567 = arith.constant 48 : i32
      %dma_start3A_1568 = arith.constant 0 : i32
      %dma_start3A_1569 = tpu.memref_slice %arg8[%dma_start3A_1567, %dma_start3A_1568] : memref<64x129xf32, #tpu.memory_space<vmem>> -> memref<8x128xf32, #tpu.memory_space<vmem>>
      tpu.enqueue_dma source(%dma_start3A_1569 : memref<8x128xf32, #tpu.memory_space<vmem>>) target(%dma_start3A_1566 : memref<8x128xf32, #tpu.memory_space<hbm>>) target_semaphore(%arg12 : memref<!tpu.dma_semaphore, #tpu.memory_space<semaphore_mem>>)
      %dma_start3A_1570 = arith.constant 7 : i32
      %dma_start3A_1571 = arith.constant 56 : i32
      %dma_start3A_1572 = arith.constant 0 : i32
      %dma_start3A_1573 = tpu.memref_slice %arg8[%dma_start3A_1571, %dma_start3A_1572] : memref<64x129xf32, #tpu.memory_space<vmem>> -> memref<8x128xf32, #tpu.memory_space<vmem>>
      %dma_start3A_1574 = arith.constant 0 : i32
      %dma_start3A_1575 = arith.constant 0 : i32
      %dma_start3A_1576 = tpu.memref_slice %arg4[%select_n3A_1448, %dma_start3A_1570, %select_n3A_1464, %dma_start3A_1574, %dma_start3A_1575] : memref<200x8x32x8x128xf32, #tpu.memory_space<hbm>> -> memref<1x1x1x8x128xf32, #tpu.memory_space<hbm>>
      %dma_start3A_1577 = tpu.memref_squeeze %dma_start3A_1576 : memref<1x1x1x8x128xf32, #tpu.memory_space<hbm>> -> memref<8x128xf32, #tpu.memory_space<hbm>>
      %dma_start3A_1578 = arith.constant 0 : i32
      %dma_start3A_1579 = arith.constant 0 : i32
      %dma_start3A_1580 = tpu.memref_slice %arg4[%select_n3A_1448, %dma_start3A_1570, %select_n3A_1464, %dma_start3A_1578, %dma_start3A_1579] : memref<200x8x32x8x128xf32, #tpu.memory_space<hbm>> -> memref<1x1x1x8x128xf32, #tpu.memory_space<hbm>>
      %dma_start3A_1581 = tpu.memref_squeeze %dma_start3A_1580 : memref<1x1x1x8x128xf32, #tpu.memory_space<hbm>> -> memref<8x128xf32, #tpu.memory_space<hbm>>
      %dma_start3A_1582 = arith.constant 56 : i32
      %dma_start3A_1583 = arith.constant 0 : i32
      %dma_start3A_1584 = tpu.memref_slice %arg8[%dma_start3A_1582, %dma_start3A_1583] : memref<64x129xf32, #tpu.memory_space<vmem>> -> memref<8x128xf32, #tpu.memory_space<vmem>>
      tpu.enqueue_dma source(%dma_start3A_1584 : memref<8x128xf32, #tpu.memory_space<vmem>>) target(%dma_start3A_1581 : memref<8x128xf32, #tpu.memory_space<hbm>>) target_semaphore(%arg12 : memref<!tpu.dma_semaphore, #tpu.memory_space<semaphore_mem>>)
      %add3A_1585 = arith.constant 2 : i32
      %add3A_1586 = arith.addi %mul3A_1272, %add3A_1585 : i32
      %dma_start3A_1587 = arith.constant 0 : i32
      %dma_start3A_1588 = tpu.memref_slice %arg5[%add3A_1586, %dma_start3A_1587] : memref<200x128xi32, #tpu.memory_space<vmem>> -> memref<1x128xi32, #tpu.memory_space<vmem>>
      %dma_start3A_1589 = tpu.memref_squeeze %dma_start3A_1588 : memref<1x128xi32, #tpu.memory_space<vmem>> -> memref<128xi32, #tpu.memory_space<vmem>>
      %dma_start3A_1590 = arith.constant 0 : i32
      %dma_start3A_1591 = arith.constant 0 : i32
      %dma_start3A_1592 = tpu.memref_slice %arg3[%dma_start3A_1590, %dma_start3A_1591] : memref<1000000x64xf32, #tpu.memory_space<hbm>> -> memref<1000000x64xf32, #tpu.memory_space<hbm>>
      tpu.enqueue_indirect_dma source(%dma_start3A_1592 : memref<1000000x64xf32, #tpu.memory_space<hbm>>) target(%arg6 : memref<128x64xf32, #tpu.memory_space<vmem>>) offsets(%dma_start3A_1589 : memref<128xi32, #tpu.memory_space<vmem>>) semaphore(%arg10 : memref<!tpu.dma_semaphore, #tpu.memory_space<semaphore_mem>>)
      %dma_wait3A_1593 = arith.constant 0 : i32
      %dma_wait3A_1594 = arith.constant 0 : i32
      %dma_wait3A_1595 = tpu.memref_slice %arg3[%dma_wait3A_1593, %dma_wait3A_1594] : memref<1000000x64xf32, #tpu.memory_space<hbm>> -> memref<128x64xf32, #tpu.memory_space<hbm>>
      %dma_wait3A_1596 = arith.constant 0 : i32
      %dma_wait3A_1597 = arith.constant 0 : i32
      %dma_wait3A_1598 = tpu.memref_slice %arg3[%dma_wait3A_1596, %dma_wait3A_1597] : memref<1000000x64xf32, #tpu.memory_space<hbm>> -> memref<128x64xf32, #tpu.memory_space<hbm>>
      tpu.wait_dma2 semaphore(%arg11 : memref<!tpu.dma_semaphore, #tpu.memory_space<semaphore_mem>>) src(%dma_wait3A_1598 : memref<128x64xf32, #tpu.memory_space<hbm>>) dst(%arg7 : memref<128x64xf32, #tpu.memory_space<vmem>>)
      %dma_wait3A_1599 = arith.constant 0 : i32
      %dma_wait3A_1600 = arith.constant 0 : i32
      %dma_wait3A_1601 = arith.constant 0 : i32
      %dma_wait3A_1602 = arith.constant 0 : i32
      %dma_wait3A_1603 = arith.constant 0 : i32
      %dma_wait3A_1604 = tpu.memref_slice %arg9[%dma_wait3A_1602, %dma_wait3A_1603] : memref<64x129xf32, #tpu.memory_space<vmem>> -> memref<8x128xf32, #tpu.memory_space<vmem>>
      %dma_wait3A_1605 = arith.constant 0 : i32
      %dma_wait3A_1606 = arith.constant 0 : i32
      %dma_wait3A_1607 = tpu.memref_slice %arg4[%dma_wait3A_1599, %dma_wait3A_1600, %dma_wait3A_1601, %dma_wait3A_1605, %dma_wait3A_1606] : memref<200x8x32x8x128xf32, #tpu.memory_space<hbm>> -> memref<1x1x1x8x128xf32, #tpu.memory_space<hbm>>
      %dma_wait3A_1608 = tpu.memref_squeeze %dma_wait3A_1607 : memref<1x1x1x8x128xf32, #tpu.memory_space<hbm>> -> memref<8x128xf32, #tpu.memory_space<hbm>>
      %dma_wait3A_1609 = arith.constant 0 : i32
      %dma_wait3A_1610 = arith.constant 0 : i32
      %dma_wait3A_1611 = tpu.memref_slice %arg4[%dma_wait3A_1599, %dma_wait3A_1600, %dma_wait3A_1601, %dma_wait3A_1609, %dma_wait3A_1610] : memref<200x8x32x8x128xf32, #tpu.memory_space<hbm>> -> memref<1x1x1x8x128xf32, #tpu.memory_space<hbm>>
      %dma_wait3A_1612 = tpu.memref_squeeze %dma_wait3A_1611 : memref<1x1x1x8x128xf32, #tpu.memory_space<hbm>> -> memref<8x128xf32, #tpu.memory_space<hbm>>
      %dma_wait3A_1613 = arith.constant 0 : i32
      %dma_wait3A_1614 = arith.constant 0 : i32
      %dma_wait3A_1615 = tpu.memref_slice %arg9[%dma_wait3A_1613, %dma_wait3A_1614] : memref<64x129xf32, #tpu.memory_space<vmem>> -> memref<8x128xf32, #tpu.memory_space<vmem>>
      tpu.wait_dma2 semaphore(%arg13 : memref<!tpu.dma_semaphore, #tpu.memory_space<semaphore_mem>>) src(%dma_wait3A_1615 : memref<8x128xf32, #tpu.memory_space<vmem>>) dst(%dma_wait3A_1612 : memref<8x128xf32, #tpu.memory_space<hbm>>)
      %dma_wait3A_1616 = arith.constant 0 : i32
      %dma_wait3A_1617 = arith.constant 0 : i32
      %dma_wait3A_1618 = arith.constant 0 : i32
      %dma_wait3A_1619 = arith.constant 8 : i32
      %dma_wait3A_1620 = arith.constant 0 : i32
      %dma_wait3A_1621 = tpu.memref_slice %arg9[%dma_wait3A_1619, %dma_wait3A_1620] : memref<64x129xf32, #tpu.memory_space<vmem>> -> memref<8x128xf32, #tpu.memory_space<vmem>>
      %dma_wait3A_1622 = arith.constant 0 : i32
      %dma_wait3A_1623 = arith.constant 0 : i32
      %dma_wait3A_1624 = tpu.memref_slice %arg4[%dma_wait3A_1616, %dma_wait3A_1617, %dma_wait3A_1618, %dma_wait3A_1622, %dma_wait3A_1623] : memref<200x8x32x8x128xf32, #tpu.memory_space<hbm>> -> memref<1x1x1x8x128xf32, #tpu.memory_space<hbm>>
      %dma_wait3A_1625 = tpu.memref_squeeze %dma_wait3A_1624 : memref<1x1x1x8x128xf32, #tpu.memory_space<hbm>> -> memref<8x128xf32, #tpu.memory_space<hbm>>
      %dma_wait3A_1626 = arith.constant 0 : i32
      %dma_wait3A_1627 = arith.constant 0 : i32
      %dma_wait3A_1628 = tpu.memref_slice %arg4[%dma_wait3A_1616, %dma_wait3A_1617, %dma_wait3A_1618, %dma_wait3A_1626, %dma_wait3A_1627] : memref<200x8x32x8x128xf32, #tpu.memory_space<hbm>> -> memref<1x1x1x8x128xf32, #tpu.memory_space<hbm>>
      %dma_wait3A_1629 = tpu.memref_squeeze %dma_wait3A_1628 : memref<1x1x1x8x128xf32, #tpu.memory_space<hbm>> -> memref<8x128xf32, #tpu.memory_space<hbm>>
      %dma_wait3A_1630 = arith.constant 8 : i32
      %dma_wait3A_1631 = arith.constant 0 : i32
      %dma_wait3A_1632 = tpu.memref_slice %arg9[%dma_wait3A_1630, %dma_wait3A_1631] : memref<64x129xf32, #tpu.memory_space<vmem>> -> memref<8x128xf32, #tpu.memory_space<vmem>>
      tpu.wait_dma2 semaphore(%arg13 : memref<!tpu.dma_semaphore, #tpu.memory_space<semaphore_mem>>) src(%dma_wait3A_1632 : memref<8x128xf32, #tpu.memory_space<vmem>>) dst(%dma_wait3A_1629 : memref<8x128xf32, #tpu.memory_space<hbm>>)
      %dma_wait3A_1633 = arith.constant 0 : i32
      %dma_wait3A_1634 = arith.constant 0 : i32
      %dma_wait3A_1635 = arith.constant 0 : i32
      %dma_wait3A_1636 = arith.constant 16 : i32
      %dma_wait3A_1637 = arith.constant 0 : i32
      %dma_wait3A_1638 = tpu.memref_slice %arg9[%dma_wait3A_1636, %dma_wait3A_1637] : memref<64x129xf32, #tpu.memory_space<vmem>> -> memref<8x128xf32, #tpu.memory_space<vmem>>
      %dma_wait3A_1639 = arith.constant 0 : i32
      %dma_wait3A_1640 = arith.constant 0 : i32
      %dma_wait3A_1641 = tpu.memref_slice %arg4[%dma_wait3A_1633, %dma_wait3A_1634, %dma_wait3A_1635, %dma_wait3A_1639, %dma_wait3A_1640] : memref<200x8x32x8x128xf32, #tpu.memory_space<hbm>> -> memref<1x1x1x8x128xf32, #tpu.memory_space<hbm>>
      %dma_wait3A_1642 = tpu.memref_squeeze %dma_wait3A_1641 : memref<1x1x1x8x128xf32, #tpu.memory_space<hbm>> -> memref<8x128xf32, #tpu.memory_space<hbm>>
      %dma_wait3A_1643 = arith.constant 0 : i32
      %dma_wait3A_1644 = arith.constant 0 : i32
      %dma_wait3A_1645 = tpu.memref_slice %arg4[%dma_wait3A_1633, %dma_wait3A_1634, %dma_wait3A_1635, %dma_wait3A_1643, %dma_wait3A_1644] : memref<200x8x32x8x128xf32, #tpu.memory_space<hbm>> -> memref<1x1x1x8x128xf32, #tpu.memory_space<hbm>>
      %dma_wait3A_1646 = tpu.memref_squeeze %dma_wait3A_1645 : memref<1x1x1x8x128xf32, #tpu.memory_space<hbm>> -> memref<8x128xf32, #tpu.memory_space<hbm>>
      %dma_wait3A_1647 = arith.constant 16 : i32
      %dma_wait3A_1648 = arith.constant 0 : i32
      %dma_wait3A_1649 = tpu.memref_slice %arg9[%dma_wait3A_1647, %dma_wait3A_1648] : memref<64x129xf32, #tpu.memory_space<vmem>> -> memref<8x128xf32, #tpu.memory_space<vmem>>
      tpu.wait_dma2 semaphore(%arg13 : memref<!tpu.dma_semaphore, #tpu.memory_space<semaphore_mem>>) src(%dma_wait3A_1649 : memref<8x128xf32, #tpu.memory_space<vmem>>) dst(%dma_wait3A_1646 : memref<8x128xf32, #tpu.memory_space<hbm>>)
      %dma_wait3A_1650 = arith.constant 0 : i32
      %dma_wait3A_1651 = arith.constant 0 : i32
      %dma_wait3A_1652 = arith.constant 0 : i32
      %dma_wait3A_1653 = arith.constant 24 : i32
      %dma_wait3A_1654 = arith.constant 0 : i32
      %dma_wait3A_1655 = tpu.memref_slice %arg9[%dma_wait3A_1653, %dma_wait3A_1654] : memref<64x129xf32, #tpu.memory_space<vmem>> -> memref<8x128xf32, #tpu.memory_space<vmem>>
      %dma_wait3A_1656 = arith.constant 0 : i32
      %dma_wait3A_1657 = arith.constant 0 : i32
      %dma_wait3A_1658 = tpu.memref_slice %arg4[%dma_wait3A_1650, %dma_wait3A_1651, %dma_wait3A_1652, %dma_wait3A_1656, %dma_wait3A_1657] : memref<200x8x32x8x128xf32, #tpu.memory_space<hbm>> -> memref<1x1x1x8x128xf32, #tpu.memory_space<hbm>>
      %dma_wait3A_1659 = tpu.memref_squeeze %dma_wait3A_1658 : memref<1x1x1x8x128xf32, #tpu.memory_space<hbm>> -> memref<8x128xf32, #tpu.memory_space<hbm>>
      %dma_wait3A_1660 = arith.constant 0 : i32
      %dma_wait3A_1661 = arith.constant 0 : i32
      %dma_wait3A_1662 = tpu.memref_slice %arg4[%dma_wait3A_1650, %dma_wait3A_1651, %dma_wait3A_1652, %dma_wait3A_1660, %dma_wait3A_1661] : memref<200x8x32x8x128xf32, #tpu.memory_space<hbm>> -> memref<1x1x1x8x128xf32, #tpu.memory_space<hbm>>
      %dma_wait3A_1663 = tpu.memref_squeeze %dma_wait3A_1662 : memref<1x1x1x8x128xf32, #tpu.memory_space<hbm>> -> memref<8x128xf32, #tpu.memory_space<hbm>>
      %dma_wait3A_1664 = arith.constant 24 : i32
      %dma_wait3A_1665 = arith.constant 0 : i32
      %dma_wait3A_1666 = tpu.memref_slice %arg9[%dma_wait3A_1664, %dma_wait3A_1665] : memref<64x129xf32, #tpu.memory_space<vmem>> -> memref<8x128xf32, #tpu.memory_space<vmem>>
      tpu.wait_dma2 semaphore(%arg13 : memref<!tpu.dma_semaphore, #tpu.memory_space<semaphore_mem>>) src(%dma_wait3A_1666 : memref<8x128xf32, #tpu.memory_space<vmem>>) dst(%dma_wait3A_1663 : memref<8x128xf32, #tpu.memory_space<hbm>>)
      %dma_wait3A_1667 = arith.constant 0 : i32
      %dma_wait3A_1668 = arith.constant 0 : i32
      %dma_wait3A_1669 = arith.constant 0 : i32
      %dma_wait3A_1670 = arith.constant 32 : i32
      %dma_wait3A_1671 = arith.constant 0 : i32
      %dma_wait3A_1672 = tpu.memref_slice %arg9[%dma_wait3A_1670, %dma_wait3A_1671] : memref<64x129xf32, #tpu.memory_space<vmem>> -> memref<8x128xf32, #tpu.memory_space<vmem>>
      %dma_wait3A_1673 = arith.constant 0 : i32
      %dma_wait3A_1674 = arith.constant 0 : i32
      %dma_wait3A_1675 = tpu.memref_slice %arg4[%dma_wait3A_1667, %dma_wait3A_1668, %dma_wait3A_1669, %dma_wait3A_1673, %dma_wait3A_1674] : memref<200x8x32x8x128xf32, #tpu.memory_space<hbm>> -> memref<1x1x1x8x128xf32, #tpu.memory_space<hbm>>
      %dma_wait3A_1676 = tpu.memref_squeeze %dma_wait3A_1675 : memref<1x1x1x8x128xf32, #tpu.memory_space<hbm>> -> memref<8x128xf32, #tpu.memory_space<hbm>>
      %dma_wait3A_1677 = arith.constant 0 : i32
      %dma_wait3A_1678 = arith.constant 0 : i32
      %dma_wait3A_1679 = tpu.memref_slice %arg4[%dma_wait3A_1667, %dma_wait3A_1668, %dma_wait3A_1669, %dma_wait3A_1677, %dma_wait3A_1678] : memref<200x8x32x8x128xf32, #tpu.memory_space<hbm>> -> memref<1x1x1x8x128xf32, #tpu.memory_space<hbm>>
      %dma_wait3A_1680 = tpu.memref_squeeze %dma_wait3A_1679 : memref<1x1x1x8x128xf32, #tpu.memory_space<hbm>> -> memref<8x128xf32, #tpu.memory_space<hbm>>
      %dma_wait3A_1681 = arith.constant 32 : i32
      %dma_wait3A_1682 = arith.constant 0 : i32
      %dma_wait3A_1683 = tpu.memref_slice %arg9[%dma_wait3A_1681, %dma_wait3A_1682] : memref<64x129xf32, #tpu.memory_space<vmem>> -> memref<8x128xf32, #tpu.memory_space<vmem>>
      tpu.wait_dma2 semaphore(%arg13 : memref<!tpu.dma_semaphore, #tpu.memory_space<semaphore_mem>>) src(%dma_wait3A_1683 : memref<8x128xf32, #tpu.memory_space<vmem>>) dst(%dma_wait3A_1680 : memref<8x128xf32, #tpu.memory_space<hbm>>)
      %dma_wait3A_1684 = arith.constant 0 : i32
      %dma_wait3A_1685 = arith.constant 0 : i32
      %dma_wait3A_1686 = arith.constant 0 : i32
      %dma_wait3A_1687 = arith.constant 40 : i32
      %dma_wait3A_1688 = arith.constant 0 : i32
      %dma_wait3A_1689 = tpu.memref_slice %arg9[%dma_wait3A_1687, %dma_wait3A_1688] : memref<64x129xf32, #tpu.memory_space<vmem>> -> memref<8x128xf32, #tpu.memory_space<vmem>>
      %dma_wait3A_1690 = arith.constant 0 : i32
      %dma_wait3A_1691 = arith.constant 0 : i32
      %dma_wait3A_1692 = tpu.memref_slice %arg4[%dma_wait3A_1684, %dma_wait3A_1685, %dma_wait3A_1686, %dma_wait3A_1690, %dma_wait3A_1691] : memref<200x8x32x8x128xf32, #tpu.memory_space<hbm>> -> memref<1x1x1x8x128xf32, #tpu.memory_space<hbm>>
      %dma_wait3A_1693 = tpu.memref_squeeze %dma_wait3A_1692 : memref<1x1x1x8x128xf32, #tpu.memory_space<hbm>> -> memref<8x128xf32, #tpu.memory_space<hbm>>
      %dma_wait3A_1694 = arith.constant 0 : i32
      %dma_wait3A_1695 = arith.constant 0 : i32
      %dma_wait3A_1696 = tpu.memref_slice %arg4[%dma_wait3A_1684, %dma_wait3A_1685, %dma_wait3A_1686, %dma_wait3A_1694, %dma_wait3A_1695] : memref<200x8x32x8x128xf32, #tpu.memory_space<hbm>> -> memref<1x1x1x8x128xf32, #tpu.memory_space<hbm>>
      %dma_wait3A_1697 = tpu.memref_squeeze %dma_wait3A_1696 : memref<1x1x1x8x128xf32, #tpu.memory_space<hbm>> -> memref<8x128xf32, #tpu.memory_space<hbm>>
      %dma_wait3A_1698 = arith.constant 40 : i32
      %dma_wait3A_1699 = arith.constant 0 : i32
      %dma_wait3A_1700 = tpu.memref_slice %arg9[%dma_wait3A_1698, %dma_wait3A_1699] : memref<64x129xf32, #tpu.memory_space<vmem>> -> memref<8x128xf32, #tpu.memory_space<vmem>>
      tpu.wait_dma2 semaphore(%arg13 : memref<!tpu.dma_semaphore, #tpu.memory_space<semaphore_mem>>) src(%dma_wait3A_1700 : memref<8x128xf32, #tpu.memory_space<vmem>>) dst(%dma_wait3A_1697 : memref<8x128xf32, #tpu.memory_space<hbm>>)
      %dma_wait3A_1701 = arith.constant 0 : i32
      %dma_wait3A_1702 = arith.constant 0 : i32
      %dma_wait3A_1703 = arith.constant 0 : i32
      %dma_wait3A_1704 = arith.constant 48 : i32
      %dma_wait3A_1705 = arith.constant 0 : i32
      %dma_wait3A_1706 = tpu.memref_slice %arg9[%dma_wait3A_1704, %dma_wait3A_1705] : memref<64x129xf32, #tpu.memory_space<vmem>> -> memref<8x128xf32, #tpu.memory_space<vmem>>
      %dma_wait3A_1707 = arith.constant 0 : i32
      %dma_wait3A_1708 = arith.constant 0 : i32
      %dma_wait3A_1709 = tpu.memref_slice %arg4[%dma_wait3A_1701, %dma_wait3A_1702, %dma_wait3A_1703, %dma_wait3A_1707, %dma_wait3A_1708] : memref<200x8x32x8x128xf32, #tpu.memory_space<hbm>> -> memref<1x1x1x8x128xf32, #tpu.memory_space<hbm>>
      %dma_wait3A_1710 = tpu.memref_squeeze %dma_wait3A_1709 : memref<1x1x1x8x128xf32, #tpu.memory_space<hbm>> -> memref<8x128xf32, #tpu.memory_space<hbm>>
      %dma_wait3A_1711 = arith.constant 0 : i32
      %dma_wait3A_1712 = arith.constant 0 : i32
      %dma_wait3A_1713 = tpu.memref_slice %arg4[%dma_wait3A_1701, %dma_wait3A_1702, %dma_wait3A_1703, %dma_wait3A_1711, %dma_wait3A_1712] : memref<200x8x32x8x128xf32, #tpu.memory_space<hbm>> -> memref<1x1x1x8x128xf32, #tpu.memory_space<hbm>>
      %dma_wait3A_1714 = tpu.memref_squeeze %dma_wait3A_1713 : memref<1x1x1x8x128xf32, #tpu.memory_space<hbm>> -> memref<8x128xf32, #tpu.memory_space<hbm>>
      %dma_wait3A_1715 = arith.constant 48 : i32
      %dma_wait3A_1716 = arith.constant 0 : i32
      %dma_wait3A_1717 = tpu.memref_slice %arg9[%dma_wait3A_1715, %dma_wait3A_1716] : memref<64x129xf32, #tpu.memory_space<vmem>> -> memref<8x128xf32, #tpu.memory_space<vmem>>
      tpu.wait_dma2 semaphore(%arg13 : memref<!tpu.dma_semaphore, #tpu.memory_space<semaphore_mem>>) src(%dma_wait3A_1717 : memref<8x128xf32, #tpu.memory_space<vmem>>) dst(%dma_wait3A_1714 : memref<8x128xf32, #tpu.memory_space<hbm>>)
      %dma_wait3A_1718 = arith.constant 0 : i32
      %dma_wait3A_1719 = arith.constant 0 : i32
      %dma_wait3A_1720 = arith.constant 0 : i32
      %dma_wait3A_1721 = arith.constant 56 : i32
      %dma_wait3A_1722 = arith.constant 0 : i32
      %dma_wait3A_1723 = tpu.memref_slice %arg9[%dma_wait3A_1721, %dma_wait3A_1722] : memref<64x129xf32, #tpu.memory_space<vmem>> -> memref<8x128xf32, #tpu.memory_space<vmem>>
      %dma_wait3A_1724 = arith.constant 0 : i32
      %dma_wait3A_1725 = arith.constant 0 : i32
      %dma_wait3A_1726 = tpu.memref_slice %arg4[%dma_wait3A_1718, %dma_wait3A_1719, %dma_wait3A_1720, %dma_wait3A_1724, %dma_wait3A_1725] : memref<200x8x32x8x128xf32, #tpu.memory_space<hbm>> -> memref<1x1x1x8x128xf32, #tpu.memory_space<hbm>>
      %dma_wait3A_1727 = tpu.memref_squeeze %dma_wait3A_1726 : memref<1x1x1x8x128xf32, #tpu.memory_space<hbm>> -> memref<8x128xf32, #tpu.memory_space<hbm>>
      %dma_wait3A_1728 = arith.constant 0 : i32
      %dma_wait3A_1729 = arith.constant 0 : i32
      %dma_wait3A_1730 = tpu.memref_slice %arg4[%dma_wait3A_1718, %dma_wait3A_1719, %dma_wait3A_1720, %dma_wait3A_1728, %dma_wait3A_1729] : memref<200x8x32x8x128xf32, #tpu.memory_space<hbm>> -> memref<1x1x1x8x128xf32, #tpu.memory_space<hbm>>
      %dma_wait3A_1731 = tpu.memref_squeeze %dma_wait3A_1730 : memref<1x1x1x8x128xf32, #tpu.memory_space<hbm>> -> memref<8x128xf32, #tpu.memory_space<hbm>>
      %dma_wait3A_1732 = arith.constant 56 : i32
      %dma_wait3A_1733 = arith.constant 0 : i32
      %dma_wait3A_1734 = tpu.memref_slice %arg9[%dma_wait3A_1732, %dma_wait3A_1733] : memref<64x129xf32, #tpu.memory_space<vmem>> -> memref<8x128xf32, #tpu.memory_space<vmem>>
      tpu.wait_dma2 semaphore(%arg13 : memref<!tpu.dma_semaphore, #tpu.memory_space<semaphore_mem>>) src(%dma_wait3A_1734 : memref<8x128xf32, #tpu.memory_space<vmem>>) dst(%dma_wait3A_1731 : memref<8x128xf32, #tpu.memory_space<hbm>>)
      %scan3A_1735 = arith.constant 0 : i32
      %scan3A_1736 = arith.constant 0 : i32
      %scan3A_1737 = arith.constant 128 : i32
      %scan3A_1738 = arith.addi %scan3A_1736, %scan3A_1737 : i32
      %scan3A_1739 = arith.constant 2 : i32
      %scan3A_1740 = scf.for %scan3A_1912 = %scan3A_1736 to %scan3A_1738 step %scan3A_1739 iter_args(%scan3A_1913 = %scan3A_1735) -> (i32)  : i32 {
        %broadcast_in_dim3A = arith.constant 0 : i32
        %broadcast_in_dim3A_1914 = vector.broadcast %broadcast_in_dim3A : i32 to vector<16xi32>
        %add3A_1915 = vector.broadcast %scan3A_1912 : i32 to vector<16xi32>
        %add3A_1916 = arith.addi %broadcast_in_dim3A_1914, %add3A_1915 : vector<16xi32>
        %get3A = arith.index_cast %scan3A_1912 : i32 to index
        %get3A_1917 = arith.constant 0 : index
        %get3A_1918 = tpu.vector_load %arg7[%get3A, %get3A_1917] {strides = array<i32>} : memref<128x64xf32, #tpu.memory_space<vmem>>, vector<16xf32>,
        %add3A_1919 = arith.constant 0 : i32
        %add3A_1920 = vector.broadcast %add3A_1919 : i32 to vector<16xi32>
        %add3A_1921 = arith.addi %iota3A, %add3A_1920 : vector<16xi32>
        tpu.vector_store_idx %arg9[%add3A_1921, %add3A_1916], %get3A_1918 : memref<64x129xf32, #tpu.memory_space<vmem>>[vector<16xi32>, vector<16xi32>], vector<16xf32>,
        %get3A_1922 = arith.index_cast %scan3A_1912 : i32 to index
        %get3A_1923 = arith.constant 16 : index
        %get3A_1924 = tpu.vector_load %arg7[%get3A_1922, %get3A_1923] {strides = array<i32>} : memref<128x64xf32, #tpu.memory_space<vmem>>, vector<16xf32>,
        %add3A_1925 = arith.constant 16 : i32
        %add3A_1926 = vector.broadcast %add3A_1925 : i32 to vector<16xi32>
        %add3A_1927 = arith.addi %iota3A, %add3A_1926 : vector<16xi32>
        tpu.vector_store_idx %arg9[%add3A_1927, %add3A_1916], %get3A_1924 : memref<64x129xf32, #tpu.memory_space<vmem>>[vector<16xi32>, vector<16xi32>], vector<16xf32>,
        %get3A_1928 = arith.index_cast %scan3A_1912 : i32 to index
        %get3A_1929 = arith.constant 32 : index
        %get3A_1930 = tpu.vector_load %arg7[%get3A_1928, %get3A_1929] {strides = array<i32>} : memref<128x64xf32, #tpu.memory_space<vmem>>, vector<16xf32>,
        %add3A_1931 = arith.constant 32 : i32
        %add3A_1932 = vector.broadcast %add3A_1931 : i32 to vector<16xi32>
        %add3A_1933 = arith.addi %iota3A, %add3A_1932 : vector<16xi32>
        tpu.vector_store_idx %arg9[%add3A_1933, %add3A_1916], %get3A_1930 : memref<64x129xf32, #tpu.memory_space<vmem>>[vector<16xi32>, vector<16xi32>], vector<16xf32>,
        %get3A_1934 = arith.index_cast %scan3A_1912 : i32 to index
        %get3A_1935 = arith.constant 48 : index
        %get3A_1936 = tpu.vector_load %arg7[%get3A_1934, %get3A_1935] {strides = array<i32>} : memref<128x64xf32, #tpu.memory_space<vmem>>, vector<16xf32>,
        %add3A_1937 = arith.constant 48 : i32
        %add3A_1938 = vector.broadcast %add3A_1937 : i32 to vector<16xi32>
        %add3A_1939 = arith.addi %iota3A, %add3A_1938 : vector<16xi32>
        tpu.vector_store_idx %arg9[%add3A_1939, %add3A_1916], %get3A_1936 : memref<64x129xf32, #tpu.memory_space<vmem>>[vector<16xi32>, vector<16xi32>], vector<16xf32>,
        %scan3A_1940 = arith.constant 0 : i32
        %scan3A_1941 = arith.constant 1 : i32
        %scan3A_1942 = arith.addi %scan3A_1912, %scan3A_1941 : i32
        %broadcast_in_dim3A_1943 = arith.constant 0 : i32
        %broadcast_in_dim3A_1944 = vector.broadcast %broadcast_in_dim3A_1943 : i32 to vector<16xi32>
        %add3A_1945 = vector.broadcast %scan3A_1942 : i32 to vector<16xi32>
        %add3A_1946 = arith.addi %broadcast_in_dim3A_1944, %add3A_1945 : vector<16xi32>
        %get3A_1947 = arith.index_cast %scan3A_1942 : i32 to index
        %get3A_1948 = arith.constant 0 : index
        %get3A_1949 = tpu.vector_load %arg7[%get3A_1947, %get3A_1948] {strides = array<i32>} : memref<128x64xf32, #tpu.memory_space<vmem>>, vector<16xf32>,
        %add3A_1950 = arith.constant 0 : i32
        %add3A_1951 = vector.broadcast %add3A_1950 : i32 to vector<16xi32>
        %add3A_1952 = arith.addi %iota3A, %add3A_1951 : vector<16xi32>
        tpu.vector_store_idx %arg9[%add3A_1952, %add3A_1946], %get3A_1949 : memref<64x129xf32, #tpu.memory_space<vmem>>[vector<16xi32>, vector<16xi32>], vector<16xf32>,
        %get3A_1953 = arith.index_cast %scan3A_1942 : i32 to index
        %get3A_1954 = arith.constant 16 : index
        %get3A_1955 = tpu.vector_load %arg7[%get3A_1953, %get3A_1954] {strides = array<i32>} : memref<128x64xf32, #tpu.memory_space<vmem>>, vector<16xf32>,
        %add3A_1956 = arith.constant 16 : i32
        %add3A_1957 = vector.broadcast %add3A_1956 : i32 to vector<16xi32>
        %add3A_1958 = arith.addi %iota3A, %add3A_1957 : vector<16xi32>
        tpu.vector_store_idx %arg9[%add3A_1958, %add3A_1946], %get3A_1955 : memref<64x129xf32, #tpu.memory_space<vmem>>[vector<16xi32>, vector<16xi32>], vector<16xf32>,
        %get3A_1959 = arith.index_cast %scan3A_1942 : i32 to index
        %get3A_1960 = arith.constant 32 : index
        %get3A_1961 = tpu.vector_load %arg7[%get3A_1959, %get3A_1960] {strides = array<i32>} : memref<128x64xf32, #tpu.memory_space<vmem>>, vector<16xf32>,
        %add3A_1962 = arith.constant 32 : i32
        %add3A_1963 = vector.broadcast %add3A_1962 : i32 to vector<16xi32>
        %add3A_1964 = arith.addi %iota3A, %add3A_1963 : vector<16xi32>
        tpu.vector_store_idx %arg9[%add3A_1964, %add3A_1946], %get3A_1961 : memref<64x129xf32, #tpu.memory_space<vmem>>[vector<16xi32>, vector<16xi32>], vector<16xf32>,
        %get3A_1965 = arith.index_cast %scan3A_1942 : i32 to index
        %get3A_1966 = arith.constant 48 : index
        %get3A_1967 = tpu.vector_load %arg7[%get3A_1965, %get3A_1966] {strides = array<i32>} : memref<128x64xf32, #tpu.memory_space<vmem>>, vector<16xf32>,
        %add3A_1968 = arith.constant 48 : i32
        %add3A_1969 = vector.broadcast %add3A_1968 : i32 to vector<16xi32>
        %add3A_1970 = arith.addi %iota3A, %add3A_1969 : vector<16xi32>
        tpu.vector_store_idx %arg9[%add3A_1970, %add3A_1946], %get3A_1967 : memref<64x129xf32, #tpu.memory_space<vmem>>[vector<16xi32>, vector<16xi32>], vector<16xf32>,
        %scan3A_1971 = arith.constant 0 : i32
        scf.yield %scan3A_1971 : i32
      }
      %scan3A_1741 = arith.constant 128 : i32
      %add3A_1742 = arith.addi %mul3A_2, %add3A_1274 : i32
      %jit3A_1743 = arith.constant 32 : i32
      %div3A_1744 = arith.divsi %add3A_1742, %jit3A_1743 : i32
      %sign3A_1745 = arith.constant 0 : i32
      %sign3A_1746 = arith.cmpi sgt, %add3A_1742, %sign3A_1745 : i32
      %sign3A_1747 = arith.extui %sign3A_1746 : i1 to i32
      %sign3A_1748 = arith.constant 0 : i32
      %sign3A_1749 = arith.cmpi slt, %add3A_1742, %sign3A_1748 : i32
      %sign3A_1750 = arith.extui %sign3A_1749 : i1 to i32
      %sign3A_1751 = arith.subi %sign3A_1747, %sign3A_1750 : i32
      %sign3A_1752 = arith.constant 0 : i32
      %sign3A_1753 = arith.cmpi sgt, %jit3A_1743, %sign3A_1752 : i32
      %sign3A_1754 = arith.extui %sign3A_1753 : i1 to i32
      %sign3A_1755 = arith.constant 0 : i32
      %sign3A_1756 = arith.cmpi slt, %jit3A_1743, %sign3A_1755 : i32
      %sign3A_1757 = arith.extui %sign3A_1756 : i1 to i32
      %sign3A_1758 = arith.subi %sign3A_1754, %sign3A_1757 : i32
      %ne3A_1759 = arith.cmpi ne, %sign3A_1751, %sign3A_1758 : i32
      %rem3A_1760 = arith.remsi %add3A_1742, %jit3A_1743 : i32
      %ne3A_1761 = arith.constant 0 : i32
      %ne3A_1762 = arith.cmpi ne, %rem3A_1760, %ne3A_1761 : i32
      %and3A_1763 = arith.andi %ne3A_1759, %ne3A_1762 : i1
      %sub3A_1764 = arith.constant 1 : i32
      %sub3A_1765 = arith.subi %div3A_1744, %sub3A_1764 : i32
      %select_n3A_1766 = arith.select %and3A_1763, %sub3A_1765, %div3A_1744 : i32
      %jit3A_1767 = arith.constant 32 : i32
      %eq3A_1768 = arith.constant 0 : i32
      %eq3A_1769 = arith.cmpi eq, %jit3A_1767, %eq3A_1768 : i32
      %jit3A_1770 = arith.constant 1 : i32
      %select_n3A_1771 = arith.select %eq3A_1769, %jit3A_1770, %jit3A_1767 : i32
      %rem3A_1772 = arith.remsi %add3A_1742, %select_n3A_1771 : i32
      %ne3A_1773 = arith.constant 0 : i32
      %ne3A_1774 = arith.cmpi ne, %rem3A_1772, %ne3A_1773 : i32
      %lt3A_1775 = arith.constant 0 : i32
      %lt3A_1776 = arith.cmpi slt, %rem3A_1772, %lt3A_1775 : i32
      %lt3A_1777 = arith.constant 0 : i32
      %lt3A_1778 = arith.cmpi slt, %select_n3A_1771, %lt3A_1777 : i32
      %ne3A_1779 = arith.xori %lt3A_1776, %lt3A_1778 : i1
      %and3A_1780 = arith.andi %ne3A_1779, %ne3A_1774 : i1
      %add3A_1781 = arith.addi %rem3A_1772, %select_n3A_1771 : i32
      %select_n3A_1782 = arith.select %and3A_1780, %add3A_1781, %rem3A_1772 : i32
      %dma_start3A_1783 = arith.constant 0 : i32
      %dma_start3A_1784 = arith.constant 0 : i32
      %dma_start3A_1785 = arith.constant 0 : i32
      %dma_start3A_1786 = tpu.memref_slice %arg9[%dma_start3A_1784, %dma_start3A_1785] : memref<64x129xf32, #tpu.memory_space<vmem>> -> memref<8x128xf32, #tpu.memory_space<vmem>>
      %dma_start3A_1787 = arith.constant 0 : i32
      %dma_start3A_1788 = arith.constant 0 : i32
      %dma_start3A_1789 = tpu.memref_slice %arg4[%select_n3A_1766, %dma_start3A_1783, %select_n3A_1782, %dma_start3A_1787, %dma_start3A_1788] : memref<200x8x32x8x128xf32, #tpu.memory_space<hbm>> -> memref<1x1x1x8x128xf32, #tpu.memory_space<hbm>>
      %dma_start3A_1790 = tpu.memref_squeeze %dma_start3A_1789 : memref<1x1x1x8x128xf32, #tpu.memory_space<hbm>> -> memref<8x128xf32, #tpu.memory_space<hbm>>
      %dma_start3A_1791 = arith.constant 0 : i32
      %dma_start3A_1792 = arith.constant 0 : i32
      %dma_start3A_1793 = tpu.memref_slice %arg4[%select_n3A_1766, %dma_start3A_1783, %select_n3A_1782, %dma_start3A_1791, %dma_start3A_1792] : memref<200x8x32x8x128xf32, #tpu.memory_space<hbm>> -> memref<1x1x1x8x128xf32, #tpu.memory_space<hbm>>
      %dma_start3A_1794 = tpu.memref_squeeze %dma_start3A_1793 : memref<1x1x1x8x128xf32, #tpu.memory_space<hbm>> -> memref<8x128xf32, #tpu.memory_space<hbm>>
      %dma_start3A_1795 = arith.constant 0 : i32
      %dma_start3A_1796 = arith.constant 0 : i32
      %dma_start3A_1797 = tpu.memref_slice %arg9[%dma_start3A_1795, %dma_start3A_1796] : memref<64x129xf32, #tpu.memory_space<vmem>> -> memref<8x128xf32, #tpu.memory_space<vmem>>
      tpu.enqueue_dma source(%dma_start3A_1797 : memref<8x128xf32, #tpu.memory_space<vmem>>) target(%dma_start3A_1794 : memref<8x128xf32, #tpu.memory_space<hbm>>) target_semaphore(%arg13 : memref<!tpu.dma_semaphore, #tpu.memory_space<semaphore_mem>>)
      %dma_start3A_1798 = arith.constant 1 : i32
      %dma_start3A_1799 = arith.constant 8 : i32
      %dma_start3A_1800 = arith.constant 0 : i32
      %dma_start3A_1801 = tpu.memref_slice %arg9[%dma_start3A_1799, %dma_start3A_1800] : memref<64x129xf32, #tpu.memory_space<vmem>> -> memref<8x128xf32, #tpu.memory_space<vmem>>
      %dma_start3A_1802 = arith.constant 0 : i32
      %dma_start3A_1803 = arith.constant 0 : i32
      %dma_start3A_1804 = tpu.memref_slice %arg4[%select_n3A_1766, %dma_start3A_1798, %select_n3A_1782, %dma_start3A_1802, %dma_start3A_1803] : memref<200x8x32x8x128xf32, #tpu.memory_space<hbm>> -> memref<1x1x1x8x128xf32, #tpu.memory_space<hbm>>
      %dma_start3A_1805 = tpu.memref_squeeze %dma_start3A_1804 : memref<1x1x1x8x128xf32, #tpu.memory_space<hbm>> -> memref<8x128xf32, #tpu.memory_space<hbm>>
      %dma_start3A_1806 = arith.constant 0 : i32
      %dma_start3A_1807 = arith.constant 0 : i32
      %dma_start3A_1808 = tpu.memref_slice %arg4[%select_n3A_1766, %dma_start3A_1798, %select_n3A_1782, %dma_start3A_1806, %dma_start3A_1807] : memref<200x8x32x8x128xf32, #tpu.memory_space<hbm>> -> memref<1x1x1x8x128xf32, #tpu.memory_space<hbm>>
      %dma_start3A_1809 = tpu.memref_squeeze %dma_start3A_1808 : memref<1x1x1x8x128xf32, #tpu.memory_space<hbm>> -> memref<8x128xf32, #tpu.memory_space<hbm>>
      %dma_start3A_1810 = arith.constant 8 : i32
      %dma_start3A_1811 = arith.constant 0 : i32
      %dma_start3A_1812 = tpu.memref_slice %arg9[%dma_start3A_1810, %dma_start3A_1811] : memref<64x129xf32, #tpu.memory_space<vmem>> -> memref<8x128xf32, #tpu.memory_space<vmem>>
      tpu.enqueue_dma source(%dma_start3A_1812 : memref<8x128xf32, #tpu.memory_space<vmem>>) target(%dma_start3A_1809 : memref<8x128xf32, #tpu.memory_space<hbm>>) target_semaphore(%arg13 : memref<!tpu.dma_semaphore, #tpu.memory_space<semaphore_mem>>)
      %dma_start3A_1813 = arith.constant 2 : i32
      %dma_start3A_1814 = arith.constant 16 : i32
      %dma_start3A_1815 = arith.constant 0 : i32
      %dma_start3A_1816 = tpu.memref_slice %arg9[%dma_start3A_1814, %dma_start3A_1815] : memref<64x129xf32, #tpu.memory_space<vmem>> -> memref<8x128xf32, #tpu.memory_space<vmem>>
      %dma_start3A_1817 = arith.constant 0 : i32
      %dma_start3A_1818 = arith.constant 0 : i32
      %dma_start3A_1819 = tpu.memref_slice %arg4[%select_n3A_1766, %dma_start3A_1813, %select_n3A_1782, %dma_start3A_1817, %dma_start3A_1818] : memref<200x8x32x8x128xf32, #tpu.memory_space<hbm>> -> memref<1x1x1x8x128xf32, #tpu.memory_space<hbm>>
      %dma_start3A_1820 = tpu.memref_squeeze %dma_start3A_1819 : memref<1x1x1x8x128xf32, #tpu.memory_space<hbm>> -> memref<8x128xf32, #tpu.memory_space<hbm>>
      %dma_start3A_1821 = arith.constant 0 : i32
      %dma_start3A_1822 = arith.constant 0 : i32
      %dma_start3A_1823 = tpu.memref_slice %arg4[%select_n3A_1766, %dma_start3A_1813, %select_n3A_1782, %dma_start3A_1821, %dma_start3A_1822] : memref<200x8x32x8x128xf32, #tpu.memory_space<hbm>> -> memref<1x1x1x8x128xf32, #tpu.memory_space<hbm>>
      %dma_start3A_1824 = tpu.memref_squeeze %dma_start3A_1823 : memref<1x1x1x8x128xf32, #tpu.memory_space<hbm>> -> memref<8x128xf32, #tpu.memory_space<hbm>>
      %dma_start3A_1825 = arith.constant 16 : i32
      %dma_start3A_1826 = arith.constant 0 : i32
      %dma_start3A_1827 = tpu.memref_slice %arg9[%dma_start3A_1825, %dma_start3A_1826] : memref<64x129xf32, #tpu.memory_space<vmem>> -> memref<8x128xf32, #tpu.memory_space<vmem>>
      tpu.enqueue_dma source(%dma_start3A_1827 : memref<8x128xf32, #tpu.memory_space<vmem>>) target(%dma_start3A_1824 : memref<8x128xf32, #tpu.memory_space<hbm>>) target_semaphore(%arg13 : memref<!tpu.dma_semaphore, #tpu.memory_space<semaphore_mem>>)
      %dma_start3A_1828 = arith.constant 3 : i32
      %dma_start3A_1829 = arith.constant 24 : i32
      %dma_start3A_1830 = arith.constant 0 : i32
      %dma_start3A_1831 = tpu.memref_slice %arg9[%dma_start3A_1829, %dma_start3A_1830] : memref<64x129xf32, #tpu.memory_space<vmem>> -> memref<8x128xf32, #tpu.memory_space<vmem>>
      %dma_start3A_1832 = arith.constant 0 : i32
      %dma_start3A_1833 = arith.constant 0 : i32
      %dma_start3A_1834 = tpu.memref_slice %arg4[%select_n3A_1766, %dma_start3A_1828, %select_n3A_1782, %dma_start3A_1832, %dma_start3A_1833] : memref<200x8x32x8x128xf32, #tpu.memory_space<hbm>> -> memref<1x1x1x8x128xf32, #tpu.memory_space<hbm>>
      %dma_start3A_1835 = tpu.memref_squeeze %dma_start3A_1834 : memref<1x1x1x8x128xf32, #tpu.memory_space<hbm>> -> memref<8x128xf32, #tpu.memory_space<hbm>>
      %dma_start3A_1836 = arith.constant 0 : i32
      %dma_start3A_1837 = arith.constant 0 : i32
      %dma_start3A_1838 = tpu.memref_slice %arg4[%select_n3A_1766, %dma_start3A_1828, %select_n3A_1782, %dma_start3A_1836, %dma_start3A_1837] : memref<200x8x32x8x128xf32, #tpu.memory_space<hbm>> -> memref<1x1x1x8x128xf32, #tpu.memory_space<hbm>>
      %dma_start3A_1839 = tpu.memref_squeeze %dma_start3A_1838 : memref<1x1x1x8x128xf32, #tpu.memory_space<hbm>> -> memref<8x128xf32, #tpu.memory_space<hbm>>
      %dma_start3A_1840 = arith.constant 24 : i32
      %dma_start3A_1841 = arith.constant 0 : i32
      %dma_start3A_1842 = tpu.memref_slice %arg9[%dma_start3A_1840, %dma_start3A_1841] : memref<64x129xf32, #tpu.memory_space<vmem>> -> memref<8x128xf32, #tpu.memory_space<vmem>>
      tpu.enqueue_dma source(%dma_start3A_1842 : memref<8x128xf32, #tpu.memory_space<vmem>>) target(%dma_start3A_1839 : memref<8x128xf32, #tpu.memory_space<hbm>>) target_semaphore(%arg13 : memref<!tpu.dma_semaphore, #tpu.memory_space<semaphore_mem>>)
      %dma_start3A_1843 = arith.constant 4 : i32
      %dma_start3A_1844 = arith.constant 32 : i32
      %dma_start3A_1845 = arith.constant 0 : i32
      %dma_start3A_1846 = tpu.memref_slice %arg9[%dma_start3A_1844, %dma_start3A_1845] : memref<64x129xf32, #tpu.memory_space<vmem>> -> memref<8x128xf32, #tpu.memory_space<vmem>>
      %dma_start3A_1847 = arith.constant 0 : i32
      %dma_start3A_1848 = arith.constant 0 : i32
      %dma_start3A_1849 = tpu.memref_slice %arg4[%select_n3A_1766, %dma_start3A_1843, %select_n3A_1782, %dma_start3A_1847, %dma_start3A_1848] : memref<200x8x32x8x128xf32, #tpu.memory_space<hbm>> -> memref<1x1x1x8x128xf32, #tpu.memory_space<hbm>>
      %dma_start3A_1850 = tpu.memref_squeeze %dma_start3A_1849 : memref<1x1x1x8x128xf32, #tpu.memory_space<hbm>> -> memref<8x128xf32, #tpu.memory_space<hbm>>
      %dma_start3A_1851 = arith.constant 0 : i32
      %dma_start3A_1852 = arith.constant 0 : i32
      %dma_start3A_1853 = tpu.memref_slice %arg4[%select_n3A_1766, %dma_start3A_1843, %select_n3A_1782, %dma_start3A_1851, %dma_start3A_1852] : memref<200x8x32x8x128xf32, #tpu.memory_space<hbm>> -> memref<1x1x1x8x128xf32, #tpu.memory_space<hbm>>
      %dma_start3A_1854 = tpu.memref_squeeze %dma_start3A_1853 : memref<1x1x1x8x128xf32, #tpu.memory_space<hbm>> -> memref<8x128xf32, #tpu.memory_space<hbm>>
      %dma_start3A_1855 = arith.constant 32 : i32
      %dma_start3A_1856 = arith.constant 0 : i32
      %dma_start3A_1857 = tpu.memref_slice %arg9[%dma_start3A_1855, %dma_start3A_1856] : memref<64x129xf32, #tpu.memory_space<vmem>> -> memref<8x128xf32, #tpu.memory_space<vmem>>
      tpu.enqueue_dma source(%dma_start3A_1857 : memref<8x128xf32, #tpu.memory_space<vmem>>) target(%dma_start3A_1854 : memref<8x128xf32, #tpu.memory_space<hbm>>) target_semaphore(%arg13 : memref<!tpu.dma_semaphore, #tpu.memory_space<semaphore_mem>>)
      %dma_start3A_1858 = arith.constant 5 : i32
      %dma_start3A_1859 = arith.constant 40 : i32
      %dma_start3A_1860 = arith.constant 0 : i32
      %dma_start3A_1861 = tpu.memref_slice %arg9[%dma_start3A_1859, %dma_start3A_1860] : memref<64x129xf32, #tpu.memory_space<vmem>> -> memref<8x128xf32, #tpu.memory_space<vmem>>
      %dma_start3A_1862 = arith.constant 0 : i32
      %dma_start3A_1863 = arith.constant 0 : i32
      %dma_start3A_1864 = tpu.memref_slice %arg4[%select_n3A_1766, %dma_start3A_1858, %select_n3A_1782, %dma_start3A_1862, %dma_start3A_1863] : memref<200x8x32x8x128xf32, #tpu.memory_space<hbm>> -> memref<1x1x1x8x128xf32, #tpu.memory_space<hbm>>
      %dma_start3A_1865 = tpu.memref_squeeze %dma_start3A_1864 : memref<1x1x1x8x128xf32, #tpu.memory_space<hbm>> -> memref<8x128xf32, #tpu.memory_space<hbm>>
      %dma_start3A_1866 = arith.constant 0 : i32
      %dma_start3A_1867 = arith.constant 0 : i32
      %dma_start3A_1868 = tpu.memref_slice %arg4[%select_n3A_1766, %dma_start3A_1858, %select_n3A_1782, %dma_start3A_1866, %dma_start3A_1867] : memref<200x8x32x8x128xf32, #tpu.memory_space<hbm>> -> memref<1x1x1x8x128xf32, #tpu.memory_space<hbm>>
      %dma_start3A_1869 = tpu.memref_squeeze %dma_start3A_1868 : memref<1x1x1x8x128xf32, #tpu.memory_space<hbm>> -> memref<8x128xf32, #tpu.memory_space<hbm>>
      %dma_start3A_1870 = arith.constant 40 : i32
      %dma_start3A_1871 = arith.constant 0 : i32
      %dma_start3A_1872 = tpu.memref_slice %arg9[%dma_start3A_1870, %dma_start3A_1871] : memref<64x129xf32, #tpu.memory_space<vmem>> -> memref<8x128xf32, #tpu.memory_space<vmem>>
      tpu.enqueue_dma source(%dma_start3A_1872 : memref<8x128xf32, #tpu.memory_space<vmem>>) target(%dma_start3A_1869 : memref<8x128xf32, #tpu.memory_space<hbm>>) target_semaphore(%arg13 : memref<!tpu.dma_semaphore, #tpu.memory_space<semaphore_mem>>)
      %dma_start3A_1873 = arith.constant 6 : i32
      %dma_start3A_1874 = arith.constant 48 : i32
      %dma_start3A_1875 = arith.constant 0 : i32
      %dma_start3A_1876 = tpu.memref_slice %arg9[%dma_start3A_1874, %dma_start3A_1875] : memref<64x129xf32, #tpu.memory_space<vmem>> -> memref<8x128xf32, #tpu.memory_space<vmem>>
      %dma_start3A_1877 = arith.constant 0 : i32
      %dma_start3A_1878 = arith.constant 0 : i32
      %dma_start3A_1879 = tpu.memref_slice %arg4[%select_n3A_1766, %dma_start3A_1873, %select_n3A_1782, %dma_start3A_1877, %dma_start3A_1878] : memref<200x8x32x8x128xf32, #tpu.memory_space<hbm>> -> memref<1x1x1x8x128xf32, #tpu.memory_space<hbm>>
      %dma_start3A_1880 = tpu.memref_squeeze %dma_start3A_1879 : memref<1x1x1x8x128xf32, #tpu.memory_space<hbm>> -> memref<8x128xf32, #tpu.memory_space<hbm>>
      %dma_start3A_1881 = arith.constant 0 : i32
      %dma_start3A_1882 = arith.constant 0 : i32
      %dma_start3A_1883 = tpu.memref_slice %arg4[%select_n3A_1766, %dma_start3A_1873, %select_n3A_1782, %dma_start3A_1881, %dma_start3A_1882] : memref<200x8x32x8x128xf32, #tpu.memory_space<hbm>> -> memref<1x1x1x8x128xf32, #tpu.memory_space<hbm>>
      %dma_start3A_1884 = tpu.memref_squeeze %dma_start3A_1883 : memref<1x1x1x8x128xf32, #tpu.memory_space<hbm>> -> memref<8x128xf32, #tpu.memory_space<hbm>>
      %dma_start3A_1885 = arith.constant 48 : i32
      %dma_start3A_1886 = arith.constant 0 : i32
      %dma_start3A_1887 = tpu.memref_slice %arg9[%dma_start3A_1885, %dma_start3A_1886] : memref<64x129xf32, #tpu.memory_space<vmem>> -> memref<8x128xf32, #tpu.memory_space<vmem>>
      tpu.enqueue_dma source(%dma_start3A_1887 : memref<8x128xf32, #tpu.memory_space<vmem>>) target(%dma_start3A_1884 : memref<8x128xf32, #tpu.memory_space<hbm>>) target_semaphore(%arg13 : memref<!tpu.dma_semaphore, #tpu.memory_space<semaphore_mem>>)
      %dma_start3A_1888 = arith.constant 7 : i32
      %dma_start3A_1889 = arith.constant 56 : i32
      %dma_start3A_1890 = arith.constant 0 : i32
      %dma_start3A_1891 = tpu.memref_slice %arg9[%dma_start3A_1889, %dma_start3A_1890] : memref<64x129xf32, #tpu.memory_space<vmem>> -> memref<8x128xf32, #tpu.memory_space<vmem>>
      %dma_start3A_1892 = arith.constant 0 : i32
      %dma_start3A_1893 = arith.constant 0 : i32
      %dma_start3A_1894 = tpu.memref_slice %arg4[%select_n3A_1766, %dma_start3A_1888, %select_n3A_1782, %dma_start3A_1892, %dma_start3A_1893] : memref<200x8x32x8x128xf32, #tpu.memory_space<hbm>> -> memref<1x1x1x8x128xf32, #tpu.memory_space<hbm>>
      %dma_start3A_1895 = tpu.memref_squeeze %dma_start3A_1894 : memref<1x1x1x8x128xf32, #tpu.memory_space<hbm>> -> memref<8x128xf32, #tpu.memory_space<hbm>>
      %dma_start3A_1896 = arith.constant 0 : i32
      %dma_start3A_1897 = arith.constant 0 : i32
      %dma_start3A_1898 = tpu.memref_slice %arg4[%select_n3A_1766, %dma_start3A_1888, %select_n3A_1782, %dma_start3A_1896, %dma_start3A_1897] : memref<200x8x32x8x128xf32, #tpu.memory_space<hbm>> -> memref<1x1x1x8x128xf32, #tpu.memory_space<hbm>>
      %dma_start3A_1899 = tpu.memref_squeeze %dma_start3A_1898 : memref<1x1x1x8x128xf32, #tpu.memory_space<hbm>> -> memref<8x128xf32, #tpu.memory_space<hbm>>
      %dma_start3A_1900 = arith.constant 56 : i32
      %dma_start3A_1901 = arith.constant 0 : i32
      %dma_start3A_1902 = tpu.memref_slice %arg9[%dma_start3A_1900, %dma_start3A_1901] : memref<64x129xf32, #tpu.memory_space<vmem>> -> memref<8x128xf32, #tpu.memory_space<vmem>>
      tpu.enqueue_dma source(%dma_start3A_1902 : memref<8x128xf32, #tpu.memory_space<vmem>>) target(%dma_start3A_1899 : memref<8x128xf32, #tpu.memory_space<hbm>>) target_semaphore(%arg13 : memref<!tpu.dma_semaphore, #tpu.memory_space<semaphore_mem>>)
      %add3A_1903 = arith.constant 2 : i32
      %add3A_1904 = arith.addi %add3A_1274, %add3A_1903 : i32
      %dma_start3A_1905 = arith.constant 0 : i32
      %dma_start3A_1906 = tpu.memref_slice %arg5[%add3A_1904, %dma_start3A_1905] : memref<200x128xi32, #tpu.memory_space<vmem>> -> memref<1x128xi32, #tpu.memory_space<vmem>>
      %dma_start3A_1907 = tpu.memref_squeeze %dma_start3A_1906 : memref<1x128xi32, #tpu.memory_space<vmem>> -> memref<128xi32, #tpu.memory_space<vmem>>
      %dma_start3A_1908 = arith.constant 0 : i32
      %dma_start3A_1909 = arith.constant 0 : i32
      %dma_start3A_1910 = tpu.memref_slice %arg3[%dma_start3A_1908, %dma_start3A_1909] : memref<1000000x64xf32, #tpu.memory_space<hbm>> -> memref<1000000x64xf32, #tpu.memory_space<hbm>>
      tpu.enqueue_indirect_dma source(%dma_start3A_1910 : memref<1000000x64xf32, #tpu.memory_space<hbm>>) target(%arg7 : memref<128x64xf32, #tpu.memory_space<vmem>>) offsets(%dma_start3A_1907 : memref<128xi32, #tpu.memory_space<vmem>>) semaphore(%arg11 : memref<!tpu.dma_semaphore, #tpu.memory_space<semaphore_mem>>)
      %scan3A_1911 = arith.constant 0 : i32
      scf.yield %scan3A_1911 : i32
    }
    %scan3A_374 = arith.constant 98 : i32
    %dma_wait3A_375 = arith.constant 0 : i32
    %dma_wait3A_376 = arith.constant 0 : i32
    %dma_wait3A_377 = tpu.memref_slice %arg3[%dma_wait3A_375, %dma_wait3A_376] : memref<1000000x64xf32, #tpu.memory_space<hbm>> -> memref<128x64xf32, #tpu.memory_space<hbm>>
    %dma_wait3A_378 = arith.constant 0 : i32
    %dma_wait3A_379 = arith.constant 0 : i32
    %dma_wait3A_380 = tpu.memref_slice %arg3[%dma_wait3A_378, %dma_wait3A_379] : memref<1000000x64xf32, #tpu.memory_space<hbm>> -> memref<128x64xf32, #tpu.memory_space<hbm>>
    tpu.wait_dma2 semaphore(%arg10 : memref<!tpu.dma_semaphore, #tpu.memory_space<semaphore_mem>>) src(%dma_wait3A_380 : memref<128x64xf32, #tpu.memory_space<hbm>>) dst(%arg6 : memref<128x64xf32, #tpu.memory_space<vmem>>)
    %dma_wait3A_381 = arith.constant 0 : i32
    %dma_wait3A_382 = arith.constant 0 : i32
    %dma_wait3A_383 = arith.constant 0 : i32
    %dma_wait3A_384 = arith.constant 0 : i32
    %dma_wait3A_385 = arith.constant 0 : i32
    %dma_wait3A_386 = tpu.memref_slice %arg8[%dma_wait3A_384, %dma_wait3A_385] : memref<64x129xf32, #tpu.memory_space<vmem>> -> memref<8x128xf32, #tpu.memory_space<vmem>>
    %dma_wait3A_387 = arith.constant 0 : i32
    %dma_wait3A_388 = arith.constant 0 : i32
    %dma_wait3A_389 = tpu.memref_slice %arg4[%dma_wait3A_381, %dma_wait3A_382, %dma_wait3A_383, %dma_wait3A_387, %dma_wait3A_388] : memref<200x8x32x8x128xf32, #tpu.memory_space<hbm>> -> memref<1x1x1x8x128xf32, #tpu.memory_space<hbm>>
    %dma_wait3A_390 = tpu.memref_squeeze %dma_wait3A_389 : memref<1x1x1x8x128xf32, #tpu.memory_space<hbm>> -> memref<8x128xf32, #tpu.memory_space<hbm>>
    %dma_wait3A_391 = arith.constant 0 : i32
    %dma_wait3A_392 = arith.constant 0 : i32
    %dma_wait3A_393 = tpu.memref_slice %arg4[%dma_wait3A_381, %dma_wait3A_382, %dma_wait3A_383, %dma_wait3A_391, %dma_wait3A_392] : memref<200x8x32x8x128xf32, #tpu.memory_space<hbm>> -> memref<1x1x1x8x128xf32, #tpu.memory_space<hbm>>
    %dma_wait3A_394 = tpu.memref_squeeze %dma_wait3A_393 : memref<1x1x1x8x128xf32, #tpu.memory_space<hbm>> -> memref<8x128xf32, #tpu.memory_space<hbm>>
    %dma_wait3A_395 = arith.constant 0 : i32
    %dma_wait3A_396 = arith.constant 0 : i32
    %dma_wait3A_397 = tpu.memref_slice %arg8[%dma_wait3A_395, %dma_wait3A_396] : memref<64x129xf32, #tpu.memory_space<vmem>> -> memref<8x128xf32, #tpu.memory_space<vmem>>
    tpu.wait_dma2 semaphore(%arg12 : memref<!tpu.dma_semaphore, #tpu.memory_space<semaphore_mem>>) src(%dma_wait3A_397 : memref<8x128xf32, #tpu.memory_space<vmem>>) dst(%dma_wait3A_394 : memref<8x128xf32, #tpu.memory_space<hbm>>)
    %dma_wait3A_398 = arith.constant 0 : i32
    %dma_wait3A_399 = arith.constant 0 : i32
    %dma_wait3A_400 = arith.constant 0 : i32
    %dma_wait3A_401 = arith.constant 8 : i32
    %dma_wait3A_402 = arith.constant 0 : i32
    %dma_wait3A_403 = tpu.memref_slice %arg8[%dma_wait3A_401, %dma_wait3A_402] : memref<64x129xf32, #tpu.memory_space<vmem>> -> memref<8x128xf32, #tpu.memory_space<vmem>>
    %dma_wait3A_404 = arith.constant 0 : i32
    %dma_wait3A_405 = arith.constant 0 : i32
    %dma_wait3A_406 = tpu.memref_slice %arg4[%dma_wait3A_398, %dma_wait3A_399, %dma_wait3A_400, %dma_wait3A_404, %dma_wait3A_405] : memref<200x8x32x8x128xf32, #tpu.memory_space<hbm>> -> memref<1x1x1x8x128xf32, #tpu.memory_space<hbm>>
    %dma_wait3A_407 = tpu.memref_squeeze %dma_wait3A_406 : memref<1x1x1x8x128xf32, #tpu.memory_space<hbm>> -> memref<8x128xf32, #tpu.memory_space<hbm>>
    %dma_wait3A_408 = arith.constant 0 : i32
    %dma_wait3A_409 = arith.constant 0 : i32
    %dma_wait3A_410 = tpu.memref_slice %arg4[%dma_wait3A_398, %dma_wait3A_399, %dma_wait3A_400, %dma_wait3A_408, %dma_wait3A_409] : memref<200x8x32x8x128xf32, #tpu.memory_space<hbm>> -> memref<1x1x1x8x128xf32, #tpu.memory_space<hbm>>
    %dma_wait3A_411 = tpu.memref_squeeze %dma_wait3A_410 : memref<1x1x1x8x128xf32, #tpu.memory_space<hbm>> -> memref<8x128xf32, #tpu.memory_space<hbm>>
    %dma_wait3A_412 = arith.constant 8 : i32
    %dma_wait3A_413 = arith.constant 0 : i32
    %dma_wait3A_414 = tpu.memref_slice %arg8[%dma_wait3A_412, %dma_wait3A_413] : memref<64x129xf32, #tpu.memory_space<vmem>> -> memref<8x128xf32, #tpu.memory_space<vmem>>
    tpu.wait_dma2 semaphore(%arg12 : memref<!tpu.dma_semaphore, #tpu.memory_space<semaphore_mem>>) src(%dma_wait3A_414 : memref<8x128xf32, #tpu.memory_space<vmem>>) dst(%dma_wait3A_411 : memref<8x128xf32, #tpu.memory_space<hbm>>)
    %dma_wait3A_415 = arith.constant 0 : i32
    %dma_wait3A_416 = arith.constant 0 : i32
    %dma_wait3A_417 = arith.constant 0 : i32
    %dma_wait3A_418 = arith.constant 16 : i32
    %dma_wait3A_419 = arith.constant 0 : i32
    %dma_wait3A_420 = tpu.memref_slice %arg8[%dma_wait3A_418, %dma_wait3A_419] : memref<64x129xf32, #tpu.memory_space<vmem>> -> memref<8x128xf32, #tpu.memory_space<vmem>>
    %dma_wait3A_421 = arith.constant 0 : i32
    %dma_wait3A_422 = arith.constant 0 : i32
    %dma_wait3A_423 = tpu.memref_slice %arg4[%dma_wait3A_415, %dma_wait3A_416, %dma_wait3A_417, %dma_wait3A_421, %dma_wait3A_422] : memref<200x8x32x8x128xf32, #tpu.memory_space<hbm>> -> memref<1x1x1x8x128xf32, #tpu.memory_space<hbm>>
    %dma_wait3A_424 = tpu.memref_squeeze %dma_wait3A_423 : memref<1x1x1x8x128xf32, #tpu.memory_space<hbm>> -> memref<8x128xf32, #tpu.memory_space<hbm>>
    %dma_wait3A_425 = arith.constant 0 : i32
    %dma_wait3A_426 = arith.constant 0 : i32
    %dma_wait3A_427 = tpu.memref_slice %arg4[%dma_wait3A_415, %dma_wait3A_416, %dma_wait3A_417, %dma_wait3A_425, %dma_wait3A_426] : memref<200x8x32x8x128xf32, #tpu.memory_space<hbm>> -> memref<1x1x1x8x128xf32, #tpu.memory_space<hbm>>
    %dma_wait3A_428 = tpu.memref_squeeze %dma_wait3A_427 : memref<1x1x1x8x128xf32, #tpu.memory_space<hbm>> -> memref<8x128xf32, #tpu.memory_space<hbm>>
    %dma_wait3A_429 = arith.constant 16 : i32
    %dma_wait3A_430 = arith.constant 0 : i32
    %dma_wait3A_431 = tpu.memref_slice %arg8[%dma_wait3A_429, %dma_wait3A_430] : memref<64x129xf32, #tpu.memory_space<vmem>> -> memref<8x128xf32, #tpu.memory_space<vmem>>
    tpu.wait_dma2 semaphore(%arg12 : memref<!tpu.dma_semaphore, #tpu.memory_space<semaphore_mem>>) src(%dma_wait3A_431 : memref<8x128xf32, #tpu.memory_space<vmem>>) dst(%dma_wait3A_428 : memref<8x128xf32, #tpu.memory_space<hbm>>)
    %dma_wait3A_432 = arith.constant 0 : i32
    %dma_wait3A_433 = arith.constant 0 : i32
    %dma_wait3A_434 = arith.constant 0 : i32
    %dma_wait3A_435 = arith.constant 24 : i32
    %dma_wait3A_436 = arith.constant 0 : i32
    %dma_wait3A_437 = tpu.memref_slice %arg8[%dma_wait3A_435, %dma_wait3A_436] : memref<64x129xf32, #tpu.memory_space<vmem>> -> memref<8x128xf32, #tpu.memory_space<vmem>>
    %dma_wait3A_438 = arith.constant 0 : i32
    %dma_wait3A_439 = arith.constant 0 : i32
    %dma_wait3A_440 = tpu.memref_slice %arg4[%dma_wait3A_432, %dma_wait3A_433, %dma_wait3A_434, %dma_wait3A_438, %dma_wait3A_439] : memref<200x8x32x8x128xf32, #tpu.memory_space<hbm>> -> memref<1x1x1x8x128xf32, #tpu.memory_space<hbm>>
    %dma_wait3A_441 = tpu.memref_squeeze %dma_wait3A_440 : memref<1x1x1x8x128xf32, #tpu.memory_space<hbm>> -> memref<8x128xf32, #tpu.memory_space<hbm>>
    %dma_wait3A_442 = arith.constant 0 : i32
    %dma_wait3A_443 = arith.constant 0 : i32
    %dma_wait3A_444 = tpu.memref_slice %arg4[%dma_wait3A_432, %dma_wait3A_433, %dma_wait3A_434, %dma_wait3A_442, %dma_wait3A_443] : memref<200x8x32x8x128xf32, #tpu.memory_space<hbm>> -> memref<1x1x1x8x128xf32, #tpu.memory_space<hbm>>
    %dma_wait3A_445 = tpu.memref_squeeze %dma_wait3A_444 : memref<1x1x1x8x128xf32, #tpu.memory_space<hbm>> -> memref<8x128xf32, #tpu.memory_space<hbm>>
    %dma_wait3A_446 = arith.constant 24 : i32
    %dma_wait3A_447 = arith.constant 0 : i32
    %dma_wait3A_448 = tpu.memref_slice %arg8[%dma_wait3A_446, %dma_wait3A_447] : memref<64x129xf32, #tpu.memory_space<vmem>> -> memref<8x128xf32, #tpu.memory_space<vmem>>
    tpu.wait_dma2 semaphore(%arg12 : memref<!tpu.dma_semaphore, #tpu.memory_space<semaphore_mem>>) src(%dma_wait3A_448 : memref<8x128xf32, #tpu.memory_space<vmem>>) dst(%dma_wait3A_445 : memref<8x128xf32, #tpu.memory_space<hbm>>)
    %dma_wait3A_449 = arith.constant 0 : i32
    %dma_wait3A_450 = arith.constant 0 : i32
    %dma_wait3A_451 = arith.constant 0 : i32
    %dma_wait3A_452 = arith.constant 32 : i32
    %dma_wait3A_453 = arith.constant 0 : i32
    %dma_wait3A_454 = tpu.memref_slice %arg8[%dma_wait3A_452, %dma_wait3A_453] : memref<64x129xf32, #tpu.memory_space<vmem>> -> memref<8x128xf32, #tpu.memory_space<vmem>>
    %dma_wait3A_455 = arith.constant 0 : i32
    %dma_wait3A_456 = arith.constant 0 : i32
    %dma_wait3A_457 = tpu.memref_slice %arg4[%dma_wait3A_449, %dma_wait3A_450, %dma_wait3A_451, %dma_wait3A_455, %dma_wait3A_456] : memref<200x8x32x8x128xf32, #tpu.memory_space<hbm>> -> memref<1x1x1x8x128xf32, #tpu.memory_space<hbm>>
    %dma_wait3A_458 = tpu.memref_squeeze %dma_wait3A_457 : memref<1x1x1x8x128xf32, #tpu.memory_space<hbm>> -> memref<8x128xf32, #tpu.memory_space<hbm>>
    %dma_wait3A_459 = arith.constant 0 : i32
    %dma_wait3A_460 = arith.constant 0 : i32
    %dma_wait3A_461 = tpu.memref_slice %arg4[%dma_wait3A_449, %dma_wait3A_450, %dma_wait3A_451, %dma_wait3A_459, %dma_wait3A_460] : memref<200x8x32x8x128xf32, #tpu.memory_space<hbm>> -> memref<1x1x1x8x128xf32, #tpu.memory_space<hbm>>
    %dma_wait3A_462 = tpu.memref_squeeze %dma_wait3A_461 : memref<1x1x1x8x128xf32, #tpu.memory_space<hbm>> -> memref<8x128xf32, #tpu.memory_space<hbm>>
    %dma_wait3A_463 = arith.constant 32 : i32
    %dma_wait3A_464 = arith.constant 0 : i32
    %dma_wait3A_465 = tpu.memref_slice %arg8[%dma_wait3A_463, %dma_wait3A_464] : memref<64x129xf32, #tpu.memory_space<vmem>> -> memref<8x128xf32, #tpu.memory_space<vmem>>
    tpu.wait_dma2 semaphore(%arg12 : memref<!tpu.dma_semaphore, #tpu.memory_space<semaphore_mem>>) src(%dma_wait3A_465 : memref<8x128xf32, #tpu.memory_space<vmem>>) dst(%dma_wait3A_462 : memref<8x128xf32, #tpu.memory_space<hbm>>)
    %dma_wait3A_466 = arith.constant 0 : i32
    %dma_wait3A_467 = arith.constant 0 : i32
    %dma_wait3A_468 = arith.constant 0 : i32
    %dma_wait3A_469 = arith.constant 40 : i32
    %dma_wait3A_470 = arith.constant 0 : i32
    %dma_wait3A_471 = tpu.memref_slice %arg8[%dma_wait3A_469, %dma_wait3A_470] : memref<64x129xf32, #tpu.memory_space<vmem>> -> memref<8x128xf32, #tpu.memory_space<vmem>>
    %dma_wait3A_472 = arith.constant 0 : i32
    %dma_wait3A_473 = arith.constant 0 : i32
    %dma_wait3A_474 = tpu.memref_slice %arg4[%dma_wait3A_466, %dma_wait3A_467, %dma_wait3A_468, %dma_wait3A_472, %dma_wait3A_473] : memref<200x8x32x8x128xf32, #tpu.memory_space<hbm>> -> memref<1x1x1x8x128xf32, #tpu.memory_space<hbm>>
    %dma_wait3A_475 = tpu.memref_squeeze %dma_wait3A_474 : memref<1x1x1x8x128xf32, #tpu.memory_space<hbm>> -> memref<8x128xf32, #tpu.memory_space<hbm>>
    %dma_wait3A_476 = arith.constant 0 : i32
    %dma_wait3A_477 = arith.constant 0 : i32
    %dma_wait3A_478 = tpu.memref_slice %arg4[%dma_wait3A_466, %dma_wait3A_467, %dma_wait3A_468, %dma_wait3A_476, %dma_wait3A_477] : memref<200x8x32x8x128xf32, #tpu.memory_space<hbm>> -> memref<1x1x1x8x128xf32, #tpu.memory_space<hbm>>
    %dma_wait3A_479 = tpu.memref_squeeze %dma_wait3A_478 : memref<1x1x1x8x128xf32, #tpu.memory_space<hbm>> -> memref<8x128xf32, #tpu.memory_space<hbm>>
    %dma_wait3A_480 = arith.constant 40 : i32
    %dma_wait3A_481 = arith.constant 0 : i32
    %dma_wait3A_482 = tpu.memref_slice %arg8[%dma_wait3A_480, %dma_wait3A_481] : memref<64x129xf32, #tpu.memory_space<vmem>> -> memref<8x128xf32, #tpu.memory_space<vmem>>
    tpu.wait_dma2 semaphore(%arg12 : memref<!tpu.dma_semaphore, #tpu.memory_space<semaphore_mem>>) src(%dma_wait3A_482 : memref<8x128xf32, #tpu.memory_space<vmem>>) dst(%dma_wait3A_479 : memref<8x128xf32, #tpu.memory_space<hbm>>)
    %dma_wait3A_483 = arith.constant 0 : i32
    %dma_wait3A_484 = arith.constant 0 : i32
    %dma_wait3A_485 = arith.constant 0 : i32
    %dma_wait3A_486 = arith.constant 48 : i32
    %dma_wait3A_487 = arith.constant 0 : i32
    %dma_wait3A_488 = tpu.memref_slice %arg8[%dma_wait3A_486, %dma_wait3A_487] : memref<64x129xf32, #tpu.memory_space<vmem>> -> memref<8x128xf32, #tpu.memory_space<vmem>>
    %dma_wait3A_489 = arith.constant 0 : i32
    %dma_wait3A_490 = arith.constant 0 : i32
    %dma_wait3A_491 = tpu.memref_slice %arg4[%dma_wait3A_483, %dma_wait3A_484, %dma_wait3A_485, %dma_wait3A_489, %dma_wait3A_490] : memref<200x8x32x8x128xf32, #tpu.memory_space<hbm>> -> memref<1x1x1x8x128xf32, #tpu.memory_space<hbm>>
    %dma_wait3A_492 = tpu.memref_squeeze %dma_wait3A_491 : memref<1x1x1x8x128xf32, #tpu.memory_space<hbm>> -> memref<8x128xf32, #tpu.memory_space<hbm>>
    %dma_wait3A_493 = arith.constant 0 : i32
    %dma_wait3A_494 = arith.constant 0 : i32
    %dma_wait3A_495 = tpu.memref_slice %arg4[%dma_wait3A_483, %dma_wait3A_484, %dma_wait3A_485, %dma_wait3A_493, %dma_wait3A_494] : memref<200x8x32x8x128xf32, #tpu.memory_space<hbm>> -> memref<1x1x1x8x128xf32, #tpu.memory_space<hbm>>
    %dma_wait3A_496 = tpu.memref_squeeze %dma_wait3A_495 : memref<1x1x1x8x128xf32, #tpu.memory_space<hbm>> -> memref<8x128xf32, #tpu.memory_space<hbm>>
    %dma_wait3A_497 = arith.constant 48 : i32
    %dma_wait3A_498 = arith.constant 0 : i32
    %dma_wait3A_499 = tpu.memref_slice %arg8[%dma_wait3A_497, %dma_wait3A_498] : memref<64x129xf32, #tpu.memory_space<vmem>> -> memref<8x128xf32, #tpu.memory_space<vmem>>
    tpu.wait_dma2 semaphore(%arg12 : memref<!tpu.dma_semaphore, #tpu.memory_space<semaphore_mem>>) src(%dma_wait3A_499 : memref<8x128xf32, #tpu.memory_space<vmem>>) dst(%dma_wait3A_496 : memref<8x128xf32, #tpu.memory_space<hbm>>)
    %dma_wait3A_500 = arith.constant 0 : i32
    %dma_wait3A_501 = arith.constant 0 : i32
    %dma_wait3A_502 = arith.constant 0 : i32
    %dma_wait3A_503 = arith.constant 56 : i32
    %dma_wait3A_504 = arith.constant 0 : i32
    %dma_wait3A_505 = tpu.memref_slice %arg8[%dma_wait3A_503, %dma_wait3A_504] : memref<64x129xf32, #tpu.memory_space<vmem>> -> memref<8x128xf32, #tpu.memory_space<vmem>>
    %dma_wait3A_506 = arith.constant 0 : i32
    %dma_wait3A_507 = arith.constant 0 : i32
    %dma_wait3A_508 = tpu.memref_slice %arg4[%dma_wait3A_500, %dma_wait3A_501, %dma_wait3A_502, %dma_wait3A_506, %dma_wait3A_507] : memref<200x8x32x8x128xf32, #tpu.memory_space<hbm>> -> memref<1x1x1x8x128xf32, #tpu.memory_space<hbm>>
    %dma_wait3A_509 = tpu.memref_squeeze %dma_wait3A_508 : memref<1x1x1x8x128xf32, #tpu.memory_space<hbm>> -> memref<8x128xf32, #tpu.memory_space<hbm>>
    %dma_wait3A_510 = arith.constant 0 : i32
    %dma_wait3A_511 = arith.constant 0 : i32
    %dma_wait3A_512 = tpu.memref_slice %arg4[%dma_wait3A_500, %dma_wait3A_501, %dma_wait3A_502, %dma_wait3A_510, %dma_wait3A_511] : memref<200x8x32x8x128xf32, #tpu.memory_space<hbm>> -> memref<1x1x1x8x128xf32, #tpu.memory_space<hbm>>
    %dma_wait3A_513 = tpu.memref_squeeze %dma_wait3A_512 : memref<1x1x1x8x128xf32, #tpu.memory_space<hbm>> -> memref<8x128xf32, #tpu.memory_space<hbm>>
    %dma_wait3A_514 = arith.constant 56 : i32
    %dma_wait3A_515 = arith.constant 0 : i32
    %dma_wait3A_516 = tpu.memref_slice %arg8[%dma_wait3A_514, %dma_wait3A_515] : memref<64x129xf32, #tpu.memory_space<vmem>> -> memref<8x128xf32, #tpu.memory_space<vmem>>
    tpu.wait_dma2 semaphore(%arg12 : memref<!tpu.dma_semaphore, #tpu.memory_space<semaphore_mem>>) src(%dma_wait3A_516 : memref<8x128xf32, #tpu.memory_space<vmem>>) dst(%dma_wait3A_513 : memref<8x128xf32, #tpu.memory_space<hbm>>)
    %scan3A_517 = arith.constant 0 : i32
    %scan3A_518 = arith.constant 0 : i32
    %scan3A_519 = arith.constant 128 : i32
    %scan3A_520 = arith.addi %scan3A_518, %scan3A_519 : i32
    %scan3A_521 = arith.constant 2 : i32
    %scan3A_522 = scf.for %scan3A_1269 = %scan3A_518 to %scan3A_520 step %scan3A_521 iter_args(%scan3A_1270 = %scan3A_517) -> (i32)  : i32 {
      %broadcast_in_dim3A = arith.constant 0 : i32
      %broadcast_in_dim3A_1271 = vector.broadcast %broadcast_in_dim3A : i32 to vector<16xi32>
      %add3A_1272 = vector.broadcast %scan3A_1269 : i32 to vector<16xi32>
      %add3A_1273 = arith.addi %broadcast_in_dim3A_1271, %add3A_1272 : vector<16xi32>
      %get3A = arith.index_cast %scan3A_1269 : i32 to index
      %get3A_1274 = arith.constant 0 : index
      %get3A_1275 = tpu.vector_load %arg6[%get3A, %get3A_1274] {strides = array<i32>} : memref<128x64xf32, #tpu.memory_space<vmem>>, vector<16xf32>,
      %add3A_1276 = arith.constant 0 : i32
      %add3A_1277 = vector.broadcast %add3A_1276 : i32 to vector<16xi32>
      %add3A_1278 = arith.addi %iota3A, %add3A_1277 : vector<16xi32>
      tpu.vector_store_idx %arg8[%add3A_1278, %add3A_1273], %get3A_1275 : memref<64x129xf32, #tpu.memory_space<vmem>>[vector<16xi32>, vector<16xi32>], vector<16xf32>,
      %get3A_1279 = arith.index_cast %scan3A_1269 : i32 to index
      %get3A_1280 = arith.constant 16 : index
      %get3A_1281 = tpu.vector_load %arg6[%get3A_1279, %get3A_1280] {strides = array<i32>} : memref<128x64xf32, #tpu.memory_space<vmem>>, vector<16xf32>,
      %add3A_1282 = arith.constant 16 : i32
      %add3A_1283 = vector.broadcast %add3A_1282 : i32 to vector<16xi32>
      %add3A_1284 = arith.addi %iota3A, %add3A_1283 : vector<16xi32>
      tpu.vector_store_idx %arg8[%add3A_1284, %add3A_1273], %get3A_1281 : memref<64x129xf32, #tpu.memory_space<vmem>>[vector<16xi32>, vector<16xi32>], vector<16xf32>,
      %get3A_1285 = arith.index_cast %scan3A_1269 : i32 to index
      %get3A_1286 = arith.constant 32 : index
      %get3A_1287 = tpu.vector_load %arg6[%get3A_1285, %get3A_1286] {strides = array<i32>} : memref<128x64xf32, #tpu.memory_space<vmem>>, vector<16xf32>,
      %add3A_1288 = arith.constant 32 : i32
      %add3A_1289 = vector.broadcast %add3A_1288 : i32 to vector<16xi32>
      %add3A_1290 = arith.addi %iota3A, %add3A_1289 : vector<16xi32>
      tpu.vector_store_idx %arg8[%add3A_1290, %add3A_1273], %get3A_1287 : memref<64x129xf32, #tpu.memory_space<vmem>>[vector<16xi32>, vector<16xi32>], vector<16xf32>,
      %get3A_1291 = arith.index_cast %scan3A_1269 : i32 to index
      %get3A_1292 = arith.constant 48 : index
      %get3A_1293 = tpu.vector_load %arg6[%get3A_1291, %get3A_1292] {strides = array<i32>} : memref<128x64xf32, #tpu.memory_space<vmem>>, vector<16xf32>,
      %add3A_1294 = arith.constant 48 : i32
      %add3A_1295 = vector.broadcast %add3A_1294 : i32 to vector<16xi32>
      %add3A_1296 = arith.addi %iota3A, %add3A_1295 : vector<16xi32>
      tpu.vector_store_idx %arg8[%add3A_1296, %add3A_1273], %get3A_1293 : memref<64x129xf32, #tpu.memory_space<vmem>>[vector<16xi32>, vector<16xi32>], vector<16xf32>,
      %scan3A_1297 = arith.constant 0 : i32
      %scan3A_1298 = arith.constant 1 : i32
      %scan3A_1299 = arith.addi %scan3A_1269, %scan3A_1298 : i32
      %broadcast_in_dim3A_1300 = arith.constant 0 : i32
      %broadcast_in_dim3A_1301 = vector.broadcast %broadcast_in_dim3A_1300 : i32 to vector<16xi32>
      %add3A_1302 = vector.broadcast %scan3A_1299 : i32 to vector<16xi32>
      %add3A_1303 = arith.addi %broadcast_in_dim3A_1301, %add3A_1302 : vector<16xi32>
      %get3A_1304 = arith.index_cast %scan3A_1299 : i32 to index
      %get3A_1305 = arith.constant 0 : index
      %get3A_1306 = tpu.vector_load %arg6[%get3A_1304, %get3A_1305] {strides = array<i32>} : memref<128x64xf32, #tpu.memory_space<vmem>>, vector<16xf32>,
      %add3A_1307 = arith.constant 0 : i32
      %add3A_1308 = vector.broadcast %add3A_1307 : i32 to vector<16xi32>
      %add3A_1309 = arith.addi %iota3A, %add3A_1308 : vector<16xi32>
      tpu.vector_store_idx %arg8[%add3A_1309, %add3A_1303], %get3A_1306 : memref<64x129xf32, #tpu.memory_space<vmem>>[vector<16xi32>, vector<16xi32>], vector<16xf32>,
      %get3A_1310 = arith.index_cast %scan3A_1299 : i32 to index
      %get3A_1311 = arith.constant 16 : index
      %get3A_1312 = tpu.vector_load %arg6[%get3A_1310, %get3A_1311] {strides = array<i32>} : memref<128x64xf32, #tpu.memory_space<vmem>>, vector<16xf32>,
      %add3A_1313 = arith.constant 16 : i32
      %add3A_1314 = vector.broadcast %add3A_1313 : i32 to vector<16xi32>
      %add3A_1315 = arith.addi %iota3A, %add3A_1314 : vector<16xi32>
      tpu.vector_store_idx %arg8[%add3A_1315, %add3A_1303], %get3A_1312 : memref<64x129xf32, #tpu.memory_space<vmem>>[vector<16xi32>, vector<16xi32>], vector<16xf32>,
      %get3A_1316 = arith.index_cast %scan3A_1299 : i32 to index
      %get3A_1317 = arith.constant 32 : index
      %get3A_1318 = tpu.vector_load %arg6[%get3A_1316, %get3A_1317] {strides = array<i32>} : memref<128x64xf32, #tpu.memory_space<vmem>>, vector<16xf32>,
      %add3A_1319 = arith.constant 32 : i32
      %add3A_1320 = vector.broadcast %add3A_1319 : i32 to vector<16xi32>
      %add3A_1321 = arith.addi %iota3A, %add3A_1320 : vector<16xi32>
      tpu.vector_store_idx %arg8[%add3A_1321, %add3A_1303], %get3A_1318 : memref<64x129xf32, #tpu.memory_space<vmem>>[vector<16xi32>, vector<16xi32>], vector<16xf32>,
      %get3A_1322 = arith.index_cast %scan3A_1299 : i32 to index
      %get3A_1323 = arith.constant 48 : index
      %get3A_1324 = tpu.vector_load %arg6[%get3A_1322, %get3A_1323] {strides = array<i32>} : memref<128x64xf32, #tpu.memory_space<vmem>>, vector<16xf32>,
      %add3A_1325 = arith.constant 48 : i32
      %add3A_1326 = vector.broadcast %add3A_1325 : i32 to vector<16xi32>
      %add3A_1327 = arith.addi %iota3A, %add3A_1326 : vector<16xi32>
      tpu.vector_store_idx %arg8[%add3A_1327, %add3A_1303], %get3A_1324 : memref<64x129xf32, #tpu.memory_space<vmem>>[vector<16xi32>, vector<16xi32>], vector<16xf32>,
      %scan3A_1328 = arith.constant 0 : i32
      scf.yield %scan3A_1328 : i32
    }
    %scan3A_523 = arith.constant 128 : i32
    %add3A_524 = arith.constant 198 : i32
    %add3A_525 = arith.addi %mul3A_2, %add3A_524 : i32
    %jit3A_526 = arith.constant 32 : i32
    %div3A_527 = arith.divsi %add3A_525, %jit3A_526 : i32
    %sign3A_528 = arith.constant 0 : i32
    %sign3A_529 = arith.cmpi sgt, %add3A_525, %sign3A_528 : i32
    %sign3A_530 = arith.extui %sign3A_529 : i1 to i32
    %sign3A_531 = arith.constant 0 : i32
    %sign3A_532 = arith.cmpi slt, %add3A_525, %sign3A_531 : i32
    %sign3A_533 = arith.extui %sign3A_532 : i1 to i32
    %sign3A_534 = arith.subi %sign3A_530, %sign3A_533 : i32
    %sign3A_535 = arith.constant 0 : i32
    %sign3A_536 = arith.cmpi sgt, %jit3A_526, %sign3A_535 : i32
    %sign3A_537 = arith.extui %sign3A_536 : i1 to i32
    %sign3A_538 = arith.constant 0 : i32
    %sign3A_539 = arith.cmpi slt, %jit3A_526, %sign3A_538 : i32
    %sign3A_540 = arith.extui %sign3A_539 : i1 to i32
    %sign3A_541 = arith.subi %sign3A_537, %sign3A_540 : i32
    %ne3A_542 = arith.cmpi ne, %sign3A_534, %sign3A_541 : i32
    %rem3A_543 = arith.remsi %add3A_525, %jit3A_526 : i32
    %ne3A_544 = arith.constant 0 : i32
    %ne3A_545 = arith.cmpi ne, %rem3A_543, %ne3A_544 : i32
    %and3A_546 = arith.andi %ne3A_542, %ne3A_545 : i1
    %sub3A_547 = arith.constant 1 : i32
    %sub3A_548 = arith.subi %div3A_527, %sub3A_547 : i32
    %select_n3A_549 = arith.select %and3A_546, %sub3A_548, %div3A_527 : i32
    %jit3A_550 = arith.constant 32 : i32
    %eq3A_551 = arith.constant 0 : i32
    %eq3A_552 = arith.cmpi eq, %jit3A_550, %eq3A_551 : i32
    %jit3A_553 = arith.constant 1 : i32
    %select_n3A_554 = arith.select %eq3A_552, %jit3A_553, %jit3A_550 : i32
    %rem3A_555 = arith.remsi %add3A_525, %select_n3A_554 : i32
    %ne3A_556 = arith.constant 0 : i32
    %ne3A_557 = arith.cmpi ne, %rem3A_555, %ne3A_556 : i32
    %lt3A_558 = arith.constant 0 : i32
    %lt3A_559 = arith.cmpi slt, %rem3A_555, %lt3A_558 : i32
    %lt3A_560 = arith.constant 0 : i32
    %lt3A_561 = arith.cmpi slt, %select_n3A_554, %lt3A_560 : i32
    %ne3A_562 = arith.xori %lt3A_559, %lt3A_561 : i1
    %and3A_563 = arith.andi %ne3A_562, %ne3A_557 : i1
    %add3A_564 = arith.addi %rem3A_555, %select_n3A_554 : i32
    %select_n3A_565 = arith.select %and3A_563, %add3A_564, %rem3A_555 : i32
    %dma_start3A_566 = arith.constant 0 : i32
    %dma_start3A_567 = arith.constant 0 : i32
    %dma_start3A_568 = arith.constant 0 : i32
    %dma_start3A_569 = tpu.memref_slice %arg8[%dma_start3A_567, %dma_start3A_568] : memref<64x129xf32, #tpu.memory_space<vmem>> -> memref<8x128xf32, #tpu.memory_space<vmem>>
    %dma_start3A_570 = arith.constant 0 : i32
    %dma_start3A_571 = arith.constant 0 : i32
    %dma_start3A_572 = tpu.memref_slice %arg4[%select_n3A_549, %dma_start3A_566, %select_n3A_565, %dma_start3A_570, %dma_start3A_571] : memref<200x8x32x8x128xf32, #tpu.memory_space<hbm>> -> memref<1x1x1x8x128xf32, #tpu.memory_space<hbm>>
    %dma_start3A_573 = tpu.memref_squeeze %dma_start3A_572 : memref<1x1x1x8x128xf32, #tpu.memory_space<hbm>> -> memref<8x128xf32, #tpu.memory_space<hbm>>
    %dma_start3A_574 = arith.constant 0 : i32
    %dma_start3A_575 = arith.constant 0 : i32
    %dma_start3A_576 = tpu.memref_slice %arg4[%select_n3A_549, %dma_start3A_566, %select_n3A_565, %dma_start3A_574, %dma_start3A_575] : memref<200x8x32x8x128xf32, #tpu.memory_space<hbm>> -> memref<1x1x1x8x128xf32, #tpu.memory_space<hbm>>
    %dma_start3A_577 = tpu.memref_squeeze %dma_start3A_576 : memref<1x1x1x8x128xf32, #tpu.memory_space<hbm>> -> memref<8x128xf32, #tpu.memory_space<hbm>>
    %dma_start3A_578 = arith.constant 0 : i32
    %dma_start3A_579 = arith.constant 0 : i32
    %dma_start3A_580 = tpu.memref_slice %arg8[%dma_start3A_578, %dma_start3A_579] : memref<64x129xf32, #tpu.memory_space<vmem>> -> memref<8x128xf32, #tpu.memory_space<vmem>>
    tpu.enqueue_dma source(%dma_start3A_580 : memref<8x128xf32, #tpu.memory_space<vmem>>) target(%dma_start3A_577 : memref<8x128xf32, #tpu.memory_space<hbm>>) target_semaphore(%arg12 : memref<!tpu.dma_semaphore, #tpu.memory_space<semaphore_mem>>)
    %dma_start3A_581 = arith.constant 1 : i32
    %dma_start3A_582 = arith.constant 8 : i32
    %dma_start3A_583 = arith.constant 0 : i32
    %dma_start3A_584 = tpu.memref_slice %arg8[%dma_start3A_582, %dma_start3A_583] : memref<64x129xf32, #tpu.memory_space<vmem>> -> memref<8x128xf32, #tpu.memory_space<vmem>>
    %dma_start3A_585 = arith.constant 0 : i32
    %dma_start3A_586 = arith.constant 0 : i32
    %dma_start3A_587 = tpu.memref_slice %arg4[%select_n3A_549, %dma_start3A_581, %select_n3A_565, %dma_start3A_585, %dma_start3A_586] : memref<200x8x32x8x128xf32, #tpu.memory_space<hbm>> -> memref<1x1x1x8x128xf32, #tpu.memory_space<hbm>>
    %dma_start3A_588 = tpu.memref_squeeze %dma_start3A_587 : memref<1x1x1x8x128xf32, #tpu.memory_space<hbm>> -> memref<8x128xf32, #tpu.memory_space<hbm>>
    %dma_start3A_589 = arith.constant 0 : i32
    %dma_start3A_590 = arith.constant 0 : i32
    %dma_start3A_591 = tpu.memref_slice %arg4[%select_n3A_549, %dma_start3A_581, %select_n3A_565, %dma_start3A_589, %dma_start3A_590] : memref<200x8x32x8x128xf32, #tpu.memory_space<hbm>> -> memref<1x1x1x8x128xf32, #tpu.memory_space<hbm>>
    %dma_start3A_592 = tpu.memref_squeeze %dma_start3A_591 : memref<1x1x1x8x128xf32, #tpu.memory_space<hbm>> -> memref<8x128xf32, #tpu.memory_space<hbm>>
    %dma_start3A_593 = arith.constant 8 : i32
    %dma_start3A_594 = arith.constant 0 : i32
    %dma_start3A_595 = tpu.memref_slice %arg8[%dma_start3A_593, %dma_start3A_594] : memref<64x129xf32, #tpu.memory_space<vmem>> -> memref<8x128xf32, #tpu.memory_space<vmem>>
    tpu.enqueue_dma source(%dma_start3A_595 : memref<8x128xf32, #tpu.memory_space<vmem>>) target(%dma_start3A_592 : memref<8x128xf32, #tpu.memory_space<hbm>>) target_semaphore(%arg12 : memref<!tpu.dma_semaphore, #tpu.memory_space<semaphore_mem>>)
    %dma_start3A_596 = arith.constant 2 : i32
    %dma_start3A_597 = arith.constant 16 : i32
    %dma_start3A_598 = arith.constant 0 : i32
    %dma_start3A_599 = tpu.memref_slice %arg8[%dma_start3A_597, %dma_start3A_598] : memref<64x129xf32, #tpu.memory_space<vmem>> -> memref<8x128xf32, #tpu.memory_space<vmem>>
    %dma_start3A_600 = arith.constant 0 : i32
    %dma_start3A_601 = arith.constant 0 : i32
    %dma_start3A_602 = tpu.memref_slice %arg4[%select_n3A_549, %dma_start3A_596, %select_n3A_565, %dma_start3A_600, %dma_start3A_601] : memref<200x8x32x8x128xf32, #tpu.memory_space<hbm>> -> memref<1x1x1x8x128xf32, #tpu.memory_space<hbm>>
    %dma_start3A_603 = tpu.memref_squeeze %dma_start3A_602 : memref<1x1x1x8x128xf32, #tpu.memory_space<hbm>> -> memref<8x128xf32, #tpu.memory_space<hbm>>
    %dma_start3A_604 = arith.constant 0 : i32
    %dma_start3A_605 = arith.constant 0 : i32
    %dma_start3A_606 = tpu.memref_slice %arg4[%select_n3A_549, %dma_start3A_596, %select_n3A_565, %dma_start3A_604, %dma_start3A_605] : memref<200x8x32x8x128xf32, #tpu.memory_space<hbm>> -> memref<1x1x1x8x128xf32, #tpu.memory_space<hbm>>
    %dma_start3A_607 = tpu.memref_squeeze %dma_start3A_606 : memref<1x1x1x8x128xf32, #tpu.memory_space<hbm>> -> memref<8x128xf32, #tpu.memory_space<hbm>>
    %dma_start3A_608 = arith.constant 16 : i32
    %dma_start3A_609 = arith.constant 0 : i32
    %dma_start3A_610 = tpu.memref_slice %arg8[%dma_start3A_608, %dma_start3A_609] : memref<64x129xf32, #tpu.memory_space<vmem>> -> memref<8x128xf32, #tpu.memory_space<vmem>>
    tpu.enqueue_dma source(%dma_start3A_610 : memref<8x128xf32, #tpu.memory_space<vmem>>) target(%dma_start3A_607 : memref<8x128xf32, #tpu.memory_space<hbm>>) target_semaphore(%arg12 : memref<!tpu.dma_semaphore, #tpu.memory_space<semaphore_mem>>)
    %dma_start3A_611 = arith.constant 3 : i32
    %dma_start3A_612 = arith.constant 24 : i32
    %dma_start3A_613 = arith.constant 0 : i32
    %dma_start3A_614 = tpu.memref_slice %arg8[%dma_start3A_612, %dma_start3A_613] : memref<64x129xf32, #tpu.memory_space<vmem>> -> memref<8x128xf32, #tpu.memory_space<vmem>>
    %dma_start3A_615 = arith.constant 0 : i32
    %dma_start3A_616 = arith.constant 0 : i32
    %dma_start3A_617 = tpu.memref_slice %arg4[%select_n3A_549, %dma_start3A_611, %select_n3A_565, %dma_start3A_615, %dma_start3A_616] : memref<200x8x32x8x128xf32, #tpu.memory_space<hbm>> -> memref<1x1x1x8x128xf32, #tpu.memory_space<hbm>>
    %dma_start3A_618 = tpu.memref_squeeze %dma_start3A_617 : memref<1x1x1x8x128xf32, #tpu.memory_space<hbm>> -> memref<8x128xf32, #tpu.memory_space<hbm>>
    %dma_start3A_619 = arith.constant 0 : i32
    %dma_start3A_620 = arith.constant 0 : i32
    %dma_start3A_621 = tpu.memref_slice %arg4[%select_n3A_549, %dma_start3A_611, %select_n3A_565, %dma_start3A_619, %dma_start3A_620] : memref<200x8x32x8x128xf32, #tpu.memory_space<hbm>> -> memref<1x1x1x8x128xf32, #tpu.memory_space<hbm>>
    %dma_start3A_622 = tpu.memref_squeeze %dma_start3A_621 : memref<1x1x1x8x128xf32, #tpu.memory_space<hbm>> -> memref<8x128xf32, #tpu.memory_space<hbm>>
    %dma_start3A_623 = arith.constant 24 : i32
    %dma_start3A_624 = arith.constant 0 : i32
    %dma_start3A_625 = tpu.memref_slice %arg8[%dma_start3A_623, %dma_start3A_624] : memref<64x129xf32, #tpu.memory_space<vmem>> -> memref<8x128xf32, #tpu.memory_space<vmem>>
    tpu.enqueue_dma source(%dma_start3A_625 : memref<8x128xf32, #tpu.memory_space<vmem>>) target(%dma_start3A_622 : memref<8x128xf32, #tpu.memory_space<hbm>>) target_semaphore(%arg12 : memref<!tpu.dma_semaphore, #tpu.memory_space<semaphore_mem>>)
    %dma_start3A_626 = arith.constant 4 : i32
    %dma_start3A_627 = arith.constant 32 : i32
    %dma_start3A_628 = arith.constant 0 : i32
    %dma_start3A_629 = tpu.memref_slice %arg8[%dma_start3A_627, %dma_start3A_628] : memref<64x129xf32, #tpu.memory_space<vmem>> -> memref<8x128xf32, #tpu.memory_space<vmem>>
    %dma_start3A_630 = arith.constant 0 : i32
    %dma_start3A_631 = arith.constant 0 : i32
    %dma_start3A_632 = tpu.memref_slice %arg4[%select_n3A_549, %dma_start3A_626, %select_n3A_565, %dma_start3A_630, %dma_start3A_631] : memref<200x8x32x8x128xf32, #tpu.memory_space<hbm>> -> memref<1x1x1x8x128xf32, #tpu.memory_space<hbm>>
    %dma_start3A_633 = tpu.memref_squeeze %dma_start3A_632 : memref<1x1x1x8x128xf32, #tpu.memory_space<hbm>> -> memref<8x128xf32, #tpu.memory_space<hbm>>
    %dma_start3A_634 = arith.constant 0 : i32
    %dma_start3A_635 = arith.constant 0 : i32
    %dma_start3A_636 = tpu.memref_slice %arg4[%select_n3A_549, %dma_start3A_626, %select_n3A_565, %dma_start3A_634, %dma_start3A_635] : memref<200x8x32x8x128xf32, #tpu.memory_space<hbm>> -> memref<1x1x1x8x128xf32, #tpu.memory_space<hbm>>
    %dma_start3A_637 = tpu.memref_squeeze %dma_start3A_636 : memref<1x1x1x8x128xf32, #tpu.memory_space<hbm>> -> memref<8x128xf32, #tpu.memory_space<hbm>>
    %dma_start3A_638 = arith.constant 32 : i32
    %dma_start3A_639 = arith.constant 0 : i32
    %dma_start3A_640 = tpu.memref_slice %arg8[%dma_start3A_638, %dma_start3A_639] : memref<64x129xf32, #tpu.memory_space<vmem>> -> memref<8x128xf32, #tpu.memory_space<vmem>>
    tpu.enqueue_dma source(%dma_start3A_640 : memref<8x128xf32, #tpu.memory_space<vmem>>) target(%dma_start3A_637 : memref<8x128xf32, #tpu.memory_space<hbm>>) target_semaphore(%arg12 : memref<!tpu.dma_semaphore, #tpu.memory_space<semaphore_mem>>)
    %dma_start3A_641 = arith.constant 5 : i32
    %dma_start3A_642 = arith.constant 40 : i32
    %dma_start3A_643 = arith.constant 0 : i32
    %dma_start3A_644 = tpu.memref_slice %arg8[%dma_start3A_642, %dma_start3A_643] : memref<64x129xf32, #tpu.memory_space<vmem>> -> memref<8x128xf32, #tpu.memory_space<vmem>>
    %dma_start3A_645 = arith.constant 0 : i32
    %dma_start3A_646 = arith.constant 0 : i32
    %dma_start3A_647 = tpu.memref_slice %arg4[%select_n3A_549, %dma_start3A_641, %select_n3A_565, %dma_start3A_645, %dma_start3A_646] : memref<200x8x32x8x128xf32, #tpu.memory_space<hbm>> -> memref<1x1x1x8x128xf32, #tpu.memory_space<hbm>>
    %dma_start3A_648 = tpu.memref_squeeze %dma_start3A_647 : memref<1x1x1x8x128xf32, #tpu.memory_space<hbm>> -> memref<8x128xf32, #tpu.memory_space<hbm>>
    %dma_start3A_649 = arith.constant 0 : i32
    %dma_start3A_650 = arith.constant 0 : i32
    %dma_start3A_651 = tpu.memref_slice %arg4[%select_n3A_549, %dma_start3A_641, %select_n3A_565, %dma_start3A_649, %dma_start3A_650] : memref<200x8x32x8x128xf32, #tpu.memory_space<hbm>> -> memref<1x1x1x8x128xf32, #tpu.memory_space<hbm>>
    %dma_start3A_652 = tpu.memref_squeeze %dma_start3A_651 : memref<1x1x1x8x128xf32, #tpu.memory_space<hbm>> -> memref<8x128xf32, #tpu.memory_space<hbm>>
    %dma_start3A_653 = arith.constant 40 : i32
    %dma_start3A_654 = arith.constant 0 : i32
    %dma_start3A_655 = tpu.memref_slice %arg8[%dma_start3A_653, %dma_start3A_654] : memref<64x129xf32, #tpu.memory_space<vmem>> -> memref<8x128xf32, #tpu.memory_space<vmem>>
    tpu.enqueue_dma source(%dma_start3A_655 : memref<8x128xf32, #tpu.memory_space<vmem>>) target(%dma_start3A_652 : memref<8x128xf32, #tpu.memory_space<hbm>>) target_semaphore(%arg12 : memref<!tpu.dma_semaphore, #tpu.memory_space<semaphore_mem>>)
    %dma_start3A_656 = arith.constant 6 : i32
    %dma_start3A_657 = arith.constant 48 : i32
    %dma_start3A_658 = arith.constant 0 : i32
    %dma_start3A_659 = tpu.memref_slice %arg8[%dma_start3A_657, %dma_start3A_658] : memref<64x129xf32, #tpu.memory_space<vmem>> -> memref<8x128xf32, #tpu.memory_space<vmem>>
    %dma_start3A_660 = arith.constant 0 : i32
    %dma_start3A_661 = arith.constant 0 : i32
    %dma_start3A_662 = tpu.memref_slice %arg4[%select_n3A_549, %dma_start3A_656, %select_n3A_565, %dma_start3A_660, %dma_start3A_661] : memref<200x8x32x8x128xf32, #tpu.memory_space<hbm>> -> memref<1x1x1x8x128xf32, #tpu.memory_space<hbm>>
    %dma_start3A_663 = tpu.memref_squeeze %dma_start3A_662 : memref<1x1x1x8x128xf32, #tpu.memory_space<hbm>> -> memref<8x128xf32, #tpu.memory_space<hbm>>
    %dma_start3A_664 = arith.constant 0 : i32
    %dma_start3A_665 = arith.constant 0 : i32
    %dma_start3A_666 = tpu.memref_slice %arg4[%select_n3A_549, %dma_start3A_656, %select_n3A_565, %dma_start3A_664, %dma_start3A_665] : memref<200x8x32x8x128xf32, #tpu.memory_space<hbm>> -> memref<1x1x1x8x128xf32, #tpu.memory_space<hbm>>
    %dma_start3A_667 = tpu.memref_squeeze %dma_start3A_666 : memref<1x1x1x8x128xf32, #tpu.memory_space<hbm>> -> memref<8x128xf32, #tpu.memory_space<hbm>>
    %dma_start3A_668 = arith.constant 48 : i32
    %dma_start3A_669 = arith.constant 0 : i32
    %dma_start3A_670 = tpu.memref_slice %arg8[%dma_start3A_668, %dma_start3A_669] : memref<64x129xf32, #tpu.memory_space<vmem>> -> memref<8x128xf32, #tpu.memory_space<vmem>>
    tpu.enqueue_dma source(%dma_start3A_670 : memref<8x128xf32, #tpu.memory_space<vmem>>) target(%dma_start3A_667 : memref<8x128xf32, #tpu.memory_space<hbm>>) target_semaphore(%arg12 : memref<!tpu.dma_semaphore, #tpu.memory_space<semaphore_mem>>)
    %dma_start3A_671 = arith.constant 7 : i32
    %dma_start3A_672 = arith.constant 56 : i32
    %dma_start3A_673 = arith.constant 0 : i32
    %dma_start3A_674 = tpu.memref_slice %arg8[%dma_start3A_672, %dma_start3A_673] : memref<64x129xf32, #tpu.memory_space<vmem>> -> memref<8x128xf32, #tpu.memory_space<vmem>>
    %dma_start3A_675 = arith.constant 0 : i32
    %dma_start3A_676 = arith.constant 0 : i32
    %dma_start3A_677 = tpu.memref_slice %arg4[%select_n3A_549, %dma_start3A_671, %select_n3A_565, %dma_start3A_675, %dma_start3A_676] : memref<200x8x32x8x128xf32, #tpu.memory_space<hbm>> -> memref<1x1x1x8x128xf32, #tpu.memory_space<hbm>>
    %dma_start3A_678 = tpu.memref_squeeze %dma_start3A_677 : memref<1x1x1x8x128xf32, #tpu.memory_space<hbm>> -> memref<8x128xf32, #tpu.memory_space<hbm>>
    %dma_start3A_679 = arith.constant 0 : i32
    %dma_start3A_680 = arith.constant 0 : i32
    %dma_start3A_681 = tpu.memref_slice %arg4[%select_n3A_549, %dma_start3A_671, %select_n3A_565, %dma_start3A_679, %dma_start3A_680] : memref<200x8x32x8x128xf32, #tpu.memory_space<hbm>> -> memref<1x1x1x8x128xf32, #tpu.memory_space<hbm>>
    %dma_start3A_682 = tpu.memref_squeeze %dma_start3A_681 : memref<1x1x1x8x128xf32, #tpu.memory_space<hbm>> -> memref<8x128xf32, #tpu.memory_space<hbm>>
    %dma_start3A_683 = arith.constant 56 : i32
    %dma_start3A_684 = arith.constant 0 : i32
    %dma_start3A_685 = tpu.memref_slice %arg8[%dma_start3A_683, %dma_start3A_684] : memref<64x129xf32, #tpu.memory_space<vmem>> -> memref<8x128xf32, #tpu.memory_space<vmem>>
    tpu.enqueue_dma source(%dma_start3A_685 : memref<8x128xf32, #tpu.memory_space<vmem>>) target(%dma_start3A_682 : memref<8x128xf32, #tpu.memory_space<hbm>>) target_semaphore(%arg12 : memref<!tpu.dma_semaphore, #tpu.memory_space<semaphore_mem>>)
    %dma_wait3A_686 = arith.constant 0 : i32
    %dma_wait3A_687 = arith.constant 0 : i32
    %dma_wait3A_688 = tpu.memref_slice %arg3[%dma_wait3A_686, %dma_wait3A_687] : memref<1000000x64xf32, #tpu.memory_space<hbm>> -> memref<128x64xf32, #tpu.memory_space<hbm>>
    %dma_wait3A_689 = arith.constant 0 : i32
    %dma_wait3A_690 = arith.constant 0 : i32
    %dma_wait3A_691 = tpu.memref_slice %arg3[%dma_wait3A_689, %dma_wait3A_690] : memref<1000000x64xf32, #tpu.memory_space<hbm>> -> memref<128x64xf32, #tpu.memory_space<hbm>>
    tpu.wait_dma2 semaphore(%arg11 : memref<!tpu.dma_semaphore, #tpu.memory_space<semaphore_mem>>) src(%dma_wait3A_691 : memref<128x64xf32, #tpu.memory_space<hbm>>) dst(%arg7 : memref<128x64xf32, #tpu.memory_space<vmem>>)
    %dma_wait3A_692 = arith.constant 0 : i32
    %dma_wait3A_693 = arith.constant 0 : i32
    %dma_wait3A_694 = arith.constant 0 : i32
    %dma_wait3A_695 = arith.constant 0 : i32
    %dma_wait3A_696 = arith.constant 0 : i32
    %dma_wait3A_697 = tpu.memref_slice %arg9[%dma_wait3A_695, %dma_wait3A_696] : memref<64x129xf32, #tpu.memory_space<vmem>> -> memref<8x128xf32, #tpu.memory_space<vmem>>
    %dma_wait3A_698 = arith.constant 0 : i32
    %dma_wait3A_699 = arith.constant 0 : i32
    %dma_wait3A_700 = tpu.memref_slice %arg4[%dma_wait3A_692, %dma_wait3A_693, %dma_wait3A_694, %dma_wait3A_698, %dma_wait3A_699] : memref<200x8x32x8x128xf32, #tpu.memory_space<hbm>> -> memref<1x1x1x8x128xf32, #tpu.memory_space<hbm>>
    %dma_wait3A_701 = tpu.memref_squeeze %dma_wait3A_700 : memref<1x1x1x8x128xf32, #tpu.memory_space<hbm>> -> memref<8x128xf32, #tpu.memory_space<hbm>>
    %dma_wait3A_702 = arith.constant 0 : i32
    %dma_wait3A_703 = arith.constant 0 : i32
    %dma_wait3A_704 = tpu.memref_slice %arg4[%dma_wait3A_692, %dma_wait3A_693, %dma_wait3A_694, %dma_wait3A_702, %dma_wait3A_703] : memref<200x8x32x8x128xf32, #tpu.memory_space<hbm>> -> memref<1x1x1x8x128xf32, #tpu.memory_space<hbm>>
    %dma_wait3A_705 = tpu.memref_squeeze %dma_wait3A_704 : memref<1x1x1x8x128xf32, #tpu.memory_space<hbm>> -> memref<8x128xf32, #tpu.memory_space<hbm>>
    %dma_wait3A_706 = arith.constant 0 : i32
    %dma_wait3A_707 = arith.constant 0 : i32
    %dma_wait3A_708 = tpu.memref_slice %arg9[%dma_wait3A_706, %dma_wait3A_707] : memref<64x129xf32, #tpu.memory_space<vmem>> -> memref<8x128xf32, #tpu.memory_space<vmem>>
    tpu.wait_dma2 semaphore(%arg13 : memref<!tpu.dma_semaphore, #tpu.memory_space<semaphore_mem>>) src(%dma_wait3A_708 : memref<8x128xf32, #tpu.memory_space<vmem>>) dst(%dma_wait3A_705 : memref<8x128xf32, #tpu.memory_space<hbm>>)
    %dma_wait3A_709 = arith.constant 0 : i32
    %dma_wait3A_710 = arith.constant 0 : i32
    %dma_wait3A_711 = arith.constant 0 : i32
    %dma_wait3A_712 = arith.constant 8 : i32
    %dma_wait3A_713 = arith.constant 0 : i32
    %dma_wait3A_714 = tpu.memref_slice %arg9[%dma_wait3A_712, %dma_wait3A_713] : memref<64x129xf32, #tpu.memory_space<vmem>> -> memref<8x128xf32, #tpu.memory_space<vmem>>
    %dma_wait3A_715 = arith.constant 0 : i32
    %dma_wait3A_716 = arith.constant 0 : i32
    %dma_wait3A_717 = tpu.memref_slice %arg4[%dma_wait3A_709, %dma_wait3A_710, %dma_wait3A_711, %dma_wait3A_715, %dma_wait3A_716] : memref<200x8x32x8x128xf32, #tpu.memory_space<hbm>> -> memref<1x1x1x8x128xf32, #tpu.memory_space<hbm>>
    %dma_wait3A_718 = tpu.memref_squeeze %dma_wait3A_717 : memref<1x1x1x8x128xf32, #tpu.memory_space<hbm>> -> memref<8x128xf32, #tpu.memory_space<hbm>>
    %dma_wait3A_719 = arith.constant 0 : i32
    %dma_wait3A_720 = arith.constant 0 : i32
    %dma_wait3A_721 = tpu.memref_slice %arg4[%dma_wait3A_709, %dma_wait3A_710, %dma_wait3A_711, %dma_wait3A_719, %dma_wait3A_720] : memref<200x8x32x8x128xf32, #tpu.memory_space<hbm>> -> memref<1x1x1x8x128xf32, #tpu.memory_space<hbm>>
    %dma_wait3A_722 = tpu.memref_squeeze %dma_wait3A_721 : memref<1x1x1x8x128xf32, #tpu.memory_space<hbm>> -> memref<8x128xf32, #tpu.memory_space<hbm>>
    %dma_wait3A_723 = arith.constant 8 : i32
    %dma_wait3A_724 = arith.constant 0 : i32
    %dma_wait3A_725 = tpu.memref_slice %arg9[%dma_wait3A_723, %dma_wait3A_724] : memref<64x129xf32, #tpu.memory_space<vmem>> -> memref<8x128xf32, #tpu.memory_space<vmem>>
    tpu.wait_dma2 semaphore(%arg13 : memref<!tpu.dma_semaphore, #tpu.memory_space<semaphore_mem>>) src(%dma_wait3A_725 : memref<8x128xf32, #tpu.memory_space<vmem>>) dst(%dma_wait3A_722 : memref<8x128xf32, #tpu.memory_space<hbm>>)
    %dma_wait3A_726 = arith.constant 0 : i32
    %dma_wait3A_727 = arith.constant 0 : i32
    %dma_wait3A_728 = arith.constant 0 : i32
    %dma_wait3A_729 = arith.constant 16 : i32
    %dma_wait3A_730 = arith.constant 0 : i32
    %dma_wait3A_731 = tpu.memref_slice %arg9[%dma_wait3A_729, %dma_wait3A_730] : memref<64x129xf32, #tpu.memory_space<vmem>> -> memref<8x128xf32, #tpu.memory_space<vmem>>
    %dma_wait3A_732 = arith.constant 0 : i32
    %dma_wait3A_733 = arith.constant 0 : i32
    %dma_wait3A_734 = tpu.memref_slice %arg4[%dma_wait3A_726, %dma_wait3A_727, %dma_wait3A_728, %dma_wait3A_732, %dma_wait3A_733] : memref<200x8x32x8x128xf32, #tpu.memory_space<hbm>> -> memref<1x1x1x8x128xf32, #tpu.memory_space<hbm>>
    %dma_wait3A_735 = tpu.memref_squeeze %dma_wait3A_734 : memref<1x1x1x8x128xf32, #tpu.memory_space<hbm>> -> memref<8x128xf32, #tpu.memory_space<hbm>>
    %dma_wait3A_736 = arith.constant 0 : i32
    %dma_wait3A_737 = arith.constant 0 : i32
    %dma_wait3A_738 = tpu.memref_slice %arg4[%dma_wait3A_726, %dma_wait3A_727, %dma_wait3A_728, %dma_wait3A_736, %dma_wait3A_737] : memref<200x8x32x8x128xf32, #tpu.memory_space<hbm>> -> memref<1x1x1x8x128xf32, #tpu.memory_space<hbm>>
    %dma_wait3A_739 = tpu.memref_squeeze %dma_wait3A_738 : memref<1x1x1x8x128xf32, #tpu.memory_space<hbm>> -> memref<8x128xf32, #tpu.memory_space<hbm>>
    %dma_wait3A_740 = arith.constant 16 : i32
    %dma_wait3A_741 = arith.constant 0 : i32
    %dma_wait3A_742 = tpu.memref_slice %arg9[%dma_wait3A_740, %dma_wait3A_741] : memref<64x129xf32, #tpu.memory_space<vmem>> -> memref<8x128xf32, #tpu.memory_space<vmem>>
    tpu.wait_dma2 semaphore(%arg13 : memref<!tpu.dma_semaphore, #tpu.memory_space<semaphore_mem>>) src(%dma_wait3A_742 : memref<8x128xf32, #tpu.memory_space<vmem>>) dst(%dma_wait3A_739 : memref<8x128xf32, #tpu.memory_space<hbm>>)
    %dma_wait3A_743 = arith.constant 0 : i32
    %dma_wait3A_744 = arith.constant 0 : i32
    %dma_wait3A_745 = arith.constant 0 : i32
    %dma_wait3A_746 = arith.constant 24 : i32
    %dma_wait3A_747 = arith.constant 0 : i32
    %dma_wait3A_748 = tpu.memref_slice %arg9[%dma_wait3A_746, %dma_wait3A_747] : memref<64x129xf32, #tpu.memory_space<vmem>> -> memref<8x128xf32, #tpu.memory_space<vmem>>
    %dma_wait3A_749 = arith.constant 0 : i32
    %dma_wait3A_750 = arith.constant 0 : i32
    %dma_wait3A_751 = tpu.memref_slice %arg4[%dma_wait3A_743, %dma_wait3A_744, %dma_wait3A_745, %dma_wait3A_749, %dma_wait3A_750] : memref<200x8x32x8x128xf32, #tpu.memory_space<hbm>> -> memref<1x1x1x8x128xf32, #tpu.memory_space<hbm>>
    %dma_wait3A_752 = tpu.memref_squeeze %dma_wait3A_751 : memref<1x1x1x8x128xf32, #tpu.memory_space<hbm>> -> memref<8x128xf32, #tpu.memory_space<hbm>>
    %dma_wait3A_753 = arith.constant 0 : i32
    %dma_wait3A_754 = arith.constant 0 : i32
    %dma_wait3A_755 = tpu.memref_slice %arg4[%dma_wait3A_743, %dma_wait3A_744, %dma_wait3A_745, %dma_wait3A_753, %dma_wait3A_754] : memref<200x8x32x8x128xf32, #tpu.memory_space<hbm>> -> memref<1x1x1x8x128xf32, #tpu.memory_space<hbm>>
    %dma_wait3A_756 = tpu.memref_squeeze %dma_wait3A_755 : memref<1x1x1x8x128xf32, #tpu.memory_space<hbm>> -> memref<8x128xf32, #tpu.memory_space<hbm>>
    %dma_wait3A_757 = arith.constant 24 : i32
    %dma_wait3A_758 = arith.constant 0 : i32
    %dma_wait3A_759 = tpu.memref_slice %arg9[%dma_wait3A_757, %dma_wait3A_758] : memref<64x129xf32, #tpu.memory_space<vmem>> -> memref<8x128xf32, #tpu.memory_space<vmem>>
    tpu.wait_dma2 semaphore(%arg13 : memref<!tpu.dma_semaphore, #tpu.memory_space<semaphore_mem>>) src(%dma_wait3A_759 : memref<8x128xf32, #tpu.memory_space<vmem>>) dst(%dma_wait3A_756 : memref<8x128xf32, #tpu.memory_space<hbm>>)
    %dma_wait3A_760 = arith.constant 0 : i32
    %dma_wait3A_761 = arith.constant 0 : i32
    %dma_wait3A_762 = arith.constant 0 : i32
    %dma_wait3A_763 = arith.constant 32 : i32
    %dma_wait3A_764 = arith.constant 0 : i32
    %dma_wait3A_765 = tpu.memref_slice %arg9[%dma_wait3A_763, %dma_wait3A_764] : memref<64x129xf32, #tpu.memory_space<vmem>> -> memref<8x128xf32, #tpu.memory_space<vmem>>
    %dma_wait3A_766 = arith.constant 0 : i32
    %dma_wait3A_767 = arith.constant 0 : i32
    %dma_wait3A_768 = tpu.memref_slice %arg4[%dma_wait3A_760, %dma_wait3A_761, %dma_wait3A_762, %dma_wait3A_766, %dma_wait3A_767] : memref<200x8x32x8x128xf32, #tpu.memory_space<hbm>> -> memref<1x1x1x8x128xf32, #tpu.memory_space<hbm>>
    %dma_wait3A_769 = tpu.memref_squeeze %dma_wait3A_768 : memref<1x1x1x8x128xf32, #tpu.memory_space<hbm>> -> memref<8x128xf32, #tpu.memory_space<hbm>>
    %dma_wait3A_770 = arith.constant 0 : i32
    %dma_wait3A_771 = arith.constant 0 : i32
    %dma_wait3A_772 = tpu.memref_slice %arg4[%dma_wait3A_760, %dma_wait3A_761, %dma_wait3A_762, %dma_wait3A_770, %dma_wait3A_771] : memref<200x8x32x8x128xf32, #tpu.memory_space<hbm>> -> memref<1x1x1x8x128xf32, #tpu.memory_space<hbm>>
    %dma_wait3A_773 = tpu.memref_squeeze %dma_wait3A_772 : memref<1x1x1x8x128xf32, #tpu.memory_space<hbm>> -> memref<8x128xf32, #tpu.memory_space<hbm>>
    %dma_wait3A_774 = arith.constant 32 : i32
    %dma_wait3A_775 = arith.constant 0 : i32
    %dma_wait3A_776 = tpu.memref_slice %arg9[%dma_wait3A_774, %dma_wait3A_775] : memref<64x129xf32, #tpu.memory_space<vmem>> -> memref<8x128xf32, #tpu.memory_space<vmem>>
    tpu.wait_dma2 semaphore(%arg13 : memref<!tpu.dma_semaphore, #tpu.memory_space<semaphore_mem>>) src(%dma_wait3A_776 : memref<8x128xf32, #tpu.memory_space<vmem>>) dst(%dma_wait3A_773 : memref<8x128xf32, #tpu.memory_space<hbm>>)
    %dma_wait3A_777 = arith.constant 0 : i32
    %dma_wait3A_778 = arith.constant 0 : i32
    %dma_wait3A_779 = arith.constant 0 : i32
    %dma_wait3A_780 = arith.constant 40 : i32
    %dma_wait3A_781 = arith.constant 0 : i32
    %dma_wait3A_782 = tpu.memref_slice %arg9[%dma_wait3A_780, %dma_wait3A_781] : memref<64x129xf32, #tpu.memory_space<vmem>> -> memref<8x128xf32, #tpu.memory_space<vmem>>
    %dma_wait3A_783 = arith.constant 0 : i32
    %dma_wait3A_784 = arith.constant 0 : i32
    %dma_wait3A_785 = tpu.memref_slice %arg4[%dma_wait3A_777, %dma_wait3A_778, %dma_wait3A_779, %dma_wait3A_783, %dma_wait3A_784] : memref<200x8x32x8x128xf32, #tpu.memory_space<hbm>> -> memref<1x1x1x8x128xf32, #tpu.memory_space<hbm>>
    %dma_wait3A_786 = tpu.memref_squeeze %dma_wait3A_785 : memref<1x1x1x8x128xf32, #tpu.memory_space<hbm>> -> memref<8x128xf32, #tpu.memory_space<hbm>>
    %dma_wait3A_787 = arith.constant 0 : i32
    %dma_wait3A_788 = arith.constant 0 : i32
    %dma_wait3A_789 = tpu.memref_slice %arg4[%dma_wait3A_777, %dma_wait3A_778, %dma_wait3A_779, %dma_wait3A_787, %dma_wait3A_788] : memref<200x8x32x8x128xf32, #tpu.memory_space<hbm>> -> memref<1x1x1x8x128xf32, #tpu.memory_space<hbm>>
    %dma_wait3A_790 = tpu.memref_squeeze %dma_wait3A_789 : memref<1x1x1x8x128xf32, #tpu.memory_space<hbm>> -> memref<8x128xf32, #tpu.memory_space<hbm>>
    %dma_wait3A_791 = arith.constant 40 : i32
    %dma_wait3A_792 = arith.constant 0 : i32
    %dma_wait3A_793 = tpu.memref_slice %arg9[%dma_wait3A_791, %dma_wait3A_792] : memref<64x129xf32, #tpu.memory_space<vmem>> -> memref<8x128xf32, #tpu.memory_space<vmem>>
    tpu.wait_dma2 semaphore(%arg13 : memref<!tpu.dma_semaphore, #tpu.memory_space<semaphore_mem>>) src(%dma_wait3A_793 : memref<8x128xf32, #tpu.memory_space<vmem>>) dst(%dma_wait3A_790 : memref<8x128xf32, #tpu.memory_space<hbm>>)
    %dma_wait3A_794 = arith.constant 0 : i32
    %dma_wait3A_795 = arith.constant 0 : i32
    %dma_wait3A_796 = arith.constant 0 : i32
    %dma_wait3A_797 = arith.constant 48 : i32
    %dma_wait3A_798 = arith.constant 0 : i32
    %dma_wait3A_799 = tpu.memref_slice %arg9[%dma_wait3A_797, %dma_wait3A_798] : memref<64x129xf32, #tpu.memory_space<vmem>> -> memref<8x128xf32, #tpu.memory_space<vmem>>
    %dma_wait3A_800 = arith.constant 0 : i32
    %dma_wait3A_801 = arith.constant 0 : i32
    %dma_wait3A_802 = tpu.memref_slice %arg4[%dma_wait3A_794, %dma_wait3A_795, %dma_wait3A_796, %dma_wait3A_800, %dma_wait3A_801] : memref<200x8x32x8x128xf32, #tpu.memory_space<hbm>> -> memref<1x1x1x8x128xf32, #tpu.memory_space<hbm>>
    %dma_wait3A_803 = tpu.memref_squeeze %dma_wait3A_802 : memref<1x1x1x8x128xf32, #tpu.memory_space<hbm>> -> memref<8x128xf32, #tpu.memory_space<hbm>>
    %dma_wait3A_804 = arith.constant 0 : i32
    %dma_wait3A_805 = arith.constant 0 : i32
    %dma_wait3A_806 = tpu.memref_slice %arg4[%dma_wait3A_794, %dma_wait3A_795, %dma_wait3A_796, %dma_wait3A_804, %dma_wait3A_805] : memref<200x8x32x8x128xf32, #tpu.memory_space<hbm>> -> memref<1x1x1x8x128xf32, #tpu.memory_space<hbm>>
    %dma_wait3A_807 = tpu.memref_squeeze %dma_wait3A_806 : memref<1x1x1x8x128xf32, #tpu.memory_space<hbm>> -> memref<8x128xf32, #tpu.memory_space<hbm>>
    %dma_wait3A_808 = arith.constant 48 : i32
    %dma_wait3A_809 = arith.constant 0 : i32
    %dma_wait3A_810 = tpu.memref_slice %arg9[%dma_wait3A_808, %dma_wait3A_809] : memref<64x129xf32, #tpu.memory_space<vmem>> -> memref<8x128xf32, #tpu.memory_space<vmem>>
    tpu.wait_dma2 semaphore(%arg13 : memref<!tpu.dma_semaphore, #tpu.memory_space<semaphore_mem>>) src(%dma_wait3A_810 : memref<8x128xf32, #tpu.memory_space<vmem>>) dst(%dma_wait3A_807 : memref<8x128xf32, #tpu.memory_space<hbm>>)
    %dma_wait3A_811 = arith.constant 0 : i32
    %dma_wait3A_812 = arith.constant 0 : i32
    %dma_wait3A_813 = arith.constant 0 : i32
    %dma_wait3A_814 = arith.constant 56 : i32
    %dma_wait3A_815 = arith.constant 0 : i32
    %dma_wait3A_816 = tpu.memref_slice %arg9[%dma_wait3A_814, %dma_wait3A_815] : memref<64x129xf32, #tpu.memory_space<vmem>> -> memref<8x128xf32, #tpu.memory_space<vmem>>
    %dma_wait3A_817 = arith.constant 0 : i32
    %dma_wait3A_818 = arith.constant 0 : i32
    %dma_wait3A_819 = tpu.memref_slice %arg4[%dma_wait3A_811, %dma_wait3A_812, %dma_wait3A_813, %dma_wait3A_817, %dma_wait3A_818] : memref<200x8x32x8x128xf32, #tpu.memory_space<hbm>> -> memref<1x1x1x8x128xf32, #tpu.memory_space<hbm>>
    %dma_wait3A_820 = tpu.memref_squeeze %dma_wait3A_819 : memref<1x1x1x8x128xf32, #tpu.memory_space<hbm>> -> memref<8x128xf32, #tpu.memory_space<hbm>>
    %dma_wait3A_821 = arith.constant 0 : i32
    %dma_wait3A_822 = arith.constant 0 : i32
    %dma_wait3A_823 = tpu.memref_slice %arg4[%dma_wait3A_811, %dma_wait3A_812, %dma_wait3A_813, %dma_wait3A_821, %dma_wait3A_822] : memref<200x8x32x8x128xf32, #tpu.memory_space<hbm>> -> memref<1x1x1x8x128xf32, #tpu.memory_space<hbm>>
    %dma_wait3A_824 = tpu.memref_squeeze %dma_wait3A_823 : memref<1x1x1x8x128xf32, #tpu.memory_space<hbm>> -> memref<8x128xf32, #tpu.memory_space<hbm>>
    %dma_wait3A_825 = arith.constant 56 : i32
    %dma_wait3A_826 = arith.constant 0 : i32
    %dma_wait3A_827 = tpu.memref_slice %arg9[%dma_wait3A_825, %dma_wait3A_826] : memref<64x129xf32, #tpu.memory_space<vmem>> -> memref<8x128xf32, #tpu.memory_space<vmem>>
    tpu.wait_dma2 semaphore(%arg13 : memref<!tpu.dma_semaphore, #tpu.memory_space<semaphore_mem>>) src(%dma_wait3A_827 : memref<8x128xf32, #tpu.memory_space<vmem>>) dst(%dma_wait3A_824 : memref<8x128xf32, #tpu.memory_space<hbm>>)
    %scan3A_828 = arith.constant 0 : i32
    %scan3A_829 = arith.constant 0 : i32
    %scan3A_830 = arith.constant 128 : i32
    %scan3A_831 = arith.addi %scan3A_829, %scan3A_830 : i32
    %scan3A_832 = arith.constant 2 : i32
    %scan3A_833 = scf.for %scan3A_1269 = %scan3A_829 to %scan3A_831 step %scan3A_832 iter_args(%scan3A_1270 = %scan3A_828) -> (i32)  : i32 {
      %broadcast_in_dim3A = arith.constant 0 : i32
      %broadcast_in_dim3A_1271 = vector.broadcast %broadcast_in_dim3A : i32 to vector<16xi32>
      %add3A_1272 = vector.broadcast %scan3A_1269 : i32 to vector<16xi32>
      %add3A_1273 = arith.addi %broadcast_in_dim3A_1271, %add3A_1272 : vector<16xi32>
      %get3A = arith.index_cast %scan3A_1269 : i32 to index
      %get3A_1274 = arith.constant 0 : index
      %get3A_1275 = tpu.vector_load %arg7[%get3A, %get3A_1274] {strides = array<i32>} : memref<128x64xf32, #tpu.memory_space<vmem>>, vector<16xf32>,
      %add3A_1276 = arith.constant 0 : i32
      %add3A_1277 = vector.broadcast %add3A_1276 : i32 to vector<16xi32>
      %add3A_1278 = arith.addi %iota3A, %add3A_1277 : vector<16xi32>
      tpu.vector_store_idx %arg9[%add3A_1278, %add3A_1273], %get3A_1275 : memref<64x129xf32, #tpu.memory_space<vmem>>[vector<16xi32>, vector<16xi32>], vector<16xf32>,
      %get3A_1279 = arith.index_cast %scan3A_1269 : i32 to index
      %get3A_1280 = arith.constant 16 : index
      %get3A_1281 = tpu.vector_load %arg7[%get3A_1279, %get3A_1280] {strides = array<i32>} : memref<128x64xf32, #tpu.memory_space<vmem>>, vector<16xf32>,
      %add3A_1282 = arith.constant 16 : i32
      %add3A_1283 = vector.broadcast %add3A_1282 : i32 to vector<16xi32>
      %add3A_1284 = arith.addi %iota3A, %add3A_1283 : vector<16xi32>
      tpu.vector_store_idx %arg9[%add3A_1284, %add3A_1273], %get3A_1281 : memref<64x129xf32, #tpu.memory_space<vmem>>[vector<16xi32>, vector<16xi32>], vector<16xf32>,
      %get3A_1285 = arith.index_cast %scan3A_1269 : i32 to index
      %get3A_1286 = arith.constant 32 : index
      %get3A_1287 = tpu.vector_load %arg7[%get3A_1285, %get3A_1286] {strides = array<i32>} : memref<128x64xf32, #tpu.memory_space<vmem>>, vector<16xf32>,
      %add3A_1288 = arith.constant 32 : i32
      %add3A_1289 = vector.broadcast %add3A_1288 : i32 to vector<16xi32>
      %add3A_1290 = arith.addi %iota3A, %add3A_1289 : vector<16xi32>
      tpu.vector_store_idx %arg9[%add3A_1290, %add3A_1273], %get3A_1287 : memref<64x129xf32, #tpu.memory_space<vmem>>[vector<16xi32>, vector<16xi32>], vector<16xf32>,
      %get3A_1291 = arith.index_cast %scan3A_1269 : i32 to index
      %get3A_1292 = arith.constant 48 : index
      %get3A_1293 = tpu.vector_load %arg7[%get3A_1291, %get3A_1292] {strides = array<i32>} : memref<128x64xf32, #tpu.memory_space<vmem>>, vector<16xf32>,
      %add3A_1294 = arith.constant 48 : i32
      %add3A_1295 = vector.broadcast %add3A_1294 : i32 to vector<16xi32>
      %add3A_1296 = arith.addi %iota3A, %add3A_1295 : vector<16xi32>
      tpu.vector_store_idx %arg9[%add3A_1296, %add3A_1273], %get3A_1293 : memref<64x129xf32, #tpu.memory_space<vmem>>[vector<16xi32>, vector<16xi32>], vector<16xf32>,
      %scan3A_1297 = arith.constant 0 : i32
      %scan3A_1298 = arith.constant 1 : i32
      %scan3A_1299 = arith.addi %scan3A_1269, %scan3A_1298 : i32
      %broadcast_in_dim3A_1300 = arith.constant 0 : i32
      %broadcast_in_dim3A_1301 = vector.broadcast %broadcast_in_dim3A_1300 : i32 to vector<16xi32>
      %add3A_1302 = vector.broadcast %scan3A_1299 : i32 to vector<16xi32>
      %add3A_1303 = arith.addi %broadcast_in_dim3A_1301, %add3A_1302 : vector<16xi32>
      %get3A_1304 = arith.index_cast %scan3A_1299 : i32 to index
      %get3A_1305 = arith.constant 0 : index
      %get3A_1306 = tpu.vector_load %arg7[%get3A_1304, %get3A_1305] {strides = array<i32>} : memref<128x64xf32, #tpu.memory_space<vmem>>, vector<16xf32>,
      %add3A_1307 = arith.constant 0 : i32
      %add3A_1308 = vector.broadcast %add3A_1307 : i32 to vector<16xi32>
      %add3A_1309 = arith.addi %iota3A, %add3A_1308 : vector<16xi32>
      tpu.vector_store_idx %arg9[%add3A_1309, %add3A_1303], %get3A_1306 : memref<64x129xf32, #tpu.memory_space<vmem>>[vector<16xi32>, vector<16xi32>], vector<16xf32>,
      %get3A_1310 = arith.index_cast %scan3A_1299 : i32 to index
      %get3A_1311 = arith.constant 16 : index
      %get3A_1312 = tpu.vector_load %arg7[%get3A_1310, %get3A_1311] {strides = array<i32>} : memref<128x64xf32, #tpu.memory_space<vmem>>, vector<16xf32>,
      %add3A_1313 = arith.constant 16 : i32
      %add3A_1314 = vector.broadcast %add3A_1313 : i32 to vector<16xi32>
      %add3A_1315 = arith.addi %iota3A, %add3A_1314 : vector<16xi32>
      tpu.vector_store_idx %arg9[%add3A_1315, %add3A_1303], %get3A_1312 : memref<64x129xf32, #tpu.memory_space<vmem>>[vector<16xi32>, vector<16xi32>], vector<16xf32>,
      %get3A_1316 = arith.index_cast %scan3A_1299 : i32 to index
      %get3A_1317 = arith.constant 32 : index
      %get3A_1318 = tpu.vector_load %arg7[%get3A_1316, %get3A_1317] {strides = array<i32>} : memref<128x64xf32, #tpu.memory_space<vmem>>, vector<16xf32>,
      %add3A_1319 = arith.constant 32 : i32
      %add3A_1320 = vector.broadcast %add3A_1319 : i32 to vector<16xi32>
      %add3A_1321 = arith.addi %iota3A, %add3A_1320 : vector<16xi32>
      tpu.vector_store_idx %arg9[%add3A_1321, %add3A_1303], %get3A_1318 : memref<64x129xf32, #tpu.memory_space<vmem>>[vector<16xi32>, vector<16xi32>], vector<16xf32>,
      %get3A_1322 = arith.index_cast %scan3A_1299 : i32 to index
      %get3A_1323 = arith.constant 48 : index
      %get3A_1324 = tpu.vector_load %arg7[%get3A_1322, %get3A_1323] {strides = array<i32>} : memref<128x64xf32, #tpu.memory_space<vmem>>, vector<16xf32>,
      %add3A_1325 = arith.constant 48 : i32
      %add3A_1326 = vector.broadcast %add3A_1325 : i32 to vector<16xi32>
      %add3A_1327 = arith.addi %iota3A, %add3A_1326 : vector<16xi32>
      tpu.vector_store_idx %arg9[%add3A_1327, %add3A_1303], %get3A_1324 : memref<64x129xf32, #tpu.memory_space<vmem>>[vector<16xi32>, vector<16xi32>], vector<16xf32>,
      %scan3A_1328 = arith.constant 0 : i32
      scf.yield %scan3A_1328 : i32
    }
    %scan3A_834 = arith.constant 128 : i32
    %add3A_835 = arith.constant 199 : i32
    %add3A_836 = arith.addi %mul3A_2, %add3A_835 : i32
    %jit3A_837 = arith.constant 32 : i32
    %div3A_838 = arith.divsi %add3A_836, %jit3A_837 : i32
    %sign3A_839 = arith.constant 0 : i32
    %sign3A_840 = arith.cmpi sgt, %add3A_836, %sign3A_839 : i32
    %sign3A_841 = arith.extui %sign3A_840 : i1 to i32
    %sign3A_842 = arith.constant 0 : i32
    %sign3A_843 = arith.cmpi slt, %add3A_836, %sign3A_842 : i32
    %sign3A_844 = arith.extui %sign3A_843 : i1 to i32
    %sign3A_845 = arith.subi %sign3A_841, %sign3A_844 : i32
    %sign3A_846 = arith.constant 0 : i32
    %sign3A_847 = arith.cmpi sgt, %jit3A_837, %sign3A_846 : i32
    %sign3A_848 = arith.extui %sign3A_847 : i1 to i32
    %sign3A_849 = arith.constant 0 : i32
    %sign3A_850 = arith.cmpi slt, %jit3A_837, %sign3A_849 : i32
    %sign3A_851 = arith.extui %sign3A_850 : i1 to i32
    %sign3A_852 = arith.subi %sign3A_848, %sign3A_851 : i32
    %ne3A_853 = arith.cmpi ne, %sign3A_845, %sign3A_852 : i32
    %rem3A_854 = arith.remsi %add3A_836, %jit3A_837 : i32
    %ne3A_855 = arith.constant 0 : i32
    %ne3A_856 = arith.cmpi ne, %rem3A_854, %ne3A_855 : i32
    %and3A_857 = arith.andi %ne3A_853, %ne3A_856 : i1
    %sub3A_858 = arith.constant 1 : i32
    %sub3A_859 = arith.subi %div3A_838, %sub3A_858 : i32
    %select_n3A_860 = arith.select %and3A_857, %sub3A_859, %div3A_838 : i32
    %jit3A_861 = arith.constant 32 : i32
    %eq3A_862 = arith.constant 0 : i32
    %eq3A_863 = arith.cmpi eq, %jit3A_861, %eq3A_862 : i32
    %jit3A_864 = arith.constant 1 : i32
    %select_n3A_865 = arith.select %eq3A_863, %jit3A_864, %jit3A_861 : i32
    %rem3A_866 = arith.remsi %add3A_836, %select_n3A_865 : i32
    %ne3A_867 = arith.constant 0 : i32
    %ne3A_868 = arith.cmpi ne, %rem3A_866, %ne3A_867 : i32
    %lt3A_869 = arith.constant 0 : i32
    %lt3A_870 = arith.cmpi slt, %rem3A_866, %lt3A_869 : i32
    %lt3A_871 = arith.constant 0 : i32
    %lt3A_872 = arith.cmpi slt, %select_n3A_865, %lt3A_871 : i32
    %ne3A_873 = arith.xori %lt3A_870, %lt3A_872 : i1
    %and3A_874 = arith.andi %ne3A_873, %ne3A_868 : i1
    %add3A_875 = arith.addi %rem3A_866, %select_n3A_865 : i32
    %select_n3A_876 = arith.select %and3A_874, %add3A_875, %rem3A_866 : i32
    %dma_start3A_877 = arith.constant 0 : i32
    %dma_start3A_878 = arith.constant 0 : i32
    %dma_start3A_879 = arith.constant 0 : i32
    %dma_start3A_880 = tpu.memref_slice %arg9[%dma_start3A_878, %dma_start3A_879] : memref<64x129xf32, #tpu.memory_space<vmem>> -> memref<8x128xf32, #tpu.memory_space<vmem>>
    %dma_start3A_881 = arith.constant 0 : i32
    %dma_start3A_882 = arith.constant 0 : i32
    %dma_start3A_883 = tpu.memref_slice %arg4[%select_n3A_860, %dma_start3A_877, %select_n3A_876, %dma_start3A_881, %dma_start3A_882] : memref<200x8x32x8x128xf32, #tpu.memory_space<hbm>> -> memref<1x1x1x8x128xf32, #tpu.memory_space<hbm>>
    %dma_start3A_884 = tpu.memref_squeeze %dma_start3A_883 : memref<1x1x1x8x128xf32, #tpu.memory_space<hbm>> -> memref<8x128xf32, #tpu.memory_space<hbm>>
    %dma_start3A_885 = arith.constant 0 : i32
    %dma_start3A_886 = arith.constant 0 : i32
    %dma_start3A_887 = tpu.memref_slice %arg4[%select_n3A_860, %dma_start3A_877, %select_n3A_876, %dma_start3A_885, %dma_start3A_886] : memref<200x8x32x8x128xf32, #tpu.memory_space<hbm>> -> memref<1x1x1x8x128xf32, #tpu.memory_space<hbm>>
    %dma_start3A_888 = tpu.memref_squeeze %dma_start3A_887 : memref<1x1x1x8x128xf32, #tpu.memory_space<hbm>> -> memref<8x128xf32, #tpu.memory_space<hbm>>
    %dma_start3A_889 = arith.constant 0 : i32
    %dma_start3A_890 = arith.constant 0 : i32
    %dma_start3A_891 = tpu.memref_slice %arg9[%dma_start3A_889, %dma_start3A_890] : memref<64x129xf32, #tpu.memory_space<vmem>> -> memref<8x128xf32, #tpu.memory_space<vmem>>
    tpu.enqueue_dma source(%dma_start3A_891 : memref<8x128xf32, #tpu.memory_space<vmem>>) target(%dma_start3A_888 : memref<8x128xf32, #tpu.memory_space<hbm>>) target_semaphore(%arg13 : memref<!tpu.dma_semaphore, #tpu.memory_space<semaphore_mem>>)
    %dma_start3A_892 = arith.constant 1 : i32
    %dma_start3A_893 = arith.constant 8 : i32
    %dma_start3A_894 = arith.constant 0 : i32
    %dma_start3A_895 = tpu.memref_slice %arg9[%dma_start3A_893, %dma_start3A_894] : memref<64x129xf32, #tpu.memory_space<vmem>> -> memref<8x128xf32, #tpu.memory_space<vmem>>
    %dma_start3A_896 = arith.constant 0 : i32
    %dma_start3A_897 = arith.constant 0 : i32
    %dma_start3A_898 = tpu.memref_slice %arg4[%select_n3A_860, %dma_start3A_892, %select_n3A_876, %dma_start3A_896, %dma_start3A_897] : memref<200x8x32x8x128xf32, #tpu.memory_space<hbm>> -> memref<1x1x1x8x128xf32, #tpu.memory_space<hbm>>
    %dma_start3A_899 = tpu.memref_squeeze %dma_start3A_898 : memref<1x1x1x8x128xf32, #tpu.memory_space<hbm>> -> memref<8x128xf32, #tpu.memory_space<hbm>>
    %dma_start3A_900 = arith.constant 0 : i32
    %dma_start3A_901 = arith.constant 0 : i32
    %dma_start3A_902 = tpu.memref_slice %arg4[%select_n3A_860, %dma_start3A_892, %select_n3A_876, %dma_start3A_900, %dma_start3A_901] : memref<200x8x32x8x128xf32, #tpu.memory_space<hbm>> -> memref<1x1x1x8x128xf32, #tpu.memory_space<hbm>>
    %dma_start3A_903 = tpu.memref_squeeze %dma_start3A_902 : memref<1x1x1x8x128xf32, #tpu.memory_space<hbm>> -> memref<8x128xf32, #tpu.memory_space<hbm>>
    %dma_start3A_904 = arith.constant 8 : i32
    %dma_start3A_905 = arith.constant 0 : i32
    %dma_start3A_906 = tpu.memref_slice %arg9[%dma_start3A_904, %dma_start3A_905] : memref<64x129xf32, #tpu.memory_space<vmem>> -> memref<8x128xf32, #tpu.memory_space<vmem>>
    tpu.enqueue_dma source(%dma_start3A_906 : memref<8x128xf32, #tpu.memory_space<vmem>>) target(%dma_start3A_903 : memref<8x128xf32, #tpu.memory_space<hbm>>) target_semaphore(%arg13 : memref<!tpu.dma_semaphore, #tpu.memory_space<semaphore_mem>>)
    %dma_start3A_907 = arith.constant 2 : i32
    %dma_start3A_908 = arith.constant 16 : i32
    %dma_start3A_909 = arith.constant 0 : i32
    %dma_start3A_910 = tpu.memref_slice %arg9[%dma_start3A_908, %dma_start3A_909] : memref<64x129xf32, #tpu.memory_space<vmem>> -> memref<8x128xf32, #tpu.memory_space<vmem>>
    %dma_start3A_911 = arith.constant 0 : i32
    %dma_start3A_912 = arith.constant 0 : i32
    %dma_start3A_913 = tpu.memref_slice %arg4[%select_n3A_860, %dma_start3A_907, %select_n3A_876, %dma_start3A_911, %dma_start3A_912] : memref<200x8x32x8x128xf32, #tpu.memory_space<hbm>> -> memref<1x1x1x8x128xf32, #tpu.memory_space<hbm>>
    %dma_start3A_914 = tpu.memref_squeeze %dma_start3A_913 : memref<1x1x1x8x128xf32, #tpu.memory_space<hbm>> -> memref<8x128xf32, #tpu.memory_space<hbm>>
    %dma_start3A_915 = arith.constant 0 : i32
    %dma_start3A_916 = arith.constant 0 : i32
    %dma_start3A_917 = tpu.memref_slice %arg4[%select_n3A_860, %dma_start3A_907, %select_n3A_876, %dma_start3A_915, %dma_start3A_916] : memref<200x8x32x8x128xf32, #tpu.memory_space<hbm>> -> memref<1x1x1x8x128xf32, #tpu.memory_space<hbm>>
    %dma_start3A_918 = tpu.memref_squeeze %dma_start3A_917 : memref<1x1x1x8x128xf32, #tpu.memory_space<hbm>> -> memref<8x128xf32, #tpu.memory_space<hbm>>
    %dma_start3A_919 = arith.constant 16 : i32
    %dma_start3A_920 = arith.constant 0 : i32
    %dma_start3A_921 = tpu.memref_slice %arg9[%dma_start3A_919, %dma_start3A_920] : memref<64x129xf32, #tpu.memory_space<vmem>> -> memref<8x128xf32, #tpu.memory_space<vmem>>
    tpu.enqueue_dma source(%dma_start3A_921 : memref<8x128xf32, #tpu.memory_space<vmem>>) target(%dma_start3A_918 : memref<8x128xf32, #tpu.memory_space<hbm>>) target_semaphore(%arg13 : memref<!tpu.dma_semaphore, #tpu.memory_space<semaphore_mem>>)
    %dma_start3A_922 = arith.constant 3 : i32
    %dma_start3A_923 = arith.constant 24 : i32
    %dma_start3A_924 = arith.constant 0 : i32
    %dma_start3A_925 = tpu.memref_slice %arg9[%dma_start3A_923, %dma_start3A_924] : memref<64x129xf32, #tpu.memory_space<vmem>> -> memref<8x128xf32, #tpu.memory_space<vmem>>
    %dma_start3A_926 = arith.constant 0 : i32
    %dma_start3A_927 = arith.constant 0 : i32
    %dma_start3A_928 = tpu.memref_slice %arg4[%select_n3A_860, %dma_start3A_922, %select_n3A_876, %dma_start3A_926, %dma_start3A_927] : memref<200x8x32x8x128xf32, #tpu.memory_space<hbm>> -> memref<1x1x1x8x128xf32, #tpu.memory_space<hbm>>
    %dma_start3A_929 = tpu.memref_squeeze %dma_start3A_928 : memref<1x1x1x8x128xf32, #tpu.memory_space<hbm>> -> memref<8x128xf32, #tpu.memory_space<hbm>>
    %dma_start3A_930 = arith.constant 0 : i32
    %dma_start3A_931 = arith.constant 0 : i32
    %dma_start3A_932 = tpu.memref_slice %arg4[%select_n3A_860, %dma_start3A_922, %select_n3A_876, %dma_start3A_930, %dma_start3A_931] : memref<200x8x32x8x128xf32, #tpu.memory_space<hbm>> -> memref<1x1x1x8x128xf32, #tpu.memory_space<hbm>>
    %dma_start3A_933 = tpu.memref_squeeze %dma_start3A_932 : memref<1x1x1x8x128xf32, #tpu.memory_space<hbm>> -> memref<8x128xf32, #tpu.memory_space<hbm>>
    %dma_start3A_934 = arith.constant 24 : i32
    %dma_start3A_935 = arith.constant 0 : i32
    %dma_start3A_936 = tpu.memref_slice %arg9[%dma_start3A_934, %dma_start3A_935] : memref<64x129xf32, #tpu.memory_space<vmem>> -> memref<8x128xf32, #tpu.memory_space<vmem>>
    tpu.enqueue_dma source(%dma_start3A_936 : memref<8x128xf32, #tpu.memory_space<vmem>>) target(%dma_start3A_933 : memref<8x128xf32, #tpu.memory_space<hbm>>) target_semaphore(%arg13 : memref<!tpu.dma_semaphore, #tpu.memory_space<semaphore_mem>>)
    %dma_start3A_937 = arith.constant 4 : i32
    %dma_start3A_938 = arith.constant 32 : i32
    %dma_start3A_939 = arith.constant 0 : i32
    %dma_start3A_940 = tpu.memref_slice %arg9[%dma_start3A_938, %dma_start3A_939] : memref<64x129xf32, #tpu.memory_space<vmem>> -> memref<8x128xf32, #tpu.memory_space<vmem>>
    %dma_start3A_941 = arith.constant 0 : i32
    %dma_start3A_942 = arith.constant 0 : i32
    %dma_start3A_943 = tpu.memref_slice %arg4[%select_n3A_860, %dma_start3A_937, %select_n3A_876, %dma_start3A_941, %dma_start3A_942] : memref<200x8x32x8x128xf32, #tpu.memory_space<hbm>> -> memref<1x1x1x8x128xf32, #tpu.memory_space<hbm>>
    %dma_start3A_944 = tpu.memref_squeeze %dma_start3A_943 : memref<1x1x1x8x128xf32, #tpu.memory_space<hbm>> -> memref<8x128xf32, #tpu.memory_space<hbm>>
    %dma_start3A_945 = arith.constant 0 : i32
    %dma_start3A_946 = arith.constant 0 : i32
    %dma_start3A_947 = tpu.memref_slice %arg4[%select_n3A_860, %dma_start3A_937, %select_n3A_876, %dma_start3A_945, %dma_start3A_946] : memref<200x8x32x8x128xf32, #tpu.memory_space<hbm>> -> memref<1x1x1x8x128xf32, #tpu.memory_space<hbm>>
    %dma_start3A_948 = tpu.memref_squeeze %dma_start3A_947 : memref<1x1x1x8x128xf32, #tpu.memory_space<hbm>> -> memref<8x128xf32, #tpu.memory_space<hbm>>
    %dma_start3A_949 = arith.constant 32 : i32
    %dma_start3A_950 = arith.constant 0 : i32
    %dma_start3A_951 = tpu.memref_slice %arg9[%dma_start3A_949, %dma_start3A_950] : memref<64x129xf32, #tpu.memory_space<vmem>> -> memref<8x128xf32, #tpu.memory_space<vmem>>
    tpu.enqueue_dma source(%dma_start3A_951 : memref<8x128xf32, #tpu.memory_space<vmem>>) target(%dma_start3A_948 : memref<8x128xf32, #tpu.memory_space<hbm>>) target_semaphore(%arg13 : memref<!tpu.dma_semaphore, #tpu.memory_space<semaphore_mem>>)
    %dma_start3A_952 = arith.constant 5 : i32
    %dma_start3A_953 = arith.constant 40 : i32
    %dma_start3A_954 = arith.constant 0 : i32
    %dma_start3A_955 = tpu.memref_slice %arg9[%dma_start3A_953, %dma_start3A_954] : memref<64x129xf32, #tpu.memory_space<vmem>> -> memref<8x128xf32, #tpu.memory_space<vmem>>
    %dma_start3A_956 = arith.constant 0 : i32
    %dma_start3A_957 = arith.constant 0 : i32
    %dma_start3A_958 = tpu.memref_slice %arg4[%select_n3A_860, %dma_start3A_952, %select_n3A_876, %dma_start3A_956, %dma_start3A_957] : memref<200x8x32x8x128xf32, #tpu.memory_space<hbm>> -> memref<1x1x1x8x128xf32, #tpu.memory_space<hbm>>
    %dma_start3A_959 = tpu.memref_squeeze %dma_start3A_958 : memref<1x1x1x8x128xf32, #tpu.memory_space<hbm>> -> memref<8x128xf32, #tpu.memory_space<hbm>>
    %dma_start3A_960 = arith.constant 0 : i32
    %dma_start3A_961 = arith.constant 0 : i32
    %dma_start3A_962 = tpu.memref_slice %arg4[%select_n3A_860, %dma_start3A_952, %select_n3A_876, %dma_start3A_960, %dma_start3A_961] : memref<200x8x32x8x128xf32, #tpu.memory_space<hbm>> -> memref<1x1x1x8x128xf32, #tpu.memory_space<hbm>>
    %dma_start3A_963 = tpu.memref_squeeze %dma_start3A_962 : memref<1x1x1x8x128xf32, #tpu.memory_space<hbm>> -> memref<8x128xf32, #tpu.memory_space<hbm>>
    %dma_start3A_964 = arith.constant 40 : i32
    %dma_start3A_965 = arith.constant 0 : i32
    %dma_start3A_966 = tpu.memref_slice %arg9[%dma_start3A_964, %dma_start3A_965] : memref<64x129xf32, #tpu.memory_space<vmem>> -> memref<8x128xf32, #tpu.memory_space<vmem>>
    tpu.enqueue_dma source(%dma_start3A_966 : memref<8x128xf32, #tpu.memory_space<vmem>>) target(%dma_start3A_963 : memref<8x128xf32, #tpu.memory_space<hbm>>) target_semaphore(%arg13 : memref<!tpu.dma_semaphore, #tpu.memory_space<semaphore_mem>>)
    %dma_start3A_967 = arith.constant 6 : i32
    %dma_start3A_968 = arith.constant 48 : i32
    %dma_start3A_969 = arith.constant 0 : i32
    %dma_start3A_970 = tpu.memref_slice %arg9[%dma_start3A_968, %dma_start3A_969] : memref<64x129xf32, #tpu.memory_space<vmem>> -> memref<8x128xf32, #tpu.memory_space<vmem>>
    %dma_start3A_971 = arith.constant 0 : i32
    %dma_start3A_972 = arith.constant 0 : i32
    %dma_start3A_973 = tpu.memref_slice %arg4[%select_n3A_860, %dma_start3A_967, %select_n3A_876, %dma_start3A_971, %dma_start3A_972] : memref<200x8x32x8x128xf32, #tpu.memory_space<hbm>> -> memref<1x1x1x8x128xf32, #tpu.memory_space<hbm>>
    %dma_start3A_974 = tpu.memref_squeeze %dma_start3A_973 : memref<1x1x1x8x128xf32, #tpu.memory_space<hbm>> -> memref<8x128xf32, #tpu.memory_space<hbm>>
    %dma_start3A_975 = arith.constant 0 : i32
    %dma_start3A_976 = arith.constant 0 : i32
    %dma_start3A_977 = tpu.memref_slice %arg4[%select_n3A_860, %dma_start3A_967, %select_n3A_876, %dma_start3A_975, %dma_start3A_976] : memref<200x8x32x8x128xf32, #tpu.memory_space<hbm>> -> memref<1x1x1x8x128xf32, #tpu.memory_space<hbm>>
    %dma_start3A_978 = tpu.memref_squeeze %dma_start3A_977 : memref<1x1x1x8x128xf32, #tpu.memory_space<hbm>> -> memref<8x128xf32, #tpu.memory_space<hbm>>
    %dma_start3A_979 = arith.constant 48 : i32
    %dma_start3A_980 = arith.constant 0 : i32
    %dma_start3A_981 = tpu.memref_slice %arg9[%dma_start3A_979, %dma_start3A_980] : memref<64x129xf32, #tpu.memory_space<vmem>> -> memref<8x128xf32, #tpu.memory_space<vmem>>
    tpu.enqueue_dma source(%dma_start3A_981 : memref<8x128xf32, #tpu.memory_space<vmem>>) target(%dma_start3A_978 : memref<8x128xf32, #tpu.memory_space<hbm>>) target_semaphore(%arg13 : memref<!tpu.dma_semaphore, #tpu.memory_space<semaphore_mem>>)
    %dma_start3A_982 = arith.constant 7 : i32
    %dma_start3A_983 = arith.constant 56 : i32
    %dma_start3A_984 = arith.constant 0 : i32
    %dma_start3A_985 = tpu.memref_slice %arg9[%dma_start3A_983, %dma_start3A_984] : memref<64x129xf32, #tpu.memory_space<vmem>> -> memref<8x128xf32, #tpu.memory_space<vmem>>
    %dma_start3A_986 = arith.constant 0 : i32
    %dma_start3A_987 = arith.constant 0 : i32
    %dma_start3A_988 = tpu.memref_slice %arg4[%select_n3A_860, %dma_start3A_982, %select_n3A_876, %dma_start3A_986, %dma_start3A_987] : memref<200x8x32x8x128xf32, #tpu.memory_space<hbm>> -> memref<1x1x1x8x128xf32, #tpu.memory_space<hbm>>
    %dma_start3A_989 = tpu.memref_squeeze %dma_start3A_988 : memref<1x1x1x8x128xf32, #tpu.memory_space<hbm>> -> memref<8x128xf32, #tpu.memory_space<hbm>>
    %dma_start3A_990 = arith.constant 0 : i32
    %dma_start3A_991 = arith.constant 0 : i32
    %dma_start3A_992 = tpu.memref_slice %arg4[%select_n3A_860, %dma_start3A_982, %select_n3A_876, %dma_start3A_990, %dma_start3A_991] : memref<200x8x32x8x128xf32, #tpu.memory_space<hbm>> -> memref<1x1x1x8x128xf32, #tpu.memory_space<hbm>>
    %dma_start3A_993 = tpu.memref_squeeze %dma_start3A_992 : memref<1x1x1x8x128xf32, #tpu.memory_space<hbm>> -> memref<8x128xf32, #tpu.memory_space<hbm>>
    %dma_start3A_994 = arith.constant 56 : i32
    %dma_start3A_995 = arith.constant 0 : i32
    %dma_start3A_996 = tpu.memref_slice %arg9[%dma_start3A_994, %dma_start3A_995] : memref<64x129xf32, #tpu.memory_space<vmem>> -> memref<8x128xf32, #tpu.memory_space<vmem>>
    tpu.enqueue_dma source(%dma_start3A_996 : memref<8x128xf32, #tpu.memory_space<vmem>>) target(%dma_start3A_993 : memref<8x128xf32, #tpu.memory_space<hbm>>) target_semaphore(%arg13 : memref<!tpu.dma_semaphore, #tpu.memory_space<semaphore_mem>>)
    %dma_wait3A_997 = arith.constant 0 : i32
    %dma_wait3A_998 = arith.constant 0 : i32
    %dma_wait3A_999 = arith.constant 0 : i32
    %dma_wait3A_1000 = arith.constant 0 : i32
    %dma_wait3A_1001 = arith.constant 0 : i32
    %dma_wait3A_1002 = tpu.memref_slice %arg8[%dma_wait3A_1000, %dma_wait3A_1001] : memref<64x129xf32, #tpu.memory_space<vmem>> -> memref<8x128xf32, #tpu.memory_space<vmem>>
    %dma_wait3A_1003 = arith.constant 0 : i32
    %dma_wait3A_1004 = arith.constant 0 : i32
    %dma_wait3A_1005 = tpu.memref_slice %arg4[%dma_wait3A_997, %dma_wait3A_998, %dma_wait3A_999, %dma_wait3A_1003, %dma_wait3A_1004] : memref<200x8x32x8x128xf32, #tpu.memory_space<hbm>> -> memref<1x1x1x8x128xf32, #tpu.memory_space<hbm>>
    %dma_wait3A_1006 = tpu.memref_squeeze %dma_wait3A_1005 : memref<1x1x1x8x128xf32, #tpu.memory_space<hbm>> -> memref<8x128xf32, #tpu.memory_space<hbm>>
    %dma_wait3A_1007 = arith.constant 0 : i32
    %dma_wait3A_1008 = arith.constant 0 : i32
    %dma_wait3A_1009 = tpu.memref_slice %arg4[%dma_wait3A_997, %dma_wait3A_998, %dma_wait3A_999, %dma_wait3A_1007, %dma_wait3A_1008] : memref<200x8x32x8x128xf32, #tpu.memory_space<hbm>> -> memref<1x1x1x8x128xf32, #tpu.memory_space<hbm>>
    %dma_wait3A_1010 = tpu.memref_squeeze %dma_wait3A_1009 : memref<1x1x1x8x128xf32, #tpu.memory_space<hbm>> -> memref<8x128xf32, #tpu.memory_space<hbm>>
    %dma_wait3A_1011 = arith.constant 0 : i32
    %dma_wait3A_1012 = arith.constant 0 : i32
    %dma_wait3A_1013 = tpu.memref_slice %arg8[%dma_wait3A_1011, %dma_wait3A_1012] : memref<64x129xf32, #tpu.memory_space<vmem>> -> memref<8x128xf32, #tpu.memory_space<vmem>>
    tpu.wait_dma2 semaphore(%arg12 : memref<!tpu.dma_semaphore, #tpu.memory_space<semaphore_mem>>) src(%dma_wait3A_1013 : memref<8x128xf32, #tpu.memory_space<vmem>>) dst(%dma_wait3A_1010 : memref<8x128xf32, #tpu.memory_space<hbm>>)
    %dma_wait3A_1014 = arith.constant 0 : i32
    %dma_wait3A_1015 = arith.constant 0 : i32
    %dma_wait3A_1016 = arith.constant 0 : i32
    %dma_wait3A_1017 = arith.constant 8 : i32
    %dma_wait3A_1018 = arith.constant 0 : i32
    %dma_wait3A_1019 = tpu.memref_slice %arg8[%dma_wait3A_1017, %dma_wait3A_1018] : memref<64x129xf32, #tpu.memory_space<vmem>> -> memref<8x128xf32, #tpu.memory_space<vmem>>
    %dma_wait3A_1020 = arith.constant 0 : i32
    %dma_wait3A_1021 = arith.constant 0 : i32
    %dma_wait3A_1022 = tpu.memref_slice %arg4[%dma_wait3A_1014, %dma_wait3A_1015, %dma_wait3A_1016, %dma_wait3A_1020, %dma_wait3A_1021] : memref<200x8x32x8x128xf32, #tpu.memory_space<hbm>> -> memref<1x1x1x8x128xf32, #tpu.memory_space<hbm>>
    %dma_wait3A_1023 = tpu.memref_squeeze %dma_wait3A_1022 : memref<1x1x1x8x128xf32, #tpu.memory_space<hbm>> -> memref<8x128xf32, #tpu.memory_space<hbm>>
    %dma_wait3A_1024 = arith.constant 0 : i32
    %dma_wait3A_1025 = arith.constant 0 : i32
    %dma_wait3A_1026 = tpu.memref_slice %arg4[%dma_wait3A_1014, %dma_wait3A_1015, %dma_wait3A_1016, %dma_wait3A_1024, %dma_wait3A_1025] : memref<200x8x32x8x128xf32, #tpu.memory_space<hbm>> -> memref<1x1x1x8x128xf32, #tpu.memory_space<hbm>>
    %dma_wait3A_1027 = tpu.memref_squeeze %dma_wait3A_1026 : memref<1x1x1x8x128xf32, #tpu.memory_space<hbm>> -> memref<8x128xf32, #tpu.memory_space<hbm>>
    %dma_wait3A_1028 = arith.constant 8 : i32
    %dma_wait3A_1029 = arith.constant 0 : i32
    %dma_wait3A_1030 = tpu.memref_slice %arg8[%dma_wait3A_1028, %dma_wait3A_1029] : memref<64x129xf32, #tpu.memory_space<vmem>> -> memref<8x128xf32, #tpu.memory_space<vmem>>
    tpu.wait_dma2 semaphore(%arg12 : memref<!tpu.dma_semaphore, #tpu.memory_space<semaphore_mem>>) src(%dma_wait3A_1030 : memref<8x128xf32, #tpu.memory_space<vmem>>) dst(%dma_wait3A_1027 : memref<8x128xf32, #tpu.memory_space<hbm>>)
    %dma_wait3A_1031 = arith.constant 0 : i32
    %dma_wait3A_1032 = arith.constant 0 : i32
    %dma_wait3A_1033 = arith.constant 0 : i32
    %dma_wait3A_1034 = arith.constant 16 : i32
    %dma_wait3A_1035 = arith.constant 0 : i32
    %dma_wait3A_1036 = tpu.memref_slice %arg8[%dma_wait3A_1034, %dma_wait3A_1035] : memref<64x129xf32, #tpu.memory_space<vmem>> -> memref<8x128xf32, #tpu.memory_space<vmem>>
    %dma_wait3A_1037 = arith.constant 0 : i32
    %dma_wait3A_1038 = arith.constant 0 : i32
    %dma_wait3A_1039 = tpu.memref_slice %arg4[%dma_wait3A_1031, %dma_wait3A_1032, %dma_wait3A_1033, %dma_wait3A_1037, %dma_wait3A_1038] : memref<200x8x32x8x128xf32, #tpu.memory_space<hbm>> -> memref<1x1x1x8x128xf32, #tpu.memory_space<hbm>>
    %dma_wait3A_1040 = tpu.memref_squeeze %dma_wait3A_1039 : memref<1x1x1x8x128xf32, #tpu.memory_space<hbm>> -> memref<8x128xf32, #tpu.memory_space<hbm>>
    %dma_wait3A_1041 = arith.constant 0 : i32
    %dma_wait3A_1042 = arith.constant 0 : i32
    %dma_wait3A_1043 = tpu.memref_slice %arg4[%dma_wait3A_1031, %dma_wait3A_1032, %dma_wait3A_1033, %dma_wait3A_1041, %dma_wait3A_1042] : memref<200x8x32x8x128xf32, #tpu.memory_space<hbm>> -> memref<1x1x1x8x128xf32, #tpu.memory_space<hbm>>
    %dma_wait3A_1044 = tpu.memref_squeeze %dma_wait3A_1043 : memref<1x1x1x8x128xf32, #tpu.memory_space<hbm>> -> memref<8x128xf32, #tpu.memory_space<hbm>>
    %dma_wait3A_1045 = arith.constant 16 : i32
    %dma_wait3A_1046 = arith.constant 0 : i32
    %dma_wait3A_1047 = tpu.memref_slice %arg8[%dma_wait3A_1045, %dma_wait3A_1046] : memref<64x129xf32, #tpu.memory_space<vmem>> -> memref<8x128xf32, #tpu.memory_space<vmem>>
    tpu.wait_dma2 semaphore(%arg12 : memref<!tpu.dma_semaphore, #tpu.memory_space<semaphore_mem>>) src(%dma_wait3A_1047 : memref<8x128xf32, #tpu.memory_space<vmem>>) dst(%dma_wait3A_1044 : memref<8x128xf32, #tpu.memory_space<hbm>>)
    %dma_wait3A_1048 = arith.constant 0 : i32
    %dma_wait3A_1049 = arith.constant 0 : i32
    %dma_wait3A_1050 = arith.constant 0 : i32
    %dma_wait3A_1051 = arith.constant 24 : i32
    %dma_wait3A_1052 = arith.constant 0 : i32
    %dma_wait3A_1053 = tpu.memref_slice %arg8[%dma_wait3A_1051, %dma_wait3A_1052] : memref<64x129xf32, #tpu.memory_space<vmem>> -> memref<8x128xf32, #tpu.memory_space<vmem>>
    %dma_wait3A_1054 = arith.constant 0 : i32
    %dma_wait3A_1055 = arith.constant 0 : i32
    %dma_wait3A_1056 = tpu.memref_slice %arg4[%dma_wait3A_1048, %dma_wait3A_1049, %dma_wait3A_1050, %dma_wait3A_1054, %dma_wait3A_1055] : memref<200x8x32x8x128xf32, #tpu.memory_space<hbm>> -> memref<1x1x1x8x128xf32, #tpu.memory_space<hbm>>
    %dma_wait3A_1057 = tpu.memref_squeeze %dma_wait3A_1056 : memref<1x1x1x8x128xf32, #tpu.memory_space<hbm>> -> memref<8x128xf32, #tpu.memory_space<hbm>>
    %dma_wait3A_1058 = arith.constant 0 : i32
    %dma_wait3A_1059 = arith.constant 0 : i32
    %dma_wait3A_1060 = tpu.memref_slice %arg4[%dma_wait3A_1048, %dma_wait3A_1049, %dma_wait3A_1050, %dma_wait3A_1058, %dma_wait3A_1059] : memref<200x8x32x8x128xf32, #tpu.memory_space<hbm>> -> memref<1x1x1x8x128xf32, #tpu.memory_space<hbm>>
    %dma_wait3A_1061 = tpu.memref_squeeze %dma_wait3A_1060 : memref<1x1x1x8x128xf32, #tpu.memory_space<hbm>> -> memref<8x128xf32, #tpu.memory_space<hbm>>
    %dma_wait3A_1062 = arith.constant 24 : i32
    %dma_wait3A_1063 = arith.constant 0 : i32
    %dma_wait3A_1064 = tpu.memref_slice %arg8[%dma_wait3A_1062, %dma_wait3A_1063] : memref<64x129xf32, #tpu.memory_space<vmem>> -> memref<8x128xf32, #tpu.memory_space<vmem>>
    tpu.wait_dma2 semaphore(%arg12 : memref<!tpu.dma_semaphore, #tpu.memory_space<semaphore_mem>>) src(%dma_wait3A_1064 : memref<8x128xf32, #tpu.memory_space<vmem>>) dst(%dma_wait3A_1061 : memref<8x128xf32, #tpu.memory_space<hbm>>)
    %dma_wait3A_1065 = arith.constant 0 : i32
    %dma_wait3A_1066 = arith.constant 0 : i32
    %dma_wait3A_1067 = arith.constant 0 : i32
    %dma_wait3A_1068 = arith.constant 32 : i32
    %dma_wait3A_1069 = arith.constant 0 : i32
    %dma_wait3A_1070 = tpu.memref_slice %arg8[%dma_wait3A_1068, %dma_wait3A_1069] : memref<64x129xf32, #tpu.memory_space<vmem>> -> memref<8x128xf32, #tpu.memory_space<vmem>>
    %dma_wait3A_1071 = arith.constant 0 : i32
    %dma_wait3A_1072 = arith.constant 0 : i32
    %dma_wait3A_1073 = tpu.memref_slice %arg4[%dma_wait3A_1065, %dma_wait3A_1066, %dma_wait3A_1067, %dma_wait3A_1071, %dma_wait3A_1072] : memref<200x8x32x8x128xf32, #tpu.memory_space<hbm>> -> memref<1x1x1x8x128xf32, #tpu.memory_space<hbm>>
    %dma_wait3A_1074 = tpu.memref_squeeze %dma_wait3A_1073 : memref<1x1x1x8x128xf32, #tpu.memory_space<hbm>> -> memref<8x128xf32, #tpu.memory_space<hbm>>
    %dma_wait3A_1075 = arith.constant 0 : i32
    %dma_wait3A_1076 = arith.constant 0 : i32
    %dma_wait3A_1077 = tpu.memref_slice %arg4[%dma_wait3A_1065, %dma_wait3A_1066, %dma_wait3A_1067, %dma_wait3A_1075, %dma_wait3A_1076] : memref<200x8x32x8x128xf32, #tpu.memory_space<hbm>> -> memref<1x1x1x8x128xf32, #tpu.memory_space<hbm>>
    %dma_wait3A_1078 = tpu.memref_squeeze %dma_wait3A_1077 : memref<1x1x1x8x128xf32, #tpu.memory_space<hbm>> -> memref<8x128xf32, #tpu.memory_space<hbm>>
    %dma_wait3A_1079 = arith.constant 32 : i32
    %dma_wait3A_1080 = arith.constant 0 : i32
    %dma_wait3A_1081 = tpu.memref_slice %arg8[%dma_wait3A_1079, %dma_wait3A_1080] : memref<64x129xf32, #tpu.memory_space<vmem>> -> memref<8x128xf32, #tpu.memory_space<vmem>>
    tpu.wait_dma2 semaphore(%arg12 : memref<!tpu.dma_semaphore, #tpu.memory_space<semaphore_mem>>) src(%dma_wait3A_1081 : memref<8x128xf32, #tpu.memory_space<vmem>>) dst(%dma_wait3A_1078 : memref<8x128xf32, #tpu.memory_space<hbm>>)
    %dma_wait3A_1082 = arith.constant 0 : i32
    %dma_wait3A_1083 = arith.constant 0 : i32
    %dma_wait3A_1084 = arith.constant 0 : i32
    %dma_wait3A_1085 = arith.constant 40 : i32
    %dma_wait3A_1086 = arith.constant 0 : i32
    %dma_wait3A_1087 = tpu.memref_slice %arg8[%dma_wait3A_1085, %dma_wait3A_1086] : memref<64x129xf32, #tpu.memory_space<vmem>> -> memref<8x128xf32, #tpu.memory_space<vmem>>
    %dma_wait3A_1088 = arith.constant 0 : i32
    %dma_wait3A_1089 = arith.constant 0 : i32
    %dma_wait3A_1090 = tpu.memref_slice %arg4[%dma_wait3A_1082, %dma_wait3A_1083, %dma_wait3A_1084, %dma_wait3A_1088, %dma_wait3A_1089] : memref<200x8x32x8x128xf32, #tpu.memory_space<hbm>> -> memref<1x1x1x8x128xf32, #tpu.memory_space<hbm>>
    %dma_wait3A_1091 = tpu.memref_squeeze %dma_wait3A_1090 : memref<1x1x1x8x128xf32, #tpu.memory_space<hbm>> -> memref<8x128xf32, #tpu.memory_space<hbm>>
    %dma_wait3A_1092 = arith.constant 0 : i32
    %dma_wait3A_1093 = arith.constant 0 : i32
    %dma_wait3A_1094 = tpu.memref_slice %arg4[%dma_wait3A_1082, %dma_wait3A_1083, %dma_wait3A_1084, %dma_wait3A_1092, %dma_wait3A_1093] : memref<200x8x32x8x128xf32, #tpu.memory_space<hbm>> -> memref<1x1x1x8x128xf32, #tpu.memory_space<hbm>>
    %dma_wait3A_1095 = tpu.memref_squeeze %dma_wait3A_1094 : memref<1x1x1x8x128xf32, #tpu.memory_space<hbm>> -> memref<8x128xf32, #tpu.memory_space<hbm>>
    %dma_wait3A_1096 = arith.constant 40 : i32
    %dma_wait3A_1097 = arith.constant 0 : i32
    %dma_wait3A_1098 = tpu.memref_slice %arg8[%dma_wait3A_1096, %dma_wait3A_1097] : memref<64x129xf32, #tpu.memory_space<vmem>> -> memref<8x128xf32, #tpu.memory_space<vmem>>
    tpu.wait_dma2 semaphore(%arg12 : memref<!tpu.dma_semaphore, #tpu.memory_space<semaphore_mem>>) src(%dma_wait3A_1098 : memref<8x128xf32, #tpu.memory_space<vmem>>) dst(%dma_wait3A_1095 : memref<8x128xf32, #tpu.memory_space<hbm>>)
    %dma_wait3A_1099 = arith.constant 0 : i32
    %dma_wait3A_1100 = arith.constant 0 : i32
    %dma_wait3A_1101 = arith.constant 0 : i32
    %dma_wait3A_1102 = arith.constant 48 : i32
    %dma_wait3A_1103 = arith.constant 0 : i32
    %dma_wait3A_1104 = tpu.memref_slice %arg8[%dma_wait3A_1102, %dma_wait3A_1103] : memref<64x129xf32, #tpu.memory_space<vmem>> -> memref<8x128xf32, #tpu.memory_space<vmem>>
    %dma_wait3A_1105 = arith.constant 0 : i32
    %dma_wait3A_1106 = arith.constant 0 : i32
    %dma_wait3A_1107 = tpu.memref_slice %arg4[%dma_wait3A_1099, %dma_wait3A_1100, %dma_wait3A_1101, %dma_wait3A_1105, %dma_wait3A_1106] : memref<200x8x32x8x128xf32, #tpu.memory_space<hbm>> -> memref<1x1x1x8x128xf32, #tpu.memory_space<hbm>>
    %dma_wait3A_1108 = tpu.memref_squeeze %dma_wait3A_1107 : memref<1x1x1x8x128xf32, #tpu.memory_space<hbm>> -> memref<8x128xf32, #tpu.memory_space<hbm>>
    %dma_wait3A_1109 = arith.constant 0 : i32
    %dma_wait3A_1110 = arith.constant 0 : i32
    %dma_wait3A_1111 = tpu.memref_slice %arg4[%dma_wait3A_1099, %dma_wait3A_1100, %dma_wait3A_1101, %dma_wait3A_1109, %dma_wait3A_1110] : memref<200x8x32x8x128xf32, #tpu.memory_space<hbm>> -> memref<1x1x1x8x128xf32, #tpu.memory_space<hbm>>
    %dma_wait3A_1112 = tpu.memref_squeeze %dma_wait3A_1111 : memref<1x1x1x8x128xf32, #tpu.memory_space<hbm>> -> memref<8x128xf32, #tpu.memory_space<hbm>>
    %dma_wait3A_1113 = arith.constant 48 : i32
    %dma_wait3A_1114 = arith.constant 0 : i32
    %dma_wait3A_1115 = tpu.memref_slice %arg8[%dma_wait3A_1113, %dma_wait3A_1114] : memref<64x129xf32, #tpu.memory_space<vmem>> -> memref<8x128xf32, #tpu.memory_space<vmem>>
    tpu.wait_dma2 semaphore(%arg12 : memref<!tpu.dma_semaphore, #tpu.memory_space<semaphore_mem>>) src(%dma_wait3A_1115 : memref<8x128xf32, #tpu.memory_space<vmem>>) dst(%dma_wait3A_1112 : memref<8x128xf32, #tpu.memory_space<hbm>>)
    %dma_wait3A_1116 = arith.constant 0 : i32
    %dma_wait3A_1117 = arith.constant 0 : i32
    %dma_wait3A_1118 = arith.constant 0 : i32
    %dma_wait3A_1119 = arith.constant 56 : i32
    %dma_wait3A_1120 = arith.constant 0 : i32
    %dma_wait3A_1121 = tpu.memref_slice %arg8[%dma_wait3A_1119, %dma_wait3A_1120] : memref<64x129xf32, #tpu.memory_space<vmem>> -> memref<8x128xf32, #tpu.memory_space<vmem>>
    %dma_wait3A_1122 = arith.constant 0 : i32
    %dma_wait3A_1123 = arith.constant 0 : i32
    %dma_wait3A_1124 = tpu.memref_slice %arg4[%dma_wait3A_1116, %dma_wait3A_1117, %dma_wait3A_1118, %dma_wait3A_1122, %dma_wait3A_1123] : memref<200x8x32x8x128xf32, #tpu.memory_space<hbm>> -> memref<1x1x1x8x128xf32, #tpu.memory_space<hbm>>
    %dma_wait3A_1125 = tpu.memref_squeeze %dma_wait3A_1124 : memref<1x1x1x8x128xf32, #tpu.memory_space<hbm>> -> memref<8x128xf32, #tpu.memory_space<hbm>>
    %dma_wait3A_1126 = arith.constant 0 : i32
    %dma_wait3A_1127 = arith.constant 0 : i32
    %dma_wait3A_1128 = tpu.memref_slice %arg4[%dma_wait3A_1116, %dma_wait3A_1117, %dma_wait3A_1118, %dma_wait3A_1126, %dma_wait3A_1127] : memref<200x8x32x8x128xf32, #tpu.memory_space<hbm>> -> memref<1x1x1x8x128xf32, #tpu.memory_space<hbm>>
    %dma_wait3A_1129 = tpu.memref_squeeze %dma_wait3A_1128 : memref<1x1x1x8x128xf32, #tpu.memory_space<hbm>> -> memref<8x128xf32, #tpu.memory_space<hbm>>
    %dma_wait3A_1130 = arith.constant 56 : i32
    %dma_wait3A_1131 = arith.constant 0 : i32
    %dma_wait3A_1132 = tpu.memref_slice %arg8[%dma_wait3A_1130, %dma_wait3A_1131] : memref<64x129xf32, #tpu.memory_space<vmem>> -> memref<8x128xf32, #tpu.memory_space<vmem>>
    tpu.wait_dma2 semaphore(%arg12 : memref<!tpu.dma_semaphore, #tpu.memory_space<semaphore_mem>>) src(%dma_wait3A_1132 : memref<8x128xf32, #tpu.memory_space<vmem>>) dst(%dma_wait3A_1129 : memref<8x128xf32, #tpu.memory_space<hbm>>)
    %dma_wait3A_1133 = arith.constant 0 : i32
    %dma_wait3A_1134 = arith.constant 0 : i32
    %dma_wait3A_1135 = arith.constant 0 : i32
    %dma_wait3A_1136 = arith.constant 0 : i32
    %dma_wait3A_1137 = arith.constant 0 : i32
    %dma_wait3A_1138 = tpu.memref_slice %arg9[%dma_wait3A_1136, %dma_wait3A_1137] : memref<64x129xf32, #tpu.memory_space<vmem>> -> memref<8x128xf32, #tpu.memory_space<vmem>>
    %dma_wait3A_1139 = arith.constant 0 : i32
    %dma_wait3A_1140 = arith.constant 0 : i32
    %dma_wait3A_1141 = tpu.memref_slice %arg4[%dma_wait3A_1133, %dma_wait3A_1134, %dma_wait3A_1135, %dma_wait3A_1139, %dma_wait3A_1140] : memref<200x8x32x8x128xf32, #tpu.memory_space<hbm>> -> memref<1x1x1x8x128xf32, #tpu.memory_space<hbm>>
    %dma_wait3A_1142 = tpu.memref_squeeze %dma_wait3A_1141 : memref<1x1x1x8x128xf32, #tpu.memory_space<hbm>> -> memref<8x128xf32, #tpu.memory_space<hbm>>
    %dma_wait3A_1143 = arith.constant 0 : i32
    %dma_wait3A_1144 = arith.constant 0 : i32
    %dma_wait3A_1145 = tpu.memref_slice %arg4[%dma_wait3A_1133, %dma_wait3A_1134, %dma_wait3A_1135, %dma_wait3A_1143, %dma_wait3A_1144] : memref<200x8x32x8x128xf32, #tpu.memory_space<hbm>> -> memref<1x1x1x8x128xf32, #tpu.memory_space<hbm>>
    %dma_wait3A_1146 = tpu.memref_squeeze %dma_wait3A_1145 : memref<1x1x1x8x128xf32, #tpu.memory_space<hbm>> -> memref<8x128xf32, #tpu.memory_space<hbm>>
    %dma_wait3A_1147 = arith.constant 0 : i32
    %dma_wait3A_1148 = arith.constant 0 : i32
    %dma_wait3A_1149 = tpu.memref_slice %arg9[%dma_wait3A_1147, %dma_wait3A_1148] : memref<64x129xf32, #tpu.memory_space<vmem>> -> memref<8x128xf32, #tpu.memory_space<vmem>>
    tpu.wait_dma2 semaphore(%arg13 : memref<!tpu.dma_semaphore, #tpu.memory_space<semaphore_mem>>) src(%dma_wait3A_1149 : memref<8x128xf32, #tpu.memory_space<vmem>>) dst(%dma_wait3A_1146 : memref<8x128xf32, #tpu.memory_space<hbm>>)
    %dma_wait3A_1150 = arith.constant 0 : i32
    %dma_wait3A_1151 = arith.constant 0 : i32
    %dma_wait3A_1152 = arith.constant 0 : i32
    %dma_wait3A_1153 = arith.constant 8 : i32
    %dma_wait3A_1154 = arith.constant 0 : i32
    %dma_wait3A_1155 = tpu.memref_slice %arg9[%dma_wait3A_1153, %dma_wait3A_1154] : memref<64x129xf32, #tpu.memory_space<vmem>> -> memref<8x128xf32, #tpu.memory_space<vmem>>
    %dma_wait3A_1156 = arith.constant 0 : i32
    %dma_wait3A_1157 = arith.constant 0 : i32
    %dma_wait3A_1158 = tpu.memref_slice %arg4[%dma_wait3A_1150, %dma_wait3A_1151, %dma_wait3A_1152, %dma_wait3A_1156, %dma_wait3A_1157] : memref<200x8x32x8x128xf32, #tpu.memory_space<hbm>> -> memref<1x1x1x8x128xf32, #tpu.memory_space<hbm>>
    %dma_wait3A_1159 = tpu.memref_squeeze %dma_wait3A_1158 : memref<1x1x1x8x128xf32, #tpu.memory_space<hbm>> -> memref<8x128xf32, #tpu.memory_space<hbm>>
    %dma_wait3A_1160 = arith.constant 0 : i32
    %dma_wait3A_1161 = arith.constant 0 : i32
    %dma_wait3A_1162 = tpu.memref_slice %arg4[%dma_wait3A_1150, %dma_wait3A_1151, %dma_wait3A_1152, %dma_wait3A_1160, %dma_wait3A_1161] : memref<200x8x32x8x128xf32, #tpu.memory_space<hbm>> -> memref<1x1x1x8x128xf32, #tpu.memory_space<hbm>>
    %dma_wait3A_1163 = tpu.memref_squeeze %dma_wait3A_1162 : memref<1x1x1x8x128xf32, #tpu.memory_space<hbm>> -> memref<8x128xf32, #tpu.memory_space<hbm>>
    %dma_wait3A_1164 = arith.constant 8 : i32
    %dma_wait3A_1165 = arith.constant 0 : i32
    %dma_wait3A_1166 = tpu.memref_slice %arg9[%dma_wait3A_1164, %dma_wait3A_1165] : memref<64x129xf32, #tpu.memory_space<vmem>> -> memref<8x128xf32, #tpu.memory_space<vmem>>
    tpu.wait_dma2 semaphore(%arg13 : memref<!tpu.dma_semaphore, #tpu.memory_space<semaphore_mem>>) src(%dma_wait3A_1166 : memref<8x128xf32, #tpu.memory_space<vmem>>) dst(%dma_wait3A_1163 : memref<8x128xf32, #tpu.memory_space<hbm>>)
    %dma_wait3A_1167 = arith.constant 0 : i32
    %dma_wait3A_1168 = arith.constant 0 : i32
    %dma_wait3A_1169 = arith.constant 0 : i32
    %dma_wait3A_1170 = arith.constant 16 : i32
    %dma_wait3A_1171 = arith.constant 0 : i32
    %dma_wait3A_1172 = tpu.memref_slice %arg9[%dma_wait3A_1170, %dma_wait3A_1171] : memref<64x129xf32, #tpu.memory_space<vmem>> -> memref<8x128xf32, #tpu.memory_space<vmem>>
    %dma_wait3A_1173 = arith.constant 0 : i32
    %dma_wait3A_1174 = arith.constant 0 : i32
    %dma_wait3A_1175 = tpu.memref_slice %arg4[%dma_wait3A_1167, %dma_wait3A_1168, %dma_wait3A_1169, %dma_wait3A_1173, %dma_wait3A_1174] : memref<200x8x32x8x128xf32, #tpu.memory_space<hbm>> -> memref<1x1x1x8x128xf32, #tpu.memory_space<hbm>>
    %dma_wait3A_1176 = tpu.memref_squeeze %dma_wait3A_1175 : memref<1x1x1x8x128xf32, #tpu.memory_space<hbm>> -> memref<8x128xf32, #tpu.memory_space<hbm>>
    %dma_wait3A_1177 = arith.constant 0 : i32
    %dma_wait3A_1178 = arith.constant 0 : i32
    %dma_wait3A_1179 = tpu.memref_slice %arg4[%dma_wait3A_1167, %dma_wait3A_1168, %dma_wait3A_1169, %dma_wait3A_1177, %dma_wait3A_1178] : memref<200x8x32x8x128xf32, #tpu.memory_space<hbm>> -> memref<1x1x1x8x128xf32, #tpu.memory_space<hbm>>
    %dma_wait3A_1180 = tpu.memref_squeeze %dma_wait3A_1179 : memref<1x1x1x8x128xf32, #tpu.memory_space<hbm>> -> memref<8x128xf32, #tpu.memory_space<hbm>>
    %dma_wait3A_1181 = arith.constant 16 : i32
    %dma_wait3A_1182 = arith.constant 0 : i32
    %dma_wait3A_1183 = tpu.memref_slice %arg9[%dma_wait3A_1181, %dma_wait3A_1182] : memref<64x129xf32, #tpu.memory_space<vmem>> -> memref<8x128xf32, #tpu.memory_space<vmem>>
    tpu.wait_dma2 semaphore(%arg13 : memref<!tpu.dma_semaphore, #tpu.memory_space<semaphore_mem>>) src(%dma_wait3A_1183 : memref<8x128xf32, #tpu.memory_space<vmem>>) dst(%dma_wait3A_1180 : memref<8x128xf32, #tpu.memory_space<hbm>>)
    %dma_wait3A_1184 = arith.constant 0 : i32
    %dma_wait3A_1185 = arith.constant 0 : i32
    %dma_wait3A_1186 = arith.constant 0 : i32
    %dma_wait3A_1187 = arith.constant 24 : i32
    %dma_wait3A_1188 = arith.constant 0 : i32
    %dma_wait3A_1189 = tpu.memref_slice %arg9[%dma_wait3A_1187, %dma_wait3A_1188] : memref<64x129xf32, #tpu.memory_space<vmem>> -> memref<8x128xf32, #tpu.memory_space<vmem>>
    %dma_wait3A_1190 = arith.constant 0 : i32
    %dma_wait3A_1191 = arith.constant 0 : i32
    %dma_wait3A_1192 = tpu.memref_slice %arg4[%dma_wait3A_1184, %dma_wait3A_1185, %dma_wait3A_1186, %dma_wait3A_1190, %dma_wait3A_1191] : memref<200x8x32x8x128xf32, #tpu.memory_space<hbm>> -> memref<1x1x1x8x128xf32, #tpu.memory_space<hbm>>
    %dma_wait3A_1193 = tpu.memref_squeeze %dma_wait3A_1192 : memref<1x1x1x8x128xf32, #tpu.memory_space<hbm>> -> memref<8x128xf32, #tpu.memory_space<hbm>>
    %dma_wait3A_1194 = arith.constant 0 : i32
    %dma_wait3A_1195 = arith.constant 0 : i32
    %dma_wait3A_1196 = tpu.memref_slice %arg4[%dma_wait3A_1184, %dma_wait3A_1185, %dma_wait3A_1186, %dma_wait3A_1194, %dma_wait3A_1195] : memref<200x8x32x8x128xf32, #tpu.memory_space<hbm>> -> memref<1x1x1x8x128xf32, #tpu.memory_space<hbm>>
    %dma_wait3A_1197 = tpu.memref_squeeze %dma_wait3A_1196 : memref<1x1x1x8x128xf32, #tpu.memory_space<hbm>> -> memref<8x128xf32, #tpu.memory_space<hbm>>
    %dma_wait3A_1198 = arith.constant 24 : i32
    %dma_wait3A_1199 = arith.constant 0 : i32
    %dma_wait3A_1200 = tpu.memref_slice %arg9[%dma_wait3A_1198, %dma_wait3A_1199] : memref<64x129xf32, #tpu.memory_space<vmem>> -> memref<8x128xf32, #tpu.memory_space<vmem>>
    tpu.wait_dma2 semaphore(%arg13 : memref<!tpu.dma_semaphore, #tpu.memory_space<semaphore_mem>>) src(%dma_wait3A_1200 : memref<8x128xf32, #tpu.memory_space<vmem>>) dst(%dma_wait3A_1197 : memref<8x128xf32, #tpu.memory_space<hbm>>)
    %dma_wait3A_1201 = arith.constant 0 : i32
    %dma_wait3A_1202 = arith.constant 0 : i32
    %dma_wait3A_1203 = arith.constant 0 : i32
    %dma_wait3A_1204 = arith.constant 32 : i32
    %dma_wait3A_1205 = arith.constant 0 : i32
    %dma_wait3A_1206 = tpu.memref_slice %arg9[%dma_wait3A_1204, %dma_wait3A_1205] : memref<64x129xf32, #tpu.memory_space<vmem>> -> memref<8x128xf32, #tpu.memory_space<vmem>>
    %dma_wait3A_1207 = arith.constant 0 : i32
    %dma_wait3A_1208 = arith.constant 0 : i32
    %dma_wait3A_1209 = tpu.memref_slice %arg4[%dma_wait3A_1201, %dma_wait3A_1202, %dma_wait3A_1203, %dma_wait3A_1207, %dma_wait3A_1208] : memref<200x8x32x8x128xf32, #tpu.memory_space<hbm>> -> memref<1x1x1x8x128xf32, #tpu.memory_space<hbm>>
    %dma_wait3A_1210 = tpu.memref_squeeze %dma_wait3A_1209 : memref<1x1x1x8x128xf32, #tpu.memory_space<hbm>> -> memref<8x128xf32, #tpu.memory_space<hbm>>
    %dma_wait3A_1211 = arith.constant 0 : i32
    %dma_wait3A_1212 = arith.constant 0 : i32
    %dma_wait3A_1213 = tpu.memref_slice %arg4[%dma_wait3A_1201, %dma_wait3A_1202, %dma_wait3A_1203, %dma_wait3A_1211, %dma_wait3A_1212] : memref<200x8x32x8x128xf32, #tpu.memory_space<hbm>> -> memref<1x1x1x8x128xf32, #tpu.memory_space<hbm>>
    %dma_wait3A_1214 = tpu.memref_squeeze %dma_wait3A_1213 : memref<1x1x1x8x128xf32, #tpu.memory_space<hbm>> -> memref<8x128xf32, #tpu.memory_space<hbm>>
    %dma_wait3A_1215 = arith.constant 32 : i32
    %dma_wait3A_1216 = arith.constant 0 : i32
    %dma_wait3A_1217 = tpu.memref_slice %arg9[%dma_wait3A_1215, %dma_wait3A_1216] : memref<64x129xf32, #tpu.memory_space<vmem>> -> memref<8x128xf32, #tpu.memory_space<vmem>>
    tpu.wait_dma2 semaphore(%arg13 : memref<!tpu.dma_semaphore, #tpu.memory_space<semaphore_mem>>) src(%dma_wait3A_1217 : memref<8x128xf32, #tpu.memory_space<vmem>>) dst(%dma_wait3A_1214 : memref<8x128xf32, #tpu.memory_space<hbm>>)
    %dma_wait3A_1218 = arith.constant 0 : i32
    %dma_wait3A_1219 = arith.constant 0 : i32
    %dma_wait3A_1220 = arith.constant 0 : i32
    %dma_wait3A_1221 = arith.constant 40 : i32
    %dma_wait3A_1222 = arith.constant 0 : i32
    %dma_wait3A_1223 = tpu.memref_slice %arg9[%dma_wait3A_1221, %dma_wait3A_1222] : memref<64x129xf32, #tpu.memory_space<vmem>> -> memref<8x128xf32, #tpu.memory_space<vmem>>
    %dma_wait3A_1224 = arith.constant 0 : i32
    %dma_wait3A_1225 = arith.constant 0 : i32
    %dma_wait3A_1226 = tpu.memref_slice %arg4[%dma_wait3A_1218, %dma_wait3A_1219, %dma_wait3A_1220, %dma_wait3A_1224, %dma_wait3A_1225] : memref<200x8x32x8x128xf32, #tpu.memory_space<hbm>> -> memref<1x1x1x8x128xf32, #tpu.memory_space<hbm>>
    %dma_wait3A_1227 = tpu.memref_squeeze %dma_wait3A_1226 : memref<1x1x1x8x128xf32, #tpu.memory_space<hbm>> -> memref<8x128xf32, #tpu.memory_space<hbm>>
    %dma_wait3A_1228 = arith.constant 0 : i32
    %dma_wait3A_1229 = arith.constant 0 : i32
    %dma_wait3A_1230 = tpu.memref_slice %arg4[%dma_wait3A_1218, %dma_wait3A_1219, %dma_wait3A_1220, %dma_wait3A_1228, %dma_wait3A_1229] : memref<200x8x32x8x128xf32, #tpu.memory_space<hbm>> -> memref<1x1x1x8x128xf32, #tpu.memory_space<hbm>>
    %dma_wait3A_1231 = tpu.memref_squeeze %dma_wait3A_1230 : memref<1x1x1x8x128xf32, #tpu.memory_space<hbm>> -> memref<8x128xf32, #tpu.memory_space<hbm>>
    %dma_wait3A_1232 = arith.constant 40 : i32
    %dma_wait3A_1233 = arith.constant 0 : i32
    %dma_wait3A_1234 = tpu.memref_slice %arg9[%dma_wait3A_1232, %dma_wait3A_1233] : memref<64x129xf32, #tpu.memory_space<vmem>> -> memref<8x128xf32, #tpu.memory_space<vmem>>
    tpu.wait_dma2 semaphore(%arg13 : memref<!tpu.dma_semaphore, #tpu.memory_space<semaphore_mem>>) src(%dma_wait3A_1234 : memref<8x128xf32, #tpu.memory_space<vmem>>) dst(%dma_wait3A_1231 : memref<8x128xf32, #tpu.memory_space<hbm>>)
    %dma_wait3A_1235 = arith.constant 0 : i32
    %dma_wait3A_1236 = arith.constant 0 : i32
    %dma_wait3A_1237 = arith.constant 0 : i32
    %dma_wait3A_1238 = arith.constant 48 : i32
    %dma_wait3A_1239 = arith.constant 0 : i32
    %dma_wait3A_1240 = tpu.memref_slice %arg9[%dma_wait3A_1238, %dma_wait3A_1239] : memref<64x129xf32, #tpu.memory_space<vmem>> -> memref<8x128xf32, #tpu.memory_space<vmem>>
    %dma_wait3A_1241 = arith.constant 0 : i32
    %dma_wait3A_1242 = arith.constant 0 : i32
    %dma_wait3A_1243 = tpu.memref_slice %arg4[%dma_wait3A_1235, %dma_wait3A_1236, %dma_wait3A_1237, %dma_wait3A_1241, %dma_wait3A_1242] : memref<200x8x32x8x128xf32, #tpu.memory_space<hbm>> -> memref<1x1x1x8x128xf32, #tpu.memory_space<hbm>>
    %dma_wait3A_1244 = tpu.memref_squeeze %dma_wait3A_1243 : memref<1x1x1x8x128xf32, #tpu.memory_space<hbm>> -> memref<8x128xf32, #tpu.memory_space<hbm>>
    %dma_wait3A_1245 = arith.constant 0 : i32
    %dma_wait3A_1246 = arith.constant 0 : i32
    %dma_wait3A_1247 = tpu.memref_slice %arg4[%dma_wait3A_1235, %dma_wait3A_1236, %dma_wait3A_1237, %dma_wait3A_1245, %dma_wait3A_1246] : memref<200x8x32x8x128xf32, #tpu.memory_space<hbm>> -> memref<1x1x1x8x128xf32, #tpu.memory_space<hbm>>
    %dma_wait3A_1248 = tpu.memref_squeeze %dma_wait3A_1247 : memref<1x1x1x8x128xf32, #tpu.memory_space<hbm>> -> memref<8x128xf32, #tpu.memory_space<hbm>>
    %dma_wait3A_1249 = arith.constant 48 : i32
    %dma_wait3A_1250 = arith.constant 0 : i32
    %dma_wait3A_1251 = tpu.memref_slice %arg9[%dma_wait3A_1249, %dma_wait3A_1250] : memref<64x129xf32, #tpu.memory_space<vmem>> -> memref<8x128xf32, #tpu.memory_space<vmem>>
    tpu.wait_dma2 semaphore(%arg13 : memref<!tpu.dma_semaphore, #tpu.memory_space<semaphore_mem>>) src(%dma_wait3A_1251 : memref<8x128xf32, #tpu.memory_space<vmem>>) dst(%dma_wait3A_1248 : memref<8x128xf32, #tpu.memory_space<hbm>>)
    %dma_wait3A_1252 = arith.constant 0 : i32
    %dma_wait3A_1253 = arith.constant 0 : i32
    %dma_wait3A_1254 = arith.constant 0 : i32
    %dma_wait3A_1255 = arith.constant 56 : i32
    %dma_wait3A_1256 = arith.constant 0 : i32
    %dma_wait3A_1257 = tpu.memref_slice %arg9[%dma_wait3A_1255, %dma_wait3A_1256] : memref<64x129xf32, #tpu.memory_space<vmem>> -> memref<8x128xf32, #tpu.memory_space<vmem>>
    %dma_wait3A_1258 = arith.constant 0 : i32
    %dma_wait3A_1259 = arith.constant 0 : i32
    %dma_wait3A_1260 = tpu.memref_slice %arg4[%dma_wait3A_1252, %dma_wait3A_1253, %dma_wait3A_1254, %dma_wait3A_1258, %dma_wait3A_1259] : memref<200x8x32x8x128xf32, #tpu.memory_space<hbm>> -> memref<1x1x1x8x128xf32, #tpu.memory_space<hbm>>
    %dma_wait3A_1261 = tpu.memref_squeeze %dma_wait3A_1260 : memref<1x1x1x8x128xf32, #tpu.memory_space<hbm>> -> memref<8x128xf32, #tpu.memory_space<hbm>>
    %dma_wait3A_1262 = arith.constant 0 : i32
    %dma_wait3A_1263 = arith.constant 0 : i32
    %dma_wait3A_1264 = tpu.memref_slice %arg4[%dma_wait3A_1252, %dma_wait3A_1253, %dma_wait3A_1254, %dma_wait3A_1262, %dma_wait3A_1263] : memref<200x8x32x8x128xf32, #tpu.memory_space<hbm>> -> memref<1x1x1x8x128xf32, #tpu.memory_space<hbm>>
    %dma_wait3A_1265 = tpu.memref_squeeze %dma_wait3A_1264 : memref<1x1x1x8x128xf32, #tpu.memory_space<hbm>> -> memref<8x128xf32, #tpu.memory_space<hbm>>
    %dma_wait3A_1266 = arith.constant 56 : i32
    %dma_wait3A_1267 = arith.constant 0 : i32
    %dma_wait3A_1268 = tpu.memref_slice %arg9[%dma_wait3A_1266, %dma_wait3A_1267] : memref<64x129xf32, #tpu.memory_space<vmem>> -> memref<8x128xf32, #tpu.memory_space<vmem>>
    tpu.wait_dma2 semaphore(%arg13 : memref<!tpu.dma_semaphore, #tpu.memory_space<semaphore_mem>>) src(%dma_wait3A_1268 : memref<8x128xf32, #tpu.memory_space<vmem>>) dst(%dma_wait3A_1265 : memref<8x128xf32, #tpu.memory_space<hbm>>)
    return
  }
}

</mosaic_0001>

<sc_bundles>
// kernel: kernel.3.cloned.1.call-start
scs
__scs_entry_jumppad:
0x0: {  	(pc) =	sbr.rel $0x88, $3  }
0x1: {  	(tag) =	ssettag $0x0;
	lr =	simm.s32 $0x1  }
0x2: {  	[smem:$0x3F9F] =	sst lr;
	_ =	strace $0xD0000000  }
0x3: {  	_ = 	snop  }
0x4: {  	_ = 	snop  }
0x5: {  	_ = 	snop  }
0x6: {  	_ = 	snop  }
0x7: {  	_ = 	snop  }
__scs_overlays_trampoline_lowered:
0x8: {  	[smem:$0x3FAE] =	sst s0  }
0x9: {  	[smem:$0x3FAF] =	sst s1  }
0xa: {  	[smem:$0x3FB0] =	sst s2  }
0xb: {  	[smem:$0x3FB1] =	sst s3  }
0xc: {  	[smem:$0x3FB2] =	sst s4  }
0xd: {  	[smem:$0x3FB3] =	sst s5  }
0xe: {  	[smem:$0x3FB4] =	sst s6  }
0xf: {  	[smem:$0x3FB5] =	sst s7  }
0x10: {  	[smem:$0x3FB6] =	sst s8  }
0x11: {  	[smem:$0x3FB7] =	sst s9;
	s0 =	simm.s32 @!p0 $0x0  }
0x12: {  	s1 =	sld [smem:$0x3F9D];
	s0 =	simm.s32 @p0 $0x1  }
0x13: {  	[smem:$0x3FB8] =	sst s0;
	s0 =	simm.s32 @!p1 $0x0  }
0x14: {  	s2 =	sld [smem:$0x3F9C];
	s0 =	simm.s32 @p1 $0x1  }
0x15: {  	[smem:$0x3FB9] =	sst s0;
	s0 =	simm.s32 @!p2 $0x0  }
0x16: {  	s3 =	sld [smem:$0x3FDB];
	s0 =	simm.s32 @p2 $0x1  }
0x17: {  	s4 =	simm.s32 $0x1BF5;
	[smem:$0x3FBB] =	sst s0  }
0x18: {  	s0 =	sld [smem:$0x3F9E];
	_ =	swait.ge [sflag:s4], $0x0  }
0x19: {  	s7 =	sld [smem:$0x3F9F]  }
0x1a: {  	s8 =	sadd.s32 $0xFFFFE003, lr  }
0x1b: {  	s9 =	sadd.s32 $0xFFFFFEF7, lr;
	s5 =	simm.s32 $0xFFFFFFFF;
	p2 =	slt.u32 s8, $0xFFFFF086  }
0x1c: {  	p1 =	slt.u32 s9, $0xF7A;
	s5 =	simm.s32 @!p2 $0x0  }
0x1d: {  	s5 =	simm.s32 @p1 $0x1;
	p0 =	seq.s32 s7, s2  }
0x1e: {  	s7 =	smul.u32 @!p0 $0xF7A, s2;
	p2 =	seq.s32 @!p0 s5, $0x0  }
0x1f: {  	s9 =	smul.u32 $0xF7A, s1;
	s8 =	simm.s32 @!p0 $0x1BF5;
	p2 =	por !p2, p0  }
0x20: {  	[sflag:s8] =	ssyncset.s32 @!p0 $0xFFFFF086;
	s6 =	sadd.s32 @!p0 s3, s7;
	s7 =	simm.s32 @!p0 $0x108  }
0x21: {  	s3 =	sadd.s32 s3, s9;
	s6 =	sadd.s32 @!p0 $0x88, s6;
	s7 =	simm.s32 @p2 $0x1082  }
0x22: {  	[simem:s7], [sflag:s8] =	dma.local @!p0 [hbm:s6], $0xF7A  }
0x23: {  	s9 =	sor.u32 $0xD0000000, s2;
	s6 =	simm.s32 $0x108;
	_ =	swait.ge @!p0 [sflag:s8], $0x0  }
0x24: {  	s3 =	sadd.s32 $0x88, s3;
	s6 =	simm.s32 @!p1 $0x1082;
	[sflag:s4] =	ssyncset.s32 $0xFFFFF086  }
0x25: {  	[simem:s6], [sflag:s4] =	dma.local [hbm:s3], $0xF7A  }
0x26: {  	[smem:$0x3F9F] =	sst s1;
	(tag) =	ssettag s2;
	_ =	strace s9  }
0x27: {  	s1 =	sld [smem:$0x3FAF]  }
0x28: {  	s2 =	sld [smem:$0x3FB0]  }
0x29: {  	s4 =	sld [smem:$0x3FB2]  }
0x2a: {  	p0 =	seq.s32 s5, $0x0;
	s5 =	sld [smem:$0x3FB3]  }
0x2b: {  	s6 =	sld [smem:$0x3FB4]  }
0x2c: {  	s7 =	sld [smem:$0x3FB5]  }
0x2d: {  	s3 =	simm.s32 $0x108;
	s8 =	sld [smem:$0x3FB6]  }
0x2e: {  	s3 =	simm.s32 @!p0 $0x1082;
	s9 =	sld [smem:$0x3FB7]  }
0x2f: {  	lr =	sadd.s32 s0, s3;
	s0 =	sld [smem:$0x3FAE]  }
0x30: {  	s3 =	sld [smem:$0x3FB1]  }
0x31: {  	[smem:$0x3FBA] =	sst s10  }
0x32: {  	s10 =	sld [smem:$0x3FB8];
	_ =	sdelay $0x3  }
0x33: {  	p0 =	seq.s32 s10, $0x1;
	s10 =	sld [smem:$0x3FBA];
	_ =	sdelay $0x3  }
0x34: {  	[smem:$0x3FBA] =	sst s10  }
0x35: {  	s10 =	sld [smem:$0x3FB9];
	_ =	sdelay $0x3  }
0x36: {  	p1 =	seq.s32 s10, $0x1;
	s10 =	sld [smem:$0x3FBA];
	_ =	sdelay $0x3  }
0x37: {  	[smem:$0x3FBA] =	sst s10  }
0x38: {  	s10 =	sld [smem:$0x3FBB]  }
0x39: {  	_ = 	snop;
	(pc) =	sbr.ind lr, $3  }
0x3a: {  	_ = 	snop  }
0x3b: {  	_ = 	snop  }
0x3c: {  	p2 =	seq.s32 s10, $0x1;
	s10 =	sld [smem:$0x3FBA]  }
0x3d: {  	_ =	shalt  }
0x3e: {  	_ =	shalt  }
0x3f: {  	_ =	shalt  }
0x40: {  	_ =	shalt  }
0x41: {  	_ =	shalt  }
0x42: {  	_ =	shalt  }
0x43: {  	_ =	shalt  }
0x44: {  	_ =	shalt  }
0x45: {  	_ =	shalt  }
0x46: {  	_ =	shalt  }
0x47: {  	_ =	shalt  }
0x48: {  	_ =	shalt  }
0x49: {  	_ =	shalt  }
0x4a: {  	_ =	shalt  }
0x4b: {  	_ =	shalt  }
0x4c: {  	_ =	shalt  }
0x4d: {  	_ =	shalt  }
0x4e: {  	_ =	shalt  }
0x4f: {  	_ =	shalt  }
0x50: {  	_ =	shalt  }
0x51: {  	_ =	shalt  }
0x52: {  	_ =	shalt  }
0x53: {  	_ =	shalt  }
0x54: {  	_ =	shalt  }
0x55: {  	_ =	shalt  }
0x56: {  	_ =	shalt  }
0x57: {  	_ =	shalt  }
0x58: {  	_ =	shalt  }
0x59: {  	_ =	shalt  }
0x5a: {  	_ =	shalt  }
0x5b: {  	_ =	shalt  }
0x5c: {  	_ =	shalt  }
0x5d: {  	_ =	shalt  }
0x5e: {  	_ =	shalt  }
0x5f: {  	_ =	shalt  }
0x60: {  	_ =	shalt  }
0x61: {  	_ =	shalt  }
0x62: {  	_ =	shalt  }
0x63: {  	_ =	shalt  }
0x64: {  	_ =	shalt  }
0x65: {  	_ =	shalt  }
0x66: {  	_ =	shalt  }
0x67: {  	_ =	shalt  }
0x68: {  	_ =	shalt  }
0x69: {  	_ =	shalt  }
0x6a: {  	_ =	shalt  }
0x6b: {  	_ =	shalt  }
0x6c: {  	_ =	shalt  }
0x6d: {  	_ =	shalt  }
0x6e: {  	_ =	shalt  }
0x6f: {  	_ =	shalt  }
0x70: {  	_ =	shalt  }
0x71: {  	_ =	shalt  }
0x72: {  	_ =	shalt  }
0x73: {  	_ =	shalt  }
0x74: {  	_ =	shalt  }
0x75: {  	_ =	shalt  }
0x76: {  	_ =	shalt  }
0x77: {  	_ =	shalt  }
0x78: {  	_ =	shalt  }
0x79: {  	_ =	shalt  }
0x7a: {  	_ =	shalt  }
0x7b: {  	_ =	shalt  }
0x7c: {  	_ =	shalt  }
0x7d: {  	_ =	shalt  }
0x7e: {  	_ =	shalt  }
0x7f: {  	_ =	shalt  }
0x80: {  	_ =	shalt  }
0x81: {  	_ =	shalt  }
0x82: {  	_ =	shalt  }
0x83: {  	_ =	shalt  }
0x84: {  	_ =	shalt  }
0x85: {  	_ =	shalt  }
0x86: {  	_ =	shalt  }
0x87: {  	_ =	shalt  }
.Lfunc_end0:
.L_simem_size_0:
called_computation_lowered:
.L_overlay_start_0:
0x88: {  	s2 =	sld [smem:$0x3FD9]  }
0x89: {  	s3 =	sld [smem:$0x3FFE];
	_ =	sdelay $0x1  }
0x8a: {  	s1 =	srdreg.scid  }
0x8b: {  	s0 =	sand.u32 $0x1, s1  }
0x8c: {  	s17 =	sshll.u32 s0, $0xA;
	s2 =	sadd.s32 s3, s2  }
0x8d: {  	s2 =	sadd.s32 s2, s17  }
0x8e: {  	[smem:$0x3FC6] =	sst s2  }
0x8f: {  	_ = 	snop  }
0x90: {  	s2 =	sld [smem:$0x3FD0];
	(tm) =	ssettm $0x1  }
0x91: {  	s18 =	sld [smem:$0x3FFB];
	_ =	sdelay $0x3  }
0x92: {  	_ =	strace s18  }
0x93: {  	s3 =	sld [smem:$0x3FFC];
	_ =	sdelay $0x3  }
0x94: {  	_ =	strace s3  }
0x95: {  	s3 =	sld [smem:$0x3FFD];
	_ =	sdelay $0x3  }
0x96: {  	_ =	strace s3  }
0x97: {  	_ =	strace $0x8FFFFFFF  }
0x98: {  	s19 =	sld [smem:$0x3FDB];
	_ =	sdelay $0x1  }
0x99: {  	s4 =	simm.s32 $_scs_section_size  }
0x9a: {  	s5 =	simm.s32 $_size__tile_overlayer_lowered;
	s6 =	simm.s32 $_tile_overlayer_lowered  }
0x9b: {  	s22 =	simm.s32 $0x1BFF;
	s21 =	sshll.u32 s6, $0x1;
	s3 =	sadd.s32 s4, s19  }
0x9c: {  	s7 =	simm.s32 $0x0;
	s20 =	sshll.u32 s5, $0x1;
	s5 =	sadd.s32 s21, s3  }
0x9d: {  	[timem:s7], [sflag:s22] =	dma.local [hbm:s5], s20  }
0x9e: {  	_ =	swait.ge [sflag:s22], s20  }
0x9f: {  	s4 =	ssub.s32 $0x0, s20;
	[sflag:s22] =	ssyncset.done $0x0  }
0xa0: {  	[sflag:s22] =	ssyncadd.s32 s4;
	_ =	sdelay $0x1  }
0xa1: {  	s23 =	simm.s32 $0x1B8B  }
0xa2: {  	_ =	swait.ge [sflag:s23], $0x1  }
0xa3: {  	[sflag:s23] =	ssyncset.done $0x0  }
0xa4: {  	s25 =	simm.s32 $0x1B8E;
	s24 =	sld [smem:$0x3FFE];
	[sflag:s23] =	ssyncadd.s32 $0xFFFFFFFF  }
0xa5: {  	s26 =	simm.s32 $execute0_lowered;
	[smem:$0x3FD2] =	sst s25  }
0xa6: {  	s5 =	sshll.u32 s26, $0x1;
	_ =	strace $0x80000046;
	[dreg:$0x1] =	wrdreg $0xFFFFFFFF  }
0xa7: {  	s28 =	simm.s32 $_size_execute0_lowered;
	s3 =	sadd.s32 s3, s5;
	[dreg:$0x0] =	wrdreg $0x0  }
0xa8: {  	s5 =	sshll.u32 s28, $0x1;
	[dreg:$0x2] =	wrdreg s3  }
0xa9: {  	[dreg:$0x3] =	wrdreg s5  }
0xaa: {  	[dreg:$0x4] =	wrdreg $0xC0  }
0xab: {  	_ =	task [dreg:s7], $0x5FFFF  }
0xac: {  	[dreg:$0x1] =	wrdreg $0xFFFFFFFF  }
0xad: {  	[dreg:$0x0] =	wrdreg $0x60  }
0xae: {  	[dreg:$0x2] =	wrdreg s24  }
0xaf: {  	[dreg:$0x3] =	wrdreg s2  }
0xb0: {  	[dreg:$0x4] =	wrdreg $0x9  }
0xb1: {  	_ =	task.clear_ibuf [dreg:s7], $0x5FFFF;
	_ =	strace $0x90000046  }
0xb2: {  	s29 =	simm.s32 $0x9;
	_ =	strace $0x80000048  }
0xb3: {  	_ =	swait.ge [sflag:s29], $0x1  }
0xb4: {  	[sflag:s29] =	ssyncadd.s32 $0xFFFFFFFF  }
0xb5: {  	_ =	strace $0x90000048  }
0xb6: {  	_ =	sfence  }
0xb7: {  	s30 =	sld [smem:$0x0];
	_ =	sdelay $0x2  }
0xb8: {  	s31 =	sshll.u32 s1, $0xD;
	s1 =	sshrl.u32 s1, $0x2  }
0xb9: {  	s3 =	sand.u32 $0x4000, s31;
	s1 =	sadd.s32 s1, s30  }
0xba: {  	s0 =	sor.u32 s3, s0;
	s1 =	sshll.u32 s1, $0x11  }
0xbb: {  	s0 =	sor.u32 s1, s0  }
0xbc: {  	s0 =	sadd.s32 $0x8F2B, s0  }
0xbd: {  	[sflag:s0] =	ssyncadd.remote.s32 $0x1  }
0xbe: {  	_ =	sfence.sel $0xFFFF  }
0xbf: {  	[dreg:$0x0] =	wrdreg $0xFFFFFFFF;
	(pc) =	sbr.abs _section_cstart, $3  }
0xc0: {  	[dreg:$0x1] =	wrdreg $0xFFFFFFFF  }
0xc1: {  	_ =	task.clear_ibuf [dreg:s7], $0x2FFFF;
	_ =	strace $0x9FFFFFFF  }
0xc2: {  	(tm) =	ssettm $0x7FFFFFFF  }
0xc3: {  	_ =	shalt  }
tec
execute0_lowered:
.L_overlay_start_1:
0x0: {  	(tag) =	ssettag $0x1  }
0x1: {  	s0 =	srdreg.scid  }
0x2: {  	s1 =	rddreg [dreg:$0x0];
	s0 =	sand.u32 $0x1, s0  }
0x3: {  	s7 =	stileid.u32;
	s2 =	rddreg [dreg:$0x1];
	s3 =	sshll.u32 s0, $0x4  }
0x4: {  	s10 =	sadd.s32 $0x2000, s2;
	s11 =	sadd.s32 $0x3000, s2;
	s5 =	sor.u32 s7, s3  }
0x5: {  	s0 =	ssub.s32 $0x2, s0;
	s3 =	simm.s32 $0x0;
	s4 =	smul.u32 $0xC80, s5  }
0x6: {  	s7 =	sshll.u32 s7, $0xD;
	s9 =	sshrl.u32 s0, $0x1;
	s6 =	smul.u32 $0x190000, s5  }
0x7: {  	[smem:$0x7FF] =	sst s3;
	s0 =	ssub.s32 s0, s9;
	s5 =	smul.u32 $0xC8, s5  }
0x8: {  	_ =	strace $0x80000047;
	s0 =	smax.u32 s0, $0x1;
	s8 =	sadd.s32 s4, s1  }
0x9: {  	s6 =	sor.u32 s7, s6;
	s4 =	sadd.s32 $0xF42A00, s1;
	s19 =	sadd.s32 $0xC6, s5  }
0xa: {  	s23 =	sadd.s32 $0xC7, s5;
	[smem:$0x7FD] =	sst s0;
	s12 =	sand.u32 $0x3FC6000, s6  }
0xb: {  	s6 =	sadd.s32 $0x1000, s2;
	s13 =	sadd.s32 $0x600, s8;
	s1 =	sshrl.u32 s12, $0x3  }
0xc: {  	s22 =	sshll.u32 s19, $0xA;
	[dreg:$0x3] =	wrdreg s13;
	s14 =	sadd.s32 s2, s1  }
0xd: {  	s7 =	sshll.u32 s19, $0x7;
	s15 =	sadd.s32 s1, s6;
	[dreg:$0x4] =	wrdreg s14  }
0xe: {  	s9 =	sshll.u32 s23, $0x7;
	s16 =	sadd.s32 s1, s10;
	[dreg:$0x5] =	wrdreg s15  }
0xf: {  	s12 =	sadd.s32 $0x4000, s2;
	s17 =	sadd.s32 s1, s11;
	[dreg:$0x6] =	wrdreg s16  }
0x10: {  	s18 =	sadd.s32 s1, s12;
	s25 =	sor.u32 $0x80, s1;
	[dreg:$0x7] =	wrdreg s17  }
0x11: {  	s13 =	sshll.u32 s23, $0xA;
	[dreg:$0x8] =	wrdreg s18;
	s26 =	sadd.s32 s2, s25  }
0x12: {  	s24 =	sand.u32 $0xFF8000, s13;
	s13 =	sadd.s32 s25, s6;
	[dreg:$0xc] =	wrdreg s26  }
0x13: {  	s8 =	sand.u32 $0xFF8000, s22;
	s14 =	sadd.s32 s25, s10;
	[dreg:$0xd] =	wrdreg s13  }
0x14: {  	s7 =	sand.u32 $0xF00, s7;
	s15 =	sadd.s32 s25, s11;
	[dreg:$0xe] =	wrdreg s14  }
0x15: {  	s7 =	sor.u32 s7, s8;
	s18 =	sadd.s32 s25, s12;
	[dreg:$0xf] =	wrdreg s15  }
0x16: {  	s9 =	sand.u32 $0xF80, s9;
	s23 =	sadd.s32 s2, s7;
	[dreg:$0x10] =	wrdreg s18  }
0x17: {  	s8 =	sor.u32 s9, s24;
	s24 =	sadd.s32 s7, s6;
	[dreg:$0x14] =	wrdreg s23  }
0x18: {  	s16 =	sadd.s32 $0x5000, s2;
	s9 =	sadd.s32 s7, s12;
	[dreg:$0x15] =	wrdreg s24  }
0x19: {  	s17 =	sadd.s32 $0x6000, s2;
	s20 =	sadd.s32 s1, s16;
	[dreg:$0x18] =	wrdreg s9  }
0x1a: {  	s21 =	sadd.s32 s1, s17;
	[dreg:$0x9] =	wrdreg s20  }
0x1b: {  	s19 =	sadd.s32 s25, s16;
	[dreg:$0xa] =	wrdreg s21  }
0x1c: {  	s26 =	sadd.s32 s7, s11;
	[dreg:$0x11] =	wrdreg s19  }
0x1d: {  	s13 =	sadd.s32 s7, s16;
	[dreg:$0x17] =	wrdreg s26  }
0x1e: {  	s14 =	sadd.s32 s7, s17;
	[dreg:$0x19] =	wrdreg s13  }
0x1f: {  	s30 =	simm.s32 $0x1;
	s18 =	sadd.s32 s2, s8;
	[dreg:$0x1a] =	wrdreg s14  }
0x20: {  	s31 =	simm.s32 $0xA400;
	s23 =	sadd.s32 s8, s12;
	[dreg:$0x1c] =	wrdreg s18  }
0x21: {  	s28 =	simm.s32 $0xE6F0;
	s24 =	sadd.s32 s8, s16;
	[smem:$0x7F9] =	sst s23  }
0x22: {  	s29 =	simm.s32 $0xE778;
	s21 =	sadd.s32 s25, s17;
	[smem:$0x7FA] =	sst s24  }
0x23: {  	s20 =	sadd.s32 $0x7000, s2;
	s19 =	sadd.s32 s8, s6;
	[dreg:$0x12] =	wrdreg s21  }
0x24: {  	s0 =	simm.s32 $0x4;
	s1 =	sadd.s32 s1, s20;
	[dreg:$0x1d] =	wrdreg s19  }
0x25: {  	s23 =	simm.s32 $0x2;
	s22 =	sadd.s32 s25, s20;
	[dreg:$0xb] =	wrdreg s1  }
0x26: {  	s24 =	simm.s32 $0xC600;
	s25 =	sadd.s32 s7, s10;
	[dreg:$0x13] =	wrdreg s22  }
0x27: {  	s15 =	sadd.s32 s7, s20;
	s21 =	sadd.s32 s8, s10;
	[dreg:$0x16] =	wrdreg s25  }
0x28: {  	s26 =	sadd.s32 s8, s20;
	s19 =	simm.s32 $0xE4D0;
	[dreg:$0x1b] =	wrdreg s15  }
0x29: {  	v0 =	vlaneseq.u32;
	[dreg:$0x1e] =	wrdreg s21;
	s22 =	sadd.s32 s8, s11;
	s25 =	sadd.s32 s8, s17  }
0x2a: {  	v0 =	vmul.u32 $0x88, v0;
	[smem:$0x7FC] =	sst s26;
	s26 =	simm.s32 $0x80;
	s21 =	simm.s32 $0xE558  }
0x2b: {  	s1 =	simm.s32 $0x3;
	s8 =	simm.s32 $0x0;
	[dreg:$0x1f] =	wrdreg s22  }
0x2c: {  	v1 =	vadd.s32 $0x880, v0;
	v2 =	vadd.s32 $0x1100, v0;
	v3 =	vadd.s32 $0x1980, v0;
	[smem:$0x7FB] =	sst s25;
	s22 =	simm.s32 $0xE5E0;
	s25 =	simm.s32 $0xE668  }
.LBB2_1:
0x2d: {  	[smem:$0x7F8] =	sst s8  }
0x2e: {  	s7 =	rddreg [dreg:$0x3];
	s13 =	simm.s32 $0x5  }
0x2f: {  	[tilespmem:s3], [sflag:$0x5] =	stream.linear.gather [hbm4b:s7+s3], $0x6400, $0x38;
	[tilespmem:$0xE800] =	vst v63  }
0x30: {  	_ =	swait.ge [sflag:s13], $0x6400  }
0x31: {  	[sflag:s13] =	ssyncset.done $0x0  }
0x32: {  	s14 =	simm.s32 $0x6400;
	[sflag:s13] =	ssyncadd.s32 $0xFFFF9C00  }
0x33: {  	[tilespmem:s14], [sflag:$0x1] =	stream.indirect.gather [hbm4b:s4+s26], $0x40, s3, s26, $0xb8;
	[tilespmem:$0xE800] =	vst v63  }
0x34: {  	s15 =	simm.s32 $0x8400  }
0x35: {  	[tilespmem:s15], [sflag:$0x2] =	stream.indirect.gather [hbm4b:s4+s26], $0x40, s26, s26, $0xb8;
	[tilespmem:$0xE800] =	vst v63  }
0x36: {  	_ =	swait.ge [sflag:s30], $0x2000  }
0x37: {  	v4 =	vmov s3;
	[sflag:s30] =	ssyncset.done $0x0  }
0x38: {  	s7 =	simm.s32 $0x6440;
	v4 =	vand.u32 $0x7E, v4;
	[sflag:s30] =	ssyncadd.s32 $0xFFFFE000  }
0x39: {  	v6 =	vadd.s32 v0, v4;
	v5 =	vld [tilespmem:s7+$0xFFFFFFC0];
	_ =	sdelay $0x4  }
0x3a: {  	[tilespmem:v6+s31+$0x0] =	vst.idx.msk $0xffff, v5  }
0x3b: {  	v6 =	vadd.s32 v1, v4;
	v5 =	vld [tilespmem:s7+$0xFFFFFFD0];
	_ =	sdelay $0x4  }
0x3c: {  	[tilespmem:v6+s31+$0x0] =	vst.idx.msk $0xffff, v5  }
0x3d: {  	v6 =	vadd.s32 v2, v4;
	v5 =	vld [tilespmem:s7+$0xFFFFFFE0];
	_ =	sdelay $0x4  }
0x3e: {  	[tilespmem:v6+s31+$0x0] =	vst.idx.msk $0xffff, v5  }
0x3f: {  	v4 =	vadd.s32 v3, v4;
	v5 =	vld [tilespmem:s7+$0xFFFFFFF0];
	_ =	sdelay $0x2  }
0x40: {  	s18 =	simm.s32 $0x1  }
0x41: {  	v6 =	vmov s18  }
0x42: {  	[tilespmem:v4+s31+$0x0] =	vst.idx.msk $0xffff, v5;
	v5 =	vand.u32 $0x7F, v6  }
0x43: {  	v4 =	vld [tilespmem:s7+$0x0];
	v6 =	vadd.s32 v0, v5;
	_ =	sdelay $0x4  }
0x44: {  	[tilespmem:v6+s31+$0x0] =	vst.idx.msk $0xffff, v4  }
0x45: {  	v6 =	vadd.s32 v1, v5;
	v4 =	vld [tilespmem:s7+$0x10];
	_ =	sdelay $0x4  }
0x46: {  	[tilespmem:v6+s31+$0x0] =	vst.idx.msk $0xffff, v4  }
0x47: {  	v6 =	vadd.s32 v2, v5;
	v4 =	vld [tilespmem:s7+$0x20];
	_ =	sdelay $0x4  }
0x48: {  	[tilespmem:v6+s31+$0x0] =	vst.idx.msk $0xffff, v4  }
0x49: {  	v5 =	vadd.s32 v3, v5;
	v4 =	vld [tilespmem:s7+$0x30];
	_ =	sdelay $0x2  }
0x4a: {  	s8 =	simm.s32 $0x2  }
0x4b: {  	s9 =	simm.s32 $0x4;
	v6 =	vmov s8  }
.LBB2_2:
0x4c: {  	p0 =	slt.u32 s9, $0x7E;
	v6 =	vand.u32 $0x7E, v6;
	[tilespmem:v5+s31+$0x0] =	vst.idx.msk $0xffff, v4;
	s7 =	sadd.s32 $0x80, s7  }
0x4d: {  	v4 =	vld [tilespmem:s7+$0xFFFFFFC0];
	v5 =	vadd.s32 v0, v6;
	_ =	sdelay $0x4  }
0x4e: {  	[tilespmem:v5+s31+$0x0] =	vst.idx.msk $0xffff, v4  }
0x4f: {  	v5 =	vadd.s32 v1, v6;
	v4 =	vld [tilespmem:s7+$0xFFFFFFD0];
	_ =	sdelay $0x4  }
0x50: {  	[tilespmem:v5+s31+$0x0] =	vst.idx.msk $0xffff, v4  }
0x51: {  	v5 =	vadd.s32 v2, v6;
	v4 =	vld [tilespmem:s7+$0xFFFFFFE0];
	_ =	sdelay $0x4  }
0x52: {  	[tilespmem:v5+s31+$0x0] =	vst.idx.msk $0xffff, v4  }
0x53: {  	v5 =	vadd.s32 v3, v6;
	v4 =	vld [tilespmem:s7+$0xFFFFFFF0];
	_ =	sdelay $0x2  }
0x54: {  	s13 =	sadd.s32 $0x1, s8;
	s8 =	smov.u32 s9  }
0x55: {  	v6 =	vmov s13  }
0x56: {  	[tilespmem:v5+s31+$0x0] =	vst.idx.msk $0xffff, v4;
	v5 =	vand.u32 $0x7F, v6  }
0x57: {  	v4 =	vld [tilespmem:s7+$0x0];
	v6 =	vadd.s32 v0, v5;
	_ =	sdelay $0x4  }
0x58: {  	[tilespmem:v6+s31+$0x0] =	vst.idx.msk $0xffff, v4  }
0x59: {  	v6 =	vadd.s32 v1, v5;
	v4 =	vld [tilespmem:s7+$0x10];
	_ =	sdelay $0x4  }
0x5a: {  	[tilespmem:v6+s31+$0x0] =	vst.idx.msk $0xffff, v4  }
0x5b: {  	v6 =	vadd.s32 v2, v5;
	v4 =	vld [tilespmem:s7+$0x20];
	_ =	sdelay $0x4  }
0x5c: {  	[tilespmem:v6+s31+$0x0] =	vst.idx.msk $0xffff, v4  }
.Ltmp0:
0x5d: {  	v5 =	vadd.s32 v3, v5;
	v4 =	vld [tilespmem:s7+$0x30];
	(pc) =	sbr.rel @p0 .LBB2_2-.Ltmp0, $2  }
0x5e: {  	_ =	sdelay $0x2  }
0x5f: {  	s9 =	sadd.s32 $0x2, s9;
	v6 =	vmov s8  }
0x60: {  	_ =	sdelay $0x3  }
0x61: {  	v6 =	vand.u32 $0x7E, v6;
	[tilespmem:v5+s31+$0x0] =	vst.idx.msk $0xffff, v4;
	s7 =	sadd.s32 $0x80, s7  }
0x62: {  	v4 =	vld [tilespmem:s7+$0xFFFFFFC0];
	v5 =	vadd.s32 v0, v6;
	_ =	sdelay $0x4  }
0x63: {  	[tilespmem:v5+s31+$0x0] =	vst.idx.msk $0xffff, v4  }
0x64: {  	v5 =	vadd.s32 v1, v6;
	v4 =	vld [tilespmem:s7+$0xFFFFFFD0];
	_ =	sdelay $0x4  }
0x65: {  	[tilespmem:v5+s31+$0x0] =	vst.idx.msk $0xffff, v4  }
0x66: {  	v5 =	vadd.s32 v2, v6;
	v4 =	vld [tilespmem:s7+$0xFFFFFFE0];
	_ =	sdelay $0x4  }
0x67: {  	[tilespmem:v5+s31+$0x0] =	vst.idx.msk $0xffff, v4  }
0x68: {  	v5 =	vadd.s32 v3, v6;
	v4 =	vld [tilespmem:s7+$0xFFFFFFF0];
	_ =	sdelay $0x2  }
0x69: {  	s8 =	sadd.s32 $0x1, s8  }
0x6a: {  	v6 =	vmov s8  }
0x6b: {  	[tilespmem:v5+s31+$0x0] =	vst.idx.msk $0xffff, v4;
	v4 =	vand.u32 $0x7F, v6  }
0x6c: {  	v5 =	vld [tilespmem:s7+$0x0];
	v6 =	vadd.s32 v0, v4;
	_ =	sdelay $0x4  }
0x6d: {  	[tilespmem:v6+s31+$0x0] =	vst.idx.msk $0xffff, v5  }
0x6e: {  	v6 =	vadd.s32 v1, v4;
	v5 =	vld [tilespmem:s7+$0x10];
	_ =	sdelay $0x4  }
0x6f: {  	[tilespmem:v6+s31+$0x0] =	vst.idx.msk $0xffff, v5  }
0x70: {  	v6 =	vadd.s32 v2, v4;
	v5 =	vld [tilespmem:s7+$0x20];
	_ =	sdelay $0x4  }
0x71: {  	[tilespmem:v6+s31+$0x0] =	vst.idx.msk $0xffff, v5  }
0x72: {  	v4 =	vadd.s32 v3, v4;
	v5 =	vld [tilespmem:s7+$0x30];
	_ =	sdelay $0x4  }
0x73: {  	s9 =	rddreg [dreg:$0x4];
	s7 =	simm.s32 $0x0;
	[tilespmem:v4+s31+$0x0] =	vst.idx.msk $0xffff, v5  }
0x74: {  	[hbm4b:s9+s7] =	stream.linear.scatter [tilespmem:s31], [sflag:$0x3], $0x80, $0x38;
	[tilespmem:$0xE800] =	vst v63  }
0x75: {  	s13 =	simm.s32 $0xA488;
	s14 =	sadd.s32 $0x10, s9  }
0x76: {  	[hbm4b:s14+s7] =	stream.linear.scatter [tilespmem:s13], [sflag:$0x3], $0x80, $0x38;
	[tilespmem:$0xE800] =	vst v63  }
0x77: {  	s18 =	simm.s32 $0xA510;
	s15 =	sadd.s32 $0x20, s9  }
0x78: {  	[hbm4b:s15+s7] =	stream.linear.scatter [tilespmem:s18], [sflag:$0x3], $0x80, $0x38;
	[tilespmem:$0xE800] =	vst v63  }
0x79: {  	s13 =	sadd.s32 $0x30, s9;
	s14 =	simm.s32 $0xA598  }
0x7a: {  	[hbm4b:s13+s7] =	stream.linear.scatter [tilespmem:s14], [sflag:$0x3], $0x80, $0x38;
	[tilespmem:$0xE800] =	vst v63  }
0x7b: {  	s15 =	sadd.s32 $0x40, s9;
	s18 =	simm.s32 $0xA620  }
0x7c: {  	[hbm4b:s15+s7] =	stream.linear.scatter [tilespmem:s18], [sflag:$0x3], $0x80, $0x38;
	[tilespmem:$0xE800] =	vst v63  }
0x7d: {  	s13 =	sadd.s32 $0x50, s9;
	s14 =	simm.s32 $0xA6A8  }
0x7e: {  	[hbm4b:s13+s7] =	stream.linear.scatter [tilespmem:s14], [sflag:$0x3], $0x80, $0x38;
	[tilespmem:$0xE800] =	vst v63  }
0x7f: {  	s15 =	sadd.s32 $0x60, s9;
	s18 =	simm.s32 $0xA730  }
0x80: {  	[hbm4b:s15+s7] =	stream.linear.scatter [tilespmem:s18], [sflag:$0x3], $0x80, $0x38;
	[tilespmem:$0xE800] =	vst v63  }
0x81: {  	s14 =	sadd.s32 $0x70, s9;
	s15 =	simm.s32 $0xA7B8  }
0x82: {  	[hbm4b:s14+s7] =	stream.linear.scatter [tilespmem:s15], [sflag:$0x3], $0x80, $0x38;
	[tilespmem:$0xE800] =	vst v63  }
0x83: {  	s9 =	rddreg [dreg:$0x5];
	s18 =	simm.s32 $0xA840  }
0x84: {  	[hbm4b:s9+s7] =	stream.linear.scatter [tilespmem:s18], [sflag:$0x3], $0x80, $0x38;
	[tilespmem:$0xE800] =	vst v63  }
0x85: {  	s13 =	sadd.s32 $0x10, s9;
	s14 =	simm.s32 $0xA8C8  }
0x86: {  	[hbm4b:s13+s7] =	stream.linear.scatter [tilespmem:s14], [sflag:$0x3], $0x80, $0x38;
	[tilespmem:$0xE800] =	vst v63  }
0x87: {  	s15 =	sadd.s32 $0x20, s9;
	s18 =	simm.s32 $0xA950  }
0x88: {  	[hbm4b:s15+s7] =	stream.linear.scatter [tilespmem:s18], [sflag:$0x3], $0x80, $0x38;
	[tilespmem:$0xE800] =	vst v63  }
0x89: {  	s13 =	sadd.s32 $0x30, s9;
	s14 =	simm.s32 $0xA9D8  }
0x8a: {  	[hbm4b:s13+s7] =	stream.linear.scatter [tilespmem:s14], [sflag:$0x3], $0x80, $0x38;
	[tilespmem:$0xE800] =	vst v63  }
0x8b: {  	s15 =	sadd.s32 $0x40, s9;
	s18 =	simm.s32 $0xAA60  }
0x8c: {  	[hbm4b:s15+s7] =	stream.linear.scatter [tilespmem:s18], [sflag:$0x3], $0x80, $0x38;
	[tilespmem:$0xE800] =	vst v63  }
0x8d: {  	s13 =	sadd.s32 $0x50, s9;
	s14 =	simm.s32 $0xAAE8  }
0x8e: {  	[hbm4b:s13+s7] =	stream.linear.scatter [tilespmem:s14], [sflag:$0x3], $0x80, $0x38;
	[tilespmem:$0xE800] =	vst v63  }
0x8f: {  	s15 =	sadd.s32 $0x60, s9;
	s18 =	simm.s32 $0xAB70  }
0x90: {  	[hbm4b:s15+s7] =	stream.linear.scatter [tilespmem:s18], [sflag:$0x3], $0x80, $0x38;
	[tilespmem:$0xE800] =	vst v63  }
0x91: {  	s14 =	sadd.s32 $0x70, s9;
	s15 =	simm.s32 $0xABF8  }
0x92: {  	[hbm4b:s14+s7] =	stream.linear.scatter [tilespmem:s15], [sflag:$0x3], $0x80, $0x38;
	[tilespmem:$0xE800] =	vst v63  }
0x93: {  	s9 =	rddreg [dreg:$0x6];
	s18 =	simm.s32 $0xAC80  }
0x94: {  	[hbm4b:s9+s7] =	stream.linear.scatter [tilespmem:s18], [sflag:$0x3], $0x80, $0x38;
	[tilespmem:$0xE800] =	vst v63  }
0x95: {  	s13 =	sadd.s32 $0x10, s9;
	s14 =	simm.s32 $0xAD08  }
0x96: {  	[hbm4b:s13+s7] =	stream.linear.scatter [tilespmem:s14], [sflag:$0x3], $0x80, $0x38;
	[tilespmem:$0xE800] =	vst v63  }
0x97: {  	s15 =	sadd.s32 $0x20, s9;
	s18 =	simm.s32 $0xAD90  }
0x98: {  	[hbm4b:s15+s7] =	stream.linear.scatter [tilespmem:s18], [sflag:$0x3], $0x80, $0x38;
	[tilespmem:$0xE800] =	vst v63  }
0x99: {  	s13 =	sadd.s32 $0x30, s9;
	s14 =	simm.s32 $0xAE18  }
0x9a: {  	[hbm4b:s13+s7] =	stream.linear.scatter [tilespmem:s14], [sflag:$0x3], $0x80, $0x38;
	[tilespmem:$0xE800] =	vst v63  }
0x9b: {  	s15 =	sadd.s32 $0x40, s9;
	s18 =	simm.s32 $0xAEA0  }
0x9c: {  	[hbm4b:s15+s7] =	stream.linear.scatter [tilespmem:s18], [sflag:$0x3], $0x80, $0x38;
	[tilespmem:$0xE800] =	vst v63  }
0x9d: {  	s13 =	sadd.s32 $0x50, s9;
	s14 =	simm.s32 $0xAF28  }
0x9e: {  	[hbm4b:s13+s7] =	stream.linear.scatter [tilespmem:s14], [sflag:$0x3], $0x80, $0x38;
	[tilespmem:$0xE800] =	vst v63  }
0x9f: {  	s15 =	sadd.s32 $0x60, s9;
	s18 =	simm.s32 $0xAFB0  }
0xa0: {  	[hbm4b:s15+s7] =	stream.linear.scatter [tilespmem:s18], [sflag:$0x3], $0x80, $0x38;
	[tilespmem:$0xE800] =	vst v63  }
0xa1: {  	s14 =	sadd.s32 $0x70, s9;
	s15 =	simm.s32 $0xB038  }
0xa2: {  	[hbm4b:s14+s7] =	stream.linear.scatter [tilespmem:s15], [sflag:$0x3], $0x80, $0x38;
	[tilespmem:$0xE800] =	vst v63  }
0xa3: {  	s9 =	rddreg [dreg:$0x7];
	s18 =	simm.s32 $0xB0C0  }
0xa4: {  	[hbm4b:s9+s7] =	stream.linear.scatter [tilespmem:s18], [sflag:$0x3], $0x80, $0x38;
	[tilespmem:$0xE800] =	vst v63  }
0xa5: {  	s13 =	sadd.s32 $0x10, s9;
	s14 =	simm.s32 $0xB148  }
0xa6: {  	[hbm4b:s13+s7] =	stream.linear.scatter [tilespmem:s14], [sflag:$0x3], $0x80, $0x38;
	[tilespmem:$0xE800] =	vst v63  }
0xa7: {  	s15 =	sadd.s32 $0x20, s9;
	s18 =	simm.s32 $0xB1D0  }
0xa8: {  	[hbm4b:s15+s7] =	stream.linear.scatter [tilespmem:s18], [sflag:$0x3], $0x80, $0x38;
	[tilespmem:$0xE800] =	vst v63  }
0xa9: {  	s13 =	sadd.s32 $0x30, s9;
	s14 =	simm.s32 $0xB258  }
0xaa: {  	[hbm4b:s13+s7] =	stream.linear.scatter [tilespmem:s14], [sflag:$0x3], $0x80, $0x38;
	[tilespmem:$0xE800] =	vst v63  }
0xab: {  	s15 =	sadd.s32 $0x40, s9;
	s18 =	simm.s32 $0xB2E0  }
0xac: {  	[hbm4b:s15+s7] =	stream.linear.scatter [tilespmem:s18], [sflag:$0x3], $0x80, $0x38;
	[tilespmem:$0xE800] =	vst v63  }
0xad: {  	s13 =	sadd.s32 $0x50, s9;
	s14 =	simm.s32 $0xB368  }
0xae: {  	[hbm4b:s13+s7] =	stream.linear.scatter [tilespmem:s14], [sflag:$0x3], $0x80, $0x38;
	[tilespmem:$0xE800] =	vst v63  }
0xaf: {  	s15 =	sadd.s32 $0x60, s9;
	s18 =	simm.s32 $0xB3F0  }
0xb0: {  	[hbm4b:s15+s7] =	stream.linear.scatter [tilespmem:s18], [sflag:$0x3], $0x80, $0x38;
	[tilespmem:$0xE800] =	vst v63  }
0xb1: {  	s14 =	sadd.s32 $0x70, s9;
	s15 =	simm.s32 $0xB478  }
0xb2: {  	[hbm4b:s14+s7] =	stream.linear.scatter [tilespmem:s15], [sflag:$0x3], $0x80, $0x38;
	[tilespmem:$0xE800] =	vst v63  }
0xb3: {  	s9 =	rddreg [dreg:$0x8];
	s18 =	simm.s32 $0xB500  }
0xb4: {  	[hbm4b:s9+s7] =	stream.linear.scatter [tilespmem:s18], [sflag:$0x3], $0x80, $0x38;
	[tilespmem:$0xE800] =	vst v63  }
0xb5: {  	s13 =	sadd.s32 $0x10, s9;
	s14 =	simm.s32 $0xB588  }
0xb6: {  	[hbm4b:s13+s7] =	stream.linear.scatter [tilespmem:s14], [sflag:$0x3], $0x80, $0x38;
	[tilespmem:$0xE800] =	vst v63  }
0xb7: {  	s15 =	sadd.s32 $0x20, s9;
	s18 =	simm.s32 $0xB610  }
0xb8: {  	[hbm4b:s15+s7] =	stream.linear.scatter [tilespmem:s18], [sflag:$0x3], $0x80, $0x38;
	[tilespmem:$0xE800] =	vst v63  }
0xb9: {  	s13 =	sadd.s32 $0x30, s9;
	s14 =	simm.s32 $0xB698  }
0xba: {  	[hbm4b:s13+s7] =	stream.linear.scatter [tilespmem:s14], [sflag:$0x3], $0x80, $0x38;
	[tilespmem:$0xE800] =	vst v63  }
0xbb: {  	s15 =	sadd.s32 $0x40, s9;
	s18 =	simm.s32 $0xB720  }
0xbc: {  	[hbm4b:s15+s7] =	stream.linear.scatter [tilespmem:s18], [sflag:$0x3], $0x80, $0x38;
	[tilespmem:$0xE800] =	vst v63  }
0xbd: {  	s13 =	sadd.s32 $0x50, s9;
	s14 =	simm.s32 $0xB7A8  }
0xbe: {  	[hbm4b:s13+s7] =	stream.linear.scatter [tilespmem:s14], [sflag:$0x3], $0x80, $0x38;
	[tilespmem:$0xE800] =	vst v63  }
0xbf: {  	s15 =	sadd.s32 $0x60, s9;
	s18 =	simm.s32 $0xB830  }
0xc0: {  	[hbm4b:s15+s7] =	stream.linear.scatter [tilespmem:s18], [sflag:$0x3], $0x80, $0x38;
	[tilespmem:$0xE800] =	vst v63  }
0xc1: {  	s14 =	sadd.s32 $0x70, s9;
	s15 =	simm.s32 $0xB8B8  }
0xc2: {  	[hbm4b:s14+s7] =	stream.linear.scatter [tilespmem:s15], [sflag:$0x3], $0x80, $0x38;
	[tilespmem:$0xE800] =	vst v63  }
0xc3: {  	s9 =	rddreg [dreg:$0x9];
	s18 =	simm.s32 $0xB940  }
0xc4: {  	[hbm4b:s9+s7] =	stream.linear.scatter [tilespmem:s18], [sflag:$0x3], $0x80, $0x38;
	[tilespmem:$0xE800] =	vst v63  }
0xc5: {  	s13 =	sadd.s32 $0x10, s9;
	s14 =	simm.s32 $0xB9C8  }
0xc6: {  	[hbm4b:s13+s7] =	stream.linear.scatter [tilespmem:s14], [sflag:$0x3], $0x80, $0x38;
	[tilespmem:$0xE800] =	vst v63  }
0xc7: {  	s15 =	sadd.s32 $0x20, s9;
	s18 =	simm.s32 $0xBA50  }
0xc8: {  	[hbm4b:s15+s7] =	stream.linear.scatter [tilespmem:s18], [sflag:$0x3], $0x80, $0x38;
	[tilespmem:$0xE800] =	vst v63  }
0xc9: {  	s13 =	sadd.s32 $0x30, s9;
	s14 =	simm.s32 $0xBAD8  }
0xca: {  	[hbm4b:s13+s7] =	stream.linear.scatter [tilespmem:s14], [sflag:$0x3], $0x80, $0x38;
	[tilespmem:$0xE800] =	vst v63  }
0xcb: {  	s15 =	sadd.s32 $0x40, s9;
	s18 =	simm.s32 $0xBB60  }
0xcc: {  	[hbm4b:s15+s7] =	stream.linear.scatter [tilespmem:s18], [sflag:$0x3], $0x80, $0x38;
	[tilespmem:$0xE800] =	vst v63  }
0xcd: {  	s13 =	sadd.s32 $0x50, s9;
	s14 =	simm.s32 $0xBBE8  }
0xce: {  	[hbm4b:s13+s7] =	stream.linear.scatter [tilespmem:s14], [sflag:$0x3], $0x80, $0x38;
	[tilespmem:$0xE800] =	vst v63  }
0xcf: {  	s15 =	sadd.s32 $0x60, s9;
	s18 =	simm.s32 $0xBC70  }
0xd0: {  	[hbm4b:s15+s7] =	stream.linear.scatter [tilespmem:s18], [sflag:$0x3], $0x80, $0x38;
	[tilespmem:$0xE800] =	vst v63  }
0xd1: {  	s14 =	sadd.s32 $0x70, s9;
	s15 =	simm.s32 $0xBCF8  }
0xd2: {  	[hbm4b:s14+s7] =	stream.linear.scatter [tilespmem:s15], [sflag:$0x3], $0x80, $0x38;
	[tilespmem:$0xE800] =	vst v63  }
0xd3: {  	s9 =	rddreg [dreg:$0xa];
	s18 =	simm.s32 $0xBD80  }
0xd4: {  	[hbm4b:s9+s7] =	stream.linear.scatter [tilespmem:s18], [sflag:$0x3], $0x80, $0x38;
	[tilespmem:$0xE800] =	vst v63  }
0xd5: {  	s13 =	sadd.s32 $0x10, s9;
	s14 =	simm.s32 $0xBE08  }
0xd6: {  	[hbm4b:s13+s7] =	stream.linear.scatter [tilespmem:s14], [sflag:$0x3], $0x80, $0x38;
	[tilespmem:$0xE800] =	vst v63  }
0xd7: {  	s15 =	sadd.s32 $0x20, s9;
	s18 =	simm.s32 $0xBE90  }
0xd8: {  	[hbm4b:s15+s7] =	stream.linear.scatter [tilespmem:s18], [sflag:$0x3], $0x80, $0x38;
	[tilespmem:$0xE800] =	vst v63  }
0xd9: {  	s13 =	sadd.s32 $0x30, s9;
	s14 =	simm.s32 $0xBF18  }
0xda: {  	[hbm4b:s13+s7] =	stream.linear.scatter [tilespmem:s14], [sflag:$0x3], $0x80, $0x38;
	[tilespmem:$0xE800] =	vst v63  }
0xdb: {  	s15 =	sadd.s32 $0x40, s9;
	s18 =	simm.s32 $0xBFA0  }
0xdc: {  	[hbm4b:s15+s7] =	stream.linear.scatter [tilespmem:s18], [sflag:$0x3], $0x80, $0x38;
	[tilespmem:$0xE800] =	vst v63  }
0xdd: {  	s13 =	sadd.s32 $0x50, s9;
	s14 =	simm.s32 $0xC028  }
0xde: {  	[hbm4b:s13+s7] =	stream.linear.scatter [tilespmem:s14], [sflag:$0x3], $0x80, $0x38;
	[tilespmem:$0xE800] =	vst v63  }
0xdf: {  	s15 =	sadd.s32 $0x60, s9;
	s18 =	simm.s32 $0xC0B0  }
0xe0: {  	[hbm4b:s15+s7] =	stream.linear.scatter [tilespmem:s18], [sflag:$0x3], $0x80, $0x38;
	[tilespmem:$0xE800] =	vst v63  }
0xe1: {  	s14 =	sadd.s32 $0x70, s9;
	s15 =	simm.s32 $0xC138  }
0xe2: {  	[hbm4b:s14+s7] =	stream.linear.scatter [tilespmem:s15], [sflag:$0x3], $0x80, $0x38;
	[tilespmem:$0xE800] =	vst v63  }
0xe3: {  	s9 =	rddreg [dreg:$0xb];
	s18 =	simm.s32 $0xC1C0  }
0xe4: {  	[hbm4b:s9+s7] =	stream.linear.scatter [tilespmem:s18], [sflag:$0x3], $0x80, $0x38;
	[tilespmem:$0xE800] =	vst v63  }
0xe5: {  	s13 =	sadd.s32 $0x10, s9;
	s14 =	simm.s32 $0xC248  }
0xe6: {  	[hbm4b:s13+s7] =	stream.linear.scatter [tilespmem:s14], [sflag:$0x3], $0x80, $0x38;
	[tilespmem:$0xE800] =	vst v63  }
0xe7: {  	s15 =	sadd.s32 $0x20, s9;
	s18 =	simm.s32 $0xC2D0  }
0xe8: {  	[hbm4b:s15+s7] =	stream.linear.scatter [tilespmem:s18], [sflag:$0x3], $0x80, $0x38;
	[tilespmem:$0xE800] =	vst v63  }
0xe9: {  	s13 =	sadd.s32 $0x30, s9;
	s14 =	simm.s32 $0xC358  }
0xea: {  	[hbm4b:s13+s7] =	stream.linear.scatter [tilespmem:s14], [sflag:$0x3], $0x80, $0x38;
	[tilespmem:$0xE800] =	vst v63  }
0xeb: {  	s15 =	sadd.s32 $0x40, s9;
	s18 =	simm.s32 $0xC3E0  }
0xec: {  	[hbm4b:s15+s7] =	stream.linear.scatter [tilespmem:s18], [sflag:$0x3], $0x80, $0x38;
	[tilespmem:$0xE800] =	vst v63  }
0xed: {  	s13 =	sadd.s32 $0x50, s9;
	s14 =	simm.s32 $0xC468  }
0xee: {  	[hbm4b:s13+s7] =	stream.linear.scatter [tilespmem:s14], [sflag:$0x3], $0x80, $0x38;
	[tilespmem:$0xE800] =	vst v63  }
0xef: {  	s15 =	sadd.s32 $0x60, s9;
	s18 =	simm.s32 $0xC4F0  }
0xf0: {  	[hbm4b:s15+s7] =	stream.linear.scatter [tilespmem:s18], [sflag:$0x3], $0x80, $0x38;
	[tilespmem:$0xE800] =	vst v63  }
0xf1: {  	s9 =	sadd.s32 $0x70, s9;
	s13 =	simm.s32 $0xC578  }
0xf2: {  	[hbm4b:s9+s7] =	stream.linear.scatter [tilespmem:s13], [sflag:$0x3], $0x80, $0x38;
	[tilespmem:$0xE800] =	vst v63  }
0xf3: {  	s14 =	simm.s32 $0x6400;
	s15 =	simm.s32 $0x100  }
0xf4: {  	[tilespmem:s14], [sflag:$0x1] =	stream.indirect.gather [hbm4b:s4+s26], $0x40, s15, s26, $0xb8;
	[tilespmem:$0xE800] =	vst v63  }
0xf5: {  	_ =	swait.ge [sflag:s23], $0x2000  }
0xf6: {  	v4 =	vmov s7;
	[sflag:s23] =	ssyncset.done $0x0  }
0xf7: {  	v4 =	vand.u32 $0x7E, v4;
	s7 =	simm.s32 $0x8440;
	[sflag:s23] =	ssyncadd.s32 $0xFFFFE000  }
0xf8: {  	v6 =	vadd.s32 v0, v4;
	v5 =	vld [tilespmem:s7+$0xFFFFFFC0];
	_ =	sdelay $0x4  }
0xf9: {  	[tilespmem:v6+s24+$0x0] =	vst.idx.msk $0xffff, v5  }
0xfa: {  	v6 =	vadd.s32 v1, v4;
	v5 =	vld [tilespmem:s7+$0xFFFFFFD0];
	_ =	sdelay $0x4  }
0xfb: {  	[tilespmem:v6+s24+$0x0] =	vst.idx.msk $0xffff, v5  }
0xfc: {  	v6 =	vadd.s32 v2, v4;
	v5 =	vld [tilespmem:s7+$0xFFFFFFE0];
	_ =	sdelay $0x4  }
0xfd: {  	[tilespmem:v6+s24+$0x0] =	vst.idx.msk $0xffff, v5  }
0xfe: {  	v4 =	vadd.s32 v3, v4;
	v5 =	vld [tilespmem:s7+$0xFFFFFFF0];
	_ =	sdelay $0x2  }
0xff: {  	s18 =	simm.s32 $0x1  }
0x100: {  	v6 =	vmov s18  }
0x101: {  	[tilespmem:v4+s24+$0x0] =	vst.idx.msk $0xffff, v5;
	v5 =	vand.u32 $0x7F, v6  }
0x102: {  	v4 =	vld [tilespmem:s7+$0x0];
	v6 =	vadd.s32 v0, v5;
	_ =	sdelay $0x4  }
0x103: {  	[tilespmem:v6+s24+$0x0] =	vst.idx.msk $0xffff, v4  }
0x104: {  	v6 =	vadd.s32 v1, v5;
	v4 =	vld [tilespmem:s7+$0x10];
	_ =	sdelay $0x4  }
0x105: {  	[tilespmem:v6+s24+$0x0] =	vst.idx.msk $0xffff, v4  }
0x106: {  	v6 =	vadd.s32 v2, v5;
	v4 =	vld [tilespmem:s7+$0x20];
	_ =	sdelay $0x4  }
0x107: {  	[tilespmem:v6+s24+$0x0] =	vst.idx.msk $0xffff, v4  }
0x108: {  	v5 =	vadd.s32 v3, v5;
	v4 =	vld [tilespmem:s7+$0x30];
	_ =	sdelay $0x2  }
0x109: {  	s8 =	simm.s32 $0x2  }
0x10a: {  	s9 =	simm.s32 $0x4;
	v6 =	vmov s8  }
.LBB2_4:
0x10b: {  	p0 =	slt.u32 s9, $0x7E;
	v6 =	vand.u32 $0x7E, v6;
	[tilespmem:v5+s24+$0x0] =	vst.idx.msk $0xffff, v4;
	s7 =	sadd.s32 $0x80, s7  }
0x10c: {  	v4 =	vld [tilespmem:s7+$0xFFFFFFC0];
	v5 =	vadd.s32 v0, v6;
	_ =	sdelay $0x4  }
0x10d: {  	[tilespmem:v5+s24+$0x0] =	vst.idx.msk $0xffff, v4  }
0x10e: {  	v5 =	vadd.s32 v1, v6;
	v4 =	vld [tilespmem:s7+$0xFFFFFFD0];
	_ =	sdelay $0x4  }
0x10f: {  	[tilespmem:v5+s24+$0x0] =	vst.idx.msk $0xffff, v4  }
0x110: {  	v5 =	vadd.s32 v2, v6;
	v4 =	vld [tilespmem:s7+$0xFFFFFFE0];
	_ =	sdelay $0x4  }
0x111: {  	[tilespmem:v5+s24+$0x0] =	vst.idx.msk $0xffff, v4  }
0x112: {  	v5 =	vadd.s32 v3, v6;
	v4 =	vld [tilespmem:s7+$0xFFFFFFF0];
	_ =	sdelay $0x2  }
0x113: {  	s13 =	sadd.s32 $0x1, s8;
	s8 =	smov.u32 s9  }
0x114: {  	v6 =	vmov s13  }
0x115: {  	[tilespmem:v5+s24+$0x0] =	vst.idx.msk $0xffff, v4;
	v5 =	vand.u32 $0x7F, v6  }
0x116: {  	v4 =	vld [tilespmem:s7+$0x0];
	v6 =	vadd.s32 v0, v5;
	_ =	sdelay $0x4  }
0x117: {  	[tilespmem:v6+s24+$0x0] =	vst.idx.msk $0xffff, v4  }
0x118: {  	v6 =	vadd.s32 v1, v5;
	v4 =	vld [tilespmem:s7+$0x10];
	_ =	sdelay $0x4  }
0x119: {  	[tilespmem:v6+s24+$0x0] =	vst.idx.msk $0xffff, v4  }
0x11a: {  	v6 =	vadd.s32 v2, v5;
	v4 =	vld [tilespmem:s7+$0x20];
	_ =	sdelay $0x4  }
0x11b: {  	[tilespmem:v6+s24+$0x0] =	vst.idx.msk $0xffff, v4  }
.Ltmp1:
0x11c: {  	v5 =	vadd.s32 v3, v5;
	v4 =	vld [tilespmem:s7+$0x30];
	(pc) =	sbr.rel @p0 .LBB2_4-.Ltmp1, $2  }
0x11d: {  	_ =	sdelay $0x2  }
0x11e: {  	s9 =	sadd.s32 $0x2, s9;
	v6 =	vmov s8  }
0x11f: {  	_ =	sdelay $0x3  }
0x120: {  	v6 =	vand.u32 $0x7E, v6;
	[tilespmem:v5+s24+$0x0] =	vst.idx.msk $0xffff, v4;
	s7 =	sadd.s32 $0x80, s7  }
0x121: {  	v4 =	vld [tilespmem:s7+$0xFFFFFFC0];
	v5 =	vadd.s32 v0, v6;
	_ =	sdelay $0x4  }
0x122: {  	[tilespmem:v5+s24+$0x0] =	vst.idx.msk $0xffff, v4  }
0x123: {  	v5 =	vadd.s32 v1, v6;
	v4 =	vld [tilespmem:s7+$0xFFFFFFD0];
	_ =	sdelay $0x4  }
0x124: {  	[tilespmem:v5+s24+$0x0] =	vst.idx.msk $0xffff, v4  }
0x125: {  	v5 =	vadd.s32 v2, v6;
	v4 =	vld [tilespmem:s7+$0xFFFFFFE0];
	_ =	sdelay $0x4  }
0x126: {  	[tilespmem:v5+s24+$0x0] =	vst.idx.msk $0xffff, v4  }
0x127: {  	v5 =	vadd.s32 v3, v6;
	v4 =	vld [tilespmem:s7+$0xFFFFFFF0];
	_ =	sdelay $0x2  }
0x128: {  	s8 =	sadd.s32 $0x1, s8  }
0x129: {  	v61 =	vmov s8  }
0x12a: {  	[tilespmem:v5+s24+$0x0] =	vst.idx.msk $0xffff, v4;
	v4 =	vand.u32 $0x7F, v61  }
0x12b: {  	v5 =	vld [tilespmem:s7+$0x0];
	v6 =	vadd.s32 v0, v4;
	_ =	sdelay $0x4  }
0x12c: {  	[tilespmem:v6+s24+$0x0] =	vst.idx.msk $0xffff, v5  }
0x12d: {  	v62 =	vadd.s32 v1, v4;
	v5 =	vld [tilespmem:s7+$0x10];
	_ =	sdelay $0x4  }
0x12e: {  	[tilespmem:v62+s24+$0x0] =	vst.idx.msk $0xffff, v5  }
0x12f: {  	v63 =	vadd.s32 v2, v4;
	v5 =	vld [tilespmem:s7+$0x20];
	_ =	sdelay $0x4  }
0x130: {  	[tilespmem:v63+s24+$0x0] =	vst.idx.msk $0xffff, v5  }
0x131: {  	v4 =	vadd.s32 v3, v4;
	v5 =	vld [tilespmem:s7+$0x30];
	_ =	sdelay $0x4  }
0x132: {  	s8 =	rddreg [dreg:$0xc];
	[tilespmem:v4+s24+$0x0] =	vst.idx.msk $0xffff, v5  }
0x133: {  	[hbm4b:s8+s3] =	stream.linear.scatter [tilespmem:s24], [sflag:$0x4], $0x80, $0x38;
	[tilespmem:$0xE800] =	vst v63  }
0x134: {  	s9 =	simm.s32 $0xC688;
	s18 =	sadd.s32 $0x10, s8  }
0x135: {  	[hbm4b:s18+s3] =	stream.linear.scatter [tilespmem:s9], [sflag:$0x4], $0x80, $0x38;
	[tilespmem:$0xE800] =	vst v63  }
0x136: {  	s14 =	simm.s32 $0xC710;
	s13 =	sadd.s32 $0x20, s8  }
0x137: {  	[hbm4b:s13+s3] =	stream.linear.scatter [tilespmem:s14], [sflag:$0x4], $0x80, $0x38;
	[tilespmem:$0xE800] =	vst v63  }
0x138: {  	s15 =	sadd.s32 $0x30, s8;
	s18 =	simm.s32 $0xC798  }
0x139: {  	[hbm4b:s15+s3] =	stream.linear.scatter [tilespmem:s18], [sflag:$0x4], $0x80, $0x38;
	[tilespmem:$0xE800] =	vst v63  }
0x13a: {  	s13 =	sadd.s32 $0x40, s8;
	s14 =	simm.s32 $0xC820  }
0x13b: {  	[hbm4b:s13+s3] =	stream.linear.scatter [tilespmem:s14], [sflag:$0x4], $0x80, $0x38;
	[tilespmem:$0xE800] =	vst v63  }
0x13c: {  	s15 =	sadd.s32 $0x50, s8;
	s18 =	simm.s32 $0xC8A8  }
0x13d: {  	[hbm4b:s15+s3] =	stream.linear.scatter [tilespmem:s18], [sflag:$0x4], $0x80, $0x38;
	[tilespmem:$0xE800] =	vst v63  }
0x13e: {  	s13 =	sadd.s32 $0x60, s8;
	s14 =	simm.s32 $0xC930  }
0x13f: {  	[hbm4b:s13+s3] =	stream.linear.scatter [tilespmem:s14], [sflag:$0x4], $0x80, $0x38;
	[tilespmem:$0xE800] =	vst v63  }
0x140: {  	s15 =	sadd.s32 $0x70, s8;
	s18 =	simm.s32 $0xC9B8  }
0x141: {  	[hbm4b:s15+s3] =	stream.linear.scatter [tilespmem:s18], [sflag:$0x4], $0x80, $0x38;
	[tilespmem:$0xE800] =	vst v63  }
0x142: {  	s9 =	simm.s32 $0xCA40;
	s8 =	rddreg [dreg:$0xd]  }
0x143: {  	[hbm4b:s8+s3] =	stream.linear.scatter [tilespmem:s9], [sflag:$0x4], $0x80, $0x38;
	[tilespmem:$0xE800] =	vst v63  }
0x144: {  	s13 =	sadd.s32 $0x10, s8;
	s14 =	simm.s32 $0xCAC8  }
0x145: {  	[hbm4b:s13+s3] =	stream.linear.scatter [tilespmem:s14], [sflag:$0x4], $0x80, $0x38;
	[tilespmem:$0xE800] =	vst v63  }
0x146: {  	s15 =	sadd.s32 $0x20, s8;
	s18 =	simm.s32 $0xCB50  }
0x147: {  	[hbm4b:s15+s3] =	stream.linear.scatter [tilespmem:s18], [sflag:$0x4], $0x80, $0x38;
	[tilespmem:$0xE800] =	vst v63  }
0x148: {  	s13 =	sadd.s32 $0x30, s8;
	s14 =	simm.s32 $0xCBD8  }
0x149: {  	[hbm4b:s13+s3] =	stream.linear.scatter [tilespmem:s14], [sflag:$0x4], $0x80, $0x38;
	[tilespmem:$0xE800] =	vst v63  }
0x14a: {  	s15 =	sadd.s32 $0x40, s8;
	s18 =	simm.s32 $0xCC60  }
0x14b: {  	[hbm4b:s15+s3] =	stream.linear.scatter [tilespmem:s18], [sflag:$0x4], $0x80, $0x38;
	[tilespmem:$0xE800] =	vst v63  }
0x14c: {  	s13 =	sadd.s32 $0x50, s8;
	s14 =	simm.s32 $0xCCE8  }
0x14d: {  	[hbm4b:s13+s3] =	stream.linear.scatter [tilespmem:s14], [sflag:$0x4], $0x80, $0x38;
	[tilespmem:$0xE800] =	vst v63  }
0x14e: {  	s15 =	sadd.s32 $0x60, s8;
	s18 =	simm.s32 $0xCD70  }
0x14f: {  	[hbm4b:s15+s3] =	stream.linear.scatter [tilespmem:s18], [sflag:$0x4], $0x80, $0x38;
	[tilespmem:$0xE800] =	vst v63  }
0x150: {  	s9 =	sadd.s32 $0x70, s8;
	s13 =	simm.s32 $0xCDF8  }
0x151: {  	[hbm4b:s9+s3] =	stream.linear.scatter [tilespmem:s13], [sflag:$0x4], $0x80, $0x38;
	[tilespmem:$0xE800] =	vst v63  }
0x152: {  	s8 =	rddreg [dreg:$0xe];
	s14 =	simm.s32 $0xCE80  }
0x153: {  	[hbm4b:s8+s3] =	stream.linear.scatter [tilespmem:s14], [sflag:$0x4], $0x80, $0x38;
	[tilespmem:$0xE800] =	vst v63  }
0x154: {  	s15 =	sadd.s32 $0x10, s8;
	s18 =	simm.s32 $0xCF08  }
0x155: {  	[hbm4b:s15+s3] =	stream.linear.scatter [tilespmem:s18], [sflag:$0x4], $0x80, $0x38;
	[tilespmem:$0xE800] =	vst v63  }
0x156: {  	s13 =	sadd.s32 $0x20, s8;
	s14 =	simm.s32 $0xCF90  }
0x157: {  	[hbm4b:s13+s3] =	stream.linear.scatter [tilespmem:s14], [sflag:$0x4], $0x80, $0x38;
	[tilespmem:$0xE800] =	vst v63  }
0x158: {  	s15 =	sadd.s32 $0x30, s8;
	s18 =	simm.s32 $0xD018  }
0x159: {  	[hbm4b:s15+s3] =	stream.linear.scatter [tilespmem:s18], [sflag:$0x4], $0x80, $0x38;
	[tilespmem:$0xE800] =	vst v63  }
0x15a: {  	s13 =	sadd.s32 $0x40, s8;
	s14 =	simm.s32 $0xD0A0  }
0x15b: {  	[hbm4b:s13+s3] =	stream.linear.scatter [tilespmem:s14], [sflag:$0x4], $0x80, $0x38;
	[tilespmem:$0xE800] =	vst v63  }
0x15c: {  	s15 =	sadd.s32 $0x50, s8;
	s18 =	simm.s32 $0xD128  }
0x15d: {  	[hbm4b:s15+s3] =	stream.linear.scatter [tilespmem:s18], [sflag:$0x4], $0x80, $0x38;
	[tilespmem:$0xE800] =	vst v63  }
0x15e: {  	s13 =	sadd.s32 $0x60, s8;
	s14 =	simm.s32 $0xD1B0  }
0x15f: {  	[hbm4b:s13+s3] =	stream.linear.scatter [tilespmem:s14], [sflag:$0x4], $0x80, $0x38;
	[tilespmem:$0xE800] =	vst v63  }
0x160: {  	s15 =	sadd.s32 $0x70, s8;
	s18 =	simm.s32 $0xD238  }
0x161: {  	[hbm4b:s15+s3] =	stream.linear.scatter [tilespmem:s18], [sflag:$0x4], $0x80, $0x38;
	[tilespmem:$0xE800] =	vst v63  }
0x162: {  	s9 =	simm.s32 $0xD2C0;
	s8 =	rddreg [dreg:$0xf]  }
0x163: {  	[hbm4b:s8+s3] =	stream.linear.scatter [tilespmem:s9], [sflag:$0x4], $0x80, $0x38;
	[tilespmem:$0xE800] =	vst v63  }
0x164: {  	s13 =	sadd.s32 $0x10, s8;
	s14 =	simm.s32 $0xD348  }
0x165: {  	[hbm4b:s13+s3] =	stream.linear.scatter [tilespmem:s14], [sflag:$0x4], $0x80, $0x38;
	[tilespmem:$0xE800] =	vst v63  }
0x166: {  	s15 =	sadd.s32 $0x20, s8;
	s18 =	simm.s32 $0xD3D0  }
0x167: {  	[hbm4b:s15+s3] =	stream.linear.scatter [tilespmem:s18], [sflag:$0x4], $0x80, $0x38;
	[tilespmem:$0xE800] =	vst v63  }
0x168: {  	s13 =	sadd.s32 $0x30, s8;
	s14 =	simm.s32 $0xD458  }
0x169: {  	[hbm4b:s13+s3] =	stream.linear.scatter [tilespmem:s14], [sflag:$0x4], $0x80, $0x38;
	[tilespmem:$0xE800] =	vst v63  }
0x16a: {  	s15 =	sadd.s32 $0x40, s8;
	s18 =	simm.s32 $0xD4E0  }
0x16b: {  	[hbm4b:s15+s3] =	stream.linear.scatter [tilespmem:s18], [sflag:$0x4], $0x80, $0x38;
	[tilespmem:$0xE800] =	vst v63  }
0x16c: {  	s13 =	sadd.s32 $0x50, s8;
	s14 =	simm.s32 $0xD568  }
0x16d: {  	[hbm4b:s13+s3] =	stream.linear.scatter [tilespmem:s14], [sflag:$0x4], $0x80, $0x38;
	[tilespmem:$0xE800] =	vst v63  }
0x16e: {  	s15 =	sadd.s32 $0x60, s8;
	s18 =	simm.s32 $0xD5F0  }
0x16f: {  	[hbm4b:s15+s3] =	stream.linear.scatter [tilespmem:s18], [sflag:$0x4], $0x80, $0x38;
	[tilespmem:$0xE800] =	vst v63  }
0x170: {  	s9 =	sadd.s32 $0x70, s8;
	s13 =	simm.s32 $0xD678  }
0x171: {  	[hbm4b:s9+s3] =	stream.linear.scatter [tilespmem:s13], [sflag:$0x4], $0x80, $0x38;
	[tilespmem:$0xE800] =	vst v63  }
0x172: {  	s8 =	rddreg [dreg:$0x10];
	s14 =	simm.s32 $0xD700  }
0x173: {  	[hbm4b:s8+s3] =	stream.linear.scatter [tilespmem:s14], [sflag:$0x4], $0x80, $0x38;
	[tilespmem:$0xE800] =	vst v63  }
0x174: {  	s15 =	sadd.s32 $0x10, s8;
	s18 =	simm.s32 $0xD788  }
0x175: {  	[hbm4b:s15+s3] =	stream.linear.scatter [tilespmem:s18], [sflag:$0x4], $0x80, $0x38;
	[tilespmem:$0xE800] =	vst v63  }
0x176: {  	s13 =	sadd.s32 $0x20, s8;
	s14 =	simm.s32 $0xD810  }
0x177: {  	[hbm4b:s13+s3] =	stream.linear.scatter [tilespmem:s14], [sflag:$0x4], $0x80, $0x38;
	[tilespmem:$0xE800] =	vst v63  }
0x178: {  	s15 =	sadd.s32 $0x30, s8;
	s18 =	simm.s32 $0xD898  }
0x179: {  	[hbm4b:s15+s3] =	stream.linear.scatter [tilespmem:s18], [sflag:$0x4], $0x80, $0x38;
	[tilespmem:$0xE800] =	vst v63  }
0x17a: {  	s13 =	sadd.s32 $0x40, s8;
	s14 =	simm.s32 $0xD920  }
0x17b: {  	[hbm4b:s13+s3] =	stream.linear.scatter [tilespmem:s14], [sflag:$0x4], $0x80, $0x38;
	[tilespmem:$0xE800] =	vst v63  }
0x17c: {  	s15 =	sadd.s32 $0x50, s8;
	s18 =	simm.s32 $0xD9A8  }
0x17d: {  	[hbm4b:s15+s3] =	stream.linear.scatter [tilespmem:s18], [sflag:$0x4], $0x80, $0x38;
	[tilespmem:$0xE800] =	vst v63  }
0x17e: {  	s13 =	sadd.s32 $0x60, s8;
	s14 =	simm.s32 $0xDA30  }
0x17f: {  	[hbm4b:s13+s3] =	stream.linear.scatter [tilespmem:s14], [sflag:$0x4], $0x80, $0x38;
	[tilespmem:$0xE800] =	vst v63  }
0x180: {  	s15 =	sadd.s32 $0x70, s8;
	s18 =	simm.s32 $0xDAB8  }
0x181: {  	[hbm4b:s15+s3] =	stream.linear.scatter [tilespmem:s18], [sflag:$0x4], $0x80, $0x38;
	[tilespmem:$0xE800] =	vst v63  }
0x182: {  	s9 =	simm.s32 $0xDB40;
	s8 =	rddreg [dreg:$0x11]  }
0x183: {  	[hbm4b:s8+s3] =	stream.linear.scatter [tilespmem:s9], [sflag:$0x4], $0x80, $0x38;
	[tilespmem:$0xE800] =	vst v63  }
0x184: {  	s13 =	sadd.s32 $0x10, s8;
	s14 =	simm.s32 $0xDBC8  }
0x185: {  	[hbm4b:s13+s3] =	stream.linear.scatter [tilespmem:s14], [sflag:$0x4], $0x80, $0x38;
	[tilespmem:$0xE800] =	vst v63  }
0x186: {  	s15 =	sadd.s32 $0x20, s8;
	s18 =	simm.s32 $0xDC50  }
0x187: {  	[hbm4b:s15+s3] =	stream.linear.scatter [tilespmem:s18], [sflag:$0x4], $0x80, $0x38;
	[tilespmem:$0xE800] =	vst v63  }
0x188: {  	s13 =	sadd.s32 $0x30, s8;
	s14 =	simm.s32 $0xDCD8  }
0x189: {  	[hbm4b:s13+s3] =	stream.linear.scatter [tilespmem:s14], [sflag:$0x4], $0x80, $0x38;
	[tilespmem:$0xE800] =	vst v63  }
0x18a: {  	s15 =	sadd.s32 $0x40, s8;
	s18 =	simm.s32 $0xDD60  }
0x18b: {  	[hbm4b:s15+s3] =	stream.linear.scatter [tilespmem:s18], [sflag:$0x4], $0x80, $0x38;
	[tilespmem:$0xE800] =	vst v63  }
0x18c: {  	s13 =	sadd.s32 $0x50, s8;
	s14 =	simm.s32 $0xDDE8  }
0x18d: {  	[hbm4b:s13+s3] =	stream.linear.scatter [tilespmem:s14], [sflag:$0x4], $0x80, $0x38;
	[tilespmem:$0xE800] =	vst v63  }
0x18e: {  	s15 =	sadd.s32 $0x60, s8;
	s18 =	simm.s32 $0xDE70  }
0x18f: {  	[hbm4b:s15+s3] =	stream.linear.scatter [tilespmem:s18], [sflag:$0x4], $0x80, $0x38;
	[tilespmem:$0xE800] =	vst v63  }
0x190: {  	s9 =	sadd.s32 $0x70, s8;
	s13 =	simm.s32 $0xDEF8  }
0x191: {  	[hbm4b:s9+s3] =	stream.linear.scatter [tilespmem:s13], [sflag:$0x4], $0x80, $0x38;
	[tilespmem:$0xE800] =	vst v63  }
0x192: {  	s8 =	rddreg [dreg:$0x12];
	s14 =	simm.s32 $0xDF80  }
0x193: {  	[hbm4b:s8+s3] =	stream.linear.scatter [tilespmem:s14], [sflag:$0x4], $0x80, $0x38;
	[tilespmem:$0xE800] =	vst v63  }
0x194: {  	s15 =	sadd.s32 $0x10, s8;
	s18 =	simm.s32 $0xE008  }
0x195: {  	[hbm4b:s15+s3] =	stream.linear.scatter [tilespmem:s18], [sflag:$0x4], $0x80, $0x38;
	[tilespmem:$0xE800] =	vst v63  }
0x196: {  	s13 =	sadd.s32 $0x20, s8;
	s14 =	simm.s32 $0xE090  }
0x197: {  	[hbm4b:s13+s3] =	stream.linear.scatter [tilespmem:s14], [sflag:$0x4], $0x80, $0x38;
	[tilespmem:$0xE800] =	vst v63  }
0x198: {  	s15 =	sadd.s32 $0x30, s8;
	s18 =	simm.s32 $0xE118  }
0x199: {  	[hbm4b:s15+s3] =	stream.linear.scatter [tilespmem:s18], [sflag:$0x4], $0x80, $0x38;
	[tilespmem:$0xE800] =	vst v63  }
0x19a: {  	s13 =	sadd.s32 $0x40, s8;
	s14 =	simm.s32 $0xE1A0  }
0x19b: {  	[hbm4b:s13+s3] =	stream.linear.scatter [tilespmem:s14], [sflag:$0x4], $0x80, $0x38;
	[tilespmem:$0xE800] =	vst v63  }
0x19c: {  	s15 =	sadd.s32 $0x50, s8;
	s18 =	simm.s32 $0xE228  }
0x19d: {  	[hbm4b:s15+s3] =	stream.linear.scatter [tilespmem:s18], [sflag:$0x4], $0x80, $0x38;
	[tilespmem:$0xE800] =	vst v63  }
0x19e: {  	s9 =	sadd.s32 $0x60, s8;
	s13 =	simm.s32 $0xE2B0  }
0x19f: {  	[hbm4b:s9+s3] =	stream.linear.scatter [tilespmem:s13], [sflag:$0x4], $0x80, $0x38;
	[tilespmem:$0xE800] =	vst v63  }
0x1a0: {  	s14 =	sadd.s32 $0x70, s8;
	s15 =	simm.s32 $0xE338  }
0x1a1: {  	[hbm4b:s14+s3] =	stream.linear.scatter [tilespmem:s15], [sflag:$0x4], $0x80, $0x38;
	[tilespmem:$0xE800] =	vst v63  }
0x1a2: {  	s8 =	rddreg [dreg:$0x13];
	s18 =	simm.s32 $0xE3C0  }
0x1a3: {  	[hbm4b:s8+s3] =	stream.linear.scatter [tilespmem:s18], [sflag:$0x4], $0x80, $0x38;
	[tilespmem:$0xE800] =	vst v63  }
0x1a4: {  	s9 =	sadd.s32 $0x10, s8;
	s13 =	simm.s32 $0xE448  }
0x1a5: {  	[hbm4b:s9+s3] =	stream.linear.scatter [tilespmem:s13], [sflag:$0x4], $0x80, $0x38;
	[tilespmem:$0xE800] =	vst v63  }
0x1a6: {  	s14 =	sadd.s32 $0x20, s8  }
0x1a7: {  	[hbm4b:s14+s3] =	stream.linear.scatter [tilespmem:s19], [sflag:$0x4], $0x80, $0x38;
	[tilespmem:$0xE800] =	vst v63  }
0x1a8: {  	s15 =	sadd.s32 $0x30, s8  }
0x1a9: {  	[hbm4b:s15+s3] =	stream.linear.scatter [tilespmem:s21], [sflag:$0x4], $0x80, $0x38;
	[tilespmem:$0xE800] =	vst v63  }
0x1aa: {  	s18 =	sadd.s32 $0x40, s8  }
0x1ab: {  	[hbm4b:s18+s3] =	stream.linear.scatter [tilespmem:s22], [sflag:$0x4], $0x80, $0x38;
	[tilespmem:$0xE800] =	vst v63  }
0x1ac: {  	s9 =	sadd.s32 $0x50, s8  }
0x1ad: {  	[hbm4b:s9+s3] =	stream.linear.scatter [tilespmem:s25], [sflag:$0x4], $0x80, $0x38;
	[tilespmem:$0xE800] =	vst v63  }
0x1ae: {  	s13 =	sadd.s32 $0x60, s8  }
0x1af: {  	[hbm4b:s13+s3] =	stream.linear.scatter [tilespmem:s28], [sflag:$0x4], $0x80, $0x38;
	[tilespmem:$0xE800] =	vst v63  }
0x1b0: {  	s14 =	sadd.s32 $0x70, s8  }
0x1b1: {  	[hbm4b:s14+s3] =	stream.linear.scatter [tilespmem:s29], [sflag:$0x4], $0x80, $0x38;
	[tilespmem:$0xE800] =	vst v63  }
0x1b2: {  	s7 =	simm.s32 $0x1;
	s15 =	simm.s32 $0x8400;
	s18 =	simm.s32 $0x180  }
0x1b3: {  	[tilespmem:s15], [sflag:$0x2] =	stream.indirect.gather [hbm4b:s4+s26], $0x40, s18, s26, $0xb8;
	[tilespmem:$0xE800] =	vst v63  }
.LBB2_6:
0x1b4: {  	_ =	swait.ge [sflag:s30], $0x2000  }
0x1b5: {  	[sflag:s30] =	ssyncset.done $0x0  }
0x1b6: {  	[sflag:s30] =	ssyncadd.s32 $0xFFFFE000  }
0x1b7: {  	_ =	swait.ge [sflag:s1], $0x400  }
0x1b8: {  	[sflag:s1] =	ssyncset.done $0x0  }
0x1b9: {  	[sflag:s1] =	ssyncadd.s32 $0xFFFFFC00  }
0x1ba: {  	_ =	swait.ge [sflag:s1], $0x400  }
0x1bb: {  	[sflag:s1] =	ssyncset.done $0x0  }
0x1bc: {  	[sflag:s1] =	ssyncadd.s32 $0xFFFFFC00  }
0x1bd: {  	_ =	swait.ge [sflag:s1], $0x400  }
0x1be: {  	[sflag:s1] =	ssyncset.done $0x0  }
0x1bf: {  	[sflag:s1] =	ssyncadd.s32 $0xFFFFFC00  }
0x1c0: {  	_ =	swait.ge [sflag:s1], $0x400  }
0x1c1: {  	[sflag:s1] =	ssyncset.done $0x0  }
0x1c2: {  	[sflag:s1] =	ssyncadd.s32 $0xFFFFFC00  }
0x1c3: {  	_ =	swait.ge [sflag:s1], $0x400  }
0x1c4: {  	[sflag:s1] =	ssyncset.done $0x0  }
0x1c5: {  	[sflag:s1] =	ssyncadd.s32 $0xFFFFFC00  }
0x1c6: {  	_ =	swait.ge [sflag:s1], $0x400  }
0x1c7: {  	[sflag:s1] =	ssyncset.done $0x0  }
0x1c8: {  	[sflag:s1] =	ssyncadd.s32 $0xFFFFFC00  }
0x1c9: {  	_ =	swait.ge [sflag:s1], $0x400  }
0x1ca: {  	[sflag:s1] =	ssyncset.done $0x0  }
0x1cb: {  	[sflag:s1] =	ssyncadd.s32 $0xFFFFFC00  }
0x1cc: {  	s8 =	simm.s32 $0x0;
	_ =	swait.ge [sflag:s1], $0x400  }
0x1cd: {  	v4 =	vmov s8;
	[sflag:s1] =	ssyncset.done $0x0  }
0x1ce: {  	s8 =	simm.s32 $0x6440;
	v4 =	vand.u32 $0x7E, v4;
	[sflag:s1] =	ssyncadd.s32 $0xFFFFFC00  }
0x1cf: {  	v6 =	vadd.s32 v0, v4;
	v5 =	vld [tilespmem:s8+$0xFFFFFFC0];
	_ =	sdelay $0x4  }
0x1d0: {  	[tilespmem:v6+s31+$0x0] =	vst.idx.msk $0xffff, v5  }
0x1d1: {  	v6 =	vadd.s32 v1, v4;
	v5 =	vld [tilespmem:s8+$0xFFFFFFD0];
	_ =	sdelay $0x4  }
0x1d2: {  	[tilespmem:v6+s31+$0x0] =	vst.idx.msk $0xffff, v5  }
0x1d3: {  	v6 =	vadd.s32 v2, v4;
	v5 =	vld [tilespmem:s8+$0xFFFFFFE0];
	_ =	sdelay $0x4  }
0x1d4: {  	[tilespmem:v6+s31+$0x0] =	vst.idx.msk $0xffff, v5  }
0x1d5: {  	v4 =	vadd.s32 v3, v4;
	v5 =	vld [tilespmem:s8+$0xFFFFFFF0];
	_ =	sdelay $0x2  }
0x1d6: {  	s9 =	simm.s32 $0x1  }
0x1d7: {  	v6 =	vmov s9  }
0x1d8: {  	[tilespmem:v4+s31+$0x0] =	vst.idx.msk $0xffff, v5;
	v5 =	vand.u32 $0x7F, v6  }
0x1d9: {  	v4 =	vld [tilespmem:s8+$0x0];
	v6 =	vadd.s32 v0, v5;
	_ =	sdelay $0x4  }
0x1da: {  	[tilespmem:v6+s31+$0x0] =	vst.idx.msk $0xffff, v4  }
0x1db: {  	v6 =	vadd.s32 v1, v5;
	v4 =	vld [tilespmem:s8+$0x10];
	_ =	sdelay $0x4  }
0x1dc: {  	[tilespmem:v6+s31+$0x0] =	vst.idx.msk $0xffff, v4  }
0x1dd: {  	v6 =	vadd.s32 v2, v5;
	v4 =	vld [tilespmem:s8+$0x20];
	_ =	sdelay $0x4  }
0x1de: {  	[tilespmem:v6+s31+$0x0] =	vst.idx.msk $0xffff, v4  }
0x1df: {  	v5 =	vadd.s32 v3, v5;
	v4 =	vld [tilespmem:s8+$0x30];
	_ =	sdelay $0x2  }
0x1e0: {  	s9 =	simm.s32 $0x2  }
0x1e1: {  	s13 =	simm.s32 $0x4;
	v6 =	vmov s9  }
.LBB2_7:
0x1e2: {  	p0 =	slt.u32 s13, $0x7E;
	v6 =	vand.u32 $0x7E, v6;
	[tilespmem:v5+s31+$0x0] =	vst.idx.msk $0xffff, v4;
	s8 =	sadd.s32 $0x80, s8  }
0x1e3: {  	v4 =	vld [tilespmem:s8+$0xFFFFFFC0];
	v5 =	vadd.s32 v0, v6;
	_ =	sdelay $0x4  }
0x1e4: {  	[tilespmem:v5+s31+$0x0] =	vst.idx.msk $0xffff, v4  }
0x1e5: {  	v5 =	vadd.s32 v1, v6;
	v4 =	vld [tilespmem:s8+$0xFFFFFFD0];
	_ =	sdelay $0x4  }
0x1e6: {  	[tilespmem:v5+s31+$0x0] =	vst.idx.msk $0xffff, v4  }
0x1e7: {  	v5 =	vadd.s32 v2, v6;
	v4 =	vld [tilespmem:s8+$0xFFFFFFE0];
	_ =	sdelay $0x4  }
0x1e8: {  	[tilespmem:v5+s31+$0x0] =	vst.idx.msk $0xffff, v4  }
0x1e9: {  	v5 =	vadd.s32 v3, v6;
	v4 =	vld [tilespmem:s8+$0xFFFFFFF0];
	_ =	sdelay $0x2  }
0x1ea: {  	s14 =	sadd.s32 $0x1, s9;
	s9 =	smov.u32 s13  }
0x1eb: {  	v6 =	vmov s14  }
0x1ec: {  	[tilespmem:v5+s31+$0x0] =	vst.idx.msk $0xffff, v4;
	v5 =	vand.u32 $0x7F, v6  }
0x1ed: {  	v4 =	vld [tilespmem:s8+$0x0];
	v6 =	vadd.s32 v0, v5;
	_ =	sdelay $0x4  }
0x1ee: {  	[tilespmem:v6+s31+$0x0] =	vst.idx.msk $0xffff, v4  }
0x1ef: {  	v6 =	vadd.s32 v1, v5;
	v4 =	vld [tilespmem:s8+$0x10];
	_ =	sdelay $0x4  }
0x1f0: {  	[tilespmem:v6+s31+$0x0] =	vst.idx.msk $0xffff, v4  }
0x1f1: {  	v6 =	vadd.s32 v2, v5;
	v4 =	vld [tilespmem:s8+$0x20];
	_ =	sdelay $0x4  }
0x1f2: {  	[tilespmem:v6+s31+$0x0] =	vst.idx.msk $0xffff, v4  }
.Ltmp2:
0x1f3: {  	v5 =	vadd.s32 v3, v5;
	v4 =	vld [tilespmem:s8+$0x30];
	(pc) =	sbr.rel @p0 .LBB2_7-.Ltmp2, $2  }
0x1f4: {  	_ =	sdelay $0x2  }
0x1f5: {  	s13 =	sadd.s32 $0x2, s13;
	v6 =	vmov s9  }
0x1f6: {  	_ =	sdelay $0x3  }
0x1f7: {  	v6 =	vand.u32 $0x7E, v6;
	[tilespmem:v5+s31+$0x0] =	vst.idx.msk $0xffff, v4;
	s8 =	sadd.s32 $0x80, s8  }
0x1f8: {  	v4 =	vld [tilespmem:s8+$0xFFFFFFC0];
	v5 =	vadd.s32 v0, v6;
	_ =	sdelay $0x4  }
0x1f9: {  	[tilespmem:v5+s31+$0x0] =	vst.idx.msk $0xffff, v4  }
0x1fa: {  	v5 =	vadd.s32 v1, v6;
	v4 =	vld [tilespmem:s8+$0xFFFFFFD0];
	_ =	sdelay $0x4  }
0x1fb: {  	[tilespmem:v5+s31+$0x0] =	vst.idx.msk $0xffff, v4  }
0x1fc: {  	v5 =	vadd.s32 v2, v6;
	v4 =	vld [tilespmem:s8+$0xFFFFFFE0];
	_ =	sdelay $0x4  }
0x1fd: {  	[tilespmem:v5+s31+$0x0] =	vst.idx.msk $0xffff, v4  }
0x1fe: {  	v5 =	vadd.s32 v3, v6;
	v4 =	vld [tilespmem:s8+$0xFFFFFFF0];
	_ =	sdelay $0x2  }
0x1ff: {  	s9 =	sadd.s32 $0x1, s9  }
0x200: {  	v6 =	vmov s9  }
0x201: {  	[tilespmem:v5+s31+$0x0] =	vst.idx.msk $0xffff, v4;
	v4 =	vand.u32 $0x7F, v6  }
0x202: {  	v5 =	vld [tilespmem:s8+$0x0];
	v6 =	vadd.s32 v0, v4;
	_ =	sdelay $0x4  }
0x203: {  	[tilespmem:v6+s31+$0x0] =	vst.idx.msk $0xffff, v5  }
0x204: {  	v6 =	vadd.s32 v1, v4;
	v5 =	vld [tilespmem:s8+$0x10];
	_ =	sdelay $0x4  }
0x205: {  	[tilespmem:v6+s31+$0x0] =	vst.idx.msk $0xffff, v5  }
0x206: {  	v6 =	vadd.s32 v2, v4;
	v5 =	vld [tilespmem:s8+$0x20];
	_ =	sdelay $0x4  }
0x207: {  	[tilespmem:v6+s31+$0x0] =	vst.idx.msk $0xffff, v5  }
0x208: {  	v4 =	vadd.s32 v3, v4;
	v5 =	vld [tilespmem:s8+$0x30];
	s8 =	sshll.u32 s7, $0x1  }
0x209: {  	s15 =	sadd.s32 s5, s8  }
0x20a: {  	s13 =	sshll.u32 s15, $0xA;
	s9 =	sshll.u32 s15, $0x7  }
0x20b: {  	s13 =	sand.u32 $0xFFF8000, s13;
	s9 =	sand.u32 $0xF00, s9  }
0x20c: {  	s9 =	sor.u32 s9, s13  }
0x20d: {  	s13 =	simm.s32 $0x0;
	[tilespmem:v4+s31+$0x0] =	vst.idx.msk $0xffff, v5;
	s14 =	sadd.s32 s2, s9  }
0x20e: {  	[hbm4b:s14+s13] =	stream.linear.scatter [tilespmem:s31], [sflag:$0x3], $0x80, $0x38;
	[tilespmem:$0xE800] =	vst v63  }
0x20f: {  	s18 =	simm.s32 $0xA488;
	s15 =	sadd.s32 $0x10, s14  }
0x210: {  	[hbm4b:s15+s13] =	stream.linear.scatter [tilespmem:s18], [sflag:$0x3], $0x80, $0x38;
	[tilespmem:$0xE800] =	vst v63  }
0x211: {  	s15 =	sadd.s32 $0x20, s14;
	s18 =	simm.s32 $0xA510  }
0x212: {  	[hbm4b:s15+s13] =	stream.linear.scatter [tilespmem:s18], [sflag:$0x3], $0x80, $0x38;
	[tilespmem:$0xE800] =	vst v63  }
0x213: {  	s15 =	sadd.s32 $0x30, s14;
	s18 =	simm.s32 $0xA598  }
0x214: {  	[hbm4b:s15+s13] =	stream.linear.scatter [tilespmem:s18], [sflag:$0x3], $0x80, $0x38;
	[tilespmem:$0xE800] =	vst v63  }
0x215: {  	s15 =	sadd.s32 $0x40, s14;
	s18 =	simm.s32 $0xA620  }
0x216: {  	[hbm4b:s15+s13] =	stream.linear.scatter [tilespmem:s18], [sflag:$0x3], $0x80, $0x38;
	[tilespmem:$0xE800] =	vst v63  }
0x217: {  	s15 =	sadd.s32 $0x50, s14;
	s18 =	simm.s32 $0xA6A8  }
0x218: {  	[hbm4b:s15+s13] =	stream.linear.scatter [tilespmem:s18], [sflag:$0x3], $0x80, $0x38;
	[tilespmem:$0xE800] =	vst v63  }
0x219: {  	s15 =	sadd.s32 $0x60, s14;
	s18 =	simm.s32 $0xA730  }
0x21a: {  	[hbm4b:s15+s13] =	stream.linear.scatter [tilespmem:s18], [sflag:$0x3], $0x80, $0x38;
	[tilespmem:$0xE800] =	vst v63  }
0x21b: {  	s14 =	sadd.s32 $0x70, s14;
	s18 =	simm.s32 $0xA7B8  }
0x21c: {  	[hbm4b:s14+s13] =	stream.linear.scatter [tilespmem:s18], [sflag:$0x3], $0x80, $0x38;
	[tilespmem:$0xE800] =	vst v63  }
0x21d: {  	s14 =	sadd.s32 s9, s6;
	s18 =	simm.s32 $0xA840  }
0x21e: {  	[hbm4b:s14+s13] =	stream.linear.scatter [tilespmem:s18], [sflag:$0x3], $0x80, $0x38;
	[tilespmem:$0xE800] =	vst v63  }
0x21f: {  	s15 =	sadd.s32 $0x10, s14;
	s18 =	simm.s32 $0xA8C8  }
0x220: {  	[hbm4b:s15+s13] =	stream.linear.scatter [tilespmem:s18], [sflag:$0x3], $0x80, $0x38;
	[tilespmem:$0xE800] =	vst v63  }
0x221: {  	s15 =	sadd.s32 $0x20, s14;
	s18 =	simm.s32 $0xA950  }
0x222: {  	[hbm4b:s15+s13] =	stream.linear.scatter [tilespmem:s18], [sflag:$0x3], $0x80, $0x38;
	[tilespmem:$0xE800] =	vst v63  }
0x223: {  	s15 =	sadd.s32 $0x30, s14;
	s18 =	simm.s32 $0xA9D8  }
0x224: {  	[hbm4b:s15+s13] =	stream.linear.scatter [tilespmem:s18], [sflag:$0x3], $0x80, $0x38;
	[tilespmem:$0xE800] =	vst v63  }
0x225: {  	s15 =	sadd.s32 $0x40, s14;
	s18 =	simm.s32 $0xAA60  }
0x226: {  	[hbm4b:s15+s13] =	stream.linear.scatter [tilespmem:s18], [sflag:$0x3], $0x80, $0x38;
	[tilespmem:$0xE800] =	vst v63  }
0x227: {  	s15 =	sadd.s32 $0x50, s14;
	s18 =	simm.s32 $0xAAE8  }
0x228: {  	[hbm4b:s15+s13] =	stream.linear.scatter [tilespmem:s18], [sflag:$0x3], $0x80, $0x38;
	[tilespmem:$0xE800] =	vst v63  }
0x229: {  	s15 =	sadd.s32 $0x60, s14;
	s18 =	simm.s32 $0xAB70  }
0x22a: {  	[hbm4b:s15+s13] =	stream.linear.scatter [tilespmem:s18], [sflag:$0x3], $0x80, $0x38;
	[tilespmem:$0xE800] =	vst v63  }
0x22b: {  	s14 =	sadd.s32 $0x70, s14;
	s18 =	simm.s32 $0xABF8  }
0x22c: {  	[hbm4b:s14+s13] =	stream.linear.scatter [tilespmem:s18], [sflag:$0x3], $0x80, $0x38;
	[tilespmem:$0xE800] =	vst v63  }
0x22d: {  	s14 =	sadd.s32 s9, s10;
	s18 =	simm.s32 $0xAC80  }
0x22e: {  	[hbm4b:s14+s13] =	stream.linear.scatter [tilespmem:s18], [sflag:$0x3], $0x80, $0x38;
	[tilespmem:$0xE800] =	vst v63  }
0x22f: {  	s15 =	sadd.s32 $0x10, s14;
	s18 =	simm.s32 $0xAD08  }
0x230: {  	[hbm4b:s15+s13] =	stream.linear.scatter [tilespmem:s18], [sflag:$0x3], $0x80, $0x38;
	[tilespmem:$0xE800] =	vst v63  }
0x231: {  	s15 =	sadd.s32 $0x20, s14;
	s18 =	simm.s32 $0xAD90  }
0x232: {  	[hbm4b:s15+s13] =	stream.linear.scatter [tilespmem:s18], [sflag:$0x3], $0x80, $0x38;
	[tilespmem:$0xE800] =	vst v63  }
0x233: {  	s15 =	sadd.s32 $0x30, s14;
	s18 =	simm.s32 $0xAE18  }
0x234: {  	[hbm4b:s15+s13] =	stream.linear.scatter [tilespmem:s18], [sflag:$0x3], $0x80, $0x38;
	[tilespmem:$0xE800] =	vst v63  }
0x235: {  	s15 =	sadd.s32 $0x40, s14;
	s18 =	simm.s32 $0xAEA0  }
0x236: {  	[hbm4b:s15+s13] =	stream.linear.scatter [tilespmem:s18], [sflag:$0x3], $0x80, $0x38;
	[tilespmem:$0xE800] =	vst v63  }
0x237: {  	s15 =	sadd.s32 $0x50, s14;
	s18 =	simm.s32 $0xAF28  }
0x238: {  	[hbm4b:s15+s13] =	stream.linear.scatter [tilespmem:s18], [sflag:$0x3], $0x80, $0x38;
	[tilespmem:$0xE800] =	vst v63  }
0x239: {  	s15 =	sadd.s32 $0x60, s14;
	s18 =	simm.s32 $0xAFB0  }
0x23a: {  	[hbm4b:s15+s13] =	stream.linear.scatter [tilespmem:s18], [sflag:$0x3], $0x80, $0x38;
	[tilespmem:$0xE800] =	vst v63  }
0x23b: {  	s14 =	sadd.s32 $0x70, s14;
	s18 =	simm.s32 $0xB038  }
0x23c: {  	[hbm4b:s14+s13] =	stream.linear.scatter [tilespmem:s18], [sflag:$0x3], $0x80, $0x38;
	[tilespmem:$0xE800] =	vst v63  }
0x23d: {  	s14 =	sadd.s32 s9, s11;
	s18 =	simm.s32 $0xB0C0  }
0x23e: {  	[hbm4b:s14+s13] =	stream.linear.scatter [tilespmem:s18], [sflag:$0x3], $0x80, $0x38;
	[tilespmem:$0xE800] =	vst v63  }
0x23f: {  	s15 =	sadd.s32 $0x10, s14;
	s18 =	simm.s32 $0xB148  }
0x240: {  	[hbm4b:s15+s13] =	stream.linear.scatter [tilespmem:s18], [sflag:$0x3], $0x80, $0x38;
	[tilespmem:$0xE800] =	vst v63  }
0x241: {  	s15 =	sadd.s32 $0x20, s14;
	s18 =	simm.s32 $0xB1D0  }
0x242: {  	[hbm4b:s15+s13] =	stream.linear.scatter [tilespmem:s18], [sflag:$0x3], $0x80, $0x38;
	[tilespmem:$0xE800] =	vst v63  }
0x243: {  	s15 =	sadd.s32 $0x30, s14;
	s18 =	simm.s32 $0xB258  }
0x244: {  	[hbm4b:s15+s13] =	stream.linear.scatter [tilespmem:s18], [sflag:$0x3], $0x80, $0x38;
	[tilespmem:$0xE800] =	vst v63  }
0x245: {  	s15 =	sadd.s32 $0x40, s14;
	s18 =	simm.s32 $0xB2E0  }
0x246: {  	[hbm4b:s15+s13] =	stream.linear.scatter [tilespmem:s18], [sflag:$0x3], $0x80, $0x38;
	[tilespmem:$0xE800] =	vst v63  }
0x247: {  	s15 =	sadd.s32 $0x50, s14;
	s18 =	simm.s32 $0xB368  }
0x248: {  	[hbm4b:s15+s13] =	stream.linear.scatter [tilespmem:s18], [sflag:$0x3], $0x80, $0x38;
	[tilespmem:$0xE800] =	vst v63  }
0x249: {  	s15 =	sadd.s32 $0x60, s14;
	s18 =	simm.s32 $0xB3F0  }
0x24a: {  	[hbm4b:s15+s13] =	stream.linear.scatter [tilespmem:s18], [sflag:$0x3], $0x80, $0x38;
	[tilespmem:$0xE800] =	vst v63  }
0x24b: {  	s14 =	sadd.s32 $0x70, s14;
	s18 =	simm.s32 $0xB478  }
0x24c: {  	[hbm4b:s14+s13] =	stream.linear.scatter [tilespmem:s18], [sflag:$0x3], $0x80, $0x38;
	[tilespmem:$0xE800] =	vst v63  }
0x24d: {  	s14 =	sadd.s32 s9, s12;
	s18 =	simm.s32 $0xB500  }
0x24e: {  	[hbm4b:s14+s13] =	stream.linear.scatter [tilespmem:s18], [sflag:$0x3], $0x80, $0x38;
	[tilespmem:$0xE800] =	vst v63  }
0x24f: {  	s15 =	sadd.s32 $0x10, s14;
	s18 =	simm.s32 $0xB588  }
0x250: {  	[hbm4b:s15+s13] =	stream.linear.scatter [tilespmem:s18], [sflag:$0x3], $0x80, $0x38;
	[tilespmem:$0xE800] =	vst v63  }
0x251: {  	s15 =	sadd.s32 $0x20, s14;
	s18 =	simm.s32 $0xB610  }
0x252: {  	[hbm4b:s15+s13] =	stream.linear.scatter [tilespmem:s18], [sflag:$0x3], $0x80, $0x38;
	[tilespmem:$0xE800] =	vst v63  }
0x253: {  	s15 =	sadd.s32 $0x30, s14;
	s18 =	simm.s32 $0xB698  }
0x254: {  	[hbm4b:s15+s13] =	stream.linear.scatter [tilespmem:s18], [sflag:$0x3], $0x80, $0x38;
	[tilespmem:$0xE800] =	vst v63  }
0x255: {  	s15 =	sadd.s32 $0x40, s14;
	s18 =	simm.s32 $0xB720  }
0x256: {  	[hbm4b:s15+s13] =	stream.linear.scatter [tilespmem:s18], [sflag:$0x3], $0x80, $0x38;
	[tilespmem:$0xE800] =	vst v63  }
0x257: {  	s15 =	sadd.s32 $0x50, s14;
	s18 =	simm.s32 $0xB7A8  }
0x258: {  	[hbm4b:s15+s13] =	stream.linear.scatter [tilespmem:s18], [sflag:$0x3], $0x80, $0x38;
	[tilespmem:$0xE800] =	vst v63  }
0x259: {  	s15 =	sadd.s32 $0x60, s14;
	s18 =	simm.s32 $0xB830  }
0x25a: {  	[hbm4b:s15+s13] =	stream.linear.scatter [tilespmem:s18], [sflag:$0x3], $0x80, $0x38;
	[tilespmem:$0xE800] =	vst v63  }
0x25b: {  	s14 =	sadd.s32 $0x70, s14;
	s18 =	simm.s32 $0xB8B8  }
0x25c: {  	[hbm4b:s14+s13] =	stream.linear.scatter [tilespmem:s18], [sflag:$0x3], $0x80, $0x38;
	[tilespmem:$0xE800] =	vst v63  }
0x25d: {  	s14 =	sadd.s32 s9, s16;
	s18 =	simm.s32 $0xB940  }
0x25e: {  	[hbm4b:s14+s13] =	stream.linear.scatter [tilespmem:s18], [sflag:$0x3], $0x80, $0x38;
	[tilespmem:$0xE800] =	vst v63  }
0x25f: {  	s15 =	sadd.s32 $0x10, s14;
	s18 =	simm.s32 $0xB9C8  }
0x260: {  	[hbm4b:s15+s13] =	stream.linear.scatter [tilespmem:s18], [sflag:$0x3], $0x80, $0x38;
	[tilespmem:$0xE800] =	vst v63  }
0x261: {  	s15 =	sadd.s32 $0x20, s14;
	s18 =	simm.s32 $0xBA50  }
0x262: {  	[hbm4b:s15+s13] =	stream.linear.scatter [tilespmem:s18], [sflag:$0x3], $0x80, $0x38;
	[tilespmem:$0xE800] =	vst v63  }
0x263: {  	s15 =	sadd.s32 $0x30, s14;
	s18 =	simm.s32 $0xBAD8  }
0x264: {  	[hbm4b:s15+s13] =	stream.linear.scatter [tilespmem:s18], [sflag:$0x3], $0x80, $0x38;
	[tilespmem:$0xE800] =	vst v63  }
0x265: {  	s15 =	sadd.s32 $0x40, s14;
	s18 =	simm.s32 $0xBB60  }
0x266: {  	[hbm4b:s15+s13] =	stream.linear.scatter [tilespmem:s18], [sflag:$0x3], $0x80, $0x38;
	[tilespmem:$0xE800] =	vst v63  }
0x267: {  	s15 =	sadd.s32 $0x50, s14;
	s18 =	simm.s32 $0xBBE8  }
0x268: {  	[hbm4b:s15+s13] =	stream.linear.scatter [tilespmem:s18], [sflag:$0x3], $0x80, $0x38;
	[tilespmem:$0xE800] =	vst v63  }
0x269: {  	s15 =	sadd.s32 $0x60, s14;
	s18 =	simm.s32 $0xBC70  }
0x26a: {  	[hbm4b:s15+s13] =	stream.linear.scatter [tilespmem:s18], [sflag:$0x3], $0x80, $0x38;
	[tilespmem:$0xE800] =	vst v63  }
0x26b: {  	s14 =	sadd.s32 $0x70, s14;
	s18 =	simm.s32 $0xBCF8  }
0x26c: {  	[hbm4b:s14+s13] =	stream.linear.scatter [tilespmem:s18], [sflag:$0x3], $0x80, $0x38;
	[tilespmem:$0xE800] =	vst v63  }
0x26d: {  	s14 =	sadd.s32 s9, s17;
	s18 =	simm.s32 $0xBD80  }
0x26e: {  	[hbm4b:s14+s13] =	stream.linear.scatter [tilespmem:s18], [sflag:$0x3], $0x80, $0x38;
	[tilespmem:$0xE800] =	vst v63  }
0x26f: {  	s15 =	sadd.s32 $0x10, s14;
	s18 =	simm.s32 $0xBE08  }
0x270: {  	[hbm4b:s15+s13] =	stream.linear.scatter [tilespmem:s18], [sflag:$0x3], $0x80, $0x38;
	[tilespmem:$0xE800] =	vst v63  }
0x271: {  	s15 =	sadd.s32 $0x20, s14;
	s18 =	simm.s32 $0xBE90  }
0x272: {  	[hbm4b:s15+s13] =	stream.linear.scatter [tilespmem:s18], [sflag:$0x3], $0x80, $0x38;
	[tilespmem:$0xE800] =	vst v63  }
0x273: {  	s15 =	sadd.s32 $0x30, s14;
	s18 =	simm.s32 $0xBF18  }
0x274: {  	[hbm4b:s15+s13] =	stream.linear.scatter [tilespmem:s18], [sflag:$0x3], $0x80, $0x38;
	[tilespmem:$0xE800] =	vst v63  }
0x275: {  	s15 =	sadd.s32 $0x40, s14;
	s18 =	simm.s32 $0xBFA0  }
0x276: {  	[hbm4b:s15+s13] =	stream.linear.scatter [tilespmem:s18], [sflag:$0x3], $0x80, $0x38;
	[tilespmem:$0xE800] =	vst v63  }
0x277: {  	s15 =	sadd.s32 $0x50, s14;
	s18 =	simm.s32 $0xC028  }
0x278: {  	[hbm4b:s15+s13] =	stream.linear.scatter [tilespmem:s18], [sflag:$0x3], $0x80, $0x38;
	[tilespmem:$0xE800] =	vst v63  }
0x279: {  	s15 =	sadd.s32 $0x60, s14;
	s18 =	simm.s32 $0xC0B0  }
0x27a: {  	[hbm4b:s15+s13] =	stream.linear.scatter [tilespmem:s18], [sflag:$0x3], $0x80, $0x38;
	[tilespmem:$0xE800] =	vst v63  }
0x27b: {  	s14 =	sadd.s32 $0x70, s14;
	s18 =	simm.s32 $0xC138  }
0x27c: {  	[hbm4b:s14+s13] =	stream.linear.scatter [tilespmem:s18], [sflag:$0x3], $0x80, $0x38;
	[tilespmem:$0xE800] =	vst v63  }
0x27d: {  	s9 =	sadd.s32 s9, s20;
	s18 =	simm.s32 $0xC1C0  }
0x27e: {  	[hbm4b:s9+s13] =	stream.linear.scatter [tilespmem:s18], [sflag:$0x3], $0x80, $0x38;
	[tilespmem:$0xE800] =	vst v63  }
0x27f: {  	s15 =	sadd.s32 $0x10, s9;
	s18 =	simm.s32 $0xC248  }
0x280: {  	[hbm4b:s15+s13] =	stream.linear.scatter [tilespmem:s18], [sflag:$0x3], $0x80, $0x38;
	[tilespmem:$0xE800] =	vst v63  }
0x281: {  	s15 =	sadd.s32 $0x20, s9;
	s18 =	simm.s32 $0xC2D0  }
0x282: {  	[hbm4b:s15+s13] =	stream.linear.scatter [tilespmem:s18], [sflag:$0x3], $0x80, $0x38;
	[tilespmem:$0xE800] =	vst v63  }
0x283: {  	s15 =	sadd.s32 $0x30, s9;
	s18 =	simm.s32 $0xC358  }
0x284: {  	[hbm4b:s15+s13] =	stream.linear.scatter [tilespmem:s18], [sflag:$0x3], $0x80, $0x38;
	[tilespmem:$0xE800] =	vst v63  }
0x285: {  	s15 =	sadd.s32 $0x40, s9;
	s18 =	simm.s32 $0xC3E0  }
0x286: {  	[hbm4b:s15+s13] =	stream.linear.scatter [tilespmem:s18], [sflag:$0x3], $0x80, $0x38;
	[tilespmem:$0xE800] =	vst v63  }
0x287: {  	s15 =	sadd.s32 $0x50, s9;
	s18 =	simm.s32 $0xC468  }
0x288: {  	[hbm4b:s15+s13] =	stream.linear.scatter [tilespmem:s18], [sflag:$0x3], $0x80, $0x38;
	[tilespmem:$0xE800] =	vst v63  }
0x289: {  	s15 =	sadd.s32 $0x60, s9;
	s18 =	simm.s32 $0xC4F0  }
0x28a: {  	[hbm4b:s15+s13] =	stream.linear.scatter [tilespmem:s18], [sflag:$0x3], $0x80, $0x38;
	[tilespmem:$0xE800] =	vst v63  }
0x28b: {  	s14 =	sshll.u32 s7, $0x8;
	s9 =	sadd.s32 $0x70, s9;
	s18 =	simm.s32 $0xC578  }
0x28c: {  	[hbm4b:s9+s13] =	stream.linear.scatter [tilespmem:s18], [sflag:$0x3], $0x80, $0x38;
	[tilespmem:$0xE800] =	vst v63  }
0x28d: {  	s9 =	sand.u32 $0x3FFFFF00, s14  }
0x28e: {  	s18 =	simm.s32 $0x6400;
	s15 =	sadd.s32 $0x100, s9  }
0x28f: {  	[tilespmem:s18], [sflag:$0x1] =	stream.indirect.gather [hbm4b:s4+s26], $0x40, s15, s26, $0xb8;
	[tilespmem:$0xE800] =	vst v63  }
0x290: {  	_ =	swait.ge [sflag:s23], $0x2000  }
0x291: {  	[sflag:s23] =	ssyncset.done $0x0  }
0x292: {  	[sflag:s23] =	ssyncadd.s32 $0xFFFFE000  }
0x293: {  	_ =	swait.ge [sflag:s0], $0x400  }
0x294: {  	[sflag:s0] =	ssyncset.done $0x0  }
0x295: {  	[sflag:s0] =	ssyncadd.s32 $0xFFFFFC00  }
0x296: {  	_ =	swait.ge [sflag:s0], $0x400  }
0x297: {  	[sflag:s0] =	ssyncset.done $0x0  }
0x298: {  	[sflag:s0] =	ssyncadd.s32 $0xFFFFFC00  }
0x299: {  	_ =	swait.ge [sflag:s0], $0x400  }
0x29a: {  	[sflag:s0] =	ssyncset.done $0x0  }
0x29b: {  	[sflag:s0] =	ssyncadd.s32 $0xFFFFFC00  }
0x29c: {  	_ =	swait.ge [sflag:s0], $0x400  }
0x29d: {  	[sflag:s0] =	ssyncset.done $0x0  }
0x29e: {  	[sflag:s0] =	ssyncadd.s32 $0xFFFFFC00  }
0x29f: {  	_ =	swait.ge [sflag:s0], $0x400  }
0x2a0: {  	[sflag:s0] =	ssyncset.done $0x0  }
0x2a1: {  	[sflag:s0] =	ssyncadd.s32 $0xFFFFFC00  }
0x2a2: {  	_ =	swait.ge [sflag:s0], $0x400  }
0x2a3: {  	[sflag:s0] =	ssyncset.done $0x0  }
0x2a4: {  	[sflag:s0] =	ssyncadd.s32 $0xFFFFFC00  }
0x2a5: {  	_ =	swait.ge [sflag:s0], $0x400  }
0x2a6: {  	[sflag:s0] =	ssyncset.done $0x0  }
0x2a7: {  	[sflag:s0] =	ssyncadd.s32 $0xFFFFFC00  }
0x2a8: {  	_ =	swait.ge [sflag:s0], $0x400  }
0x2a9: {  	v4 =	vmov s13;
	[sflag:s0] =	ssyncset.done $0x0  }
0x2aa: {  	v4 =	vand.u32 $0x7E, v4;
	s13 =	simm.s32 $0x8440;
	[sflag:s0] =	ssyncadd.s32 $0xFFFFFC00  }
0x2ab: {  	v6 =	vadd.s32 v0, v4;
	v5 =	vld [tilespmem:s13+$0xFFFFFFC0];
	_ =	sdelay $0x4  }
0x2ac: {  	[tilespmem:v6+s24+$0x0] =	vst.idx.msk $0xffff, v5  }
0x2ad: {  	v6 =	vadd.s32 v1, v4;
	v5 =	vld [tilespmem:s13+$0xFFFFFFD0];
	_ =	sdelay $0x4  }
0x2ae: {  	[tilespmem:v6+s24+$0x0] =	vst.idx.msk $0xffff, v5  }
0x2af: {  	v6 =	vadd.s32 v2, v4;
	v5 =	vld [tilespmem:s13+$0xFFFFFFE0];
	_ =	sdelay $0x4  }
0x2b0: {  	[tilespmem:v6+s24+$0x0] =	vst.idx.msk $0xffff, v5  }
0x2b1: {  	v4 =	vadd.s32 v3, v4;
	v5 =	vld [tilespmem:s13+$0xFFFFFFF0];
	_ =	sdelay $0x2  }
0x2b2: {  	s18 =	simm.s32 $0x1  }
0x2b3: {  	v6 =	vmov s18  }
0x2b4: {  	[tilespmem:v4+s24+$0x0] =	vst.idx.msk $0xffff, v5;
	v5 =	vand.u32 $0x7F, v6  }
0x2b5: {  	v4 =	vld [tilespmem:s13+$0x0];
	v6 =	vadd.s32 v0, v5;
	_ =	sdelay $0x4  }
0x2b6: {  	[tilespmem:v6+s24+$0x0] =	vst.idx.msk $0xffff, v4  }
0x2b7: {  	v6 =	vadd.s32 v1, v5;
	v4 =	vld [tilespmem:s13+$0x10];
	_ =	sdelay $0x4  }
0x2b8: {  	[tilespmem:v6+s24+$0x0] =	vst.idx.msk $0xffff, v4  }
0x2b9: {  	v6 =	vadd.s32 v2, v5;
	v4 =	vld [tilespmem:s13+$0x20];
	_ =	sdelay $0x4  }
0x2ba: {  	[tilespmem:v6+s24+$0x0] =	vst.idx.msk $0xffff, v4  }
0x2bb: {  	v5 =	vadd.s32 v3, v5;
	v4 =	vld [tilespmem:s13+$0x30];
	_ =	sdelay $0x2  }
0x2bc: {  	s14 =	simm.s32 $0x2  }
0x2bd: {  	s15 =	simm.s32 $0x4;
	v6 =	vmov s14  }
.LBB2_9:
0x2be: {  	p0 =	slt.u32 s15, $0x7E;
	v6 =	vand.u32 $0x7E, v6;
	[tilespmem:v5+s24+$0x0] =	vst.idx.msk $0xffff, v4;
	s13 =	sadd.s32 $0x80, s13  }
0x2bf: {  	v4 =	vld [tilespmem:s13+$0xFFFFFFC0];
	v5 =	vadd.s32 v0, v6;
	_ =	sdelay $0x4  }
0x2c0: {  	[tilespmem:v5+s24+$0x0] =	vst.idx.msk $0xffff, v4  }
0x2c1: {  	v5 =	vadd.s32 v1, v6;
	v4 =	vld [tilespmem:s13+$0xFFFFFFD0];
	_ =	sdelay $0x4  }
0x2c2: {  	[tilespmem:v5+s24+$0x0] =	vst.idx.msk $0xffff, v4  }
0x2c3: {  	v5 =	vadd.s32 v2, v6;
	v4 =	vld [tilespmem:s13+$0xFFFFFFE0];
	_ =	sdelay $0x4  }
0x2c4: {  	[tilespmem:v5+s24+$0x0] =	vst.idx.msk $0xffff, v4  }
0x2c5: {  	v5 =	vadd.s32 v3, v6;
	v4 =	vld [tilespmem:s13+$0xFFFFFFF0];
	_ =	sdelay $0x2  }
0x2c6: {  	s18 =	sadd.s32 $0x1, s14;
	s14 =	smov.u32 s15  }
0x2c7: {  	v6 =	vmov s18  }
0x2c8: {  	[tilespmem:v5+s24+$0x0] =	vst.idx.msk $0xffff, v4;
	v5 =	vand.u32 $0x7F, v6  }
0x2c9: {  	v4 =	vld [tilespmem:s13+$0x0];
	v6 =	vadd.s32 v0, v5;
	_ =	sdelay $0x4  }
0x2ca: {  	[tilespmem:v6+s24+$0x0] =	vst.idx.msk $0xffff, v4  }
0x2cb: {  	v6 =	vadd.s32 v1, v5;
	v4 =	vld [tilespmem:s13+$0x10];
	_ =	sdelay $0x4  }
0x2cc: {  	[tilespmem:v6+s24+$0x0] =	vst.idx.msk $0xffff, v4  }
0x2cd: {  	v6 =	vadd.s32 v2, v5;
	v4 =	vld [tilespmem:s13+$0x20];
	_ =	sdelay $0x4  }
0x2ce: {  	[tilespmem:v6+s24+$0x0] =	vst.idx.msk $0xffff, v4  }
.Ltmp3:
0x2cf: {  	v5 =	vadd.s32 v3, v5;
	v4 =	vld [tilespmem:s13+$0x30];
	(pc) =	sbr.rel @p0 .LBB2_9-.Ltmp3, $2  }
0x2d0: {  	_ =	sdelay $0x2  }
0x2d1: {  	s15 =	sadd.s32 $0x2, s15;
	v6 =	vmov s14  }
0x2d2: {  	_ =	sdelay $0x3  }
0x2d3: {  	v6 =	vand.u32 $0x7E, v6;
	[tilespmem:v5+s24+$0x0] =	vst.idx.msk $0xffff, v4;
	s13 =	sadd.s32 $0x80, s13  }
0x2d4: {  	v4 =	vld [tilespmem:s13+$0xFFFFFFC0];
	v5 =	vadd.s32 v0, v6;
	_ =	sdelay $0x4  }
0x2d5: {  	[tilespmem:v5+s24+$0x0] =	vst.idx.msk $0xffff, v4  }
0x2d6: {  	v5 =	vadd.s32 v1, v6;
	v4 =	vld [tilespmem:s13+$0xFFFFFFD0];
	_ =	sdelay $0x4  }
0x2d7: {  	[tilespmem:v5+s24+$0x0] =	vst.idx.msk $0xffff, v4  }
0x2d8: {  	v5 =	vadd.s32 v2, v6;
	v4 =	vld [tilespmem:s13+$0xFFFFFFE0];
	_ =	sdelay $0x4  }
0x2d9: {  	[tilespmem:v5+s24+$0x0] =	vst.idx.msk $0xffff, v4  }
0x2da: {  	v5 =	vadd.s32 v3, v6;
	v4 =	vld [tilespmem:s13+$0xFFFFFFF0];
	_ =	sdelay $0x2  }
0x2db: {  	s14 =	sadd.s32 $0x1, s14  }
0x2dc: {  	v61 =	vmov s14  }
0x2dd: {  	[tilespmem:v5+s24+$0x0] =	vst.idx.msk $0xffff, v4;
	v4 =	vand.u32 $0x7F, v61  }
0x2de: {  	v5 =	vld [tilespmem:s13+$0x0];
	v6 =	vadd.s32 v0, v4;
	_ =	sdelay $0x4  }
0x2df: {  	[tilespmem:v6+s24+$0x0] =	vst.idx.msk $0xffff, v5  }
0x2e0: {  	v62 =	vadd.s32 v1, v4;
	v5 =	vld [tilespmem:s13+$0x10];
	_ =	sdelay $0x4  }
0x2e1: {  	[tilespmem:v62+s24+$0x0] =	vst.idx.msk $0xffff, v5  }
0x2e2: {  	v63 =	vadd.s32 v2, v4;
	v5 =	vld [tilespmem:s13+$0x20];
	_ =	sdelay $0x4  }
0x2e3: {  	[tilespmem:v63+s24+$0x0] =	vst.idx.msk $0xffff, v5  }
0x2e4: {  	s8 =	sadd.s32 s8, s5;
	v4 =	vadd.s32 v3, v4;
	v5 =	vld [tilespmem:s13+$0x30]  }
0x2e5: {  	s8 =	sadd.s32 $0x1, s8  }
0x2e6: {  	s15 =	sshll.u32 s8, $0xA;
	s8 =	sshll.u32 s8, $0x7  }
0x2e7: {  	s8 =	sand.u32 $0xF80, s8;
	s13 =	sand.u32 $0xFFF8000, s15  }
0x2e8: {  	s8 =	sor.u32 s8, s13  }
0x2e9: {  	s13 =	sadd.s32 s2, s8;
	[tilespmem:v4+s24+$0x0] =	vst.idx.msk $0xffff, v5  }
0x2ea: {  	[hbm4b:s13+s3] =	stream.linear.scatter [tilespmem:s24], [sflag:$0x4], $0x80, $0x38;
	[tilespmem:$0xE800] =	vst v63  }
0x2eb: {  	s15 =	simm.s32 $0xC688;
	s18 =	sadd.s32 $0x10, s13  }
0x2ec: {  	[hbm4b:s18+s3] =	stream.linear.scatter [tilespmem:s15], [sflag:$0x4], $0x80, $0x38;
	[tilespmem:$0xE800] =	vst v63  }
0x2ed: {  	s15 =	sadd.s32 $0x20, s13;
	s18 =	simm.s32 $0xC710  }
0x2ee: {  	[hbm4b:s15+s3] =	stream.linear.scatter [tilespmem:s18], [sflag:$0x4], $0x80, $0x38;
	[tilespmem:$0xE800] =	vst v63  }
0x2ef: {  	s15 =	sadd.s32 $0x30, s13;
	s18 =	simm.s32 $0xC798  }
0x2f0: {  	[hbm4b:s15+s3] =	stream.linear.scatter [tilespmem:s18], [sflag:$0x4], $0x80, $0x38;
	[tilespmem:$0xE800] =	vst v63  }
0x2f1: {  	s15 =	sadd.s32 $0x40, s13;
	s18 =	simm.s32 $0xC820  }
0x2f2: {  	[hbm4b:s15+s3] =	stream.linear.scatter [tilespmem:s18], [sflag:$0x4], $0x80, $0x38;
	[tilespmem:$0xE800] =	vst v63  }
0x2f3: {  	s15 =	sadd.s32 $0x50, s13;
	s18 =	simm.s32 $0xC8A8  }
0x2f4: {  	[hbm4b:s15+s3] =	stream.linear.scatter [tilespmem:s18], [sflag:$0x4], $0x80, $0x38;
	[tilespmem:$0xE800] =	vst v63  }
0x2f5: {  	s15 =	sadd.s32 $0x60, s13;
	s18 =	simm.s32 $0xC930  }
0x2f6: {  	[hbm4b:s15+s3] =	stream.linear.scatter [tilespmem:s18], [sflag:$0x4], $0x80, $0x38;
	[tilespmem:$0xE800] =	vst v63  }
0x2f7: {  	s13 =	sadd.s32 $0x70, s13;
	s15 =	simm.s32 $0xC9B8  }
0x2f8: {  	[hbm4b:s13+s3] =	stream.linear.scatter [tilespmem:s15], [sflag:$0x4], $0x80, $0x38;
	[tilespmem:$0xE800] =	vst v63  }
0x2f9: {  	s18 =	simm.s32 $0xCA40;
	s13 =	sadd.s32 s8, s6  }
0x2fa: {  	[hbm4b:s13+s3] =	stream.linear.scatter [tilespmem:s18], [sflag:$0x4], $0x80, $0x38;
	[tilespmem:$0xE800] =	vst v63  }
0x2fb: {  	s15 =	sadd.s32 $0x10, s13;
	s18 =	simm.s32 $0xCAC8  }
0x2fc: {  	[hbm4b:s15+s3] =	stream.linear.scatter [tilespmem:s18], [sflag:$0x4], $0x80, $0x38;
	[tilespmem:$0xE800] =	vst v63  }
0x2fd: {  	s15 =	sadd.s32 $0x20, s13;
	s18 =	simm.s32 $0xCB50  }
0x2fe: {  	[hbm4b:s15+s3] =	stream.linear.scatter [tilespmem:s18], [sflag:$0x4], $0x80, $0x38;
	[tilespmem:$0xE800] =	vst v63  }
0x2ff: {  	s15 =	sadd.s32 $0x30, s13;
	s18 =	simm.s32 $0xCBD8  }
0x300: {  	[hbm4b:s15+s3] =	stream.linear.scatter [tilespmem:s18], [sflag:$0x4], $0x80, $0x38;
	[tilespmem:$0xE800] =	vst v63  }
0x301: {  	s15 =	sadd.s32 $0x40, s13;
	s18 =	simm.s32 $0xCC60  }
0x302: {  	[hbm4b:s15+s3] =	stream.linear.scatter [tilespmem:s18], [sflag:$0x4], $0x80, $0x38;
	[tilespmem:$0xE800] =	vst v63  }
0x303: {  	s15 =	sadd.s32 $0x50, s13;
	s18 =	simm.s32 $0xCCE8  }
0x304: {  	[hbm4b:s15+s3] =	stream.linear.scatter [tilespmem:s18], [sflag:$0x4], $0x80, $0x38;
	[tilespmem:$0xE800] =	vst v63  }
0x305: {  	s15 =	sadd.s32 $0x60, s13;
	s18 =	simm.s32 $0xCD70  }
0x306: {  	[hbm4b:s15+s3] =	stream.linear.scatter [tilespmem:s18], [sflag:$0x4], $0x80, $0x38;
	[tilespmem:$0xE800] =	vst v63  }
0x307: {  	s13 =	sadd.s32 $0x70, s13;
	s15 =	simm.s32 $0xCDF8  }
0x308: {  	[hbm4b:s13+s3] =	stream.linear.scatter [tilespmem:s15], [sflag:$0x4], $0x80, $0x38;
	[tilespmem:$0xE800] =	vst v63  }
0x309: {  	s18 =	simm.s32 $0xCE80;
	s13 =	sadd.s32 s8, s10  }
0x30a: {  	[hbm4b:s13+s3] =	stream.linear.scatter [tilespmem:s18], [sflag:$0x4], $0x80, $0x38;
	[tilespmem:$0xE800] =	vst v63  }
0x30b: {  	s15 =	sadd.s32 $0x10, s13;
	s18 =	simm.s32 $0xCF08  }
0x30c: {  	[hbm4b:s15+s3] =	stream.linear.scatter [tilespmem:s18], [sflag:$0x4], $0x80, $0x38;
	[tilespmem:$0xE800] =	vst v63  }
0x30d: {  	s15 =	sadd.s32 $0x20, s13;
	s18 =	simm.s32 $0xCF90  }
0x30e: {  	[hbm4b:s15+s3] =	stream.linear.scatter [tilespmem:s18], [sflag:$0x4], $0x80, $0x38;
	[tilespmem:$0xE800] =	vst v63  }
0x30f: {  	s15 =	sadd.s32 $0x30, s13;
	s18 =	simm.s32 $0xD018  }
0x310: {  	[hbm4b:s15+s3] =	stream.linear.scatter [tilespmem:s18], [sflag:$0x4], $0x80, $0x38;
	[tilespmem:$0xE800] =	vst v63  }
0x311: {  	s15 =	sadd.s32 $0x40, s13;
	s18 =	simm.s32 $0xD0A0  }
0x312: {  	[hbm4b:s15+s3] =	stream.linear.scatter [tilespmem:s18], [sflag:$0x4], $0x80, $0x38;
	[tilespmem:$0xE800] =	vst v63  }
0x313: {  	s15 =	sadd.s32 $0x50, s13;
	s18 =	simm.s32 $0xD128  }
0x314: {  	[hbm4b:s15+s3] =	stream.linear.scatter [tilespmem:s18], [sflag:$0x4], $0x80, $0x38;
	[tilespmem:$0xE800] =	vst v63  }
0x315: {  	s15 =	sadd.s32 $0x60, s13;
	s18 =	simm.s32 $0xD1B0  }
0x316: {  	[hbm4b:s15+s3] =	stream.linear.scatter [tilespmem:s18], [sflag:$0x4], $0x80, $0x38;
	[tilespmem:$0xE800] =	vst v63  }
0x317: {  	s13 =	sadd.s32 $0x70, s13;
	s15 =	simm.s32 $0xD238  }
0x318: {  	[hbm4b:s13+s3] =	stream.linear.scatter [tilespmem:s15], [sflag:$0x4], $0x80, $0x38;
	[tilespmem:$0xE800] =	vst v63  }
0x319: {  	s18 =	simm.s32 $0xD2C0;
	s13 =	sadd.s32 s8, s11  }
0x31a: {  	[hbm4b:s13+s3] =	stream.linear.scatter [tilespmem:s18], [sflag:$0x4], $0x80, $0x38;
	[tilespmem:$0xE800] =	vst v63  }
0x31b: {  	s15 =	sadd.s32 $0x10, s13;
	s18 =	simm.s32 $0xD348  }
0x31c: {  	[hbm4b:s15+s3] =	stream.linear.scatter [tilespmem:s18], [sflag:$0x4], $0x80, $0x38;
	[tilespmem:$0xE800] =	vst v63  }
0x31d: {  	s15 =	sadd.s32 $0x20, s13;
	s18 =	simm.s32 $0xD3D0  }
0x31e: {  	[hbm4b:s15+s3] =	stream.linear.scatter [tilespmem:s18], [sflag:$0x4], $0x80, $0x38;
	[tilespmem:$0xE800] =	vst v63  }
0x31f: {  	s15 =	sadd.s32 $0x30, s13;
	s18 =	simm.s32 $0xD458  }
0x320: {  	[hbm4b:s15+s3] =	stream.linear.scatter [tilespmem:s18], [sflag:$0x4], $0x80, $0x38;
	[tilespmem:$0xE800] =	vst v63  }
0x321: {  	s15 =	sadd.s32 $0x40, s13;
	s18 =	simm.s32 $0xD4E0  }
0x322: {  	[hbm4b:s15+s3] =	stream.linear.scatter [tilespmem:s18], [sflag:$0x4], $0x80, $0x38;
	[tilespmem:$0xE800] =	vst v63  }
0x323: {  	s15 =	sadd.s32 $0x50, s13;
	s18 =	simm.s32 $0xD568  }
0x324: {  	[hbm4b:s15+s3] =	stream.linear.scatter [tilespmem:s18], [sflag:$0x4], $0x80, $0x38;
	[tilespmem:$0xE800] =	vst v63  }
0x325: {  	s15 =	sadd.s32 $0x60, s13;
	s18 =	simm.s32 $0xD5F0  }
0x326: {  	[hbm4b:s15+s3] =	stream.linear.scatter [tilespmem:s18], [sflag:$0x4], $0x80, $0x38;
	[tilespmem:$0xE800] =	vst v63  }
0x327: {  	s13 =	sadd.s32 $0x70, s13;
	s15 =	simm.s32 $0xD678  }
0x328: {  	[hbm4b:s13+s3] =	stream.linear.scatter [tilespmem:s15], [sflag:$0x4], $0x80, $0x38;
	[tilespmem:$0xE800] =	vst v63  }
0x329: {  	s18 =	simm.s32 $0xD700;
	s13 =	sadd.s32 s8, s12  }
0x32a: {  	[hbm4b:s13+s3] =	stream.linear.scatter [tilespmem:s18], [sflag:$0x4], $0x80, $0x38;
	[tilespmem:$0xE800] =	vst v63  }
0x32b: {  	s15 =	sadd.s32 $0x10, s13;
	s18 =	simm.s32 $0xD788  }
0x32c: {  	[hbm4b:s15+s3] =	stream.linear.scatter [tilespmem:s18], [sflag:$0x4], $0x80, $0x38;
	[tilespmem:$0xE800] =	vst v63  }
0x32d: {  	s15 =	sadd.s32 $0x20, s13;
	s18 =	simm.s32 $0xD810  }
0x32e: {  	[hbm4b:s15+s3] =	stream.linear.scatter [tilespmem:s18], [sflag:$0x4], $0x80, $0x38;
	[tilespmem:$0xE800] =	vst v63  }
0x32f: {  	s15 =	sadd.s32 $0x30, s13;
	s18 =	simm.s32 $0xD898  }
0x330: {  	[hbm4b:s15+s3] =	stream.linear.scatter [tilespmem:s18], [sflag:$0x4], $0x80, $0x38;
	[tilespmem:$0xE800] =	vst v63  }
0x331: {  	s15 =	sadd.s32 $0x40, s13;
	s18 =	simm.s32 $0xD920  }
0x332: {  	[hbm4b:s15+s3] =	stream.linear.scatter [tilespmem:s18], [sflag:$0x4], $0x80, $0x38;
	[tilespmem:$0xE800] =	vst v63  }
0x333: {  	s15 =	sadd.s32 $0x50, s13;
	s18 =	simm.s32 $0xD9A8  }
0x334: {  	[hbm4b:s15+s3] =	stream.linear.scatter [tilespmem:s18], [sflag:$0x4], $0x80, $0x38;
	[tilespmem:$0xE800] =	vst v63  }
0x335: {  	s15 =	sadd.s32 $0x60, s13;
	s18 =	simm.s32 $0xDA30  }
0x336: {  	[hbm4b:s15+s3] =	stream.linear.scatter [tilespmem:s18], [sflag:$0x4], $0x80, $0x38;
	[tilespmem:$0xE800] =	vst v63  }
0x337: {  	s13 =	sadd.s32 $0x70, s13;
	s15 =	simm.s32 $0xDAB8  }
0x338: {  	[hbm4b:s13+s3] =	stream.linear.scatter [tilespmem:s15], [sflag:$0x4], $0x80, $0x38;
	[tilespmem:$0xE800] =	vst v63  }
0x339: {  	s18 =	simm.s32 $0xDB40;
	s13 =	sadd.s32 s8, s16  }
0x33a: {  	[hbm4b:s13+s3] =	stream.linear.scatter [tilespmem:s18], [sflag:$0x4], $0x80, $0x38;
	[tilespmem:$0xE800] =	vst v63  }
0x33b: {  	s15 =	sadd.s32 $0x10, s13;
	s18 =	simm.s32 $0xDBC8  }
0x33c: {  	[hbm4b:s15+s3] =	stream.linear.scatter [tilespmem:s18], [sflag:$0x4], $0x80, $0x38;
	[tilespmem:$0xE800] =	vst v63  }
0x33d: {  	s15 =	sadd.s32 $0x20, s13;
	s18 =	simm.s32 $0xDC50  }
0x33e: {  	[hbm4b:s15+s3] =	stream.linear.scatter [tilespmem:s18], [sflag:$0x4], $0x80, $0x38;
	[tilespmem:$0xE800] =	vst v63  }
0x33f: {  	s15 =	sadd.s32 $0x30, s13;
	s18 =	simm.s32 $0xDCD8  }
0x340: {  	[hbm4b:s15+s3] =	stream.linear.scatter [tilespmem:s18], [sflag:$0x4], $0x80, $0x38;
	[tilespmem:$0xE800] =	vst v63  }
0x341: {  	s15 =	sadd.s32 $0x40, s13;
	s18 =	simm.s32 $0xDD60  }
0x342: {  	[hbm4b:s15+s3] =	stream.linear.scatter [tilespmem:s18], [sflag:$0x4], $0x80, $0x38;
	[tilespmem:$0xE800] =	vst v63  }
0x343: {  	s15 =	sadd.s32 $0x50, s13;
	s18 =	simm.s32 $0xDDE8  }
0x344: {  	[hbm4b:s15+s3] =	stream.linear.scatter [tilespmem:s18], [sflag:$0x4], $0x80, $0x38;
	[tilespmem:$0xE800] =	vst v63  }
0x345: {  	s15 =	sadd.s32 $0x60, s13;
	s18 =	simm.s32 $0xDE70  }
0x346: {  	[hbm4b:s15+s3] =	stream.linear.scatter [tilespmem:s18], [sflag:$0x4], $0x80, $0x38;
	[tilespmem:$0xE800] =	vst v63  }
0x347: {  	s13 =	sadd.s32 $0x70, s13;
	s15 =	simm.s32 $0xDEF8  }
0x348: {  	[hbm4b:s13+s3] =	stream.linear.scatter [tilespmem:s15], [sflag:$0x4], $0x80, $0x38;
	[tilespmem:$0xE800] =	vst v63  }
0x349: {  	s18 =	simm.s32 $0xDF80;
	s13 =	sadd.s32 s8, s17  }
0x34a: {  	[hbm4b:s13+s3] =	stream.linear.scatter [tilespmem:s18], [sflag:$0x4], $0x80, $0x38;
	[tilespmem:$0xE800] =	vst v63  }
0x34b: {  	s15 =	sadd.s32 $0x10, s13;
	s18 =	simm.s32 $0xE008  }
0x34c: {  	[hbm4b:s15+s3] =	stream.linear.scatter [tilespmem:s18], [sflag:$0x4], $0x80, $0x38;
	[tilespmem:$0xE800] =	vst v63  }
0x34d: {  	s15 =	sadd.s32 $0x20, s13;
	s18 =	simm.s32 $0xE090  }
0x34e: {  	[hbm4b:s15+s3] =	stream.linear.scatter [tilespmem:s18], [sflag:$0x4], $0x80, $0x38;
	[tilespmem:$0xE800] =	vst v63  }
0x34f: {  	s15 =	sadd.s32 $0x30, s13;
	s18 =	simm.s32 $0xE118  }
0x350: {  	[hbm4b:s15+s3] =	stream.linear.scatter [tilespmem:s18], [sflag:$0x4], $0x80, $0x38;
	[tilespmem:$0xE800] =	vst v63  }
0x351: {  	s15 =	sadd.s32 $0x40, s13;
	s18 =	simm.s32 $0xE1A0  }
0x352: {  	[hbm4b:s15+s3] =	stream.linear.scatter [tilespmem:s18], [sflag:$0x4], $0x80, $0x38;
	[tilespmem:$0xE800] =	vst v63  }
0x353: {  	s15 =	sadd.s32 $0x50, s13;
	s18 =	simm.s32 $0xE228  }
0x354: {  	[hbm4b:s15+s3] =	stream.linear.scatter [tilespmem:s18], [sflag:$0x4], $0x80, $0x38;
	[tilespmem:$0xE800] =	vst v63  }
0x355: {  	s15 =	sadd.s32 $0x60, s13;
	s18 =	simm.s32 $0xE2B0  }
0x356: {  	[hbm4b:s15+s3] =	stream.linear.scatter [tilespmem:s18], [sflag:$0x4], $0x80, $0x38;
	[tilespmem:$0xE800] =	vst v63  }
0x357: {  	s13 =	sadd.s32 $0x70, s13;
	s15 =	simm.s32 $0xE338  }
0x358: {  	[hbm4b:s13+s3] =	stream.linear.scatter [tilespmem:s15], [sflag:$0x4], $0x80, $0x38;
	[tilespmem:$0xE800] =	vst v63  }
0x359: {  	s8 =	sadd.s32 s8, s20;
	s18 =	simm.s32 $0xE3C0  }
0x35a: {  	[hbm4b:s8+s3] =	stream.linear.scatter [tilespmem:s18], [sflag:$0x4], $0x80, $0x38;
	[tilespmem:$0xE800] =	vst v63  }
0x35b: {  	s14 =	sadd.s32 $0x10, s8;
	s15 =	simm.s32 $0xE448  }
0x35c: {  	[hbm4b:s14+s3] =	stream.linear.scatter [tilespmem:s15], [sflag:$0x4], $0x80, $0x38;
	[tilespmem:$0xE800] =	vst v63  }
0x35d: {  	s18 =	sadd.s32 $0x20, s8  }
0x35e: {  	[hbm4b:s18+s3] =	stream.linear.scatter [tilespmem:s19], [sflag:$0x4], $0x80, $0x38;
	[tilespmem:$0xE800] =	vst v63  }
0x35f: {  	s14 =	sadd.s32 $0x30, s8  }
0x360: {  	[hbm4b:s14+s3] =	stream.linear.scatter [tilespmem:s21], [sflag:$0x4], $0x80, $0x38;
	[tilespmem:$0xE800] =	vst v63  }
0x361: {  	s15 =	sadd.s32 $0x40, s8  }
0x362: {  	[hbm4b:s15+s3] =	stream.linear.scatter [tilespmem:s22], [sflag:$0x4], $0x80, $0x38;
	[tilespmem:$0xE800] =	vst v63  }
0x363: {  	s7 =	sadd.s32 $0x1, s7;
	s18 =	sadd.s32 $0x50, s8  }
0x364: {  	[hbm4b:s18+s3] =	stream.linear.scatter [tilespmem:s25], [sflag:$0x4], $0x80, $0x38;
	[tilespmem:$0xE800] =	vst v63  }
0x365: {  	p0 =	sne.s32 s7, $0x63;
	s14 =	sadd.s32 $0x60, s8  }
0x366: {  	[hbm4b:s14+s3] =	stream.linear.scatter [tilespmem:s28], [sflag:$0x4], $0x80, $0x38;
	[tilespmem:$0xE800] =	vst v63  }
.Ltmp4:
0x367: {  	_ = 	snop;
	(pc) =	sbr.rel @p0 .LBB2_6-.Ltmp4, $4  }
0x368: {  	s8 =	sadd.s32 $0x70, s8  }
0x369: {  	[hbm4b:s8+s3] =	stream.linear.scatter [tilespmem:s29], [sflag:$0x4], $0x80, $0x38;
	[tilespmem:$0xE800] =	vst v63  }
0x36a: {  	s15 =	sadd.s32 $0x180, s9;
	s18 =	simm.s32 $0x8400  }
0x36b: {  	[tilespmem:s18], [sflag:$0x2] =	stream.indirect.gather [hbm4b:s4+s26], $0x40, s15, s26, $0xb8;
	[tilespmem:$0xE800] =	vst v63  }
0x36c: {  	_ =	swait.ge [sflag:s30], $0x2000  }
0x36d: {  	[sflag:s30] =	ssyncset.done $0x0  }
0x36e: {  	[sflag:s30] =	ssyncadd.s32 $0xFFFFE000  }
0x36f: {  	_ =	swait.ge [sflag:s1], $0x400  }
0x370: {  	[sflag:s1] =	ssyncset.done $0x0  }
0x371: {  	[sflag:s1] =	ssyncadd.s32 $0xFFFFFC00  }
0x372: {  	_ =	swait.ge [sflag:s1], $0x400  }
0x373: {  	[sflag:s1] =	ssyncset.done $0x0  }
0x374: {  	[sflag:s1] =	ssyncadd.s32 $0xFFFFFC00  }
0x375: {  	_ =	swait.ge [sflag:s1], $0x400  }
0x376: {  	[sflag:s1] =	ssyncset.done $0x0  }
0x377: {  	[sflag:s1] =	ssyncadd.s32 $0xFFFFFC00  }
0x378: {  	_ =	swait.ge [sflag:s1], $0x400  }
0x379: {  	[sflag:s1] =	ssyncset.done $0x0  }
0x37a: {  	[sflag:s1] =	ssyncadd.s32 $0xFFFFFC00  }
0x37b: {  	_ =	swait.ge [sflag:s1], $0x400  }
0x37c: {  	[sflag:s1] =	ssyncset.done $0x0  }
0x37d: {  	[sflag:s1] =	ssyncadd.s32 $0xFFFFFC00  }
0x37e: {  	_ =	swait.ge [sflag:s1], $0x400  }
0x37f: {  	[sflag:s1] =	ssyncset.done $0x0  }
0x380: {  	[sflag:s1] =	ssyncadd.s32 $0xFFFFFC00  }
0x381: {  	_ =	swait.ge [sflag:s1], $0x400  }
0x382: {  	[sflag:s1] =	ssyncset.done $0x0  }
0x383: {  	[sflag:s1] =	ssyncadd.s32 $0xFFFFFC00  }
0x384: {  	s7 =	simm.s32 $0x0;
	_ =	swait.ge [sflag:s1], $0x400  }
0x385: {  	v4 =	vmov s7;
	[sflag:s1] =	ssyncset.done $0x0  }
0x386: {  	s7 =	simm.s32 $0x6440;
	v4 =	vand.u32 $0x7E, v4;
	[sflag:s1] =	ssyncadd.s32 $0xFFFFFC00  }
0x387: {  	v6 =	vadd.s32 v0, v4;
	v5 =	vld [tilespmem:s7+$0xFFFFFFC0];
	_ =	sdelay $0x4  }
0x388: {  	[tilespmem:v6+s31+$0x0] =	vst.idx.msk $0xffff, v5  }
0x389: {  	v6 =	vadd.s32 v1, v4;
	v5 =	vld [tilespmem:s7+$0xFFFFFFD0];
	_ =	sdelay $0x4  }
0x38a: {  	[tilespmem:v6+s31+$0x0] =	vst.idx.msk $0xffff, v5  }
0x38b: {  	v6 =	vadd.s32 v2, v4;
	v5 =	vld [tilespmem:s7+$0xFFFFFFE0];
	_ =	sdelay $0x4  }
0x38c: {  	[tilespmem:v6+s31+$0x0] =	vst.idx.msk $0xffff, v5  }
0x38d: {  	v4 =	vadd.s32 v3, v4;
	v5 =	vld [tilespmem:s7+$0xFFFFFFF0];
	_ =	sdelay $0x2  }
0x38e: {  	s8 =	simm.s32 $0x1  }
0x38f: {  	v6 =	vmov s8  }
0x390: {  	[tilespmem:v4+s31+$0x0] =	vst.idx.msk $0xffff, v5;
	v5 =	vand.u32 $0x7F, v6  }
0x391: {  	v4 =	vld [tilespmem:s7+$0x0];
	v6 =	vadd.s32 v0, v5;
	_ =	sdelay $0x4  }
0x392: {  	[tilespmem:v6+s31+$0x0] =	vst.idx.msk $0xffff, v4  }
0x393: {  	v6 =	vadd.s32 v1, v5;
	v4 =	vld [tilespmem:s7+$0x10];
	_ =	sdelay $0x4  }
0x394: {  	[tilespmem:v6+s31+$0x0] =	vst.idx.msk $0xffff, v4  }
0x395: {  	v6 =	vadd.s32 v2, v5;
	v4 =	vld [tilespmem:s7+$0x20];
	_ =	sdelay $0x4  }
0x396: {  	[tilespmem:v6+s31+$0x0] =	vst.idx.msk $0xffff, v4  }
0x397: {  	v5 =	vadd.s32 v3, v5;
	v4 =	vld [tilespmem:s7+$0x30];
	_ =	sdelay $0x2  }
0x398: {  	s8 =	simm.s32 $0x2  }
0x399: {  	s9 =	simm.s32 $0x4;
	v6 =	vmov s8  }
.LBB2_12:
0x39a: {  	p0 =	slt.u32 s9, $0x7E;
	v6 =	vand.u32 $0x7E, v6;
	[tilespmem:v5+s31+$0x0] =	vst.idx.msk $0xffff, v4;
	s7 =	sadd.s32 $0x80, s7  }
0x39b: {  	v4 =	vld [tilespmem:s7+$0xFFFFFFC0];
	v5 =	vadd.s32 v0, v6;
	_ =	sdelay $0x4  }
0x39c: {  	[tilespmem:v5+s31+$0x0] =	vst.idx.msk $0xffff, v4  }
0x39d: {  	v5 =	vadd.s32 v1, v6;
	v4 =	vld [tilespmem:s7+$0xFFFFFFD0];
	_ =	sdelay $0x4  }
0x39e: {  	[tilespmem:v5+s31+$0x0] =	vst.idx.msk $0xffff, v4  }
0x39f: {  	v5 =	vadd.s32 v2, v6;
	v4 =	vld [tilespmem:s7+$0xFFFFFFE0];
	_ =	sdelay $0x4  }
0x3a0: {  	[tilespmem:v5+s31+$0x0] =	vst.idx.msk $0xffff, v4  }
0x3a1: {  	v5 =	vadd.s32 v3, v6;
	v4 =	vld [tilespmem:s7+$0xFFFFFFF0];
	_ =	sdelay $0x2  }
0x3a2: {  	s13 =	sadd.s32 $0x1, s8;
	s8 =	smov.u32 s9  }
0x3a3: {  	v6 =	vmov s13  }
0x3a4: {  	[tilespmem:v5+s31+$0x0] =	vst.idx.msk $0xffff, v4;
	v5 =	vand.u32 $0x7F, v6  }
0x3a5: {  	v4 =	vld [tilespmem:s7+$0x0];
	v6 =	vadd.s32 v0, v5;
	_ =	sdelay $0x4  }
0x3a6: {  	[tilespmem:v6+s31+$0x0] =	vst.idx.msk $0xffff, v4  }
0x3a7: {  	v6 =	vadd.s32 v1, v5;
	v4 =	vld [tilespmem:s7+$0x10];
	_ =	sdelay $0x4  }
0x3a8: {  	[tilespmem:v6+s31+$0x0] =	vst.idx.msk $0xffff, v4  }
0x3a9: {  	v6 =	vadd.s32 v2, v5;
	v4 =	vld [tilespmem:s7+$0x20];
	_ =	sdelay $0x4  }
0x3aa: {  	[tilespmem:v6+s31+$0x0] =	vst.idx.msk $0xffff, v4  }
.Ltmp5:
0x3ab: {  	v5 =	vadd.s32 v3, v5;
	v4 =	vld [tilespmem:s7+$0x30];
	(pc) =	sbr.rel @p0 .LBB2_12-.Ltmp5, $2  }
0x3ac: {  	_ =	sdelay $0x2  }
0x3ad: {  	s9 =	sadd.s32 $0x2, s9;
	v6 =	vmov s8  }
0x3ae: {  	_ =	sdelay $0x3  }
0x3af: {  	v6 =	vand.u32 $0x7E, v6;
	[tilespmem:v5+s31+$0x0] =	vst.idx.msk $0xffff, v4;
	s7 =	sadd.s32 $0x80, s7  }
0x3b0: {  	v4 =	vld [tilespmem:s7+$0xFFFFFFC0];
	v5 =	vadd.s32 v0, v6;
	_ =	sdelay $0x4  }
0x3b1: {  	[tilespmem:v5+s31+$0x0] =	vst.idx.msk $0xffff, v4  }
0x3b2: {  	v5 =	vadd.s32 v1, v6;
	v4 =	vld [tilespmem:s7+$0xFFFFFFD0];
	_ =	sdelay $0x4  }
0x3b3: {  	[tilespmem:v5+s31+$0x0] =	vst.idx.msk $0xffff, v4  }
0x3b4: {  	v5 =	vadd.s32 v2, v6;
	v4 =	vld [tilespmem:s7+$0xFFFFFFE0];
	_ =	sdelay $0x4  }
0x3b5: {  	[tilespmem:v5+s31+$0x0] =	vst.idx.msk $0xffff, v4  }
0x3b6: {  	v5 =	vadd.s32 v3, v6;
	v4 =	vld [tilespmem:s7+$0xFFFFFFF0];
	_ =	sdelay $0x2  }
0x3b7: {  	s8 =	sadd.s32 $0x1, s8  }
0x3b8: {  	v6 =	vmov s8  }
0x3b9: {  	[tilespmem:v5+s31+$0x0] =	vst.idx.msk $0xffff, v4;
	v4 =	vand.u32 $0x7F, v6  }
0x3ba: {  	v5 =	vld [tilespmem:s7+$0x0];
	v6 =	vadd.s32 v0, v4;
	_ =	sdelay $0x4  }
0x3bb: {  	[tilespmem:v6+s31+$0x0] =	vst.idx.msk $0xffff, v5  }
0x3bc: {  	v6 =	vadd.s32 v1, v4;
	v5 =	vld [tilespmem:s7+$0x10];
	_ =	sdelay $0x4  }
0x3bd: {  	[tilespmem:v6+s31+$0x0] =	vst.idx.msk $0xffff, v5  }
0x3be: {  	v6 =	vadd.s32 v2, v4;
	v5 =	vld [tilespmem:s7+$0x20];
	_ =	sdelay $0x4  }
0x3bf: {  	[tilespmem:v6+s31+$0x0] =	vst.idx.msk $0xffff, v5  }
0x3c0: {  	v4 =	vadd.s32 v3, v4;
	v5 =	vld [tilespmem:s7+$0x30];
	_ =	sdelay $0x4  }
0x3c1: {  	s9 =	rddreg [dreg:$0x14];
	s7 =	simm.s32 $0x0;
	[tilespmem:v4+s31+$0x0] =	vst.idx.msk $0xffff, v5  }
0x3c2: {  	[hbm4b:s9+s7] =	stream.linear.scatter [tilespmem:s31], [sflag:$0x3], $0x80, $0x38;
	[tilespmem:$0xE800] =	vst v63  }
0x3c3: {  	s13 =	simm.s32 $0xA488;
	s14 =	sadd.s32 $0x10, s9  }
0x3c4: {  	[hbm4b:s14+s7] =	stream.linear.scatter [tilespmem:s13], [sflag:$0x3], $0x80, $0x38;
	[tilespmem:$0xE800] =	vst v63  }
0x3c5: {  	s18 =	simm.s32 $0xA510;
	s15 =	sadd.s32 $0x20, s9  }
0x3c6: {  	[hbm4b:s15+s7] =	stream.linear.scatter [tilespmem:s18], [sflag:$0x3], $0x80, $0x38;
	[tilespmem:$0xE800] =	vst v63  }
0x3c7: {  	s13 =	sadd.s32 $0x30, s9;
	s14 =	simm.s32 $0xA598  }
0x3c8: {  	[hbm4b:s13+s7] =	stream.linear.scatter [tilespmem:s14], [sflag:$0x3], $0x80, $0x38;
	[tilespmem:$0xE800] =	vst v63  }
0x3c9: {  	s15 =	sadd.s32 $0x40, s9;
	s18 =	simm.s32 $0xA620  }
0x3ca: {  	[hbm4b:s15+s7] =	stream.linear.scatter [tilespmem:s18], [sflag:$0x3], $0x80, $0x38;
	[tilespmem:$0xE800] =	vst v63  }
0x3cb: {  	s13 =	sadd.s32 $0x50, s9;
	s14 =	simm.s32 $0xA6A8  }
0x3cc: {  	[hbm4b:s13+s7] =	stream.linear.scatter [tilespmem:s14], [sflag:$0x3], $0x80, $0x38;
	[tilespmem:$0xE800] =	vst v63  }
0x3cd: {  	s15 =	sadd.s32 $0x60, s9;
	s18 =	simm.s32 $0xA730  }
0x3ce: {  	[hbm4b:s15+s7] =	stream.linear.scatter [tilespmem:s18], [sflag:$0x3], $0x80, $0x38;
	[tilespmem:$0xE800] =	vst v63  }
0x3cf: {  	s14 =	sadd.s32 $0x70, s9;
	s15 =	simm.s32 $0xA7B8  }
0x3d0: {  	[hbm4b:s14+s7] =	stream.linear.scatter [tilespmem:s15], [sflag:$0x3], $0x80, $0x38;
	[tilespmem:$0xE800] =	vst v63  }
0x3d1: {  	s9 =	rddreg [dreg:$0x15];
	s18 =	simm.s32 $0xA840  }
0x3d2: {  	[hbm4b:s9+s7] =	stream.linear.scatter [tilespmem:s18], [sflag:$0x3], $0x80, $0x38;
	[tilespmem:$0xE800] =	vst v63  }
0x3d3: {  	s13 =	sadd.s32 $0x10, s9;
	s14 =	simm.s32 $0xA8C8  }
0x3d4: {  	[hbm4b:s13+s7] =	stream.linear.scatter [tilespmem:s14], [sflag:$0x3], $0x80, $0x38;
	[tilespmem:$0xE800] =	vst v63  }
0x3d5: {  	s15 =	sadd.s32 $0x20, s9;
	s18 =	simm.s32 $0xA950  }
0x3d6: {  	[hbm4b:s15+s7] =	stream.linear.scatter [tilespmem:s18], [sflag:$0x3], $0x80, $0x38;
	[tilespmem:$0xE800] =	vst v63  }
0x3d7: {  	s13 =	sadd.s32 $0x30, s9;
	s14 =	simm.s32 $0xA9D8  }
0x3d8: {  	[hbm4b:s13+s7] =	stream.linear.scatter [tilespmem:s14], [sflag:$0x3], $0x80, $0x38;
	[tilespmem:$0xE800] =	vst v63  }
0x3d9: {  	s15 =	sadd.s32 $0x40, s9;
	s18 =	simm.s32 $0xAA60  }
0x3da: {  	[hbm4b:s15+s7] =	stream.linear.scatter [tilespmem:s18], [sflag:$0x3], $0x80, $0x38;
	[tilespmem:$0xE800] =	vst v63  }
0x3db: {  	s13 =	sadd.s32 $0x50, s9;
	s14 =	simm.s32 $0xAAE8  }
0x3dc: {  	[hbm4b:s13+s7] =	stream.linear.scatter [tilespmem:s14], [sflag:$0x3], $0x80, $0x38;
	[tilespmem:$0xE800] =	vst v63  }
0x3dd: {  	s15 =	sadd.s32 $0x60, s9;
	s18 =	simm.s32 $0xAB70  }
0x3de: {  	[hbm4b:s15+s7] =	stream.linear.scatter [tilespmem:s18], [sflag:$0x3], $0x80, $0x38;
	[tilespmem:$0xE800] =	vst v63  }
0x3df: {  	s14 =	sadd.s32 $0x70, s9;
	s15 =	simm.s32 $0xABF8  }
0x3e0: {  	[hbm4b:s14+s7] =	stream.linear.scatter [tilespmem:s15], [sflag:$0x3], $0x80, $0x38;
	[tilespmem:$0xE800] =	vst v63  }
0x3e1: {  	s9 =	rddreg [dreg:$0x16];
	s18 =	simm.s32 $0xAC80  }
0x3e2: {  	[hbm4b:s9+s7] =	stream.linear.scatter [tilespmem:s18], [sflag:$0x3], $0x80, $0x38;
	[tilespmem:$0xE800] =	vst v63  }
0x3e3: {  	s13 =	sadd.s32 $0x10, s9;
	s14 =	simm.s32 $0xAD08  }
0x3e4: {  	[hbm4b:s13+s7] =	stream.linear.scatter [tilespmem:s14], [sflag:$0x3], $0x80, $0x38;
	[tilespmem:$0xE800] =	vst v63  }
0x3e5: {  	s15 =	sadd.s32 $0x20, s9;
	s18 =	simm.s32 $0xAD90  }
0x3e6: {  	[hbm4b:s15+s7] =	stream.linear.scatter [tilespmem:s18], [sflag:$0x3], $0x80, $0x38;
	[tilespmem:$0xE800] =	vst v63  }
0x3e7: {  	s13 =	sadd.s32 $0x30, s9;
	s14 =	simm.s32 $0xAE18  }
0x3e8: {  	[hbm4b:s13+s7] =	stream.linear.scatter [tilespmem:s14], [sflag:$0x3], $0x80, $0x38;
	[tilespmem:$0xE800] =	vst v63  }
0x3e9: {  	s15 =	sadd.s32 $0x40, s9;
	s18 =	simm.s32 $0xAEA0  }
0x3ea: {  	[hbm4b:s15+s7] =	stream.linear.scatter [tilespmem:s18], [sflag:$0x3], $0x80, $0x38;
	[tilespmem:$0xE800] =	vst v63  }
0x3eb: {  	s13 =	sadd.s32 $0x50, s9;
	s14 =	simm.s32 $0xAF28  }
0x3ec: {  	[hbm4b:s13+s7] =	stream.linear.scatter [tilespmem:s14], [sflag:$0x3], $0x80, $0x38;
	[tilespmem:$0xE800] =	vst v63  }
0x3ed: {  	s15 =	sadd.s32 $0x60, s9;
	s18 =	simm.s32 $0xAFB0  }
0x3ee: {  	[hbm4b:s15+s7] =	stream.linear.scatter [tilespmem:s18], [sflag:$0x3], $0x80, $0x38;
	[tilespmem:$0xE800] =	vst v63  }
0x3ef: {  	s14 =	sadd.s32 $0x70, s9;
	s15 =	simm.s32 $0xB038  }
0x3f0: {  	[hbm4b:s14+s7] =	stream.linear.scatter [tilespmem:s15], [sflag:$0x3], $0x80, $0x38;
	[tilespmem:$0xE800] =	vst v63  }
0x3f1: {  	s9 =	rddreg [dreg:$0x17];
	s18 =	simm.s32 $0xB0C0  }
0x3f2: {  	[hbm4b:s9+s7] =	stream.linear.scatter [tilespmem:s18], [sflag:$0x3], $0x80, $0x38;
	[tilespmem:$0xE800] =	vst v63  }
0x3f3: {  	s13 =	sadd.s32 $0x10, s9;
	s14 =	simm.s32 $0xB148  }
0x3f4: {  	[hbm4b:s13+s7] =	stream.linear.scatter [tilespmem:s14], [sflag:$0x3], $0x80, $0x38;
	[tilespmem:$0xE800] =	vst v63  }
0x3f5: {  	s15 =	sadd.s32 $0x20, s9;
	s18 =	simm.s32 $0xB1D0  }
0x3f6: {  	[hbm4b:s15+s7] =	stream.linear.scatter [tilespmem:s18], [sflag:$0x3], $0x80, $0x38;
	[tilespmem:$0xE800] =	vst v63  }
0x3f7: {  	s13 =	sadd.s32 $0x30, s9;
	s14 =	simm.s32 $0xB258  }
0x3f8: {  	[hbm4b:s13+s7] =	stream.linear.scatter [tilespmem:s14], [sflag:$0x3], $0x80, $0x38;
	[tilespmem:$0xE800] =	vst v63  }
0x3f9: {  	s15 =	sadd.s32 $0x40, s9;
	s18 =	simm.s32 $0xB2E0  }
0x3fa: {  	[hbm4b:s15+s7] =	stream.linear.scatter [tilespmem:s18], [sflag:$0x3], $0x80, $0x38;
	[tilespmem:$0xE800] =	vst v63  }
0x3fb: {  	s13 =	sadd.s32 $0x50, s9;
	s14 =	simm.s32 $0xB368  }
0x3fc: {  	[hbm4b:s13+s7] =	stream.linear.scatter [tilespmem:s14], [sflag:$0x3], $0x80, $0x38;
	[tilespmem:$0xE800] =	vst v63  }
0x3fd: {  	s15 =	sadd.s32 $0x60, s9;
	s18 =	simm.s32 $0xB3F0  }
0x3fe: {  	[hbm4b:s15+s7] =	stream.linear.scatter [tilespmem:s18], [sflag:$0x3], $0x80, $0x38;
	[tilespmem:$0xE800] =	vst v63  }
0x3ff: {  	s14 =	sadd.s32 $0x70, s9;
	s15 =	simm.s32 $0xB478  }
0x400: {  	[hbm4b:s14+s7] =	stream.linear.scatter [tilespmem:s15], [sflag:$0x3], $0x80, $0x38;
	[tilespmem:$0xE800] =	vst v63  }
0x401: {  	s9 =	rddreg [dreg:$0x18];
	s18 =	simm.s32 $0xB500  }
0x402: {  	[hbm4b:s9+s7] =	stream.linear.scatter [tilespmem:s18], [sflag:$0x3], $0x80, $0x38;
	[tilespmem:$0xE800] =	vst v63  }
0x403: {  	s13 =	sadd.s32 $0x10, s9;
	s14 =	simm.s32 $0xB588  }
0x404: {  	[hbm4b:s13+s7] =	stream.linear.scatter [tilespmem:s14], [sflag:$0x3], $0x80, $0x38;
	[tilespmem:$0xE800] =	vst v63  }
0x405: {  	s15 =	sadd.s32 $0x20, s9;
	s18 =	simm.s32 $0xB610  }
0x406: {  	[hbm4b:s15+s7] =	stream.linear.scatter [tilespmem:s18], [sflag:$0x3], $0x80, $0x38;
	[tilespmem:$0xE800] =	vst v63  }
0x407: {  	s13 =	sadd.s32 $0x30, s9;
	s14 =	simm.s32 $0xB698  }
0x408: {  	[hbm4b:s13+s7] =	stream.linear.scatter [tilespmem:s14], [sflag:$0x3], $0x80, $0x38;
	[tilespmem:$0xE800] =	vst v63  }
0x409: {  	s15 =	sadd.s32 $0x40, s9;
	s18 =	simm.s32 $0xB720  }
0x40a: {  	[hbm4b:s15+s7] =	stream.linear.scatter [tilespmem:s18], [sflag:$0x3], $0x80, $0x38;
	[tilespmem:$0xE800] =	vst v63  }
0x40b: {  	s13 =	sadd.s32 $0x50, s9;
	s14 =	simm.s32 $0xB7A8  }
0x40c: {  	[hbm4b:s13+s7] =	stream.linear.scatter [tilespmem:s14], [sflag:$0x3], $0x80, $0x38;
	[tilespmem:$0xE800] =	vst v63  }
0x40d: {  	s15 =	sadd.s32 $0x60, s9;
	s18 =	simm.s32 $0xB830  }
0x40e: {  	[hbm4b:s15+s7] =	stream.linear.scatter [tilespmem:s18], [sflag:$0x3], $0x80, $0x38;
	[tilespmem:$0xE800] =	vst v63  }
0x40f: {  	s14 =	sadd.s32 $0x70, s9;
	s15 =	simm.s32 $0xB8B8  }
0x410: {  	[hbm4b:s14+s7] =	stream.linear.scatter [tilespmem:s15], [sflag:$0x3], $0x80, $0x38;
	[tilespmem:$0xE800] =	vst v63  }
0x411: {  	s9 =	rddreg [dreg:$0x19];
	s18 =	simm.s32 $0xB940  }
0x412: {  	[hbm4b:s9+s7] =	stream.linear.scatter [tilespmem:s18], [sflag:$0x3], $0x80, $0x38;
	[tilespmem:$0xE800] =	vst v63  }
0x413: {  	s13 =	sadd.s32 $0x10, s9;
	s14 =	simm.s32 $0xB9C8  }
0x414: {  	[hbm4b:s13+s7] =	stream.linear.scatter [tilespmem:s14], [sflag:$0x3], $0x80, $0x38;
	[tilespmem:$0xE800] =	vst v63  }
0x415: {  	s15 =	sadd.s32 $0x20, s9;
	s18 =	simm.s32 $0xBA50  }
0x416: {  	[hbm4b:s15+s7] =	stream.linear.scatter [tilespmem:s18], [sflag:$0x3], $0x80, $0x38;
	[tilespmem:$0xE800] =	vst v63  }
0x417: {  	s13 =	sadd.s32 $0x30, s9;
	s14 =	simm.s32 $0xBAD8  }
0x418: {  	[hbm4b:s13+s7] =	stream.linear.scatter [tilespmem:s14], [sflag:$0x3], $0x80, $0x38;
	[tilespmem:$0xE800] =	vst v63  }
0x419: {  	s15 =	sadd.s32 $0x40, s9;
	s18 =	simm.s32 $0xBB60  }
0x41a: {  	[hbm4b:s15+s7] =	stream.linear.scatter [tilespmem:s18], [sflag:$0x3], $0x80, $0x38;
	[tilespmem:$0xE800] =	vst v63  }
0x41b: {  	s13 =	sadd.s32 $0x50, s9;
	s14 =	simm.s32 $0xBBE8  }
0x41c: {  	[hbm4b:s13+s7] =	stream.linear.scatter [tilespmem:s14], [sflag:$0x3], $0x80, $0x38;
	[tilespmem:$0xE800] =	vst v63  }
0x41d: {  	s15 =	sadd.s32 $0x60, s9;
	s18 =	simm.s32 $0xBC70  }
0x41e: {  	[hbm4b:s15+s7] =	stream.linear.scatter [tilespmem:s18], [sflag:$0x3], $0x80, $0x38;
	[tilespmem:$0xE800] =	vst v63  }
0x41f: {  	s14 =	sadd.s32 $0x70, s9;
	s15 =	simm.s32 $0xBCF8  }
0x420: {  	[hbm4b:s14+s7] =	stream.linear.scatter [tilespmem:s15], [sflag:$0x3], $0x80, $0x38;
	[tilespmem:$0xE800] =	vst v63  }
0x421: {  	s9 =	rddreg [dreg:$0x1a];
	s18 =	simm.s32 $0xBD80  }
0x422: {  	[hbm4b:s9+s7] =	stream.linear.scatter [tilespmem:s18], [sflag:$0x3], $0x80, $0x38;
	[tilespmem:$0xE800] =	vst v63  }
0x423: {  	s13 =	sadd.s32 $0x10, s9;
	s14 =	simm.s32 $0xBE08  }
0x424: {  	[hbm4b:s13+s7] =	stream.linear.scatter [tilespmem:s14], [sflag:$0x3], $0x80, $0x38;
	[tilespmem:$0xE800] =	vst v63  }
0x425: {  	s15 =	sadd.s32 $0x20, s9;
	s18 =	simm.s32 $0xBE90  }
0x426: {  	[hbm4b:s15+s7] =	stream.linear.scatter [tilespmem:s18], [sflag:$0x3], $0x80, $0x38;
	[tilespmem:$0xE800] =	vst v63  }
0x427: {  	s13 =	sadd.s32 $0x30, s9;
	s14 =	simm.s32 $0xBF18  }
0x428: {  	[hbm4b:s13+s7] =	stream.linear.scatter [tilespmem:s14], [sflag:$0x3], $0x80, $0x38;
	[tilespmem:$0xE800] =	vst v63  }
0x429: {  	s15 =	sadd.s32 $0x40, s9;
	s18 =	simm.s32 $0xBFA0  }
0x42a: {  	[hbm4b:s15+s7] =	stream.linear.scatter [tilespmem:s18], [sflag:$0x3], $0x80, $0x38;
	[tilespmem:$0xE800] =	vst v63  }
0x42b: {  	s13 =	sadd.s32 $0x50, s9;
	s14 =	simm.s32 $0xC028  }
0x42c: {  	[hbm4b:s13+s7] =	stream.linear.scatter [tilespmem:s14], [sflag:$0x3], $0x80, $0x38;
	[tilespmem:$0xE800] =	vst v63  }
0x42d: {  	s15 =	sadd.s32 $0x60, s9;
	s18 =	simm.s32 $0xC0B0  }
0x42e: {  	[hbm4b:s15+s7] =	stream.linear.scatter [tilespmem:s18], [sflag:$0x3], $0x80, $0x38;
	[tilespmem:$0xE800] =	vst v63  }
0x42f: {  	s14 =	sadd.s32 $0x70, s9;
	s15 =	simm.s32 $0xC138  }
0x430: {  	[hbm4b:s14+s7] =	stream.linear.scatter [tilespmem:s15], [sflag:$0x3], $0x80, $0x38;
	[tilespmem:$0xE800] =	vst v63  }
0x431: {  	s9 =	rddreg [dreg:$0x1b];
	s18 =	simm.s32 $0xC1C0  }
0x432: {  	[hbm4b:s9+s7] =	stream.linear.scatter [tilespmem:s18], [sflag:$0x3], $0x80, $0x38;
	[tilespmem:$0xE800] =	vst v63  }
0x433: {  	s13 =	sadd.s32 $0x10, s9;
	s14 =	simm.s32 $0xC248  }
0x434: {  	[hbm4b:s13+s7] =	stream.linear.scatter [tilespmem:s14], [sflag:$0x3], $0x80, $0x38;
	[tilespmem:$0xE800] =	vst v63  }
0x435: {  	s15 =	sadd.s32 $0x20, s9;
	s18 =	simm.s32 $0xC2D0  }
0x436: {  	[hbm4b:s15+s7] =	stream.linear.scatter [tilespmem:s18], [sflag:$0x3], $0x80, $0x38;
	[tilespmem:$0xE800] =	vst v63  }
0x437: {  	s13 =	sadd.s32 $0x30, s9;
	s14 =	simm.s32 $0xC358  }
0x438: {  	[hbm4b:s13+s7] =	stream.linear.scatter [tilespmem:s14], [sflag:$0x3], $0x80, $0x38;
	[tilespmem:$0xE800] =	vst v63  }
0x439: {  	s15 =	sadd.s32 $0x40, s9;
	s18 =	simm.s32 $0xC3E0  }
0x43a: {  	[hbm4b:s15+s7] =	stream.linear.scatter [tilespmem:s18], [sflag:$0x3], $0x80, $0x38;
	[tilespmem:$0xE800] =	vst v63  }
0x43b: {  	s13 =	sadd.s32 $0x50, s9;
	s14 =	simm.s32 $0xC468  }
0x43c: {  	[hbm4b:s13+s7] =	stream.linear.scatter [tilespmem:s14], [sflag:$0x3], $0x80, $0x38;
	[tilespmem:$0xE800] =	vst v63  }
0x43d: {  	s15 =	sadd.s32 $0x60, s9;
	s18 =	simm.s32 $0xC4F0  }
0x43e: {  	[hbm4b:s15+s7] =	stream.linear.scatter [tilespmem:s18], [sflag:$0x3], $0x80, $0x38;
	[tilespmem:$0xE800] =	vst v63  }
0x43f: {  	s14 =	sadd.s32 $0x70, s9;
	s15 =	simm.s32 $0xC578  }
0x440: {  	[hbm4b:s14+s7] =	stream.linear.scatter [tilespmem:s15], [sflag:$0x3], $0x80, $0x38;
	[tilespmem:$0xE800] =	vst v63  }
0x441: {  	_ =	swait.ge [sflag:s23], $0x2000  }
0x442: {  	[sflag:s23] =	ssyncset.done $0x0  }
0x443: {  	[sflag:s23] =	ssyncadd.s32 $0xFFFFE000  }
0x444: {  	_ =	swait.ge [sflag:s0], $0x400  }
0x445: {  	[sflag:s0] =	ssyncset.done $0x0  }
0x446: {  	[sflag:s0] =	ssyncadd.s32 $0xFFFFFC00  }
0x447: {  	_ =	swait.ge [sflag:s0], $0x400  }
0x448: {  	[sflag:s0] =	ssyncset.done $0x0  }
0x449: {  	[sflag:s0] =	ssyncadd.s32 $0xFFFFFC00  }
0x44a: {  	_ =	swait.ge [sflag:s0], $0x400  }
0x44b: {  	[sflag:s0] =	ssyncset.done $0x0  }
0x44c: {  	[sflag:s0] =	ssyncadd.s32 $0xFFFFFC00  }
0x44d: {  	_ =	swait.ge [sflag:s0], $0x400  }
0x44e: {  	[sflag:s0] =	ssyncset.done $0x0  }
0x44f: {  	[sflag:s0] =	ssyncadd.s32 $0xFFFFFC00  }
0x450: {  	_ =	swait.ge [sflag:s0], $0x400  }
0x451: {  	[sflag:s0] =	ssyncset.done $0x0  }
0x452: {  	[sflag:s0] =	ssyncadd.s32 $0xFFFFFC00  }
0x453: {  	_ =	swait.ge [sflag:s0], $0x400  }
0x454: {  	[sflag:s0] =	ssyncset.done $0x0  }
0x455: {  	[sflag:s0] =	ssyncadd.s32 $0xFFFFFC00  }
0x456: {  	_ =	swait.ge [sflag:s0], $0x400  }
0x457: {  	[sflag:s0] =	ssyncset.done $0x0  }
0x458: {  	[sflag:s0] =	ssyncadd.s32 $0xFFFFFC00  }
0x459: {  	_ =	swait.ge [sflag:s0], $0x400  }
0x45a: {  	v4 =	vmov s7;
	[sflag:s0] =	ssyncset.done $0x0  }
0x45b: {  	v4 =	vand.u32 $0x7E, v4;
	s7 =	simm.s32 $0x8440;
	[sflag:s0] =	ssyncadd.s32 $0xFFFFFC00  }
0x45c: {  	v6 =	vadd.s32 v0, v4;
	v5 =	vld [tilespmem:s7+$0xFFFFFFC0];
	_ =	sdelay $0x4  }
0x45d: {  	[tilespmem:v6+s24+$0x0] =	vst.idx.msk $0xffff, v5  }
0x45e: {  	v6 =	vadd.s32 v1, v4;
	v5 =	vld [tilespmem:s7+$0xFFFFFFD0];
	_ =	sdelay $0x4  }
0x45f: {  	[tilespmem:v6+s24+$0x0] =	vst.idx.msk $0xffff, v5  }
0x460: {  	v6 =	vadd.s32 v2, v4;
	v5 =	vld [tilespmem:s7+$0xFFFFFFE0];
	_ =	sdelay $0x4  }
0x461: {  	[tilespmem:v6+s24+$0x0] =	vst.idx.msk $0xffff, v5  }
0x462: {  	v4 =	vadd.s32 v3, v4;
	v5 =	vld [tilespmem:s7+$0xFFFFFFF0];
	_ =	sdelay $0x2  }
0x463: {  	s18 =	simm.s32 $0x1  }
0x464: {  	v6 =	vmov s18  }
0x465: {  	[tilespmem:v4+s24+$0x0] =	vst.idx.msk $0xffff, v5;
	v5 =	vand.u32 $0x7F, v6  }
0x466: {  	v4 =	vld [tilespmem:s7+$0x0];
	v6 =	vadd.s32 v0, v5;
	_ =	sdelay $0x4  }
0x467: {  	[tilespmem:v6+s24+$0x0] =	vst.idx.msk $0xffff, v4  }
0x468: {  	v6 =	vadd.s32 v1, v5;
	v4 =	vld [tilespmem:s7+$0x10];
	_ =	sdelay $0x4  }
0x469: {  	[tilespmem:v6+s24+$0x0] =	vst.idx.msk $0xffff, v4  }
0x46a: {  	v6 =	vadd.s32 v2, v5;
	v4 =	vld [tilespmem:s7+$0x20];
	_ =	sdelay $0x4  }
0x46b: {  	[tilespmem:v6+s24+$0x0] =	vst.idx.msk $0xffff, v4  }
0x46c: {  	v5 =	vadd.s32 v3, v5;
	v4 =	vld [tilespmem:s7+$0x30];
	_ =	sdelay $0x2  }
0x46d: {  	s8 =	simm.s32 $0x2  }
0x46e: {  	s9 =	simm.s32 $0x4;
	v6 =	vmov s8  }
.LBB2_14:
0x46f: {  	p0 =	slt.u32 s9, $0x7E;
	v6 =	vand.u32 $0x7E, v6;
	[tilespmem:v5+s24+$0x0] =	vst.idx.msk $0xffff, v4;
	s7 =	sadd.s32 $0x80, s7  }
0x470: {  	v4 =	vld [tilespmem:s7+$0xFFFFFFC0];
	v5 =	vadd.s32 v0, v6;
	_ =	sdelay $0x4  }
0x471: {  	[tilespmem:v5+s24+$0x0] =	vst.idx.msk $0xffff, v4  }
0x472: {  	v5 =	vadd.s32 v1, v6;
	v4 =	vld [tilespmem:s7+$0xFFFFFFD0];
	_ =	sdelay $0x4  }
0x473: {  	[tilespmem:v5+s24+$0x0] =	vst.idx.msk $0xffff, v4  }
0x474: {  	v5 =	vadd.s32 v2, v6;
	v4 =	vld [tilespmem:s7+$0xFFFFFFE0];
	_ =	sdelay $0x4  }
0x475: {  	[tilespmem:v5+s24+$0x0] =	vst.idx.msk $0xffff, v4  }
0x476: {  	v5 =	vadd.s32 v3, v6;
	v4 =	vld [tilespmem:s7+$0xFFFFFFF0];
	_ =	sdelay $0x2  }
0x477: {  	s13 =	sadd.s32 $0x1, s8;
	s8 =	smov.u32 s9  }
0x478: {  	v6 =	vmov s13  }
0x479: {  	[tilespmem:v5+s24+$0x0] =	vst.idx.msk $0xffff, v4;
	v5 =	vand.u32 $0x7F, v6  }
0x47a: {  	v4 =	vld [tilespmem:s7+$0x0];
	v6 =	vadd.s32 v0, v5;
	_ =	sdelay $0x4  }
0x47b: {  	[tilespmem:v6+s24+$0x0] =	vst.idx.msk $0xffff, v4  }
0x47c: {  	v6 =	vadd.s32 v1, v5;
	v4 =	vld [tilespmem:s7+$0x10];
	_ =	sdelay $0x4  }
0x47d: {  	[tilespmem:v6+s24+$0x0] =	vst.idx.msk $0xffff, v4  }
0x47e: {  	v6 =	vadd.s32 v2, v5;
	v4 =	vld [tilespmem:s7+$0x20];
	_ =	sdelay $0x4  }
0x47f: {  	[tilespmem:v6+s24+$0x0] =	vst.idx.msk $0xffff, v4  }
.Ltmp6:
0x480: {  	v5 =	vadd.s32 v3, v5;
	v4 =	vld [tilespmem:s7+$0x30];
	(pc) =	sbr.rel @p0 .LBB2_14-.Ltmp6, $2  }
0x481: {  	_ =	sdelay $0x2  }
0x482: {  	s9 =	sadd.s32 $0x2, s9;
	v6 =	vmov s8  }
0x483: {  	_ =	sdelay $0x3  }
0x484: {  	v6 =	vand.u32 $0x7E, v6;
	[tilespmem:v5+s24+$0x0] =	vst.idx.msk $0xffff, v4;
	s7 =	sadd.s32 $0x80, s7  }
0x485: {  	v4 =	vld [tilespmem:s7+$0xFFFFFFC0];
	v5 =	vadd.s32 v0, v6;
	_ =	sdelay $0x4  }
0x486: {  	[tilespmem:v5+s24+$0x0] =	vst.idx.msk $0xffff, v4  }
0x487: {  	v5 =	vadd.s32 v1, v6;
	v4 =	vld [tilespmem:s7+$0xFFFFFFD0];
	_ =	sdelay $0x4  }
0x488: {  	[tilespmem:v5+s24+$0x0] =	vst.idx.msk $0xffff, v4  }
0x489: {  	v5 =	vadd.s32 v2, v6;
	v4 =	vld [tilespmem:s7+$0xFFFFFFE0];
	_ =	sdelay $0x4  }
0x48a: {  	[tilespmem:v5+s24+$0x0] =	vst.idx.msk $0xffff, v4  }
0x48b: {  	v5 =	vadd.s32 v3, v6;
	v4 =	vld [tilespmem:s7+$0xFFFFFFF0];
	_ =	sdelay $0x2  }
0x48c: {  	s8 =	sadd.s32 $0x1, s8  }
0x48d: {  	v61 =	vmov s8  }
0x48e: {  	[tilespmem:v5+s24+$0x0] =	vst.idx.msk $0xffff, v4;
	v4 =	vand.u32 $0x7F, v61  }
0x48f: {  	v5 =	vld [tilespmem:s7+$0x0];
	v6 =	vadd.s32 v0, v4;
	_ =	sdelay $0x4  }
0x490: {  	[tilespmem:v6+s24+$0x0] =	vst.idx.msk $0xffff, v5  }
0x491: {  	v62 =	vadd.s32 v1, v4;
	v5 =	vld [tilespmem:s7+$0x10];
	_ =	sdelay $0x4  }
0x492: {  	[tilespmem:v62+s24+$0x0] =	vst.idx.msk $0xffff, v5  }
0x493: {  	v63 =	vadd.s32 v2, v4;
	v5 =	vld [tilespmem:s7+$0x20];
	_ =	sdelay $0x4  }
0x494: {  	[tilespmem:v63+s24+$0x0] =	vst.idx.msk $0xffff, v5  }
0x495: {  	v4 =	vadd.s32 v3, v4;
	v5 =	vld [tilespmem:s7+$0x30];
	_ =	sdelay $0x4  }
0x496: {  	s8 =	rddreg [dreg:$0x1c];
	[tilespmem:v4+s24+$0x0] =	vst.idx.msk $0xffff, v5  }
0x497: {  	[hbm4b:s8+s3] =	stream.linear.scatter [tilespmem:s24], [sflag:$0x4], $0x80, $0x38;
	[tilespmem:$0xE800] =	vst v63  }
0x498: {  	s9 =	simm.s32 $0xC688;
	s18 =	sadd.s32 $0x10, s8  }
0x499: {  	[hbm4b:s18+s3] =	stream.linear.scatter [tilespmem:s9], [sflag:$0x4], $0x80, $0x38;
	[tilespmem:$0xE800] =	vst v63  }
0x49a: {  	s14 =	simm.s32 $0xC710;
	s13 =	sadd.s32 $0x20, s8  }
0x49b: {  	[hbm4b:s13+s3] =	stream.linear.scatter [tilespmem:s14], [sflag:$0x4], $0x80, $0x38;
	[tilespmem:$0xE800] =	vst v63  }
0x49c: {  	s15 =	sadd.s32 $0x30, s8;
	s18 =	simm.s32 $0xC798  }
0x49d: {  	[hbm4b:s15+s3] =	stream.linear.scatter [tilespmem:s18], [sflag:$0x4], $0x80, $0x38;
	[tilespmem:$0xE800] =	vst v63  }
0x49e: {  	s13 =	sadd.s32 $0x40, s8;
	s14 =	simm.s32 $0xC820  }
0x49f: {  	[hbm4b:s13+s3] =	stream.linear.scatter [tilespmem:s14], [sflag:$0x4], $0x80, $0x38;
	[tilespmem:$0xE800] =	vst v63  }
0x4a0: {  	s15 =	sadd.s32 $0x50, s8;
	s18 =	simm.s32 $0xC8A8  }
0x4a1: {  	[hbm4b:s15+s3] =	stream.linear.scatter [tilespmem:s18], [sflag:$0x4], $0x80, $0x38;
	[tilespmem:$0xE800] =	vst v63  }
0x4a2: {  	s13 =	sadd.s32 $0x60, s8;
	s14 =	simm.s32 $0xC930  }
0x4a3: {  	[hbm4b:s13+s3] =	stream.linear.scatter [tilespmem:s14], [sflag:$0x4], $0x80, $0x38;
	[tilespmem:$0xE800] =	vst v63  }
0x4a4: {  	s15 =	sadd.s32 $0x70, s8;
	s18 =	simm.s32 $0xC9B8  }
0x4a5: {  	[hbm4b:s15+s3] =	stream.linear.scatter [tilespmem:s18], [sflag:$0x4], $0x80, $0x38;
	[tilespmem:$0xE800] =	vst v63  }
0x4a6: {  	s9 =	simm.s32 $0xCA40;
	s8 =	rddreg [dreg:$0x1d]  }
0x4a7: {  	[hbm4b:s8+s3] =	stream.linear.scatter [tilespmem:s9], [sflag:$0x4], $0x80, $0x38;
	[tilespmem:$0xE800] =	vst v63  }
0x4a8: {  	s13 =	sadd.s32 $0x10, s8;
	s14 =	simm.s32 $0xCAC8  }
0x4a9: {  	[hbm4b:s13+s3] =	stream.linear.scatter [tilespmem:s14], [sflag:$0x4], $0x80, $0x38;
	[tilespmem:$0xE800] =	vst v63  }
0x4aa: {  	s15 =	sadd.s32 $0x20, s8;
	s18 =	simm.s32 $0xCB50  }
0x4ab: {  	[hbm4b:s15+s3] =	stream.linear.scatter [tilespmem:s18], [sflag:$0x4], $0x80, $0x38;
	[tilespmem:$0xE800] =	vst v63  }
0x4ac: {  	s13 =	sadd.s32 $0x30, s8;
	s14 =	simm.s32 $0xCBD8  }
0x4ad: {  	[hbm4b:s13+s3] =	stream.linear.scatter [tilespmem:s14], [sflag:$0x4], $0x80, $0x38;
	[tilespmem:$0xE800] =	vst v63  }
0x4ae: {  	s15 =	sadd.s32 $0x40, s8;
	s18 =	simm.s32 $0xCC60  }
0x4af: {  	[hbm4b:s15+s3] =	stream.linear.scatter [tilespmem:s18], [sflag:$0x4], $0x80, $0x38;
	[tilespmem:$0xE800] =	vst v63  }
0x4b0: {  	s13 =	sadd.s32 $0x50, s8;
	s14 =	simm.s32 $0xCCE8  }
0x4b1: {  	[hbm4b:s13+s3] =	stream.linear.scatter [tilespmem:s14], [sflag:$0x4], $0x80, $0x38;
	[tilespmem:$0xE800] =	vst v63  }
0x4b2: {  	s15 =	sadd.s32 $0x60, s8;
	s18 =	simm.s32 $0xCD70  }
0x4b3: {  	[hbm4b:s15+s3] =	stream.linear.scatter [tilespmem:s18], [sflag:$0x4], $0x80, $0x38;
	[tilespmem:$0xE800] =	vst v63  }
0x4b4: {  	s9 =	sadd.s32 $0x70, s8;
	s13 =	simm.s32 $0xCDF8  }
0x4b5: {  	[hbm4b:s9+s3] =	stream.linear.scatter [tilespmem:s13], [sflag:$0x4], $0x80, $0x38;
	[tilespmem:$0xE800] =	vst v63  }
0x4b6: {  	s8 =	rddreg [dreg:$0x1e];
	s14 =	simm.s32 $0xCE80  }
0x4b7: {  	[hbm4b:s8+s3] =	stream.linear.scatter [tilespmem:s14], [sflag:$0x4], $0x80, $0x38;
	[tilespmem:$0xE800] =	vst v63  }
0x4b8: {  	s15 =	sadd.s32 $0x10, s8;
	s18 =	simm.s32 $0xCF08  }
0x4b9: {  	[hbm4b:s15+s3] =	stream.linear.scatter [tilespmem:s18], [sflag:$0x4], $0x80, $0x38;
	[tilespmem:$0xE800] =	vst v63  }
0x4ba: {  	s13 =	sadd.s32 $0x20, s8;
	s14 =	simm.s32 $0xCF90  }
0x4bb: {  	[hbm4b:s13+s3] =	stream.linear.scatter [tilespmem:s14], [sflag:$0x4], $0x80, $0x38;
	[tilespmem:$0xE800] =	vst v63  }
0x4bc: {  	s15 =	sadd.s32 $0x30, s8;
	s18 =	simm.s32 $0xD018  }
0x4bd: {  	[hbm4b:s15+s3] =	stream.linear.scatter [tilespmem:s18], [sflag:$0x4], $0x80, $0x38;
	[tilespmem:$0xE800] =	vst v63  }
0x4be: {  	s13 =	sadd.s32 $0x40, s8;
	s14 =	simm.s32 $0xD0A0  }
0x4bf: {  	[hbm4b:s13+s3] =	stream.linear.scatter [tilespmem:s14], [sflag:$0x4], $0x80, $0x38;
	[tilespmem:$0xE800] =	vst v63  }
0x4c0: {  	s15 =	sadd.s32 $0x50, s8;
	s18 =	simm.s32 $0xD128  }
0x4c1: {  	[hbm4b:s15+s3] =	stream.linear.scatter [tilespmem:s18], [sflag:$0x4], $0x80, $0x38;
	[tilespmem:$0xE800] =	vst v63  }
0x4c2: {  	s13 =	sadd.s32 $0x60, s8;
	s14 =	simm.s32 $0xD1B0  }
0x4c3: {  	[hbm4b:s13+s3] =	stream.linear.scatter [tilespmem:s14], [sflag:$0x4], $0x80, $0x38;
	[tilespmem:$0xE800] =	vst v63  }
0x4c4: {  	s15 =	sadd.s32 $0x70, s8;
	s18 =	simm.s32 $0xD238  }
0x4c5: {  	[hbm4b:s15+s3] =	stream.linear.scatter [tilespmem:s18], [sflag:$0x4], $0x80, $0x38;
	[tilespmem:$0xE800] =	vst v63  }
0x4c6: {  	s9 =	simm.s32 $0xD2C0;
	s8 =	rddreg [dreg:$0x1f]  }
0x4c7: {  	[hbm4b:s8+s3] =	stream.linear.scatter [tilespmem:s9], [sflag:$0x4], $0x80, $0x38;
	[tilespmem:$0xE800] =	vst v63  }
0x4c8: {  	s13 =	sadd.s32 $0x10, s8;
	s14 =	simm.s32 $0xD348  }
0x4c9: {  	[hbm4b:s13+s3] =	stream.linear.scatter [tilespmem:s14], [sflag:$0x4], $0x80, $0x38;
	[tilespmem:$0xE800] =	vst v63  }
0x4ca: {  	s15 =	sadd.s32 $0x20, s8;
	s18 =	simm.s32 $0xD3D0  }
0x4cb: {  	[hbm4b:s15+s3] =	stream.linear.scatter [tilespmem:s18], [sflag:$0x4], $0x80, $0x38;
	[tilespmem:$0xE800] =	vst v63  }
0x4cc: {  	s13 =	sadd.s32 $0x30, s8;
	s14 =	simm.s32 $0xD458  }
0x4cd: {  	[hbm4b:s13+s3] =	stream.linear.scatter [tilespmem:s14], [sflag:$0x4], $0x80, $0x38;
	[tilespmem:$0xE800] =	vst v63  }
0x4ce: {  	s15 =	sadd.s32 $0x40, s8;
	s18 =	simm.s32 $0xD4E0  }
0x4cf: {  	[hbm4b:s15+s3] =	stream.linear.scatter [tilespmem:s18], [sflag:$0x4], $0x80, $0x38;
	[tilespmem:$0xE800] =	vst v63  }
0x4d0: {  	s13 =	sadd.s32 $0x50, s8;
	s14 =	simm.s32 $0xD568  }
0x4d1: {  	[hbm4b:s13+s3] =	stream.linear.scatter [tilespmem:s14], [sflag:$0x4], $0x80, $0x38;
	[tilespmem:$0xE800] =	vst v63  }
0x4d2: {  	s15 =	sadd.s32 $0x60, s8;
	s18 =	simm.s32 $0xD5F0  }
0x4d3: {  	[hbm4b:s15+s3] =	stream.linear.scatter [tilespmem:s18], [sflag:$0x4], $0x80, $0x38;
	[tilespmem:$0xE800] =	vst v63  }
0x4d4: {  	s9 =	sadd.s32 $0x70, s8;
	s8 =	sld [smem:$0x7F9];
	s13 =	simm.s32 $0xD678  }
0x4d5: {  	[hbm4b:s9+s3] =	stream.linear.scatter [tilespmem:s13], [sflag:$0x4], $0x80, $0x38;
	[tilespmem:$0xE800] =	vst v63  }
0x4d6: {  	s14 =	simm.s32 $0xD700  }
0x4d7: {  	[hbm4b:s8+s3] =	stream.linear.scatter [tilespmem:s14], [sflag:$0x4], $0x80, $0x38;
	[tilespmem:$0xE800] =	vst v63  }
0x4d8: {  	s15 =	sadd.s32 $0x10, s8;
	s18 =	simm.s32 $0xD788  }
0x4d9: {  	[hbm4b:s15+s3] =	stream.linear.scatter [tilespmem:s18], [sflag:$0x4], $0x80, $0x38;
	[tilespmem:$0xE800] =	vst v63  }
0x4da: {  	s13 =	sadd.s32 $0x20, s8;
	s14 =	simm.s32 $0xD810  }
0x4db: {  	[hbm4b:s13+s3] =	stream.linear.scatter [tilespmem:s14], [sflag:$0x4], $0x80, $0x38;
	[tilespmem:$0xE800] =	vst v63  }
0x4dc: {  	s15 =	sadd.s32 $0x30, s8;
	s18 =	simm.s32 $0xD898  }
0x4dd: {  	[hbm4b:s15+s3] =	stream.linear.scatter [tilespmem:s18], [sflag:$0x4], $0x80, $0x38;
	[tilespmem:$0xE800] =	vst v63  }
0x4de: {  	s13 =	sadd.s32 $0x40, s8;
	s14 =	simm.s32 $0xD920  }
0x4df: {  	[hbm4b:s13+s3] =	stream.linear.scatter [tilespmem:s14], [sflag:$0x4], $0x80, $0x38;
	[tilespmem:$0xE800] =	vst v63  }
0x4e0: {  	s15 =	sadd.s32 $0x50, s8;
	s18 =	simm.s32 $0xD9A8  }
0x4e1: {  	[hbm4b:s15+s3] =	stream.linear.scatter [tilespmem:s18], [sflag:$0x4], $0x80, $0x38;
	[tilespmem:$0xE800] =	vst v63  }
0x4e2: {  	s13 =	sadd.s32 $0x60, s8;
	s14 =	simm.s32 $0xDA30  }
0x4e3: {  	[hbm4b:s13+s3] =	stream.linear.scatter [tilespmem:s14], [sflag:$0x4], $0x80, $0x38;
	[tilespmem:$0xE800] =	vst v63  }
0x4e4: {  	s15 =	sadd.s32 $0x70, s8;
	s18 =	simm.s32 $0xDAB8;
	s8 =	sld [smem:$0x7FA]  }
0x4e5: {  	[hbm4b:s15+s3] =	stream.linear.scatter [tilespmem:s18], [sflag:$0x4], $0x80, $0x38;
	[tilespmem:$0xE800] =	vst v63  }
0x4e6: {  	s9 =	simm.s32 $0xDB40  }
0x4e7: {  	[hbm4b:s8+s3] =	stream.linear.scatter [tilespmem:s9], [sflag:$0x4], $0x80, $0x38;
	[tilespmem:$0xE800] =	vst v63  }
0x4e8: {  	s14 =	simm.s32 $0xDBC8;
	s13 =	sadd.s32 $0x10, s8  }
0x4e9: {  	[hbm4b:s13+s3] =	stream.linear.scatter [tilespmem:s14], [sflag:$0x4], $0x80, $0x38;
	[tilespmem:$0xE800] =	vst v63  }
0x4ea: {  	s15 =	sadd.s32 $0x20, s8;
	s18 =	simm.s32 $0xDC50  }
0x4eb: {  	[hbm4b:s15+s3] =	stream.linear.scatter [tilespmem:s18], [sflag:$0x4], $0x80, $0x38;
	[tilespmem:$0xE800] =	vst v63  }
0x4ec: {  	s13 =	sadd.s32 $0x30, s8;
	s14 =	simm.s32 $0xDCD8  }
0x4ed: {  	[hbm4b:s13+s3] =	stream.linear.scatter [tilespmem:s14], [sflag:$0x4], $0x80, $0x38;
	[tilespmem:$0xE800] =	vst v63  }
0x4ee: {  	s15 =	sadd.s32 $0x40, s8;
	s18 =	simm.s32 $0xDD60  }
0x4ef: {  	[hbm4b:s15+s3] =	stream.linear.scatter [tilespmem:s18], [sflag:$0x4], $0x80, $0x38;
	[tilespmem:$0xE800] =	vst v63  }
0x4f0: {  	s13 =	sadd.s32 $0x50, s8;
	s14 =	simm.s32 $0xDDE8  }
0x4f1: {  	[hbm4b:s13+s3] =	stream.linear.scatter [tilespmem:s14], [sflag:$0x4], $0x80, $0x38;
	[tilespmem:$0xE800] =	vst v63  }
0x4f2: {  	s15 =	sadd.s32 $0x60, s8;
	s18 =	simm.s32 $0xDE70  }
0x4f3: {  	[hbm4b:s15+s3] =	stream.linear.scatter [tilespmem:s18], [sflag:$0x4], $0x80, $0x38;
	[tilespmem:$0xE800] =	vst v63  }
0x4f4: {  	s9 =	sadd.s32 $0x70, s8;
	s8 =	sld [smem:$0x7FB];
	s13 =	simm.s32 $0xDEF8  }
0x4f5: {  	[hbm4b:s9+s3] =	stream.linear.scatter [tilespmem:s13], [sflag:$0x4], $0x80, $0x38;
	[tilespmem:$0xE800] =	vst v63  }
0x4f6: {  	s14 =	simm.s32 $0xDF80  }
0x4f7: {  	[hbm4b:s8+s3] =	stream.linear.scatter [tilespmem:s14], [sflag:$0x4], $0x80, $0x38;
	[tilespmem:$0xE800] =	vst v63  }
0x4f8: {  	s15 =	sadd.s32 $0x10, s8;
	s18 =	simm.s32 $0xE008  }
0x4f9: {  	[hbm4b:s15+s3] =	stream.linear.scatter [tilespmem:s18], [sflag:$0x4], $0x80, $0x38;
	[tilespmem:$0xE800] =	vst v63  }
0x4fa: {  	s13 =	sadd.s32 $0x20, s8;
	s14 =	simm.s32 $0xE090  }
0x4fb: {  	[hbm4b:s13+s3] =	stream.linear.scatter [tilespmem:s14], [sflag:$0x4], $0x80, $0x38;
	[tilespmem:$0xE800] =	vst v63  }
0x4fc: {  	s15 =	sadd.s32 $0x30, s8;
	s18 =	simm.s32 $0xE118  }
0x4fd: {  	[hbm4b:s15+s3] =	stream.linear.scatter [tilespmem:s18], [sflag:$0x4], $0x80, $0x38;
	[tilespmem:$0xE800] =	vst v63  }
0x4fe: {  	s13 =	sadd.s32 $0x40, s8;
	s14 =	simm.s32 $0xE1A0  }
0x4ff: {  	[hbm4b:s13+s3] =	stream.linear.scatter [tilespmem:s14], [sflag:$0x4], $0x80, $0x38;
	[tilespmem:$0xE800] =	vst v63  }
0x500: {  	s15 =	sadd.s32 $0x50, s8;
	s18 =	simm.s32 $0xE228  }
0x501: {  	[hbm4b:s15+s3] =	stream.linear.scatter [tilespmem:s18], [sflag:$0x4], $0x80, $0x38;
	[tilespmem:$0xE800] =	vst v63  }
0x502: {  	s9 =	sadd.s32 $0x60, s8;
	s13 =	simm.s32 $0xE2B0  }
0x503: {  	[hbm4b:s9+s3] =	stream.linear.scatter [tilespmem:s13], [sflag:$0x4], $0x80, $0x38;
	[tilespmem:$0xE800] =	vst v63  }
0x504: {  	s14 =	sadd.s32 $0x70, s8;
	s8 =	sld [smem:$0x7FC];
	s15 =	simm.s32 $0xE338  }
0x505: {  	[hbm4b:s14+s3] =	stream.linear.scatter [tilespmem:s15], [sflag:$0x4], $0x80, $0x38;
	[tilespmem:$0xE800] =	vst v63  }
0x506: {  	s18 =	simm.s32 $0xE3C0  }
0x507: {  	[hbm4b:s8+s3] =	stream.linear.scatter [tilespmem:s18], [sflag:$0x4], $0x80, $0x38;
	[tilespmem:$0xE800] =	vst v63  }
0x508: {  	s9 =	sadd.s32 $0x10, s8;
	s13 =	simm.s32 $0xE448  }
0x509: {  	[hbm4b:s9+s3] =	stream.linear.scatter [tilespmem:s13], [sflag:$0x4], $0x80, $0x38;
	[tilespmem:$0xE800] =	vst v63  }
0x50a: {  	s14 =	sadd.s32 $0x20, s8  }
0x50b: {  	[hbm4b:s14+s3] =	stream.linear.scatter [tilespmem:s19], [sflag:$0x4], $0x80, $0x38;
	[tilespmem:$0xE800] =	vst v63  }
0x50c: {  	s15 =	sadd.s32 $0x30, s8  }
0x50d: {  	[hbm4b:s15+s3] =	stream.linear.scatter [tilespmem:s21], [sflag:$0x4], $0x80, $0x38;
	[tilespmem:$0xE800] =	vst v63  }
0x50e: {  	s18 =	sadd.s32 $0x40, s8  }
0x50f: {  	[hbm4b:s18+s3] =	stream.linear.scatter [tilespmem:s22], [sflag:$0x4], $0x80, $0x38;
	[tilespmem:$0xE800] =	vst v63  }
0x510: {  	s9 =	sadd.s32 $0x50, s8  }
0x511: {  	[hbm4b:s9+s3] =	stream.linear.scatter [tilespmem:s25], [sflag:$0x4], $0x80, $0x38;
	[tilespmem:$0xE800] =	vst v63  }
0x512: {  	s13 =	sadd.s32 $0x60, s8  }
0x513: {  	[hbm4b:s13+s3] =	stream.linear.scatter [tilespmem:s28], [sflag:$0x4], $0x80, $0x38;
	[tilespmem:$0xE800] =	vst v63  }
0x514: {  	s14 =	sadd.s32 $0x70, s8  }
0x515: {  	[hbm4b:s14+s3] =	stream.linear.scatter [tilespmem:s29], [sflag:$0x4], $0x80, $0x38;
	[tilespmem:$0xE800] =	vst v63  }
0x516: {  	_ =	swait.ge [sflag:s1], $0x400  }
0x517: {  	[sflag:s1] =	ssyncset.done $0x0  }
0x518: {  	[sflag:s1] =	ssyncadd.s32 $0xFFFFFC00  }
0x519: {  	_ =	swait.ge [sflag:s1], $0x400  }
0x51a: {  	[sflag:s1] =	ssyncset.done $0x0  }
0x51b: {  	[sflag:s1] =	ssyncadd.s32 $0xFFFFFC00  }
0x51c: {  	_ =	swait.ge [sflag:s1], $0x400  }
0x51d: {  	[sflag:s1] =	ssyncset.done $0x0  }
0x51e: {  	[sflag:s1] =	ssyncadd.s32 $0xFFFFFC00  }
0x51f: {  	_ =	swait.ge [sflag:s1], $0x400  }
0x520: {  	[sflag:s1] =	ssyncset.done $0x0  }
0x521: {  	[sflag:s1] =	ssyncadd.s32 $0xFFFFFC00  }
0x522: {  	_ =	swait.ge [sflag:s1], $0x400  }
0x523: {  	[sflag:s1] =	ssyncset.done $0x0  }
0x524: {  	[sflag:s1] =	ssyncadd.s32 $0xFFFFFC00  }
0x525: {  	_ =	swait.ge [sflag:s1], $0x400  }
0x526: {  	[sflag:s1] =	ssyncset.done $0x0  }
0x527: {  	[sflag:s1] =	ssyncadd.s32 $0xFFFFFC00  }
0x528: {  	_ =	swait.ge [sflag:s1], $0x400  }
0x529: {  	[sflag:s1] =	ssyncset.done $0x0  }
0x52a: {  	[sflag:s1] =	ssyncadd.s32 $0xFFFFFC00  }
0x52b: {  	_ =	swait.ge [sflag:s1], $0x400  }
0x52c: {  	[sflag:s1] =	ssyncset.done $0x0  }
0x52d: {  	[sflag:s1] =	ssyncadd.s32 $0xFFFFFC00  }
0x52e: {  	_ =	swait.ge [sflag:s0], $0x400  }
0x52f: {  	[sflag:s0] =	ssyncset.done $0x0  }
0x530: {  	[sflag:s0] =	ssyncadd.s32 $0xFFFFFC00  }
0x531: {  	_ =	swait.ge [sflag:s0], $0x400  }
0x532: {  	[sflag:s0] =	ssyncset.done $0x0  }
0x533: {  	[sflag:s0] =	ssyncadd.s32 $0xFFFFFC00  }
0x534: {  	_ =	swait.ge [sflag:s0], $0x400  }
0x535: {  	[sflag:s0] =	ssyncset.done $0x0  }
0x536: {  	[sflag:s0] =	ssyncadd.s32 $0xFFFFFC00  }
0x537: {  	_ =	swait.ge [sflag:s0], $0x400  }
0x538: {  	[sflag:s0] =	ssyncset.done $0x0  }
0x539: {  	[sflag:s0] =	ssyncadd.s32 $0xFFFFFC00  }
0x53a: {  	_ =	swait.ge [sflag:s0], $0x400  }
0x53b: {  	[sflag:s0] =	ssyncset.done $0x0  }
0x53c: {  	[sflag:s0] =	ssyncadd.s32 $0xFFFFFC00  }
0x53d: {  	_ =	swait.ge [sflag:s0], $0x400  }
0x53e: {  	[sflag:s0] =	ssyncset.done $0x0  }
0x53f: {  	[sflag:s0] =	ssyncadd.s32 $0xFFFFFC00  }
0x540: {  	_ =	swait.ge [sflag:s0], $0x400  }
0x541: {  	[sflag:s0] =	ssyncset.done $0x0  }
0x542: {  	[sflag:s0] =	ssyncadd.s32 $0xFFFFFC00  }
0x543: {  	_ =	swait.ge [sflag:s0], $0x400  }
0x544: {  	s15 =	sld [smem:$0x7F8]  }
0x545: {  	s18 =	sld [smem:$0x7FD];
	_ =	sdelay $0x1  }
0x546: {  	s8 =	sadd.s32 $0x1, s15  }
0x547: {  	p0 =	sne.s32 s8, s18  }
.Ltmp7:
0x548: {  	_ = 	snop;
	(pc) =	sbr.rel @p0 .LBB2_1-.Ltmp7, $3  }
0x549: {  	_ =	sdelay $0x1  }
0x54a: {  	[sflag:s0] =	ssyncset.done $0x0  }
0x54b: {  	[sflag:s0] =	ssyncadd.s32 $0xFFFFFC00  }
0x54c: {  	_ =	sfence.sel $0x180000  }
0x54d: {  	[bflag:$0x0] =	sbarrier.arrive $0xFFFF  }
0x54e: {  	_ =	strace $0x90000047  }
0x54f: {  	s0 =	stileid.u32;
	[bflag:$0x2] =	sbarrier.arrive $0xFFFF  }
0x550: {  	p0 =	sne.s32 s0, $0x0;
	s0 =	rddreg [dreg:$0x2]  }
0x551: {  	s0 =	sadd.s32 @!p0 $0x100000, s0  }
0x552: {  	[sflag:s0] =	ssyncadd.tile.s32 @!p0 $0x1;
	_ =	shalt  }
.Lfunc_end2:
_tile_overlayer_lowered:
.L_overlay_start_2:
0x553: {  	(tag) =	ssettag $0x2  }
0x554: {  	s0 =	rddreg [dreg:$0x0];
	s2 =	stileid.u32  }
0x555: {  	s1 =	rddreg [dreg:$0x1];
	p0 =	sne.s32 s2, $0x0  }
0x556: {  	s3 =	rddreg [dreg:$0x2];
	[bflag:$0x3] =	sbarrier.arrive $0xFFFF;
	s2 =	simm.s32 @!p0 $0x1C05  }
0x557: {  	[timem:s3], [sflag:s2] =	dma.local @!p0 [hbm:s0], s1  }
0x558: {  	s0 =	simm.s32 @!p0 $0x5  }
0x559: {  	_ =	swait.ge @!p0 [sflag:s0], s1  }
0x55a: {  	s1 =	ssub.s32 @!p0 $0x0, s1;
	[sflag:s0] =	ssyncset.done @!p0 $0x0  }
0x55b: {  	[sflag:s0] =	ssyncadd.s32 @!p0 s1  }
0x55c: {  	[bflag:$0x3] =	sbarrier.arrive $0xFFFF  }
0x55d: {  	_ =	shalt  }

</sc_bundles>
